<compile_context>
chip_gen: v7x
topology: tpu7x:2x2x1
jax: 0.10.2.dev20260603
libtpu: 0.0.44.dev20260713+nightly
codegen_flags: <defaults>
</compile_context>

<pallas_src>
import functools

import jax
import jax.numpy as jnp
from jax import lax
from jax.experimental import pallas as pl
from jax.experimental.pallas import tpu as pltpu
from jax.experimental.pallas import tpu_sc as plsc

N = 10000
F = 128
H = 16
E = 320000
NC = 2
NS = 16
NW = NC * NS
EW = E // NW
NWIN = 10
WE = EW // NWIN
SP = N // NS
ST = 624

_mesh = plsc.VectorSubcoreMesh(core_axis_name="c", subcore_axis_name="s")
_scp = pltpu.CompilerParams(use_tc_tiling_on_sc=False)


@functools.partial(
    pl.kernel,
    out_type=[
        jax.ShapeDtypeStruct((N, H), jnp.float32),
        jax.ShapeDtypeStruct((N, H), jnp.float32),
    ],
    mesh=_mesh,
    compiler_params=_scp,
    scratch_types=[
        pltpu.VMEM((NWIN, WE), jnp.int32),
        pltpu.VMEM((WE, H), jnp.float32),
        pltpu.VMEM_SHARED((N, H), jnp.float32),
        pltpu.SemaphoreType.DMA,
    ],
)
def _sc_deg(ei_hbm, ones_hbm, z_hbm, out0, out1, di_v, ones_v, acc_sh, sem):
    c = lax.axis_index("c")
    s = lax.axis_index("s")
    wid = s * NC + c

    pltpu.sync_copy(z_hbm.at[pl.ds(s * SP, SP)], acc_sh.at[pl.ds(s * SP, SP)])
    pltpu.sync_copy(ones_hbm, ones_v)
    pltpu.sync_copy(ei_hbm.at[1, wid], di_v)
    plsc.subcore_barrier()

    for w in range(NWIN):
        pltpu.async_copy(ones_v, acc_sh.at[di_v.at[w]], sem, add=True)
    for w in range(NWIN):
        pltpu.make_async_copy(ones_v, acc_sh.at[di_v.at[w]], sem).wait()

    plsc.subcore_barrier()
    _writeout(acc_sh, out0, out1, c, s)


def _writeout(acc_sh, out0, out1, c, s):
    @pl.when(s == NS - 1)
    def _():
        sl = pl.ds(ST * (NS - 1), N - ST * (NS - 1))

        @pl.when(c == 0)
        def _():
            pltpu.sync_copy(acc_sh.at[sl], out0.at[sl])

        @pl.when(c == 1)
        def _():
            pltpu.sync_copy(acc_sh.at[sl], out1.at[sl])

    @pl.when(s < NS - 1)
    def _():
        sl = pl.ds(ST * s, ST)

        @pl.when(c == 0)
        def _():
            pltpu.sync_copy(acc_sh.at[sl], out0.at[sl])

        @pl.when(c == 1)
        def _():
            pltpu.sync_copy(acc_sh.at[sl], out1.at[sl])


@functools.partial(
    pl.kernel,
    out_type=[
        jax.ShapeDtypeStruct((N, H), jnp.float32),
        jax.ShapeDtypeStruct((N, H), jnp.float32),
    ],
    mesh=_mesh,
    compiler_params=_scp,
    scratch_types=[
        pltpu.VMEM((NWIN, WE), jnp.int32),
        pltpu.VMEM((NWIN, WE), jnp.int32),
        pltpu.VMEM((WE, H), jnp.float32),
        pltpu.VMEM((WE, H), jnp.float32),
        pltpu.VMEM((WE, H), jnp.float32),
        pltpu.VMEM((WE, H), jnp.float32),
        pltpu.VMEM_SHARED((N, H), jnp.float32),
        pltpu.VMEM_SHARED((N, H), jnp.float32),
        pltpu.SemaphoreType.DMA,
        pltpu.SemaphoreType.DMA,
        pltpu.SemaphoreType.DMA,
        pltpu.SemaphoreType.DMA,
        pltpu.SemaphoreType.DMA,
        pltpu.SemaphoreType.DMA,
        pltpu.SemaphoreType.DMA,
        pltpu.SemaphoreType.DMA,
    ],
)
def _sc_conv(hp_hbm, ei_hbm, z_hbm, out0, out1, si_v, di_v, rows0, rows1,
             rows2, rows3, acc_sh, tbl_sh, sg0, sg1, sg2, sg3,
             ss0, ss1, ss2, ss3):
    c = lax.axis_index("c")
    s = lax.axis_index("s")
    wid = s * NC + c

    @pl.when(c == 0)
    def _():
        pltpu.sync_copy(hp_hbm.at[pl.ds(s * SP, SP)],
                        acc_sh.at[pl.ds(s * SP, SP)])

    @pl.when(c == 1)
    def _():
        pltpu.sync_copy(z_hbm.at[pl.ds(s * SP, SP)],
                        acc_sh.at[pl.ds(s * SP, SP)])

    pltpu.sync_copy(hp_hbm.at[pl.ds(s * SP, SP)],
                    tbl_sh.at[pl.ds(s * SP, SP)])
    pltpu.sync_copy(ei_hbm.at[0, wid], si_v)
    pltpu.sync_copy(ei_hbm.at[1, wid], di_v)
    plsc.subcore_barrier()

    rows = (rows0, rows1, rows2, rows3)
    sg = (sg0, sg1, sg2, sg3)
    ss = (ss0, ss1, ss2, ss3)

    def gath(w, b):
        pltpu.async_copy(tbl_sh.at[si_v.at[w]], rows[b], sg[b])

    def gath_wait(w, b):
        pltpu.make_async_copy(tbl_sh.at[si_v.at[w]], rows[b], sg[b]).wait()

    def scat(w, b):
        pltpu.async_copy(rows[b], acc_sh.at[di_v.at[w]], ss[b], add=True)

    def scat_wait(w, b):
        pltpu.make_async_copy(rows[b], acc_sh.at[di_v.at[w]], ss[b]).wait()

    NBUF = 4
    for b in range(NBUF):
        gath(b, b)
    for w in range(NWIN):
        b = w % NBUF
        gath_wait(w, b)
        scat(w, b)
        if w + NBUF < NWIN:
            scat_wait(w, b)
            gath(w + NBUF, b)
    for w in range(NWIN - NBUF, NWIN):
        scat_wait(w, w % NBUF)

    plsc.subcore_barrier()
    _writeout(acc_sh, out0, out1, c, s)


NB = 2000


def _tc_a0_body(x_ref, w1_ref, h_ref):
    h_ref[...] = jnp.dot(x_ref[...], w1_ref[...],
                         preferred_element_type=jnp.float32)


def _tc_a0(x, w1):
    return pl.pallas_call(
        _tc_a0_body,
        grid=(N // NB,),
        in_specs=[
            pl.BlockSpec((NB, F), lambda i: (i, 0)),
            pl.BlockSpec((F, H), lambda i: (0, 0)),
        ],
        out_specs=pl.BlockSpec((NB, H), lambda i: (i, 0)),
        out_shape=jax.ShapeDtypeStruct((N, H), jnp.float32),
    )(x, w1)


def _tc_a1_body(h_ref, d0_ref, d1_ref, hp_ref):
    dinv = lax.rsqrt(d0_ref[...] + d1_ref[...] + 1.0)
    hp_ref[...] = h_ref[...] * dinv


def _tc_a1(h1, degp0, degp1):
    nspec = pl.BlockSpec((NB, H), lambda i: (i, 0))
    return pl.pallas_call(
        _tc_a1_body,
        grid=(N // NB,),
        in_specs=[nspec, nspec, nspec],
        out_specs=nspec,
        out_shape=jax.ShapeDtypeStruct((N, H), jnp.float32),
    )(h1, degp0, degp1)


def _tc_b_body(p0_ref, p1_ref, d0_ref, d1_ref, b1_ref, w2_ref,
               hp2_ref):
    dinv = lax.rsqrt(d0_ref[...] + d1_ref[...] + 1.0)
    acc = p0_ref[...] + p1_ref[...]
    out1 = jnp.maximum(dinv * acc + b1_ref[...], 0.0)
    h2 = jnp.dot(out1, w2_ref[...], preferred_element_type=jnp.float32)
    hp2_ref[...] = h2 * dinv


def _tc_b(p10, p11, degp0, degp1, b1, w2):
    nspec = pl.BlockSpec((NB, H), lambda i: (i, 0))
    return pl.pallas_call(
        _tc_b_body,
        grid=(N // NB,),
        in_specs=[
            nspec, nspec, nspec, nspec,
            pl.BlockSpec((1, H), lambda i: (0, 0)),
            pl.BlockSpec((H, H), lambda i: (0, 0)),
        ],
        out_specs=nspec,
        out_shape=jax.ShapeDtypeStruct((N, H), jnp.float32),
    )(p10, p11, degp0, degp1, b1, w2)


BK = 16000
KSTEPS = (N * H) // BK


def _tc_head_body(q0_ref, q1_ref, d0_ref, d1_ref, b2f_ref,
                  wp1_ref, wv1_ref, wp2_ref, bp1_ref, bp2_ref, wv2_ref,
                  bv1_ref, x_out, v_out, accp_ref, accv_ref):
    i = pl.program_id(0)

    @pl.when(i == 0)
    def _():
        accp_ref[...] = jnp.zeros_like(accp_ref)
        accv_ref[...] = jnp.zeros_like(accv_ref)

    sl = pl.ds(i * BK, BK)
    dinv = lax.rsqrt(d0_ref[sl] + d1_ref[sl] + 1.0)
    acc = q0_ref[sl] + q1_ref[sl]
    flat = jnp.maximum(dinv * acc + b2f_ref[sl], 0.0).reshape(1, BK)
    dn = (((1,), (1,)), ((), ()))
    accp_ref[...] += lax.dot_general(flat, wp1_ref[...], dn,
                                     preferred_element_type=jnp.float32)
    accv_ref[...] += lax.dot_general(flat, wv1_ref[...], dn,
                                     preferred_element_type=jnp.float32)

    @pl.when(i == KSTEPS - 1)
    def _():
        t1 = jnp.maximum(accp_ref[...] + bp1_ref[...], 0.0)
        x_out[...] = lax.dot_general(t1, wp2_ref[...], dn,
                                     preferred_element_type=jnp.float32) \
            + bp2_ref[...]
        t2 = jnp.maximum(accv_ref[...] + bv1_ref[...], 0.0)
        v_out[...] = jnp.sum(t2 * wv2_ref[...], axis=1, keepdims=True)


def _tc_head(q0, q1, d0, d1, b2f, wp1, wv1, wp2, bp1, bp2, wv2, bv1):
    return pl.pallas_call(
        _tc_head_body,
        grid=(KSTEPS,),
        in_specs=[
            pl.BlockSpec((N * H,), lambda i: (0,)),
            pl.BlockSpec((N * H,), lambda i: (0,)),
            pl.BlockSpec((N * H,), lambda i: (0,)),
            pl.BlockSpec((N * H,), lambda i: (0,)),
            pl.BlockSpec((N * H,), lambda i: (0,)),
            pl.BlockSpec((32, BK), lambda i: (0, i)),
            pl.BlockSpec((16, BK), lambda i: (0, i)),
            pl.BlockSpec((N, 32), lambda i: (0, 0)),
            pl.BlockSpec((1, 32), lambda i: (0, 0)),
            pl.BlockSpec((1, N), lambda i: (0, 0)),
            pl.BlockSpec((1, 16), lambda i: (0, 0)),
            pl.BlockSpec((1, 16), lambda i: (0, 0)),
        ],
        out_specs=[
            pl.BlockSpec((1, N), lambda i: (0, 0)),
            pl.BlockSpec((1, 1), lambda i: (0, 0)),
        ],
        out_shape=[
            jax.ShapeDtypeStruct((1, N), jnp.float32),
            jax.ShapeDtypeStruct((1, 1), jnp.float32),
        ],
        scratch_shapes=[
            pltpu.VMEM((1, 32), jnp.float32),
            pltpu.VMEM((1, 16), jnp.float32),
        ],
    )(q0, q1, d0, d1, b2f, wp1, wv1, wp2, bp1, bp2, wv2, bv1)


def kernel(x, edge_index, W1, b1, W2, b2, Wp1, bp1, Wp2, bp2, Wv1, bv1,
           Wv2, bv2):
    ei = edge_index.astype(jnp.int32).reshape(2, NW, NWIN, WE)
    zc = jnp.zeros((N, H), jnp.float32)
    onesc = jnp.ones((WE, H), jnp.float32)

    h1 = _tc_a0(x, W1)
    b2f = jnp.tile(b2, N)
    degp0, degp1 = _sc_deg(ei, onesc, zc)
    df0 = degp0.reshape(N * H)
    df1 = degp1.reshape(N * H)
    hp1 = _tc_a1(h1, degp0, degp1)
    p10, p11 = _sc_conv(hp1, ei, zc)
    hp2 = _tc_b(p10, p11, degp0, degp1, b1.reshape(1, H), W2)
    q0p, q1p = _sc_conv(hp2, ei, zc)
    q0 = q0p.reshape(N * H)
    q1 = q1p.reshape(N * H)

    X, V = _tc_head(q0, q1, df0, df1, b2f, Wp1, Wv1, Wp2,
                    bp1.reshape(1, 32), bp2.reshape(1, N),
                    Wv2, bv1.reshape(1, 16))
    return (X, V + bv2.reshape(1, 1))

# --- scband reference (transcript-rebuilt; emitter-appended) ---
"""Pipeline reference for scband-gcn-14396730377002 (READ-ONLY COPY).

The authoritative reference and input builder live on the scoring server;
editing this copy changes nothing except your own understanding.
"""

import jax, jax.numpy as jnp
import numpy as np

NODE_COUNT = 10000
STATE_SIZE = 128
HID = 16

def gcn_conv(x, edge_index, W, b, num_nodes):
    src = edge_index[0]
    dst = edge_index[1]
    loop = jnp.arange(num_nodes, dtype=edge_index.dtype)
    src = jnp.concatenate([src, loop])
    dst = jnp.concatenate([dst, loop])
    deg = jnp.zeros((num_nodes,), dtype=x.dtype).at[dst].add(1.0)
    deg_inv_sqrt = jnp.where(deg > 0, deg ** -0.5, 0.0)
    norm = deg_inv_sqrt[src] * deg_inv_sqrt[dst]
    h = x @ W
    msg = h[src] * norm[:, None]
    out = jnp.zeros((num_nodes, W.shape[1]), dtype=x.dtype).at[dst].add(msg)
    return out + b

def setup_inputs(seed: int = 0) -> dict:
    key = jax.random.key(seed)
    ks = jax.random.split(key, 16)
    x = jax.random.normal(ks[0], (NODE_COUNT, STATE_SIZE), dtype=jnp.float32)
    edge_index = jax.random.randint(ks[1], (2, 320000), 0, NODE_COUNT, dtype=jnp.int64)
    flat = NODE_COUNT * HID
    W1 = jax.random.normal(ks[2], (STATE_SIZE, HID), dtype=jnp.float32) * (1.0 / np.sqrt(STATE_SIZE))
    b1 = jnp.zeros((HID,), dtype=jnp.float32)
    W2 = jax.random.normal(ks[3], (HID, HID), dtype=jnp.float32) * (1.0 / np.sqrt(HID))
    b2 = jnp.zeros((HID,), dtype=jnp.float32)
    Wp1 = jax.random.normal(ks[4], (32, flat), dtype=jnp.float32) * np.sqrt(2.0 / (flat + 32))
    bp1 = jnp.zeros((32,), dtype=jnp.float32)
    Wp2 = jax.random.normal(ks[5], (NODE_COUNT, 32), dtype=jnp.float32) * np.sqrt(2.0 / (32 + NODE_COUNT))
    bp2 = jnp.zeros((NODE_COUNT,), dtype=jnp.float32)
    Wv1 = jax.random.normal(ks[6], (16, flat), dtype=jnp.float32) * np.sqrt(2.0 / (flat + 16))
    bv1 = jnp.zeros((16,), dtype=jnp.float32)
    Wv2 = jax.random.normal(ks[7], (1, 16), dtype=jnp.float32) * np.sqrt(2.0 / 17)
    bv2 = jnp.zeros((1,), dtype=jnp.float32)
    return {"x": x, "edge_index": edge_index, "W1": W1, "b1": b1, "W2": W2, "b2": b2,
            "Wp1": Wp1, "bp1": bp1, "Wp2": Wp2, "bp2": bp2,
            "Wv1": Wv1, "bv1": bv1, "Wv2": Wv2, "bv2": bv2}

def reference(x, edge_index, W1, b1, W2, b2, Wp1, bp1, Wp2, bp2, Wv1, bv1, Wv2, bv2):
    h = gcn_conv(x, edge_index, W1, b1, NODE_COUNT)
    h = jax.nn.relu(h)
    # dropout is identity in eval mode
    h = gcn_conv(h, edge_index, W2, b2, NODE_COUNT)
    h = jax.nn.relu(h)
    flat = h.reshape(-1, NODE_COUNT * HID)
    X = jax.nn.relu(flat @ Wp1.T + bp1)
    X = X @ Wp2.T + bp2
    V = jax.nn.relu(flat @ Wv1.T + bv1)
    V = V @ Wv2.T + bv2
    return (X, V)

if __name__ == "__main__":
    import jax
    _d = setup_inputs()
    print(jax.jit(kernel)(*tuple(_d.values())))

</pallas_src>

<mosaic_0001>
#map = affine_map<(d0, d1) -> (0, 0)>
#map1 = affine_map<(d0, d1) -> (0, 0, 0, 0)>
module attributes {stable_mosaic.version = 14 : i64} {
  func.func @_sc_conv(%arg0: i32, %arg1: i32, %arg2: memref<10000x16xf32, #tpu.memory_space<hbm>>, %arg3: memref<2x32x10x1000xi32, #tpu.memory_space<hbm>>, %arg4: memref<10000x16xf32, #tpu.memory_space<hbm>>, %arg5: memref<10000x16xf32, #tpu.memory_space<hbm>>, %arg6: memref<10000x16xf32, #tpu.memory_space<hbm>>, %arg7: memref<10x1000xi32, #tpu.memory_space<vmem>>, %arg8: memref<10x1000xi32, #tpu.memory_space<vmem>>, %arg9: memref<1000x16xf32, #tpu.memory_space<vmem>>, %arg10: memref<1000x16xf32, #tpu.memory_space<vmem>>, %arg11: memref<1000x16xf32, #tpu.memory_space<vmem>>, %arg12: memref<1000x16xf32, #tpu.memory_space<vmem>>, %arg13: memref<10000x16xf32, #tpu.memory_space<vmem_shared>>, %arg14: memref<10000x16xf32, #tpu.memory_space<vmem_shared>>, %arg15: memref<!tpu.dma_semaphore, #tpu.memory_space<semaphore_mem>>, %arg16: memref<!tpu.dma_semaphore, #tpu.memory_space<semaphore_mem>>, %arg17: memref<!tpu.dma_semaphore, #tpu.memory_space<semaphore_mem>>, %arg18: memref<!tpu.dma_semaphore, #tpu.memory_space<semaphore_mem>>, %arg19: memref<!tpu.dma_semaphore, #tpu.memory_space<semaphore_mem>>, %arg20: memref<!tpu.dma_semaphore, #tpu.memory_space<semaphore_mem>>, %arg21: memref<!tpu.dma_semaphore, #tpu.memory_space<semaphore_mem>>, %arg22: memref<!tpu.dma_semaphore, #tpu.memory_space<semaphore_mem>>) attributes {dimension_semantics = [#tpu.dimension_semantics<core_parallel>, #tpu.dimension_semantics<subcore_parallel>], iteration_bounds = array<i64: 2, 16>, scalar_prefetch = 0 : i64, scratch_operands = 16 : i64, tpu.core_type = #tpu.core_type<sc_vector_subcore>, window_params = [{transform_indices = #map}, {transform_indices = #map1}, {transform_indices = #map}, {transform_indices = #map}, {transform_indices = #map}]} {
    %mul3A = arith.constant 2 : i32
    %mul3A_0 = arith.muli %arg1, %mul3A : i32
    %add3A = arith.addi %mul3A_0, %arg0 : i32
    %eq3A = arith.constant 0 : i32
    %eq3A_1 = arith.cmpi eq, %arg0, %eq3A : i32
    %convert_element_type3A = arith.extui %eq3A_1 : i1 to i32
    %cond3A = arith.constant 0 : i32
    %cond3A_2 = arith.cmpi ne, %convert_element_type3A, %cond3A : i32
    scf.if %cond3A_2 {
      %mul3A_301 = arith.constant 625 : i32
      %mul3A_302 = arith.muli %arg1, %mul3A_301 : i32
      %mul3A_303 = arith.constant 625 : i32
      %mul3A_304 = arith.muli %arg1, %mul3A_303 : i32
      "tpu.region"() ({
        %run_scoped3A_305 = tpu.sem_alloc : memref<!tpu.dma_semaphore, #tpu.memory_space<semaphore_mem>>
        %dma_start3A_306 = arith.constant 0 : i32
        %dma_start3A_307 = tpu.memref_slice %arg13[%mul3A_304, %dma_start3A_306] : memref<10000x16xf32, #tpu.memory_space<vmem_shared>> -> memref<625x16xf32, #tpu.memory_space<vmem_shared>>
        %dma_start3A_308 = arith.constant 0 : i32
        %dma_start3A_309 = tpu.memref_slice %arg2[%mul3A_302, %dma_start3A_308] : memref<10000x16xf32, #tpu.memory_space<hbm>> -> memref<625x16xf32, #tpu.memory_space<hbm>>
        tpu.enqueue_dma source(%dma_start3A_309 : memref<625x16xf32, #tpu.memory_space<hbm>>) target(%dma_start3A_307 : memref<625x16xf32, #tpu.memory_space<vmem_shared>>) target_semaphore(%run_scoped3A_305 : memref<!tpu.dma_semaphore, #tpu.memory_space<semaphore_mem>>)
        %dma_wait3A_310 = arith.constant 0 : i32
        %dma_wait3A_311 = tpu.memref_slice %arg13[%mul3A_304, %dma_wait3A_310] : memref<10000x16xf32, #tpu.memory_space<vmem_shared>> -> memref<625x16xf32, #tpu.memory_space<vmem_shared>>
        %dma_wait3A_312 = arith.constant 0 : i32
        %dma_wait3A_313 = tpu.memref_slice %arg2[%mul3A_302, %dma_wait3A_312] : memref<10000x16xf32, #tpu.memory_space<hbm>> -> memref<625x16xf32, #tpu.memory_space<hbm>>
        tpu.wait_dma2 semaphore(%run_scoped3A_305 : memref<!tpu.dma_semaphore, #tpu.memory_space<semaphore_mem>>) src(%dma_wait3A_313 : memref<625x16xf32, #tpu.memory_space<hbm>>) dst(%dma_wait3A_311 : memref<625x16xf32, #tpu.memory_space<vmem_shared>>)
        tpu.yield
      }) : () -> ()
    } else {
    }
    %eq3A_3 = arith.constant 1 : i32
    %eq3A_4 = arith.cmpi eq, %arg0, %eq3A_3 : i32
    %convert_element_type3A_5 = arith.extui %eq3A_4 : i1 to i32
    %cond3A_6 = arith.constant 0 : i32
    %cond3A_7 = arith.cmpi ne, %convert_element_type3A_5, %cond3A_6 : i32
    scf.if %cond3A_7 {
      %mul3A_301 = arith.constant 625 : i32
      %mul3A_302 = arith.muli %arg1, %mul3A_301 : i32
      %mul3A_303 = arith.constant 625 : i32
      %mul3A_304 = arith.muli %arg1, %mul3A_303 : i32
      "tpu.region"() ({
        %run_scoped3A_305 = tpu.sem_alloc : memref<!tpu.dma_semaphore, #tpu.memory_space<semaphore_mem>>
        %dma_start3A_306 = arith.constant 0 : i32
        %dma_start3A_307 = tpu.memref_slice %arg13[%mul3A_304, %dma_start3A_306] : memref<10000x16xf32, #tpu.memory_space<vmem_shared>> -> memref<625x16xf32, #tpu.memory_space<vmem_shared>>
        %dma_start3A_308 = arith.constant 0 : i32
        %dma_start3A_309 = tpu.memref_slice %arg4[%mul3A_302, %dma_start3A_308] : memref<10000x16xf32, #tpu.memory_space<hbm>> -> memref<625x16xf32, #tpu.memory_space<hbm>>
        tpu.enqueue_dma source(%dma_start3A_309 : memref<625x16xf32, #tpu.memory_space<hbm>>) target(%dma_start3A_307 : memref<625x16xf32, #tpu.memory_space<vmem_shared>>) target_semaphore(%run_scoped3A_305 : memref<!tpu.dma_semaphore, #tpu.memory_space<semaphore_mem>>)
        %dma_wait3A_310 = arith.constant 0 : i32
        %dma_wait3A_311 = tpu.memref_slice %arg13[%mul3A_304, %dma_wait3A_310] : memref<10000x16xf32, #tpu.memory_space<vmem_shared>> -> memref<625x16xf32, #tpu.memory_space<vmem_shared>>
        %dma_wait3A_312 = arith.constant 0 : i32
        %dma_wait3A_313 = tpu.memref_slice %arg4[%mul3A_302, %dma_wait3A_312] : memref<10000x16xf32, #tpu.memory_space<hbm>> -> memref<625x16xf32, #tpu.memory_space<hbm>>
        tpu.wait_dma2 semaphore(%run_scoped3A_305 : memref<!tpu.dma_semaphore, #tpu.memory_space<semaphore_mem>>) src(%dma_wait3A_313 : memref<625x16xf32, #tpu.memory_space<hbm>>) dst(%dma_wait3A_311 : memref<625x16xf32, #tpu.memory_space<vmem_shared>>)
        tpu.yield
      }) : () -> ()
    } else {
    }
    %mul3A_8 = arith.constant 625 : i32
    %mul3A_9 = arith.muli %arg1, %mul3A_8 : i32
    %mul3A_10 = arith.constant 625 : i32
    %mul3A_11 = arith.muli %arg1, %mul3A_10 : i32
    "tpu.region"() ({
      %run_scoped3A_301 = tpu.sem_alloc : memref<!tpu.dma_semaphore, #tpu.memory_space<semaphore_mem>>
      %dma_start3A_302 = arith.constant 0 : i32
      %dma_start3A_303 = tpu.memref_slice %arg14[%mul3A_11, %dma_start3A_302] : memref<10000x16xf32, #tpu.memory_space<vmem_shared>> -> memref<625x16xf32, #tpu.memory_space<vmem_shared>>
      %dma_start3A_304 = arith.constant 0 : i32
      %dma_start3A_305 = tpu.memref_slice %arg2[%mul3A_9, %dma_start3A_304] : memref<10000x16xf32, #tpu.memory_space<hbm>> -> memref<625x16xf32, #tpu.memory_space<hbm>>
      tpu.enqueue_dma source(%dma_start3A_305 : memref<625x16xf32, #tpu.memory_space<hbm>>) target(%dma_start3A_303 : memref<625x16xf32, #tpu.memory_space<vmem_shared>>) target_semaphore(%run_scoped3A_301 : memref<!tpu.dma_semaphore, #tpu.memory_space<semaphore_mem>>)
      %dma_wait3A_306 = arith.constant 0 : i32
      %dma_wait3A_307 = tpu.memref_slice %arg14[%mul3A_11, %dma_wait3A_306] : memref<10000x16xf32, #tpu.memory_space<vmem_shared>> -> memref<625x16xf32, #tpu.memory_space<vmem_shared>>
      %dma_wait3A_308 = arith.constant 0 : i32
      %dma_wait3A_309 = tpu.memref_slice %arg2[%mul3A_9, %dma_wait3A_308] : memref<10000x16xf32, #tpu.memory_space<hbm>> -> memref<625x16xf32, #tpu.memory_space<hbm>>
      tpu.wait_dma2 semaphore(%run_scoped3A_301 : memref<!tpu.dma_semaphore, #tpu.memory_space<semaphore_mem>>) src(%dma_wait3A_309 : memref<625x16xf32, #tpu.memory_space<hbm>>) dst(%dma_wait3A_307 : memref<625x16xf32, #tpu.memory_space<vmem_shared>>)
      tpu.yield
    }) : () -> ()
    %run_scoped3A = arith.constant 0 : i32
    "tpu.region"() ({
      %run_scoped3A_301 = tpu.sem_alloc : memref<!tpu.dma_semaphore, #tpu.memory_space<semaphore_mem>>
      %dma_start3A_302 = arith.constant 0 : i32
      %dma_start3A_303 = arith.constant 0 : i32
      %dma_start3A_304 = tpu.memref_slice %arg3[%run_scoped3A, %add3A, %dma_start3A_302, %dma_start3A_303] : memref<2x32x10x1000xi32, #tpu.memory_space<hbm>> -> memref<1x1x10x1000xi32, #tpu.memory_space<hbm>>
      %dma_start3A_305 = tpu.memref_squeeze %dma_start3A_304 : memref<1x1x10x1000xi32, #tpu.memory_space<hbm>> -> memref<10x1000xi32, #tpu.memory_space<hbm>>
      %dma_start3A_306 = arith.constant 0 : i32
      %dma_start3A_307 = arith.constant 0 : i32
      %dma_start3A_308 = tpu.memref_slice %arg3[%run_scoped3A, %add3A, %dma_start3A_306, %dma_start3A_307] : memref<2x32x10x1000xi32, #tpu.memory_space<hbm>> -> memref<1x1x10x1000xi32, #tpu.memory_space<hbm>>
      %dma_start3A_309 = tpu.memref_squeeze %dma_start3A_308 : memref<1x1x10x1000xi32, #tpu.memory_space<hbm>> -> memref<10x1000xi32, #tpu.memory_space<hbm>>
      tpu.enqueue_dma source(%dma_start3A_309 : memref<10x1000xi32, #tpu.memory_space<hbm>>) target(%arg7 : memref<10x1000xi32, #tpu.memory_space<vmem>>) target_semaphore(%run_scoped3A_301 : memref<!tpu.dma_semaphore, #tpu.memory_space<semaphore_mem>>)
      %dma_wait3A_310 = arith.constant 0 : i32
      %dma_wait3A_311 = arith.constant 0 : i32
      %dma_wait3A_312 = tpu.memref_slice %arg3[%run_scoped3A, %add3A, %dma_wait3A_310, %dma_wait3A_311] : memref<2x32x10x1000xi32, #tpu.memory_space<hbm>> -> memref<1x1x10x1000xi32, #tpu.memory_space<hbm>>
      %dma_wait3A_313 = tpu.memref_squeeze %dma_wait3A_312 : memref<1x1x10x1000xi32, #tpu.memory_space<hbm>> -> memref<10x1000xi32, #tpu.memory_space<hbm>>
      %dma_wait3A_314 = arith.constant 0 : i32
      %dma_wait3A_315 = arith.constant 0 : i32
      %dma_wait3A_316 = tpu.memref_slice %arg3[%run_scoped3A, %add3A, %dma_wait3A_314, %dma_wait3A_315] : memref<2x32x10x1000xi32, #tpu.memory_space<hbm>> -> memref<1x1x10x1000xi32, #tpu.memory_space<hbm>>
      %dma_wait3A_317 = tpu.memref_squeeze %dma_wait3A_316 : memref<1x1x10x1000xi32, #tpu.memory_space<hbm>> -> memref<10x1000xi32, #tpu.memory_space<hbm>>
      tpu.wait_dma2 semaphore(%run_scoped3A_301 : memref<!tpu.dma_semaphore, #tpu.memory_space<semaphore_mem>>) src(%dma_wait3A_317 : memref<10x1000xi32, #tpu.memory_space<hbm>>) dst(%arg7 : memref<10x1000xi32, #tpu.memory_space<vmem>>)
      tpu.yield
    }) : () -> ()
    %run_scoped3A_12 = arith.constant 1 : i32
    "tpu.region"() ({
      %run_scoped3A_301 = tpu.sem_alloc : memref<!tpu.dma_semaphore, #tpu.memory_space<semaphore_mem>>
      %dma_start3A_302 = arith.constant 0 : i32
      %dma_start3A_303 = arith.constant 0 : i32
      %dma_start3A_304 = tpu.memref_slice %arg3[%run_scoped3A_12, %add3A, %dma_start3A_302, %dma_start3A_303] : memref<2x32x10x1000xi32, #tpu.memory_space<hbm>> -> memref<1x1x10x1000xi32, #tpu.memory_space<hbm>>
      %dma_start3A_305 = tpu.memref_squeeze %dma_start3A_304 : memref<1x1x10x1000xi32, #tpu.memory_space<hbm>> -> memref<10x1000xi32, #tpu.memory_space<hbm>>
      %dma_start3A_306 = arith.constant 0 : i32
      %dma_start3A_307 = arith.constant 0 : i32
      %dma_start3A_308 = tpu.memref_slice %arg3[%run_scoped3A_12, %add3A, %dma_start3A_306, %dma_start3A_307] : memref<2x32x10x1000xi32, #tpu.memory_space<hbm>> -> memref<1x1x10x1000xi32, #tpu.memory_space<hbm>>
      %dma_start3A_309 = tpu.memref_squeeze %dma_start3A_308 : memref<1x1x10x1000xi32, #tpu.memory_space<hbm>> -> memref<10x1000xi32, #tpu.memory_space<hbm>>
      tpu.enqueue_dma source(%dma_start3A_309 : memref<10x1000xi32, #tpu.memory_space<hbm>>) target(%arg8 : memref<10x1000xi32, #tpu.memory_space<vmem>>) target_semaphore(%run_scoped3A_301 : memref<!tpu.dma_semaphore, #tpu.memory_space<semaphore_mem>>)
      %dma_wait3A_310 = arith.constant 0 : i32
      %dma_wait3A_311 = arith.constant 0 : i32
      %dma_wait3A_312 = tpu.memref_slice %arg3[%run_scoped3A_12, %add3A, %dma_wait3A_310, %dma_wait3A_311] : memref<2x32x10x1000xi32, #tpu.memory_space<hbm>> -> memref<1x1x10x1000xi32, #tpu.memory_space<hbm>>
      %dma_wait3A_313 = tpu.memref_squeeze %dma_wait3A_312 : memref<1x1x10x1000xi32, #tpu.memory_space<hbm>> -> memref<10x1000xi32, #tpu.memory_space<hbm>>
      %dma_wait3A_314 = arith.constant 0 : i32
      %dma_wait3A_315 = arith.constant 0 : i32
      %dma_wait3A_316 = tpu.memref_slice %arg3[%run_scoped3A_12, %add3A, %dma_wait3A_314, %dma_wait3A_315] : memref<2x32x10x1000xi32, #tpu.memory_space<hbm>> -> memref<1x1x10x1000xi32, #tpu.memory_space<hbm>>
      %dma_wait3A_317 = tpu.memref_squeeze %dma_wait3A_316 : memref<1x1x10x1000xi32, #tpu.memory_space<hbm>> -> memref<10x1000xi32, #tpu.memory_space<hbm>>
      tpu.wait_dma2 semaphore(%run_scoped3A_301 : memref<!tpu.dma_semaphore, #tpu.memory_space<semaphore_mem>>) src(%dma_wait3A_317 : memref<10x1000xi32, #tpu.memory_space<hbm>>) dst(%arg8 : memref<10x1000xi32, #tpu.memory_space<vmem>>)
      tpu.yield
    }) : () -> ()
    %barrier3A = arith.constant 0 : index
    tpu.barrier barrier_id(%barrier3A)
    %dma_start3A = arith.constant 0 : i32
    %dma_start3A_13 = arith.constant 0 : i32
    %dma_start3A_14 = tpu.memref_slice %arg7[%dma_start3A, %dma_start3A_13] : memref<10x1000xi32, #tpu.memory_space<vmem>> -> memref<1x1000xi32, #tpu.memory_space<vmem>>
    %dma_start3A_15 = tpu.memref_squeeze %dma_start3A_14 : memref<1x1000xi32, #tpu.memory_space<vmem>> -> memref<1000xi32, #tpu.memory_space<vmem>>
    %dma_start3A_16 = arith.constant 0 : i32
    %dma_start3A_17 = arith.constant 0 : i32
    %dma_start3A_18 = tpu.memref_slice %arg14[%dma_start3A_16, %dma_start3A_17] : memref<10000x16xf32, #tpu.memory_space<vmem_shared>> -> memref<10000x16xf32, #tpu.memory_space<vmem_shared>>
    tpu.enqueue_indirect_dma source(%dma_start3A_18 : memref<10000x16xf32, #tpu.memory_space<vmem_shared>>) target(%arg9 : memref<1000x16xf32, #tpu.memory_space<vmem>>) offsets(%dma_start3A_15 : memref<1000xi32, #tpu.memory_space<vmem>>) semaphore(%arg15 : memref<!tpu.dma_semaphore, #tpu.memory_space<semaphore_mem>>)
    %dma_start3A_19 = arith.constant 1 : i32
    %dma_start3A_20 = arith.constant 0 : i32
    %dma_start3A_21 = tpu.memref_slice %arg7[%dma_start3A_19, %dma_start3A_20] : memref<10x1000xi32, #tpu.memory_space<vmem>> -> memref<1x1000xi32, #tpu.memory_space<vmem>>
    %dma_start3A_22 = tpu.memref_squeeze %dma_start3A_21 : memref<1x1000xi32, #tpu.memory_space<vmem>> -> memref<1000xi32, #tpu.memory_space<vmem>>
    %dma_start3A_23 = arith.constant 0 : i32
    %dma_start3A_24 = arith.constant 0 : i32
    %dma_start3A_25 = tpu.memref_slice %arg14[%dma_start3A_23, %dma_start3A_24] : memref<10000x16xf32, #tpu.memory_space<vmem_shared>> -> memref<10000x16xf32, #tpu.memory_space<vmem_shared>>
    tpu.enqueue_indirect_dma source(%dma_start3A_25 : memref<10000x16xf32, #tpu.memory_space<vmem_shared>>) target(%arg10 : memref<1000x16xf32, #tpu.memory_space<vmem>>) offsets(%dma_start3A_22 : memref<1000xi32, #tpu.memory_space<vmem>>) semaphore(%arg16 : memref<!tpu.dma_semaphore, #tpu.memory_space<semaphore_mem>>)
    %dma_start3A_26 = arith.constant 2 : i32
    %dma_start3A_27 = arith.constant 0 : i32
    %dma_start3A_28 = tpu.memref_slice %arg7[%dma_start3A_26, %dma_start3A_27] : memref<10x1000xi32, #tpu.memory_space<vmem>> -> memref<1x1000xi32, #tpu.memory_space<vmem>>
    %dma_start3A_29 = tpu.memref_squeeze %dma_start3A_28 : memref<1x1000xi32, #tpu.memory_space<vmem>> -> memref<1000xi32, #tpu.memory_space<vmem>>
    %dma_start3A_30 = arith.constant 0 : i32
    %dma_start3A_31 = arith.constant 0 : i32
    %dma_start3A_32 = tpu.memref_slice %arg14[%dma_start3A_30, %dma_start3A_31] : memref<10000x16xf32, #tpu.memory_space<vmem_shared>> -> memref<10000x16xf32, #tpu.memory_space<vmem_shared>>
    tpu.enqueue_indirect_dma source(%dma_start3A_32 : memref<10000x16xf32, #tpu.memory_space<vmem_shared>>) target(%arg11 : memref<1000x16xf32, #tpu.memory_space<vmem>>) offsets(%dma_start3A_29 : memref<1000xi32, #tpu.memory_space<vmem>>) semaphore(%arg17 : memref<!tpu.dma_semaphore, #tpu.memory_space<semaphore_mem>>)
    %dma_start3A_33 = arith.constant 3 : i32
    %dma_start3A_34 = arith.constant 0 : i32
    %dma_start3A_35 = tpu.memref_slice %arg7[%dma_start3A_33, %dma_start3A_34] : memref<10x1000xi32, #tpu.memory_space<vmem>> -> memref<1x1000xi32, #tpu.memory_space<vmem>>
    %dma_start3A_36 = tpu.memref_squeeze %dma_start3A_35 : memref<1x1000xi32, #tpu.memory_space<vmem>> -> memref<1000xi32, #tpu.memory_space<vmem>>
    %dma_start3A_37 = arith.constant 0 : i32
    %dma_start3A_38 = arith.constant 0 : i32
    %dma_start3A_39 = tpu.memref_slice %arg14[%dma_start3A_37, %dma_start3A_38] : memref<10000x16xf32, #tpu.memory_space<vmem_shared>> -> memref<10000x16xf32, #tpu.memory_space<vmem_shared>>
    tpu.enqueue_indirect_dma source(%dma_start3A_39 : memref<10000x16xf32, #tpu.memory_space<vmem_shared>>) target(%arg12 : memref<1000x16xf32, #tpu.memory_space<vmem>>) offsets(%dma_start3A_36 : memref<1000xi32, #tpu.memory_space<vmem>>) semaphore(%arg18 : memref<!tpu.dma_semaphore, #tpu.memory_space<semaphore_mem>>)
    %dma_wait3A = arith.constant 0 : i32
    %dma_wait3A_40 = arith.constant 0 : i32
    %dma_wait3A_41 = tpu.memref_slice %arg7[%dma_wait3A, %dma_wait3A_40] : memref<10x1000xi32, #tpu.memory_space<vmem>> -> memref<1x1000xi32, #tpu.memory_space<vmem>>
    %dma_wait3A_42 = tpu.memref_squeeze %dma_wait3A_41 : memref<1x1000xi32, #tpu.memory_space<vmem>> -> memref<1000xi32, #tpu.memory_space<vmem>>
    %dma_wait3A_43 = arith.constant 0 : i32
    %dma_wait3A_44 = arith.constant 0 : i32
    %dma_wait3A_45 = tpu.memref_slice %arg14[%dma_wait3A_43, %dma_wait3A_44] : memref<10000x16xf32, #tpu.memory_space<vmem_shared>> -> memref<10000x16xf32, #tpu.memory_space<vmem_shared>>
    tpu.wait_indirect_dma semaphore(%arg15 : memref<!tpu.dma_semaphore, #tpu.memory_space<semaphore_mem>>) src(%dma_wait3A_45 : memref<10000x16xf32, #tpu.memory_space<vmem_shared>>) dst(%arg9 : memref<1000x16xf32, #tpu.memory_space<vmem>>)
    %dma_start3A_46 = arith.constant 0 : i32
    %dma_start3A_47 = arith.constant 0 : i32
    %dma_start3A_48 = tpu.memref_slice %arg8[%dma_start3A_46, %dma_start3A_47] : memref<10x1000xi32, #tpu.memory_space<vmem>> -> memref<1x1000xi32, #tpu.memory_space<vmem>>
    %dma_start3A_49 = tpu.memref_squeeze %dma_start3A_48 : memref<1x1000xi32, #tpu.memory_space<vmem>> -> memref<1000xi32, #tpu.memory_space<vmem>>
    %dma_start3A_50 = arith.constant 0 : i32
    %dma_start3A_51 = arith.constant 0 : i32
    %dma_start3A_52 = tpu.memref_slice %arg13[%dma_start3A_50, %dma_start3A_51] : memref<10000x16xf32, #tpu.memory_space<vmem_shared>> -> memref<10000x16xf32, #tpu.memory_space<vmem_shared>>
    tpu.enqueue_indirect_dma source(%arg9 : memref<1000x16xf32, #tpu.memory_space<vmem>>) target(%dma_start3A_52 : memref<10000x16xf32, #tpu.memory_space<vmem_shared>>) offsets(%dma_start3A_49 : memref<1000xi32, #tpu.memory_space<vmem>>) semaphore(%arg19 : memref<!tpu.dma_semaphore, #tpu.memory_space<semaphore_mem>>) {add = true}
    %dma_wait3A_53 = arith.constant 0 : i32
    %dma_wait3A_54 = arith.constant 0 : i32
    %dma_wait3A_55 = tpu.memref_slice %arg8[%dma_wait3A_53, %dma_wait3A_54] : memref<10x1000xi32, #tpu.memory_space<vmem>> -> memref<1x1000xi32, #tpu.memory_space<vmem>>
    %dma_wait3A_56 = tpu.memref_squeeze %dma_wait3A_55 : memref<1x1000xi32, #tpu.memory_space<vmem>> -> memref<1000xi32, #tpu.memory_space<vmem>>
    %dma_wait3A_57 = arith.constant 0 : i32
    %dma_wait3A_58 = arith.constant 0 : i32
    %dma_wait3A_59 = tpu.memref_slice %arg13[%dma_wait3A_57, %dma_wait3A_58] : memref<10000x16xf32, #tpu.memory_space<vmem_shared>> -> memref<10000x16xf32, #tpu.memory_space<vmem_shared>>
    tpu.wait_indirect_dma semaphore(%arg19 : memref<!tpu.dma_semaphore, #tpu.memory_space<semaphore_mem>>) src(%arg9 : memref<1000x16xf32, #tpu.memory_space<vmem>>) dst(%dma_wait3A_59 : memref<10000x16xf32, #tpu.memory_space<vmem_shared>>)
    %dma_start3A_60 = arith.constant 4 : i32
    %dma_start3A_61 = arith.constant 0 : i32
    %dma_start3A_62 = tpu.memref_slice %arg7[%dma_start3A_60, %dma_start3A_61] : memref<10x1000xi32, #tpu.memory_space<vmem>> -> memref<1x1000xi32, #tpu.memory_space<vmem>>
    %dma_start3A_63 = tpu.memref_squeeze %dma_start3A_62 : memref<1x1000xi32, #tpu.memory_space<vmem>> -> memref<1000xi32, #tpu.memory_space<vmem>>
    %dma_start3A_64 = arith.constant 0 : i32
    %dma_start3A_65 = arith.constant 0 : i32
    %dma_start3A_66 = tpu.memref_slice %arg14[%dma_start3A_64, %dma_start3A_65] : memref<10000x16xf32, #tpu.memory_space<vmem_shared>> -> memref<10000x16xf32, #tpu.memory_space<vmem_shared>>
    tpu.enqueue_indirect_dma source(%dma_start3A_66 : memref<10000x16xf32, #tpu.memory_space<vmem_shared>>) target(%arg9 : memref<1000x16xf32, #tpu.memory_space<vmem>>) offsets(%dma_start3A_63 : memref<1000xi32, #tpu.memory_space<vmem>>) semaphore(%arg15 : memref<!tpu.dma_semaphore, #tpu.memory_space<semaphore_mem>>)
    %dma_wait3A_67 = arith.constant 1 : i32
    %dma_wait3A_68 = arith.constant 0 : i32
    %dma_wait3A_69 = tpu.memref_slice %arg7[%dma_wait3A_67, %dma_wait3A_68] : memref<10x1000xi32, #tpu.memory_space<vmem>> -> memref<1x1000xi32, #tpu.memory_space<vmem>>
    %dma_wait3A_70 = tpu.memref_squeeze %dma_wait3A_69 : memref<1x1000xi32, #tpu.memory_space<vmem>> -> memref<1000xi32, #tpu.memory_space<vmem>>
    %dma_wait3A_71 = arith.constant 0 : i32
    %dma_wait3A_72 = arith.constant 0 : i32
    %dma_wait3A_73 = tpu.memref_slice %arg14[%dma_wait3A_71, %dma_wait3A_72] : memref<10000x16xf32, #tpu.memory_space<vmem_shared>> -> memref<10000x16xf32, #tpu.memory_space<vmem_shared>>
    tpu.wait_indirect_dma semaphore(%arg16 : memref<!tpu.dma_semaphore, #tpu.memory_space<semaphore_mem>>) src(%dma_wait3A_73 : memref<10000x16xf32, #tpu.memory_space<vmem_shared>>) dst(%arg10 : memref<1000x16xf32, #tpu.memory_space<vmem>>)
    %dma_start3A_74 = arith.constant 1 : i32
    %dma_start3A_75 = arith.constant 0 : i32
    %dma_start3A_76 = tpu.memref_slice %arg8[%dma_start3A_74, %dma_start3A_75] : memref<10x1000xi32, #tpu.memory_space<vmem>> -> memref<1x1000xi32, #tpu.memory_space<vmem>>
    %dma_start3A_77 = tpu.memref_squeeze %dma_start3A_76 : memref<1x1000xi32, #tpu.memory_space<vmem>> -> memref<1000xi32, #tpu.memory_space<vmem>>
    %dma_start3A_78 = arith.constant 0 : i32
    %dma_start3A_79 = arith.constant 0 : i32
    %dma_start3A_80 = tpu.memref_slice %arg13[%dma_start3A_78, %dma_start3A_79] : memref<10000x16xf32, #tpu.memory_space<vmem_shared>> -> memref<10000x16xf32, #tpu.memory_space<vmem_shared>>
    tpu.enqueue_indirect_dma source(%arg10 : memref<1000x16xf32, #tpu.memory_space<vmem>>) target(%dma_start3A_80 : memref<10000x16xf32, #tpu.memory_space<vmem_shared>>) offsets(%dma_start3A_77 : memref<1000xi32, #tpu.memory_space<vmem>>) semaphore(%arg20 : memref<!tpu.dma_semaphore, #tpu.memory_space<semaphore_mem>>) {add = true}
    %dma_wait3A_81 = arith.constant 1 : i32
    %dma_wait3A_82 = arith.constant 0 : i32
    %dma_wait3A_83 = tpu.memref_slice %arg8[%dma_wait3A_81, %dma_wait3A_82] : memref<10x1000xi32, #tpu.memory_space<vmem>> -> memref<1x1000xi32, #tpu.memory_space<vmem>>
    %dma_wait3A_84 = tpu.memref_squeeze %dma_wait3A_83 : memref<1x1000xi32, #tpu.memory_space<vmem>> -> memref<1000xi32, #tpu.memory_space<vmem>>
    %dma_wait3A_85 = arith.constant 0 : i32
    %dma_wait3A_86 = arith.constant 0 : i32
    %dma_wait3A_87 = tpu.memref_slice %arg13[%dma_wait3A_85, %dma_wait3A_86] : memref<10000x16xf32, #tpu.memory_space<vmem_shared>> -> memref<10000x16xf32, #tpu.memory_space<vmem_shared>>
    tpu.wait_indirect_dma semaphore(%arg20 : memref<!tpu.dma_semaphore, #tpu.memory_space<semaphore_mem>>) src(%arg10 : memref<1000x16xf32, #tpu.memory_space<vmem>>) dst(%dma_wait3A_87 : memref<10000x16xf32, #tpu.memory_space<vmem_shared>>)
    %dma_start3A_88 = arith.constant 5 : i32
    %dma_start3A_89 = arith.constant 0 : i32
    %dma_start3A_90 = tpu.memref_slice %arg7[%dma_start3A_88, %dma_start3A_89] : memref<10x1000xi32, #tpu.memory_space<vmem>> -> memref<1x1000xi32, #tpu.memory_space<vmem>>
    %dma_start3A_91 = tpu.memref_squeeze %dma_start3A_90 : memref<1x1000xi32, #tpu.memory_space<vmem>> -> memref<1000xi32, #tpu.memory_space<vmem>>
    %dma_start3A_92 = arith.constant 0 : i32
    %dma_start3A_93 = arith.constant 0 : i32
    %dma_start3A_94 = tpu.memref_slice %arg14[%dma_start3A_92, %dma_start3A_93] : memref<10000x16xf32, #tpu.memory_space<vmem_shared>> -> memref<10000x16xf32, #tpu.memory_space<vmem_shared>>
    tpu.enqueue_indirect_dma source(%dma_start3A_94 : memref<10000x16xf32, #tpu.memory_space<vmem_shared>>) target(%arg10 : memref<1000x16xf32, #tpu.memory_space<vmem>>) offsets(%dma_start3A_91 : memref<1000xi32, #tpu.memory_space<vmem>>) semaphore(%arg16 : memref<!tpu.dma_semaphore, #tpu.memory_space<semaphore_mem>>)
    %dma_wait3A_95 = arith.constant 2 : i32
    %dma_wait3A_96 = arith.constant 0 : i32
    %dma_wait3A_97 = tpu.memref_slice %arg7[%dma_wait3A_95, %dma_wait3A_96] : memref<10x1000xi32, #tpu.memory_space<vmem>> -> memref<1x1000xi32, #tpu.memory_space<vmem>>
    %dma_wait3A_98 = tpu.memref_squeeze %dma_wait3A_97 : memref<1x1000xi32, #tpu.memory_space<vmem>> -> memref<1000xi32, #tpu.memory_space<vmem>>
    %dma_wait3A_99 = arith.constant 0 : i32
    %dma_wait3A_100 = arith.constant 0 : i32
    %dma_wait3A_101 = tpu.memref_slice %arg14[%dma_wait3A_99, %dma_wait3A_100] : memref<10000x16xf32, #tpu.memory_space<vmem_shared>> -> memref<10000x16xf32, #tpu.memory_space<vmem_shared>>
    tpu.wait_indirect_dma semaphore(%arg17 : memref<!tpu.dma_semaphore, #tpu.memory_space<semaphore_mem>>) src(%dma_wait3A_101 : memref<10000x16xf32, #tpu.memory_space<vmem_shared>>) dst(%arg11 : memref<1000x16xf32, #tpu.memory_space<vmem>>)
    %dma_start3A_102 = arith.constant 2 : i32
    %dma_start3A_103 = arith.constant 0 : i32
    %dma_start3A_104 = tpu.memref_slice %arg8[%dma_start3A_102, %dma_start3A_103] : memref<10x1000xi32, #tpu.memory_space<vmem>> -> memref<1x1000xi32, #tpu.memory_space<vmem>>
    %dma_start3A_105 = tpu.memref_squeeze %dma_start3A_104 : memref<1x1000xi32, #tpu.memory_space<vmem>> -> memref<1000xi32, #tpu.memory_space<vmem>>
    %dma_start3A_106 = arith.constant 0 : i32
    %dma_start3A_107 = arith.constant 0 : i32
    %dma_start3A_108 = tpu.memref_slice %arg13[%dma_start3A_106, %dma_start3A_107] : memref<10000x16xf32, #tpu.memory_space<vmem_shared>> -> memref<10000x16xf32, #tpu.memory_space<vmem_shared>>
    tpu.enqueue_indirect_dma source(%arg11 : memref<1000x16xf32, #tpu.memory_space<vmem>>) target(%dma_start3A_108 : memref<10000x16xf32, #tpu.memory_space<vmem_shared>>) offsets(%dma_start3A_105 : memref<1000xi32, #tpu.memory_space<vmem>>) semaphore(%arg21 : memref<!tpu.dma_semaphore, #tpu.memory_space<semaphore_mem>>) {add = true}
    %dma_wait3A_109 = arith.constant 2 : i32
    %dma_wait3A_110 = arith.constant 0 : i32
    %dma_wait3A_111 = tpu.memref_slice %arg8[%dma_wait3A_109, %dma_wait3A_110] : memref<10x1000xi32, #tpu.memory_space<vmem>> -> memref<1x1000xi32, #tpu.memory_space<vmem>>
    %dma_wait3A_112 = tpu.memref_squeeze %dma_wait3A_111 : memref<1x1000xi32, #tpu.memory_space<vmem>> -> memref<1000xi32, #tpu.memory_space<vmem>>
    %dma_wait3A_113 = arith.constant 0 : i32
    %dma_wait3A_114 = arith.constant 0 : i32
    %dma_wait3A_115 = tpu.memref_slice %arg13[%dma_wait3A_113, %dma_wait3A_114] : memref<10000x16xf32, #tpu.memory_space<vmem_shared>> -> memref<10000x16xf32, #tpu.memory_space<vmem_shared>>
    tpu.wait_indirect_dma semaphore(%arg21 : memref<!tpu.dma_semaphore, #tpu.memory_space<semaphore_mem>>) src(%arg11 : memref<1000x16xf32, #tpu.memory_space<vmem>>) dst(%dma_wait3A_115 : memref<10000x16xf32, #tpu.memory_space<vmem_shared>>)
    %dma_start3A_116 = arith.constant 6 : i32
    %dma_start3A_117 = arith.constant 0 : i32
    %dma_start3A_118 = tpu.memref_slice %arg7[%dma_start3A_116, %dma_start3A_117] : memref<10x1000xi32, #tpu.memory_space<vmem>> -> memref<1x1000xi32, #tpu.memory_space<vmem>>
    %dma_start3A_119 = tpu.memref_squeeze %dma_start3A_118 : memref<1x1000xi32, #tpu.memory_space<vmem>> -> memref<1000xi32, #tpu.memory_space<vmem>>
    %dma_start3A_120 = arith.constant 0 : i32
    %dma_start3A_121 = arith.constant 0 : i32
    %dma_start3A_122 = tpu.memref_slice %arg14[%dma_start3A_120, %dma_start3A_121] : memref<10000x16xf32, #tpu.memory_space<vmem_shared>> -> memref<10000x16xf32, #tpu.memory_space<vmem_shared>>
    tpu.enqueue_indirect_dma source(%dma_start3A_122 : memref<10000x16xf32, #tpu.memory_space<vmem_shared>>) target(%arg11 : memref<1000x16xf32, #tpu.memory_space<vmem>>) offsets(%dma_start3A_119 : memref<1000xi32, #tpu.memory_space<vmem>>) semaphore(%arg17 : memref<!tpu.dma_semaphore, #tpu.memory_space<semaphore_mem>>)
    %dma_wait3A_123 = arith.constant 3 : i32
    %dma_wait3A_124 = arith.constant 0 : i32
    %dma_wait3A_125 = tpu.memref_slice %arg7[%dma_wait3A_123, %dma_wait3A_124] : memref<10x1000xi32, #tpu.memory_space<vmem>> -> memref<1x1000xi32, #tpu.memory_space<vmem>>
    %dma_wait3A_126 = tpu.memref_squeeze %dma_wait3A_125 : memref<1x1000xi32, #tpu.memory_space<vmem>> -> memref<1000xi32, #tpu.memory_space<vmem>>
    %dma_wait3A_127 = arith.constant 0 : i32
    %dma_wait3A_128 = arith.constant 0 : i32
    %dma_wait3A_129 = tpu.memref_slice %arg14[%dma_wait3A_127, %dma_wait3A_128] : memref<10000x16xf32, #tpu.memory_space<vmem_shared>> -> memref<10000x16xf32, #tpu.memory_space<vmem_shared>>
    tpu.wait_indirect_dma semaphore(%arg18 : memref<!tpu.dma_semaphore, #tpu.memory_space<semaphore_mem>>) src(%dma_wait3A_129 : memref<10000x16xf32, #tpu.memory_space<vmem_shared>>) dst(%arg12 : memref<1000x16xf32, #tpu.memory_space<vmem>>)
    %dma_start3A_130 = arith.constant 3 : i32
    %dma_start3A_131 = arith.constant 0 : i32
    %dma_start3A_132 = tpu.memref_slice %arg8[%dma_start3A_130, %dma_start3A_131] : memref<10x1000xi32, #tpu.memory_space<vmem>> -> memref<1x1000xi32, #tpu.memory_space<vmem>>
    %dma_start3A_133 = tpu.memref_squeeze %dma_start3A_132 : memref<1x1000xi32, #tpu.memory_space<vmem>> -> memref<1000xi32, #tpu.memory_space<vmem>>
    %dma_start3A_134 = arith.constant 0 : i32
    %dma_start3A_135 = arith.constant 0 : i32
    %dma_start3A_136 = tpu.memref_slice %arg13[%dma_start3A_134, %dma_start3A_135] : memref<10000x16xf32, #tpu.memory_space<vmem_shared>> -> memref<10000x16xf32, #tpu.memory_space<vmem_shared>>
    tpu.enqueue_indirect_dma source(%arg12 : memref<1000x16xf32, #tpu.memory_space<vmem>>) target(%dma_start3A_136 : memref<10000x16xf32, #tpu.memory_space<vmem_shared>>) offsets(%dma_start3A_133 : memref<1000xi32, #tpu.memory_space<vmem>>) semaphore(%arg22 : memref<!tpu.dma_semaphore, #tpu.memory_space<semaphore_mem>>) {add = true}
    %dma_wait3A_137 = arith.constant 3 : i32
    %dma_wait3A_138 = arith.constant 0 : i32
    %dma_wait3A_139 = tpu.memref_slice %arg8[%dma_wait3A_137, %dma_wait3A_138] : memref<10x1000xi32, #tpu.memory_space<vmem>> -> memref<1x1000xi32, #tpu.memory_space<vmem>>
    %dma_wait3A_140 = tpu.memref_squeeze %dma_wait3A_139 : memref<1x1000xi32, #tpu.memory_space<vmem>> -> memref<1000xi32, #tpu.memory_space<vmem>>
    %dma_wait3A_141 = arith.constant 0 : i32
    %dma_wait3A_142 = arith.constant 0 : i32
    %dma_wait3A_143 = tpu.memref_slice %arg13[%dma_wait3A_141, %dma_wait3A_142] : memref<10000x16xf32, #tpu.memory_space<vmem_shared>> -> memref<10000x16xf32, #tpu.memory_space<vmem_shared>>
    tpu.wait_indirect_dma semaphore(%arg22 : memref<!tpu.dma_semaphore, #tpu.memory_space<semaphore_mem>>) src(%arg12 : memref<1000x16xf32, #tpu.memory_space<vmem>>) dst(%dma_wait3A_143 : memref<10000x16xf32, #tpu.memory_space<vmem_shared>>)
    %dma_start3A_144 = arith.constant 7 : i32
    %dma_start3A_145 = arith.constant 0 : i32
    %dma_start3A_146 = tpu.memref_slice %arg7[%dma_start3A_144, %dma_start3A_145] : memref<10x1000xi32, #tpu.memory_space<vmem>> -> memref<1x1000xi32, #tpu.memory_space<vmem>>
    %dma_start3A_147 = tpu.memref_squeeze %dma_start3A_146 : memref<1x1000xi32, #tpu.memory_space<vmem>> -> memref<1000xi32, #tpu.memory_space<vmem>>
    %dma_start3A_148 = arith.constant 0 : i32
    %dma_start3A_149 = arith.constant 0 : i32
    %dma_start3A_150 = tpu.memref_slice %arg14[%dma_start3A_148, %dma_start3A_149] : memref<10000x16xf32, #tpu.memory_space<vmem_shared>> -> memref<10000x16xf32, #tpu.memory_space<vmem_shared>>
    tpu.enqueue_indirect_dma source(%dma_start3A_150 : memref<10000x16xf32, #tpu.memory_space<vmem_shared>>) target(%arg12 : memref<1000x16xf32, #tpu.memory_space<vmem>>) offsets(%dma_start3A_147 : memref<1000xi32, #tpu.memory_space<vmem>>) semaphore(%arg18 : memref<!tpu.dma_semaphore, #tpu.memory_space<semaphore_mem>>)
    %dma_wait3A_151 = arith.constant 4 : i32
    %dma_wait3A_152 = arith.constant 0 : i32
    %dma_wait3A_153 = tpu.memref_slice %arg7[%dma_wait3A_151, %dma_wait3A_152] : memref<10x1000xi32, #tpu.memory_space<vmem>> -> memref<1x1000xi32, #tpu.memory_space<vmem>>
    %dma_wait3A_154 = tpu.memref_squeeze %dma_wait3A_153 : memref<1x1000xi32, #tpu.memory_space<vmem>> -> memref<1000xi32, #tpu.memory_space<vmem>>
    %dma_wait3A_155 = arith.constant 0 : i32
    %dma_wait3A_156 = arith.constant 0 : i32
    %dma_wait3A_157 = tpu.memref_slice %arg14[%dma_wait3A_155, %dma_wait3A_156] : memref<10000x16xf32, #tpu.memory_space<vmem_shared>> -> memref<10000x16xf32, #tpu.memory_space<vmem_shared>>
    tpu.wait_indirect_dma semaphore(%arg15 : memref<!tpu.dma_semaphore, #tpu.memory_space<semaphore_mem>>) src(%dma_wait3A_157 : memref<10000x16xf32, #tpu.memory_space<vmem_shared>>) dst(%arg9 : memref<1000x16xf32, #tpu.memory_space<vmem>>)
    %dma_start3A_158 = arith.constant 4 : i32
    %dma_start3A_159 = arith.constant 0 : i32
    %dma_start3A_160 = tpu.memref_slice %arg8[%dma_start3A_158, %dma_start3A_159] : memref<10x1000xi32, #tpu.memory_space<vmem>> -> memref<1x1000xi32, #tpu.memory_space<vmem>>
    %dma_start3A_161 = tpu.memref_squeeze %dma_start3A_160 : memref<1x1000xi32, #tpu.memory_space<vmem>> -> memref<1000xi32, #tpu.memory_space<vmem>>
    %dma_start3A_162 = arith.constant 0 : i32
    %dma_start3A_163 = arith.constant 0 : i32
    %dma_start3A_164 = tpu.memref_slice %arg13[%dma_start3A_162, %dma_start3A_163] : memref<10000x16xf32, #tpu.memory_space<vmem_shared>> -> memref<10000x16xf32, #tpu.memory_space<vmem_shared>>
    tpu.enqueue_indirect_dma source(%arg9 : memref<1000x16xf32, #tpu.memory_space<vmem>>) target(%dma_start3A_164 : memref<10000x16xf32, #tpu.memory_space<vmem_shared>>) offsets(%dma_start3A_161 : memref<1000xi32, #tpu.memory_space<vmem>>) semaphore(%arg19 : memref<!tpu.dma_semaphore, #tpu.memory_space<semaphore_mem>>) {add = true}
    %dma_wait3A_165 = arith.constant 4 : i32
    %dma_wait3A_166 = arith.constant 0 : i32
    %dma_wait3A_167 = tpu.memref_slice %arg8[%dma_wait3A_165, %dma_wait3A_166] : memref<10x1000xi32, #tpu.memory_space<vmem>> -> memref<1x1000xi32, #tpu.memory_space<vmem>>
    %dma_wait3A_168 = tpu.memref_squeeze %dma_wait3A_167 : memref<1x1000xi32, #tpu.memory_space<vmem>> -> memref<1000xi32, #tpu.memory_space<vmem>>
    %dma_wait3A_169 = arith.constant 0 : i32
    %dma_wait3A_170 = arith.constant 0 : i32
    %dma_wait3A_171 = tpu.memref_slice %arg13[%dma_wait3A_169, %dma_wait3A_170] : memref<10000x16xf32, #tpu.memory_space<vmem_shared>> -> memref<10000x16xf32, #tpu.memory_space<vmem_shared>>
    tpu.wait_indirect_dma semaphore(%arg19 : memref<!tpu.dma_semaphore, #tpu.memory_space<semaphore_mem>>) src(%arg9 : memref<1000x16xf32, #tpu.memory_space<vmem>>) dst(%dma_wait3A_171 : memref<10000x16xf32, #tpu.memory_space<vmem_shared>>)
    %dma_start3A_172 = arith.constant 8 : i32
    %dma_start3A_173 = arith.constant 0 : i32
    %dma_start3A_174 = tpu.memref_slice %arg7[%dma_start3A_172, %dma_start3A_173] : memref<10x1000xi32, #tpu.memory_space<vmem>> -> memref<1x1000xi32, #tpu.memory_space<vmem>>
    %dma_start3A_175 = tpu.memref_squeeze %dma_start3A_174 : memref<1x1000xi32, #tpu.memory_space<vmem>> -> memref<1000xi32, #tpu.memory_space<vmem>>
    %dma_start3A_176 = arith.constant 0 : i32
    %dma_start3A_177 = arith.constant 0 : i32
    %dma_start3A_178 = tpu.memref_slice %arg14[%dma_start3A_176, %dma_start3A_177] : memref<10000x16xf32, #tpu.memory_space<vmem_shared>> -> memref<10000x16xf32, #tpu.memory_space<vmem_shared>>
    tpu.enqueue_indirect_dma source(%dma_start3A_178 : memref<10000x16xf32, #tpu.memory_space<vmem_shared>>) target(%arg9 : memref<1000x16xf32, #tpu.memory_space<vmem>>) offsets(%dma_start3A_175 : memref<1000xi32, #tpu.memory_space<vmem>>) semaphore(%arg15 : memref<!tpu.dma_semaphore, #tpu.memory_space<semaphore_mem>>)
    %dma_wait3A_179 = arith.constant 5 : i32
    %dma_wait3A_180 = arith.constant 0 : i32
    %dma_wait3A_181 = tpu.memref_slice %arg7[%dma_wait3A_179, %dma_wait3A_180] : memref<10x1000xi32, #tpu.memory_space<vmem>> -> memref<1x1000xi32, #tpu.memory_space<vmem>>
    %dma_wait3A_182 = tpu.memref_squeeze %dma_wait3A_181 : memref<1x1000xi32, #tpu.memory_space<vmem>> -> memref<1000xi32, #tpu.memory_space<vmem>>
    %dma_wait3A_183 = arith.constant 0 : i32
    %dma_wait3A_184 = arith.constant 0 : i32
    %dma_wait3A_185 = tpu.memref_slice %arg14[%dma_wait3A_183, %dma_wait3A_184] : memref<10000x16xf32, #tpu.memory_space<vmem_shared>> -> memref<10000x16xf32, #tpu.memory_space<vmem_shared>>
    tpu.wait_indirect_dma semaphore(%arg16 : memref<!tpu.dma_semaphore, #tpu.memory_space<semaphore_mem>>) src(%dma_wait3A_185 : memref<10000x16xf32, #tpu.memory_space<vmem_shared>>) dst(%arg10 : memref<1000x16xf32, #tpu.memory_space<vmem>>)
    %dma_start3A_186 = arith.constant 5 : i32
    %dma_start3A_187 = arith.constant 0 : i32
    %dma_start3A_188 = tpu.memref_slice %arg8[%dma_start3A_186, %dma_start3A_187] : memref<10x1000xi32, #tpu.memory_space<vmem>> -> memref<1x1000xi32, #tpu.memory_space<vmem>>
    %dma_start3A_189 = tpu.memref_squeeze %dma_start3A_188 : memref<1x1000xi32, #tpu.memory_space<vmem>> -> memref<1000xi32, #tpu.memory_space<vmem>>
    %dma_start3A_190 = arith.constant 0 : i32
    %dma_start3A_191 = arith.constant 0 : i32
    %dma_start3A_192 = tpu.memref_slice %arg13[%dma_start3A_190, %dma_start3A_191] : memref<10000x16xf32, #tpu.memory_space<vmem_shared>> -> memref<10000x16xf32, #tpu.memory_space<vmem_shared>>
    tpu.enqueue_indirect_dma source(%arg10 : memref<1000x16xf32, #tpu.memory_space<vmem>>) target(%dma_start3A_192 : memref<10000x16xf32, #tpu.memory_space<vmem_shared>>) offsets(%dma_start3A_189 : memref<1000xi32, #tpu.memory_space<vmem>>) semaphore(%arg20 : memref<!tpu.dma_semaphore, #tpu.memory_space<semaphore_mem>>) {add = true}
    %dma_wait3A_193 = arith.constant 5 : i32
    %dma_wait3A_194 = arith.constant 0 : i32
    %dma_wait3A_195 = tpu.memref_slice %arg8[%dma_wait3A_193, %dma_wait3A_194] : memref<10x1000xi32, #tpu.memory_space<vmem>> -> memref<1x1000xi32, #tpu.memory_space<vmem>>
    %dma_wait3A_196 = tpu.memref_squeeze %dma_wait3A_195 : memref<1x1000xi32, #tpu.memory_space<vmem>> -> memref<1000xi32, #tpu.memory_space<vmem>>
    %dma_wait3A_197 = arith.constant 0 : i32
    %dma_wait3A_198 = arith.constant 0 : i32
    %dma_wait3A_199 = tpu.memref_slice %arg13[%dma_wait3A_197, %dma_wait3A_198] : memref<10000x16xf32, #tpu.memory_space<vmem_shared>> -> memref<10000x16xf32, #tpu.memory_space<vmem_shared>>
    tpu.wait_indirect_dma semaphore(%arg20 : memref<!tpu.dma_semaphore, #tpu.memory_space<semaphore_mem>>) src(%arg10 : memref<1000x16xf32, #tpu.memory_space<vmem>>) dst(%dma_wait3A_199 : memref<10000x16xf32, #tpu.memory_space<vmem_shared>>)
    %dma_start3A_200 = arith.constant 9 : i32
    %dma_start3A_201 = arith.constant 0 : i32
    %dma_start3A_202 = tpu.memref_slice %arg7[%dma_start3A_200, %dma_start3A_201] : memref<10x1000xi32, #tpu.memory_space<vmem>> -> memref<1x1000xi32, #tpu.memory_space<vmem>>
    %dma_start3A_203 = tpu.memref_squeeze %dma_start3A_202 : memref<1x1000xi32, #tpu.memory_space<vmem>> -> memref<1000xi32, #tpu.memory_space<vmem>>
    %dma_start3A_204 = arith.constant 0 : i32
    %dma_start3A_205 = arith.constant 0 : i32
    %dma_start3A_206 = tpu.memref_slice %arg14[%dma_start3A_204, %dma_start3A_205] : memref<10000x16xf32, #tpu.memory_space<vmem_shared>> -> memref<10000x16xf32, #tpu.memory_space<vmem_shared>>
    tpu.enqueue_indirect_dma source(%dma_start3A_206 : memref<10000x16xf32, #tpu.memory_space<vmem_shared>>) target(%arg10 : memref<1000x16xf32, #tpu.memory_space<vmem>>) offsets(%dma_start3A_203 : memref<1000xi32, #tpu.memory_space<vmem>>) semaphore(%arg16 : memref<!tpu.dma_semaphore, #tpu.memory_space<semaphore_mem>>)
    %dma_wait3A_207 = arith.constant 6 : i32
    %dma_wait3A_208 = arith.constant 0 : i32
    %dma_wait3A_209 = tpu.memref_slice %arg7[%dma_wait3A_207, %dma_wait3A_208] : memref<10x1000xi32, #tpu.memory_space<vmem>> -> memref<1x1000xi32, #tpu.memory_space<vmem>>
    %dma_wait3A_210 = tpu.memref_squeeze %dma_wait3A_209 : memref<1x1000xi32, #tpu.memory_space<vmem>> -> memref<1000xi32, #tpu.memory_space<vmem>>
    %dma_wait3A_211 = arith.constant 0 : i32
    %dma_wait3A_212 = arith.constant 0 : i32
    %dma_wait3A_213 = tpu.memref_slice %arg14[%dma_wait3A_211, %dma_wait3A_212] : memref<10000x16xf32, #tpu.memory_space<vmem_shared>> -> memref<10000x16xf32, #tpu.memory_space<vmem_shared>>
    tpu.wait_indirect_dma semaphore(%arg17 : memref<!tpu.dma_semaphore, #tpu.memory_space<semaphore_mem>>) src(%dma_wait3A_213 : memref<10000x16xf32, #tpu.memory_space<vmem_shared>>) dst(%arg11 : memref<1000x16xf32, #tpu.memory_space<vmem>>)
    %dma_start3A_214 = arith.constant 6 : i32
    %dma_start3A_215 = arith.constant 0 : i32
    %dma_start3A_216 = tpu.memref_slice %arg8[%dma_start3A_214, %dma_start3A_215] : memref<10x1000xi32, #tpu.memory_space<vmem>> -> memref<1x1000xi32, #tpu.memory_space<vmem>>
    %dma_start3A_217 = tpu.memref_squeeze %dma_start3A_216 : memref<1x1000xi32, #tpu.memory_space<vmem>> -> memref<1000xi32, #tpu.memory_space<vmem>>
    %dma_start3A_218 = arith.constant 0 : i32
    %dma_start3A_219 = arith.constant 0 : i32
    %dma_start3A_220 = tpu.memref_slice %arg13[%dma_start3A_218, %dma_start3A_219] : memref<10000x16xf32, #tpu.memory_space<vmem_shared>> -> memref<10000x16xf32, #tpu.memory_space<vmem_shared>>
    tpu.enqueue_indirect_dma source(%arg11 : memref<1000x16xf32, #tpu.memory_space<vmem>>) target(%dma_start3A_220 : memref<10000x16xf32, #tpu.memory_space<vmem_shared>>) offsets(%dma_start3A_217 : memref<1000xi32, #tpu.memory_space<vmem>>) semaphore(%arg21 : memref<!tpu.dma_semaphore, #tpu.memory_space<semaphore_mem>>) {add = true}
    %dma_wait3A_221 = arith.constant 7 : i32
    %dma_wait3A_222 = arith.constant 0 : i32
    %dma_wait3A_223 = tpu.memref_slice %arg7[%dma_wait3A_221, %dma_wait3A_222] : memref<10x1000xi32, #tpu.memory_space<vmem>> -> memref<1x1000xi32, #tpu.memory_space<vmem>>
    %dma_wait3A_224 = tpu.memref_squeeze %dma_wait3A_223 : memref<1x1000xi32, #tpu.memory_space<vmem>> -> memref<1000xi32, #tpu.memory_space<vmem>>
    %dma_wait3A_225 = arith.constant 0 : i32
    %dma_wait3A_226 = arith.constant 0 : i32
    %dma_wait3A_227 = tpu.memref_slice %arg14[%dma_wait3A_225, %dma_wait3A_226] : memref<10000x16xf32, #tpu.memory_space<vmem_shared>> -> memref<10000x16xf32, #tpu.memory_space<vmem_shared>>
    tpu.wait_indirect_dma semaphore(%arg18 : memref<!tpu.dma_semaphore, #tpu.memory_space<semaphore_mem>>) src(%dma_wait3A_227 : memref<10000x16xf32, #tpu.memory_space<vmem_shared>>) dst(%arg12 : memref<1000x16xf32, #tpu.memory_space<vmem>>)
    %dma_start3A_228 = arith.constant 7 : i32
    %dma_start3A_229 = arith.constant 0 : i32
    %dma_start3A_230 = tpu.memref_slice %arg8[%dma_start3A_228, %dma_start3A_229] : memref<10x1000xi32, #tpu.memory_space<vmem>> -> memref<1x1000xi32, #tpu.memory_space<vmem>>
    %dma_start3A_231 = tpu.memref_squeeze %dma_start3A_230 : memref<1x1000xi32, #tpu.memory_space<vmem>> -> memref<1000xi32, #tpu.memory_space<vmem>>
    %dma_start3A_232 = arith.constant 0 : i32
    %dma_start3A_233 = arith.constant 0 : i32
    %dma_start3A_234 = tpu.memref_slice %arg13[%dma_start3A_232, %dma_start3A_233] : memref<10000x16xf32, #tpu.memory_space<vmem_shared>> -> memref<10000x16xf32, #tpu.memory_space<vmem_shared>>
    tpu.enqueue_indirect_dma source(%arg12 : memref<1000x16xf32, #tpu.memory_space<vmem>>) target(%dma_start3A_234 : memref<10000x16xf32, #tpu.memory_space<vmem_shared>>) offsets(%dma_start3A_231 : memref<1000xi32, #tpu.memory_space<vmem>>) semaphore(%arg22 : memref<!tpu.dma_semaphore, #tpu.memory_space<semaphore_mem>>) {add = true}
    %dma_wait3A_235 = arith.constant 8 : i32
    %dma_wait3A_236 = arith.constant 0 : i32
    %dma_wait3A_237 = tpu.memref_slice %arg7[%dma_wait3A_235, %dma_wait3A_236] : memref<10x1000xi32, #tpu.memory_space<vmem>> -> memref<1x1000xi32, #tpu.memory_space<vmem>>
    %dma_wait3A_238 = tpu.memref_squeeze %dma_wait3A_237 : memref<1x1000xi32, #tpu.memory_space<vmem>> -> memref<1000xi32, #tpu.memory_space<vmem>>
    %dma_wait3A_239 = arith.constant 0 : i32
    %dma_wait3A_240 = arith.constant 0 : i32
    %dma_wait3A_241 = tpu.memref_slice %arg14[%dma_wait3A_239, %dma_wait3A_240] : memref<10000x16xf32, #tpu.memory_space<vmem_shared>> -> memref<10000x16xf32, #tpu.memory_space<vmem_shared>>
    tpu.wait_indirect_dma semaphore(%arg15 : memref<!tpu.dma_semaphore, #tpu.memory_space<semaphore_mem>>) src(%dma_wait3A_241 : memref<10000x16xf32, #tpu.memory_space<vmem_shared>>) dst(%arg9 : memref<1000x16xf32, #tpu.memory_space<vmem>>)
    %dma_start3A_242 = arith.constant 8 : i32
    %dma_start3A_243 = arith.constant 0 : i32
    %dma_start3A_244 = tpu.memref_slice %arg8[%dma_start3A_242, %dma_start3A_243] : memref<10x1000xi32, #tpu.memory_space<vmem>> -> memref<1x1000xi32, #tpu.memory_space<vmem>>
    %dma_start3A_245 = tpu.memref_squeeze %dma_start3A_244 : memref<1x1000xi32, #tpu.memory_space<vmem>> -> memref<1000xi32, #tpu.memory_space<vmem>>
    %dma_start3A_246 = arith.constant 0 : i32
    %dma_start3A_247 = arith.constant 0 : i32
    %dma_start3A_248 = tpu.memref_slice %arg13[%dma_start3A_246, %dma_start3A_247] : memref<10000x16xf32, #tpu.memory_space<vmem_shared>> -> memref<10000x16xf32, #tpu.memory_space<vmem_shared>>
    tpu.enqueue_indirect_dma source(%arg9 : memref<1000x16xf32, #tpu.memory_space<vmem>>) target(%dma_start3A_248 : memref<10000x16xf32, #tpu.memory_space<vmem_shared>>) offsets(%dma_start3A_245 : memref<1000xi32, #tpu.memory_space<vmem>>) semaphore(%arg19 : memref<!tpu.dma_semaphore, #tpu.memory_space<semaphore_mem>>) {add = true}
    %dma_wait3A_249 = arith.constant 9 : i32
    %dma_wait3A_250 = arith.constant 0 : i32
    %dma_wait3A_251 = tpu.memref_slice %arg7[%dma_wait3A_249, %dma_wait3A_250] : memref<10x1000xi32, #tpu.memory_space<vmem>> -> memref<1x1000xi32, #tpu.memory_space<vmem>>
    %dma_wait3A_252 = tpu.memref_squeeze %dma_wait3A_251 : memref<1x1000xi32, #tpu.memory_space<vmem>> -> memref<1000xi32, #tpu.memory_space<vmem>>
    %dma_wait3A_253 = arith.constant 0 : i32
    %dma_wait3A_254 = arith.constant 0 : i32
    %dma_wait3A_255 = tpu.memref_slice %arg14[%dma_wait3A_253, %dma_wait3A_254] : memref<10000x16xf32, #tpu.memory_space<vmem_shared>> -> memref<10000x16xf32, #tpu.memory_space<vmem_shared>>
    tpu.wait_indirect_dma semaphore(%arg16 : memref<!tpu.dma_semaphore, #tpu.memory_space<semaphore_mem>>) src(%dma_wait3A_255 : memref<10000x16xf32, #tpu.memory_space<vmem_shared>>) dst(%arg10 : memref<1000x16xf32, #tpu.memory_space<vmem>>)
    %dma_start3A_256 = arith.constant 9 : i32
    %dma_start3A_257 = arith.constant 0 : i32
    %dma_start3A_258 = tpu.memref_slice %arg8[%dma_start3A_256, %dma_start3A_257] : memref<10x1000xi32, #tpu.memory_space<vmem>> -> memref<1x1000xi32, #tpu.memory_space<vmem>>
    %dma_start3A_259 = tpu.memref_squeeze %dma_start3A_258 : memref<1x1000xi32, #tpu.memory_space<vmem>> -> memref<1000xi32, #tpu.memory_space<vmem>>
    %dma_start3A_260 = arith.constant 0 : i32
    %dma_start3A_261 = arith.constant 0 : i32
    %dma_start3A_262 = tpu.memref_slice %arg13[%dma_start3A_260, %dma_start3A_261] : memref<10000x16xf32, #tpu.memory_space<vmem_shared>> -> memref<10000x16xf32, #tpu.memory_space<vmem_shared>>
    tpu.enqueue_indirect_dma source(%arg10 : memref<1000x16xf32, #tpu.memory_space<vmem>>) target(%dma_start3A_262 : memref<10000x16xf32, #tpu.memory_space<vmem_shared>>) offsets(%dma_start3A_259 : memref<1000xi32, #tpu.memory_space<vmem>>) semaphore(%arg20 : memref<!tpu.dma_semaphore, #tpu.memory_space<semaphore_mem>>) {add = true}
    %dma_wait3A_263 = arith.constant 6 : i32
    %dma_wait3A_264 = arith.constant 0 : i32
    %dma_wait3A_265 = tpu.memref_slice %arg8[%dma_wait3A_263, %dma_wait3A_264] : memref<10x1000xi32, #tpu.memory_space<vmem>> -> memref<1x1000xi32, #tpu.memory_space<vmem>>
    %dma_wait3A_266 = tpu.memref_squeeze %dma_wait3A_265 : memref<1x1000xi32, #tpu.memory_space<vmem>> -> memref<1000xi32, #tpu.memory_space<vmem>>
    %dma_wait3A_267 = arith.constant 0 : i32
    %dma_wait3A_268 = arith.constant 0 : i32
    %dma_wait3A_269 = tpu.memref_slice %arg13[%dma_wait3A_267, %dma_wait3A_268] : memref<10000x16xf32, #tpu.memory_space<vmem_shared>> -> memref<10000x16xf32, #tpu.memory_space<vmem_shared>>
    tpu.wait_indirect_dma semaphore(%arg21 : memref<!tpu.dma_semaphore, #tpu.memory_space<semaphore_mem>>) src(%arg11 : memref<1000x16xf32, #tpu.memory_space<vmem>>) dst(%dma_wait3A_269 : memref<10000x16xf32, #tpu.memory_space<vmem_shared>>)
    %dma_wait3A_270 = arith.constant 7 : i32
    %dma_wait3A_271 = arith.constant 0 : i32
    %dma_wait3A_272 = tpu.memref_slice %arg8[%dma_wait3A_270, %dma_wait3A_271] : memref<10x1000xi32, #tpu.memory_space<vmem>> -> memref<1x1000xi32, #tpu.memory_space<vmem>>
    %dma_wait3A_273 = tpu.memref_squeeze %dma_wait3A_272 : memref<1x1000xi32, #tpu.memory_space<vmem>> -> memref<1000xi32, #tpu.memory_space<vmem>>
    %dma_wait3A_274 = arith.constant 0 : i32
    %dma_wait3A_275 = arith.constant 0 : i32
    %dma_wait3A_276 = tpu.memref_slice %arg13[%dma_wait3A_274, %dma_wait3A_275] : memref<10000x16xf32, #tpu.memory_space<vmem_shared>> -> memref<10000x16xf32, #tpu.memory_space<vmem_shared>>
    tpu.wait_indirect_dma semaphore(%arg22 : memref<!tpu.dma_semaphore, #tpu.memory_space<semaphore_mem>>) src(%arg12 : memref<1000x16xf32, #tpu.memory_space<vmem>>) dst(%dma_wait3A_276 : memref<10000x16xf32, #tpu.memory_space<vmem_shared>>)
    %dma_wait3A_277 = arith.constant 8 : i32
    %dma_wait3A_278 = arith.constant 0 : i32
    %dma_wait3A_279 = tpu.memref_slice %arg8[%dma_wait3A_277, %dma_wait3A_278] : memref<10x1000xi32, #tpu.memory_space<vmem>> -> memref<1x1000xi32, #tpu.memory_space<vmem>>
    %dma_wait3A_280 = tpu.memref_squeeze %dma_wait3A_279 : memref<1x1000xi32, #tpu.memory_space<vmem>> -> memref<1000xi32, #tpu.memory_space<vmem>>
    %dma_wait3A_281 = arith.constant 0 : i32
    %dma_wait3A_282 = arith.constant 0 : i32
    %dma_wait3A_283 = tpu.memref_slice %arg13[%dma_wait3A_281, %dma_wait3A_282] : memref<10000x16xf32, #tpu.memory_space<vmem_shared>> -> memref<10000x16xf32, #tpu.memory_space<vmem_shared>>
    tpu.wait_indirect_dma semaphore(%arg19 : memref<!tpu.dma_semaphore, #tpu.memory_space<semaphore_mem>>) src(%arg9 : memref<1000x16xf32, #tpu.memory_space<vmem>>) dst(%dma_wait3A_283 : memref<10000x16xf32, #tpu.memory_space<vmem_shared>>)
    %dma_wait3A_284 = arith.constant 9 : i32
    %dma_wait3A_285 = arith.constant 0 : i32
    %dma_wait3A_286 = tpu.memref_slice %arg8[%dma_wait3A_284, %dma_wait3A_285] : memref<10x1000xi32, #tpu.memory_space<vmem>> -> memref<1x1000xi32, #tpu.memory_space<vmem>>
    %dma_wait3A_287 = tpu.memref_squeeze %dma_wait3A_286 : memref<1x1000xi32, #tpu.memory_space<vmem>> -> memref<1000xi32, #tpu.memory_space<vmem>>
    %dma_wait3A_288 = arith.constant 0 : i32
    %dma_wait3A_289 = arith.constant 0 : i32
    %dma_wait3A_290 = tpu.memref_slice %arg13[%dma_wait3A_288, %dma_wait3A_289] : memref<10000x16xf32, #tpu.memory_space<vmem_shared>> -> memref<10000x16xf32, #tpu.memory_space<vmem_shared>>
    tpu.wait_indirect_dma semaphore(%arg20 : memref<!tpu.dma_semaphore, #tpu.memory_space<semaphore_mem>>) src(%arg10 : memref<1000x16xf32, #tpu.memory_space<vmem>>) dst(%dma_wait3A_290 : memref<10000x16xf32, #tpu.memory_space<vmem_shared>>)
    %barrier3A_291 = arith.constant 0 : index
    tpu.barrier barrier_id(%barrier3A_291)
    %eq3A_292 = arith.constant 15 : i32
    %eq3A_293 = arith.cmpi eq, %arg1, %eq3A_292 : i32
    %convert_element_type3A_294 = arith.extui %eq3A_293 : i1 to i32
    %cond3A_295 = arith.constant 0 : i32
    %cond3A_296 = arith.cmpi ne, %convert_element_type3A_294, %cond3A_295 : i32
    scf.if %cond3A_296 {
      %eq3A_301 = arith.constant 0 : i32
      %eq3A_302 = arith.cmpi eq, %arg0, %eq3A_301 : i32
      %convert_element_type3A_303 = arith.extui %eq3A_302 : i1 to i32
      %cond3A_304 = arith.constant 0 : i32
      %cond3A_305 = arith.cmpi ne, %convert_element_type3A_303, %cond3A_304 : i32
      scf.if %cond3A_305 {
        "tpu.region"() ({
          %run_scoped3A_311 = tpu.sem_alloc : memref<!tpu.dma_semaphore, #tpu.memory_space<semaphore_mem>>
          %dma_start3A_312 = arith.constant 9360 : i32
          %dma_start3A_313 = arith.constant 0 : i32
          %dma_start3A_314 = tpu.memref_slice %arg5[%dma_start3A_312, %dma_start3A_313] : memref<10000x16xf32, #tpu.memory_space<hbm>> -> memref<640x16xf32, #tpu.memory_space<hbm>>
          %dma_start3A_315 = arith.constant 9360 : i32
          %dma_start3A_316 = arith.constant 0 : i32
          %dma_start3A_317 = tpu.memref_slice %arg13[%dma_start3A_315, %dma_start3A_316] : memref<10000x16xf32, #tpu.memory_space<vmem_shared>> -> memref<640x16xf32, #tpu.memory_space<vmem_shared>>
          tpu.enqueue_dma source(%dma_start3A_317 : memref<640x16xf32, #tpu.memory_space<vmem_shared>>) target(%dma_start3A_314 : memref<640x16xf32, #tpu.memory_space<hbm>>) target_semaphore(%run_scoped3A_311 : memref<!tpu.dma_semaphore, #tpu.memory_space<semaphore_mem>>)
          %dma_wait3A_318 = arith.constant 9360 : i32
          %dma_wait3A_319 = arith.constant 0 : i32
          %dma_wait3A_320 = tpu.memref_slice %arg5[%dma_wait3A_318, %dma_wait3A_319] : memref<10000x16xf32, #tpu.memory_space<hbm>> -> memref<640x16xf32, #tpu.memory_space<hbm>>
          %dma_wait3A_321 = arith.constant 9360 : i32
          %dma_wait3A_322 = arith.constant 0 : i32
          %dma_wait3A_323 = tpu.memref_slice %arg13[%dma_wait3A_321, %dma_wait3A_322] : memref<10000x16xf32, #tpu.memory_space<vmem_shared>> -> memref<640x16xf32, #tpu.memory_space<vmem_shared>>
          tpu.wait_dma2 semaphore(%run_scoped3A_311 : memref<!tpu.dma_semaphore, #tpu.memory_space<semaphore_mem>>) src(%dma_wait3A_323 : memref<640x16xf32, #tpu.memory_space<vmem_shared>>) dst(%dma_wait3A_320 : memref<640x16xf32, #tpu.memory_space<hbm>>)
          tpu.yield
        }) : () -> ()
      } else {
      }
      %eq3A_306 = arith.constant 1 : i32
      %eq3A_307 = arith.cmpi eq, %arg0, %eq3A_306 : i32
      %convert_element_type3A_308 = arith.extui %eq3A_307 : i1 to i32
      %cond3A_309 = arith.constant 0 : i32
      %cond3A_310 = arith.cmpi ne, %convert_element_type3A_308, %cond3A_309 : i32
      scf.if %cond3A_310 {
        "tpu.region"() ({
          %run_scoped3A_311 = tpu.sem_alloc : memref<!tpu.dma_semaphore, #tpu.memory_space<semaphore_mem>>
          %dma_start3A_312 = arith.constant 9360 : i32
          %dma_start3A_313 = arith.constant 0 : i32
          %dma_start3A_314 = tpu.memref_slice %arg6[%dma_start3A_312, %dma_start3A_313] : memref<10000x16xf32, #tpu.memory_space<hbm>> -> memref<640x16xf32, #tpu.memory_space<hbm>>
          %dma_start3A_315 = arith.constant 9360 : i32
          %dma_start3A_316 = arith.constant 0 : i32
          %dma_start3A_317 = tpu.memref_slice %arg13[%dma_start3A_315, %dma_start3A_316] : memref<10000x16xf32, #tpu.memory_space<vmem_shared>> -> memref<640x16xf32, #tpu.memory_space<vmem_shared>>
          tpu.enqueue_dma source(%dma_start3A_317 : memref<640x16xf32, #tpu.memory_space<vmem_shared>>) target(%dma_start3A_314 : memref<640x16xf32, #tpu.memory_space<hbm>>) target_semaphore(%run_scoped3A_311 : memref<!tpu.dma_semaphore, #tpu.memory_space<semaphore_mem>>)
          %dma_wait3A_318 = arith.constant 9360 : i32
          %dma_wait3A_319 = arith.constant 0 : i32
          %dma_wait3A_320 = tpu.memref_slice %arg6[%dma_wait3A_318, %dma_wait3A_319] : memref<10000x16xf32, #tpu.memory_space<hbm>> -> memref<640x16xf32, #tpu.memory_space<hbm>>
          %dma_wait3A_321 = arith.constant 9360 : i32
          %dma_wait3A_322 = arith.constant 0 : i32
          %dma_wait3A_323 = tpu.memref_slice %arg13[%dma_wait3A_321, %dma_wait3A_322] : memref<10000x16xf32, #tpu.memory_space<vmem_shared>> -> memref<640x16xf32, #tpu.memory_space<vmem_shared>>
          tpu.wait_dma2 semaphore(%run_scoped3A_311 : memref<!tpu.dma_semaphore, #tpu.memory_space<semaphore_mem>>) src(%dma_wait3A_323 : memref<640x16xf32, #tpu.memory_space<vmem_shared>>) dst(%dma_wait3A_320 : memref<640x16xf32, #tpu.memory_space<hbm>>)
          tpu.yield
        }) : () -> ()
      } else {
      }
    } else {
    }
    %lt3A = arith.constant 15 : i32
    %lt3A_297 = arith.cmpi slt, %arg1, %lt3A : i32
    %convert_element_type3A_298 = arith.extui %lt3A_297 : i1 to i32
    %cond3A_299 = arith.constant 0 : i32
    %cond3A_300 = arith.cmpi ne, %convert_element_type3A_298, %cond3A_299 : i32
    scf.if %cond3A_300 {
      %mul3A_301 = arith.constant 624 : i32
      %mul3A_302 = arith.muli %mul3A_301, %arg1 : i32
      %eq3A_303 = arith.constant 0 : i32
      %eq3A_304 = arith.cmpi eq, %arg0, %eq3A_303 : i32
      %convert_element_type3A_305 = arith.extui %eq3A_304 : i1 to i32
      %cond3A_306 = arith.constant 0 : i32
      %cond3A_307 = arith.cmpi ne, %convert_element_type3A_305, %cond3A_306 : i32
      scf.if %cond3A_307 {
        "tpu.region"() ({
          %run_scoped3A_313 = tpu.sem_alloc : memref<!tpu.dma_semaphore, #tpu.memory_space<semaphore_mem>>
          %dma_start3A_314 = arith.constant 0 : i32
          %dma_start3A_315 = tpu.memref_slice %arg5[%mul3A_302, %dma_start3A_314] : memref<10000x16xf32, #tpu.memory_space<hbm>> -> memref<624x16xf32, #tpu.memory_space<hbm>>
          %dma_start3A_316 = arith.constant 0 : i32
          %dma_start3A_317 = tpu.memref_slice %arg13[%mul3A_302, %dma_start3A_316] : memref<10000x16xf32, #tpu.memory_space<vmem_shared>> -> memref<624x16xf32, #tpu.memory_space<vmem_shared>>
          tpu.enqueue_dma source(%dma_start3A_317 : memref<624x16xf32, #tpu.memory_space<vmem_shared>>) target(%dma_start3A_315 : memref<624x16xf32, #tpu.memory_space<hbm>>) target_semaphore(%run_scoped3A_313 : memref<!tpu.dma_semaphore, #tpu.memory_space<semaphore_mem>>)
          %dma_wait3A_318 = arith.constant 0 : i32
          %dma_wait3A_319 = tpu.memref_slice %arg5[%mul3A_302, %dma_wait3A_318] : memref<10000x16xf32, #tpu.memory_space<hbm>> -> memref<624x16xf32, #tpu.memory_space<hbm>>
          %dma_wait3A_320 = arith.constant 0 : i32
          %dma_wait3A_321 = tpu.memref_slice %arg13[%mul3A_302, %dma_wait3A_320] : memref<10000x16xf32, #tpu.memory_space<vmem_shared>> -> memref<624x16xf32, #tpu.memory_space<vmem_shared>>
          tpu.wait_dma2 semaphore(%run_scoped3A_313 : memref<!tpu.dma_semaphore, #tpu.memory_space<semaphore_mem>>) src(%dma_wait3A_321 : memref<624x16xf32, #tpu.memory_space<vmem_shared>>) dst(%dma_wait3A_319 : memref<624x16xf32, #tpu.memory_space<hbm>>)
          tpu.yield
        }) : () -> ()
      } else {
      }
      %eq3A_308 = arith.constant 1 : i32
      %eq3A_309 = arith.cmpi eq, %arg0, %eq3A_308 : i32
      %convert_element_type3A_310 = arith.extui %eq3A_309 : i1 to i32
      %cond3A_311 = arith.constant 0 : i32
      %cond3A_312 = arith.cmpi ne, %convert_element_type3A_310, %cond3A_311 : i32
      scf.if %cond3A_312 {
        "tpu.region"() ({
          %run_scoped3A_313 = tpu.sem_alloc : memref<!tpu.dma_semaphore, #tpu.memory_space<semaphore_mem>>
          %dma_start3A_314 = arith.constant 0 : i32
          %dma_start3A_315 = tpu.memref_slice %arg6[%mul3A_302, %dma_start3A_314] : memref<10000x16xf32, #tpu.memory_space<hbm>> -> memref<624x16xf32, #tpu.memory_space<hbm>>
          %dma_start3A_316 = arith.constant 0 : i32
          %dma_start3A_317 = tpu.memref_slice %arg13[%mul3A_302, %dma_start3A_316] : memref<10000x16xf32, #tpu.memory_space<vmem_shared>> -> memref<624x16xf32, #tpu.memory_space<vmem_shared>>
          tpu.enqueue_dma source(%dma_start3A_317 : memref<624x16xf32, #tpu.memory_space<vmem_shared>>) target(%dma_start3A_315 : memref<624x16xf32, #tpu.memory_space<hbm>>) target_semaphore(%run_scoped3A_313 : memref<!tpu.dma_semaphore, #tpu.memory_space<semaphore_mem>>)
          %dma_wait3A_318 = arith.constant 0 : i32
          %dma_wait3A_319 = tpu.memref_slice %arg6[%mul3A_302, %dma_wait3A_318] : memref<10000x16xf32, #tpu.memory_space<hbm>> -> memref<624x16xf32, #tpu.memory_space<hbm>>
          %dma_wait3A_320 = arith.constant 0 : i32
          %dma_wait3A_321 = tpu.memref_slice %arg13[%mul3A_302, %dma_wait3A_320] : memref<10000x16xf32, #tpu.memory_space<vmem_shared>> -> memref<624x16xf32, #tpu.memory_space<vmem_shared>>
          tpu.wait_dma2 semaphore(%run_scoped3A_313 : memref<!tpu.dma_semaphore, #tpu.memory_space<semaphore_mem>>) src(%dma_wait3A_321 : memref<624x16xf32, #tpu.memory_space<vmem_shared>>) dst(%dma_wait3A_319 : memref<624x16xf32, #tpu.memory_space<hbm>>)
          tpu.yield
        }) : () -> ()
      } else {
      }
    } else {
    }
    return
  }
}

#map = affine_map<(d0, d1) -> (0, 0, 0, 0)>
#map1 = affine_map<(d0, d1) -> (0, 0)>
module attributes {stable_mosaic.version = 14 : i64} {
  func.func @_sc_deg(%arg0: i32, %arg1: i32, %arg2: memref<2x32x10x1000xi32, #tpu.memory_space<hbm>>, %arg3: memref<1000x16xf32, #tpu.memory_space<hbm>>, %arg4: memref<10000x16xf32, #tpu.memory_space<hbm>>, %arg5: memref<10000x16xf32, #tpu.memory_space<hbm>>, %arg6: memref<10000x16xf32, #tpu.memory_space<hbm>>, %arg7: memref<10x1000xi32, #tpu.memory_space<vmem>>, %arg8: memref<1000x16xf32, #tpu.memory_space<vmem>>, %arg9: memref<10000x16xf32, #tpu.memory_space<vmem_shared>>, %arg10: memref<!tpu.dma_semaphore, #tpu.memory_space<semaphore_mem>>) attributes {dimension_semantics = [#tpu.dimension_semantics<core_parallel>, #tpu.dimension_semantics<subcore_parallel>], iteration_bounds = array<i64: 2, 16>, scalar_prefetch = 0 : i64, scratch_operands = 4 : i64, tpu.core_type = #tpu.core_type<sc_vector_subcore>, window_params = [{transform_indices = #map}, {transform_indices = #map1}, {transform_indices = #map1}, {transform_indices = #map1}, {transform_indices = #map1}]} {
    %mul3A = arith.constant 2 : i32
    %mul3A_0 = arith.muli %arg1, %mul3A : i32
    %add3A = arith.addi %mul3A_0, %arg0 : i32
    %mul3A_1 = arith.constant 625 : i32
    %mul3A_2 = arith.muli %arg1, %mul3A_1 : i32
    %mul3A_3 = arith.constant 625 : i32
    %mul3A_4 = arith.muli %arg1, %mul3A_3 : i32
    "tpu.region"() ({
      %run_scoped3A_150 = tpu.sem_alloc : memref<!tpu.dma_semaphore, #tpu.memory_space<semaphore_mem>>
      %dma_start3A_151 = arith.constant 0 : i32
      %dma_start3A_152 = tpu.memref_slice %arg9[%mul3A_4, %dma_start3A_151] : memref<10000x16xf32, #tpu.memory_space<vmem_shared>> -> memref<625x16xf32, #tpu.memory_space<vmem_shared>>
      %dma_start3A_153 = arith.constant 0 : i32
      %dma_start3A_154 = tpu.memref_slice %arg4[%mul3A_2, %dma_start3A_153] : memref<10000x16xf32, #tpu.memory_space<hbm>> -> memref<625x16xf32, #tpu.memory_space<hbm>>
      tpu.enqueue_dma source(%dma_start3A_154 : memref<625x16xf32, #tpu.memory_space<hbm>>) target(%dma_start3A_152 : memref<625x16xf32, #tpu.memory_space<vmem_shared>>) target_semaphore(%run_scoped3A_150 : memref<!tpu.dma_semaphore, #tpu.memory_space<semaphore_mem>>)
      %dma_wait3A_155 = arith.constant 0 : i32
      %dma_wait3A_156 = tpu.memref_slice %arg9[%mul3A_4, %dma_wait3A_155] : memref<10000x16xf32, #tpu.memory_space<vmem_shared>> -> memref<625x16xf32, #tpu.memory_space<vmem_shared>>
      %dma_wait3A_157 = arith.constant 0 : i32
      %dma_wait3A_158 = tpu.memref_slice %arg4[%mul3A_2, %dma_wait3A_157] : memref<10000x16xf32, #tpu.memory_space<hbm>> -> memref<625x16xf32, #tpu.memory_space<hbm>>
      tpu.wait_dma2 semaphore(%run_scoped3A_150 : memref<!tpu.dma_semaphore, #tpu.memory_space<semaphore_mem>>) src(%dma_wait3A_158 : memref<625x16xf32, #tpu.memory_space<hbm>>) dst(%dma_wait3A_156 : memref<625x16xf32, #tpu.memory_space<vmem_shared>>)
      tpu.yield
    }) : () -> ()
    "tpu.region"() ({
      %run_scoped3A_150 = tpu.sem_alloc : memref<!tpu.dma_semaphore, #tpu.memory_space<semaphore_mem>>
      tpu.enqueue_dma source(%arg3 : memref<1000x16xf32, #tpu.memory_space<hbm>>) target(%arg8 : memref<1000x16xf32, #tpu.memory_space<vmem>>) target_semaphore(%run_scoped3A_150 : memref<!tpu.dma_semaphore, #tpu.memory_space<semaphore_mem>>)
      tpu.wait_dma2 semaphore(%run_scoped3A_150 : memref<!tpu.dma_semaphore, #tpu.memory_space<semaphore_mem>>) src(%arg3 : memref<1000x16xf32, #tpu.memory_space<hbm>>) dst(%arg8 : memref<1000x16xf32, #tpu.memory_space<vmem>>)
      tpu.yield
    }) : () -> ()
    %run_scoped3A = arith.constant 1 : i32
    "tpu.region"() ({
      %run_scoped3A_150 = tpu.sem_alloc : memref<!tpu.dma_semaphore, #tpu.memory_space<semaphore_mem>>
      %dma_start3A_151 = arith.constant 0 : i32
      %dma_start3A_152 = arith.constant 0 : i32
      %dma_start3A_153 = tpu.memref_slice %arg2[%run_scoped3A, %add3A, %dma_start3A_151, %dma_start3A_152] : memref<2x32x10x1000xi32, #tpu.memory_space<hbm>> -> memref<1x1x10x1000xi32, #tpu.memory_space<hbm>>
      %dma_start3A_154 = tpu.memref_squeeze %dma_start3A_153 : memref<1x1x10x1000xi32, #tpu.memory_space<hbm>> -> memref<10x1000xi32, #tpu.memory_space<hbm>>
      %dma_start3A_155 = arith.constant 0 : i32
      %dma_start3A_156 = arith.constant 0 : i32
      %dma_start3A_157 = tpu.memref_slice %arg2[%run_scoped3A, %add3A, %dma_start3A_155, %dma_start3A_156] : memref<2x32x10x1000xi32, #tpu.memory_space<hbm>> -> memref<1x1x10x1000xi32, #tpu.memory_space<hbm>>
      %dma_start3A_158 = tpu.memref_squeeze %dma_start3A_157 : memref<1x1x10x1000xi32, #tpu.memory_space<hbm>> -> memref<10x1000xi32, #tpu.memory_space<hbm>>
      tpu.enqueue_dma source(%dma_start3A_158 : memref<10x1000xi32, #tpu.memory_space<hbm>>) target(%arg7 : memref<10x1000xi32, #tpu.memory_space<vmem>>) target_semaphore(%run_scoped3A_150 : memref<!tpu.dma_semaphore, #tpu.memory_space<semaphore_mem>>)
      %dma_wait3A_159 = arith.constant 0 : i32
      %dma_wait3A_160 = arith.constant 0 : i32
      %dma_wait3A_161 = tpu.memref_slice %arg2[%run_scoped3A, %add3A, %dma_wait3A_159, %dma_wait3A_160] : memref<2x32x10x1000xi32, #tpu.memory_space<hbm>> -> memref<1x1x10x1000xi32, #tpu.memory_space<hbm>>
      %dma_wait3A_162 = tpu.memref_squeeze %dma_wait3A_161 : memref<1x1x10x1000xi32, #tpu.memory_space<hbm>> -> memref<10x1000xi32, #tpu.memory_space<hbm>>
      %dma_wait3A_163 = arith.constant 0 : i32
      %dma_wait3A_164 = arith.constant 0 : i32
      %dma_wait3A_165 = tpu.memref_slice %arg2[%run_scoped3A, %add3A, %dma_wait3A_163, %dma_wait3A_164] : memref<2x32x10x1000xi32, #tpu.memory_space<hbm>> -> memref<1x1x10x1000xi32, #tpu.memory_space<hbm>>
      %dma_wait3A_166 = tpu.memref_squeeze %dma_wait3A_165 : memref<1x1x10x1000xi32, #tpu.memory_space<hbm>> -> memref<10x1000xi32, #tpu.memory_space<hbm>>
      tpu.wait_dma2 semaphore(%run_scoped3A_150 : memref<!tpu.dma_semaphore, #tpu.memory_space<semaphore_mem>>) src(%dma_wait3A_166 : memref<10x1000xi32, #tpu.memory_space<hbm>>) dst(%arg7 : memref<10x1000xi32, #tpu.memory_space<vmem>>)
      tpu.yield
    }) : () -> ()
    %barrier3A = arith.constant 0 : index
    tpu.barrier barrier_id(%barrier3A)
    %dma_start3A = arith.constant 0 : i32
    %dma_start3A_5 = arith.constant 0 : i32
    %dma_start3A_6 = tpu.memref_slice %arg7[%dma_start3A, %dma_start3A_5] : memref<10x1000xi32, #tpu.memory_space<vmem>> -> memref<1x1000xi32, #tpu.memory_space<vmem>>
    %dma_start3A_7 = tpu.memref_squeeze %dma_start3A_6 : memref<1x1000xi32, #tpu.memory_space<vmem>> -> memref<1000xi32, #tpu.memory_space<vmem>>
    %dma_start3A_8 = arith.constant 0 : i32
    %dma_start3A_9 = arith.constant 0 : i32
    %dma_start3A_10 = tpu.memref_slice %arg9[%dma_start3A_8, %dma_start3A_9] : memref<10000x16xf32, #tpu.memory_space<vmem_shared>> -> memref<10000x16xf32, #tpu.memory_space<vmem_shared>>
    tpu.enqueue_indirect_dma source(%arg8 : memref<1000x16xf32, #tpu.memory_space<vmem>>) target(%dma_start3A_10 : memref<10000x16xf32, #tpu.memory_space<vmem_shared>>) offsets(%dma_start3A_7 : memref<1000xi32, #tpu.memory_space<vmem>>) semaphore(%arg10 : memref<!tpu.dma_semaphore, #tpu.memory_space<semaphore_mem>>) {add = true}
    %dma_start3A_11 = arith.constant 1 : i32
    %dma_start3A_12 = arith.constant 0 : i32
    %dma_start3A_13 = tpu.memref_slice %arg7[%dma_start3A_11, %dma_start3A_12] : memref<10x1000xi32, #tpu.memory_space<vmem>> -> memref<1x1000xi32, #tpu.memory_space<vmem>>
    %dma_start3A_14 = tpu.memref_squeeze %dma_start3A_13 : memref<1x1000xi32, #tpu.memory_space<vmem>> -> memref<1000xi32, #tpu.memory_space<vmem>>
    %dma_start3A_15 = arith.constant 0 : i32
    %dma_start3A_16 = arith.constant 0 : i32
    %dma_start3A_17 = tpu.memref_slice %arg9[%dma_start3A_15, %dma_start3A_16] : memref<10000x16xf32, #tpu.memory_space<vmem_shared>> -> memref<10000x16xf32, #tpu.memory_space<vmem_shared>>
    tpu.enqueue_indirect_dma source(%arg8 : memref<1000x16xf32, #tpu.memory_space<vmem>>) target(%dma_start3A_17 : memref<10000x16xf32, #tpu.memory_space<vmem_shared>>) offsets(%dma_start3A_14 : memref<1000xi32, #tpu.memory_space<vmem>>) semaphore(%arg10 : memref<!tpu.dma_semaphore, #tpu.memory_space<semaphore_mem>>) {add = true}
    %dma_start3A_18 = arith.constant 2 : i32
    %dma_start3A_19 = arith.constant 0 : i32
    %dma_start3A_20 = tpu.memref_slice %arg7[%dma_start3A_18, %dma_start3A_19] : memref<10x1000xi32, #tpu.memory_space<vmem>> -> memref<1x1000xi32, #tpu.memory_space<vmem>>
    %dma_start3A_21 = tpu.memref_squeeze %dma_start3A_20 : memref<1x1000xi32, #tpu.memory_space<vmem>> -> memref<1000xi32, #tpu.memory_space<vmem>>
    %dma_start3A_22 = arith.constant 0 : i32
    %dma_start3A_23 = arith.constant 0 : i32
    %dma_start3A_24 = tpu.memref_slice %arg9[%dma_start3A_22, %dma_start3A_23] : memref<10000x16xf32, #tpu.memory_space<vmem_shared>> -> memref<10000x16xf32, #tpu.memory_space<vmem_shared>>
    tpu.enqueue_indirect_dma source(%arg8 : memref<1000x16xf32, #tpu.memory_space<vmem>>) target(%dma_start3A_24 : memref<10000x16xf32, #tpu.memory_space<vmem_shared>>) offsets(%dma_start3A_21 : memref<1000xi32, #tpu.memory_space<vmem>>) semaphore(%arg10 : memref<!tpu.dma_semaphore, #tpu.memory_space<semaphore_mem>>) {add = true}
    %dma_start3A_25 = arith.constant 3 : i32
    %dma_start3A_26 = arith.constant 0 : i32
    %dma_start3A_27 = tpu.memref_slice %arg7[%dma_start3A_25, %dma_start3A_26] : memref<10x1000xi32, #tpu.memory_space<vmem>> -> memref<1x1000xi32, #tpu.memory_space<vmem>>
    %dma_start3A_28 = tpu.memref_squeeze %dma_start3A_27 : memref<1x1000xi32, #tpu.memory_space<vmem>> -> memref<1000xi32, #tpu.memory_space<vmem>>
    %dma_start3A_29 = arith.constant 0 : i32
    %dma_start3A_30 = arith.constant 0 : i32
    %dma_start3A_31 = tpu.memref_slice %arg9[%dma_start3A_29, %dma_start3A_30] : memref<10000x16xf32, #tpu.memory_space<vmem_shared>> -> memref<10000x16xf32, #tpu.memory_space<vmem_shared>>
    tpu.enqueue_indirect_dma source(%arg8 : memref<1000x16xf32, #tpu.memory_space<vmem>>) target(%dma_start3A_31 : memref<10000x16xf32, #tpu.memory_space<vmem_shared>>) offsets(%dma_start3A_28 : memref<1000xi32, #tpu.memory_space<vmem>>) semaphore(%arg10 : memref<!tpu.dma_semaphore, #tpu.memory_space<semaphore_mem>>) {add = true}
    %dma_start3A_32 = arith.constant 4 : i32
    %dma_start3A_33 = arith.constant 0 : i32
    %dma_start3A_34 = tpu.memref_slice %arg7[%dma_start3A_32, %dma_start3A_33] : memref<10x1000xi32, #tpu.memory_space<vmem>> -> memref<1x1000xi32, #tpu.memory_space<vmem>>
    %dma_start3A_35 = tpu.memref_squeeze %dma_start3A_34 : memref<1x1000xi32, #tpu.memory_space<vmem>> -> memref<1000xi32, #tpu.memory_space<vmem>>
    %dma_start3A_36 = arith.constant 0 : i32
    %dma_start3A_37 = arith.constant 0 : i32
    %dma_start3A_38 = tpu.memref_slice %arg9[%dma_start3A_36, %dma_start3A_37] : memref<10000x16xf32, #tpu.memory_space<vmem_shared>> -> memref<10000x16xf32, #tpu.memory_space<vmem_shared>>
    tpu.enqueue_indirect_dma source(%arg8 : memref<1000x16xf32, #tpu.memory_space<vmem>>) target(%dma_start3A_38 : memref<10000x16xf32, #tpu.memory_space<vmem_shared>>) offsets(%dma_start3A_35 : memref<1000xi32, #tpu.memory_space<vmem>>) semaphore(%arg10 : memref<!tpu.dma_semaphore, #tpu.memory_space<semaphore_mem>>) {add = true}
    %dma_start3A_39 = arith.constant 5 : i32
    %dma_start3A_40 = arith.constant 0 : i32
    %dma_start3A_41 = tpu.memref_slice %arg7[%dma_start3A_39, %dma_start3A_40] : memref<10x1000xi32, #tpu.memory_space<vmem>> -> memref<1x1000xi32, #tpu.memory_space<vmem>>
    %dma_start3A_42 = tpu.memref_squeeze %dma_start3A_41 : memref<1x1000xi32, #tpu.memory_space<vmem>> -> memref<1000xi32, #tpu.memory_space<vmem>>
    %dma_start3A_43 = arith.constant 0 : i32
    %dma_start3A_44 = arith.constant 0 : i32
    %dma_start3A_45 = tpu.memref_slice %arg9[%dma_start3A_43, %dma_start3A_44] : memref<10000x16xf32, #tpu.memory_space<vmem_shared>> -> memref<10000x16xf32, #tpu.memory_space<vmem_shared>>
    tpu.enqueue_indirect_dma source(%arg8 : memref<1000x16xf32, #tpu.memory_space<vmem>>) target(%dma_start3A_45 : memref<10000x16xf32, #tpu.memory_space<vmem_shared>>) offsets(%dma_start3A_42 : memref<1000xi32, #tpu.memory_space<vmem>>) semaphore(%arg10 : memref<!tpu.dma_semaphore, #tpu.memory_space<semaphore_mem>>) {add = true}
    %dma_start3A_46 = arith.constant 6 : i32
    %dma_start3A_47 = arith.constant 0 : i32
    %dma_start3A_48 = tpu.memref_slice %arg7[%dma_start3A_46, %dma_start3A_47] : memref<10x1000xi32, #tpu.memory_space<vmem>> -> memref<1x1000xi32, #tpu.memory_space<vmem>>
    %dma_start3A_49 = tpu.memref_squeeze %dma_start3A_48 : memref<1x1000xi32, #tpu.memory_space<vmem>> -> memref<1000xi32, #tpu.memory_space<vmem>>
    %dma_start3A_50 = arith.constant 0 : i32
    %dma_start3A_51 = arith.constant 0 : i32
    %dma_start3A_52 = tpu.memref_slice %arg9[%dma_start3A_50, %dma_start3A_51] : memref<10000x16xf32, #tpu.memory_space<vmem_shared>> -> memref<10000x16xf32, #tpu.memory_space<vmem_shared>>
    tpu.enqueue_indirect_dma source(%arg8 : memref<1000x16xf32, #tpu.memory_space<vmem>>) target(%dma_start3A_52 : memref<10000x16xf32, #tpu.memory_space<vmem_shared>>) offsets(%dma_start3A_49 : memref<1000xi32, #tpu.memory_space<vmem>>) semaphore(%arg10 : memref<!tpu.dma_semaphore, #tpu.memory_space<semaphore_mem>>) {add = true}
    %dma_start3A_53 = arith.constant 7 : i32
    %dma_start3A_54 = arith.constant 0 : i32
    %dma_start3A_55 = tpu.memref_slice %arg7[%dma_start3A_53, %dma_start3A_54] : memref<10x1000xi32, #tpu.memory_space<vmem>> -> memref<1x1000xi32, #tpu.memory_space<vmem>>
    %dma_start3A_56 = tpu.memref_squeeze %dma_start3A_55 : memref<1x1000xi32, #tpu.memory_space<vmem>> -> memref<1000xi32, #tpu.memory_space<vmem>>
    %dma_start3A_57 = arith.constant 0 : i32
    %dma_start3A_58 = arith.constant 0 : i32
    %dma_start3A_59 = tpu.memref_slice %arg9[%dma_start3A_57, %dma_start3A_58] : memref<10000x16xf32, #tpu.memory_space<vmem_shared>> -> memref<10000x16xf32, #tpu.memory_space<vmem_shared>>
    tpu.enqueue_indirect_dma source(%arg8 : memref<1000x16xf32, #tpu.memory_space<vmem>>) target(%dma_start3A_59 : memref<10000x16xf32, #tpu.memory_space<vmem_shared>>) offsets(%dma_start3A_56 : memref<1000xi32, #tpu.memory_space<vmem>>) semaphore(%arg10 : memref<!tpu.dma_semaphore, #tpu.memory_space<semaphore_mem>>) {add = true}
    %dma_start3A_60 = arith.constant 8 : i32
    %dma_start3A_61 = arith.constant 0 : i32
    %dma_start3A_62 = tpu.memref_slice %arg7[%dma_start3A_60, %dma_start3A_61] : memref<10x1000xi32, #tpu.memory_space<vmem>> -> memref<1x1000xi32, #tpu.memory_space<vmem>>
    %dma_start3A_63 = tpu.memref_squeeze %dma_start3A_62 : memref<1x1000xi32, #tpu.memory_space<vmem>> -> memref<1000xi32, #tpu.memory_space<vmem>>
    %dma_start3A_64 = arith.constant 0 : i32
    %dma_start3A_65 = arith.constant 0 : i32
    %dma_start3A_66 = tpu.memref_slice %arg9[%dma_start3A_64, %dma_start3A_65] : memref<10000x16xf32, #tpu.memory_space<vmem_shared>> -> memref<10000x16xf32, #tpu.memory_space<vmem_shared>>
    tpu.enqueue_indirect_dma source(%arg8 : memref<1000x16xf32, #tpu.memory_space<vmem>>) target(%dma_start3A_66 : memref<10000x16xf32, #tpu.memory_space<vmem_shared>>) offsets(%dma_start3A_63 : memref<1000xi32, #tpu.memory_space<vmem>>) semaphore(%arg10 : memref<!tpu.dma_semaphore, #tpu.memory_space<semaphore_mem>>) {add = true}
    %dma_start3A_67 = arith.constant 9 : i32
    %dma_start3A_68 = arith.constant 0 : i32
    %dma_start3A_69 = tpu.memref_slice %arg7[%dma_start3A_67, %dma_start3A_68] : memref<10x1000xi32, #tpu.memory_space<vmem>> -> memref<1x1000xi32, #tpu.memory_space<vmem>>
    %dma_start3A_70 = tpu.memref_squeeze %dma_start3A_69 : memref<1x1000xi32, #tpu.memory_space<vmem>> -> memref<1000xi32, #tpu.memory_space<vmem>>
    %dma_start3A_71 = arith.constant 0 : i32
    %dma_start3A_72 = arith.constant 0 : i32
    %dma_start3A_73 = tpu.memref_slice %arg9[%dma_start3A_71, %dma_start3A_72] : memref<10000x16xf32, #tpu.memory_space<vmem_shared>> -> memref<10000x16xf32, #tpu.memory_space<vmem_shared>>
    tpu.enqueue_indirect_dma source(%arg8 : memref<1000x16xf32, #tpu.memory_space<vmem>>) target(%dma_start3A_73 : memref<10000x16xf32, #tpu.memory_space<vmem_shared>>) offsets(%dma_start3A_70 : memref<1000xi32, #tpu.memory_space<vmem>>) semaphore(%arg10 : memref<!tpu.dma_semaphore, #tpu.memory_space<semaphore_mem>>) {add = true}
    %dma_wait3A = arith.constant 0 : i32
    %dma_wait3A_74 = arith.constant 0 : i32
    %dma_wait3A_75 = tpu.memref_slice %arg7[%dma_wait3A, %dma_wait3A_74] : memref<10x1000xi32, #tpu.memory_space<vmem>> -> memref<1x1000xi32, #tpu.memory_space<vmem>>
    %dma_wait3A_76 = tpu.memref_squeeze %dma_wait3A_75 : memref<1x1000xi32, #tpu.memory_space<vmem>> -> memref<1000xi32, #tpu.memory_space<vmem>>
    %dma_wait3A_77 = arith.constant 0 : i32
    %dma_wait3A_78 = arith.constant 0 : i32
    %dma_wait3A_79 = tpu.memref_slice %arg9[%dma_wait3A_77, %dma_wait3A_78] : memref<10000x16xf32, #tpu.memory_space<vmem_shared>> -> memref<10000x16xf32, #tpu.memory_space<vmem_shared>>
    tpu.wait_indirect_dma semaphore(%arg10 : memref<!tpu.dma_semaphore, #tpu.memory_space<semaphore_mem>>) src(%arg8 : memref<1000x16xf32, #tpu.memory_space<vmem>>) dst(%dma_wait3A_79 : memref<10000x16xf32, #tpu.memory_space<vmem_shared>>)
    %dma_wait3A_80 = arith.constant 1 : i32
    %dma_wait3A_81 = arith.constant 0 : i32
    %dma_wait3A_82 = tpu.memref_slice %arg7[%dma_wait3A_80, %dma_wait3A_81] : memref<10x1000xi32, #tpu.memory_space<vmem>> -> memref<1x1000xi32, #tpu.memory_space<vmem>>
    %dma_wait3A_83 = tpu.memref_squeeze %dma_wait3A_82 : memref<1x1000xi32, #tpu.memory_space<vmem>> -> memref<1000xi32, #tpu.memory_space<vmem>>
    %dma_wait3A_84 = arith.constant 0 : i32
    %dma_wait3A_85 = arith.constant 0 : i32
    %dma_wait3A_86 = tpu.memref_slice %arg9[%dma_wait3A_84, %dma_wait3A_85] : memref<10000x16xf32, #tpu.memory_space<vmem_shared>> -> memref<10000x16xf32, #tpu.memory_space<vmem_shared>>
    tpu.wait_indirect_dma semaphore(%arg10 : memref<!tpu.dma_semaphore, #tpu.memory_space<semaphore_mem>>) src(%arg8 : memref<1000x16xf32, #tpu.memory_space<vmem>>) dst(%dma_wait3A_86 : memref<10000x16xf32, #tpu.memory_space<vmem_shared>>)
    %dma_wait3A_87 = arith.constant 2 : i32
    %dma_wait3A_88 = arith.constant 0 : i32
    %dma_wait3A_89 = tpu.memref_slice %arg7[%dma_wait3A_87, %dma_wait3A_88] : memref<10x1000xi32, #tpu.memory_space<vmem>> -> memref<1x1000xi32, #tpu.memory_space<vmem>>
    %dma_wait3A_90 = tpu.memref_squeeze %dma_wait3A_89 : memref<1x1000xi32, #tpu.memory_space<vmem>> -> memref<1000xi32, #tpu.memory_space<vmem>>
    %dma_wait3A_91 = arith.constant 0 : i32
    %dma_wait3A_92 = arith.constant 0 : i32
    %dma_wait3A_93 = tpu.memref_slice %arg9[%dma_wait3A_91, %dma_wait3A_92] : memref<10000x16xf32, #tpu.memory_space<vmem_shared>> -> memref<10000x16xf32, #tpu.memory_space<vmem_shared>>
    tpu.wait_indirect_dma semaphore(%arg10 : memref<!tpu.dma_semaphore, #tpu.memory_space<semaphore_mem>>) src(%arg8 : memref<1000x16xf32, #tpu.memory_space<vmem>>) dst(%dma_wait3A_93 : memref<10000x16xf32, #tpu.memory_space<vmem_shared>>)
    %dma_wait3A_94 = arith.constant 3 : i32
    %dma_wait3A_95 = arith.constant 0 : i32
    %dma_wait3A_96 = tpu.memref_slice %arg7[%dma_wait3A_94, %dma_wait3A_95] : memref<10x1000xi32, #tpu.memory_space<vmem>> -> memref<1x1000xi32, #tpu.memory_space<vmem>>
    %dma_wait3A_97 = tpu.memref_squeeze %dma_wait3A_96 : memref<1x1000xi32, #tpu.memory_space<vmem>> -> memref<1000xi32, #tpu.memory_space<vmem>>
    %dma_wait3A_98 = arith.constant 0 : i32
    %dma_wait3A_99 = arith.constant 0 : i32
    %dma_wait3A_100 = tpu.memref_slice %arg9[%dma_wait3A_98, %dma_wait3A_99] : memref<10000x16xf32, #tpu.memory_space<vmem_shared>> -> memref<10000x16xf32, #tpu.memory_space<vmem_shared>>
    tpu.wait_indirect_dma semaphore(%arg10 : memref<!tpu.dma_semaphore, #tpu.memory_space<semaphore_mem>>) src(%arg8 : memref<1000x16xf32, #tpu.memory_space<vmem>>) dst(%dma_wait3A_100 : memref<10000x16xf32, #tpu.memory_space<vmem_shared>>)
    %dma_wait3A_101 = arith.constant 4 : i32
    %dma_wait3A_102 = arith.constant 0 : i32
    %dma_wait3A_103 = tpu.memref_slice %arg7[%dma_wait3A_101, %dma_wait3A_102] : memref<10x1000xi32, #tpu.memory_space<vmem>> -> memref<1x1000xi32, #tpu.memory_space<vmem>>
    %dma_wait3A_104 = tpu.memref_squeeze %dma_wait3A_103 : memref<1x1000xi32, #tpu.memory_space<vmem>> -> memref<1000xi32, #tpu.memory_space<vmem>>
    %dma_wait3A_105 = arith.constant 0 : i32
    %dma_wait3A_106 = arith.constant 0 : i32
    %dma_wait3A_107 = tpu.memref_slice %arg9[%dma_wait3A_105, %dma_wait3A_106] : memref<10000x16xf32, #tpu.memory_space<vmem_shared>> -> memref<10000x16xf32, #tpu.memory_space<vmem_shared>>
    tpu.wait_indirect_dma semaphore(%arg10 : memref<!tpu.dma_semaphore, #tpu.memory_space<semaphore_mem>>) src(%arg8 : memref<1000x16xf32, #tpu.memory_space<vmem>>) dst(%dma_wait3A_107 : memref<10000x16xf32, #tpu.memory_space<vmem_shared>>)
    %dma_wait3A_108 = arith.constant 5 : i32
    %dma_wait3A_109 = arith.constant 0 : i32
    %dma_wait3A_110 = tpu.memref_slice %arg7[%dma_wait3A_108, %dma_wait3A_109] : memref<10x1000xi32, #tpu.memory_space<vmem>> -> memref<1x1000xi32, #tpu.memory_space<vmem>>
    %dma_wait3A_111 = tpu.memref_squeeze %dma_wait3A_110 : memref<1x1000xi32, #tpu.memory_space<vmem>> -> memref<1000xi32, #tpu.memory_space<vmem>>
    %dma_wait3A_112 = arith.constant 0 : i32
    %dma_wait3A_113 = arith.constant 0 : i32
    %dma_wait3A_114 = tpu.memref_slice %arg9[%dma_wait3A_112, %dma_wait3A_113] : memref<10000x16xf32, #tpu.memory_space<vmem_shared>> -> memref<10000x16xf32, #tpu.memory_space<vmem_shared>>
    tpu.wait_indirect_dma semaphore(%arg10 : memref<!tpu.dma_semaphore, #tpu.memory_space<semaphore_mem>>) src(%arg8 : memref<1000x16xf32, #tpu.memory_space<vmem>>) dst(%dma_wait3A_114 : memref<10000x16xf32, #tpu.memory_space<vmem_shared>>)
    %dma_wait3A_115 = arith.constant 6 : i32
    %dma_wait3A_116 = arith.constant 0 : i32
    %dma_wait3A_117 = tpu.memref_slice %arg7[%dma_wait3A_115, %dma_wait3A_116] : memref<10x1000xi32, #tpu.memory_space<vmem>> -> memref<1x1000xi32, #tpu.memory_space<vmem>>
    %dma_wait3A_118 = tpu.memref_squeeze %dma_wait3A_117 : memref<1x1000xi32, #tpu.memory_space<vmem>> -> memref<1000xi32, #tpu.memory_space<vmem>>
    %dma_wait3A_119 = arith.constant 0 : i32
    %dma_wait3A_120 = arith.constant 0 : i32
    %dma_wait3A_121 = tpu.memref_slice %arg9[%dma_wait3A_119, %dma_wait3A_120] : memref<10000x16xf32, #tpu.memory_space<vmem_shared>> -> memref<10000x16xf32, #tpu.memory_space<vmem_shared>>
    tpu.wait_indirect_dma semaphore(%arg10 : memref<!tpu.dma_semaphore, #tpu.memory_space<semaphore_mem>>) src(%arg8 : memref<1000x16xf32, #tpu.memory_space<vmem>>) dst(%dma_wait3A_121 : memref<10000x16xf32, #tpu.memory_space<vmem_shared>>)
    %dma_wait3A_122 = arith.constant 7 : i32
    %dma_wait3A_123 = arith.constant 0 : i32
    %dma_wait3A_124 = tpu.memref_slice %arg7[%dma_wait3A_122, %dma_wait3A_123] : memref<10x1000xi32, #tpu.memory_space<vmem>> -> memref<1x1000xi32, #tpu.memory_space<vmem>>
    %dma_wait3A_125 = tpu.memref_squeeze %dma_wait3A_124 : memref<1x1000xi32, #tpu.memory_space<vmem>> -> memref<1000xi32, #tpu.memory_space<vmem>>
    %dma_wait3A_126 = arith.constant 0 : i32
    %dma_wait3A_127 = arith.constant 0 : i32
    %dma_wait3A_128 = tpu.memref_slice %arg9[%dma_wait3A_126, %dma_wait3A_127] : memref<10000x16xf32, #tpu.memory_space<vmem_shared>> -> memref<10000x16xf32, #tpu.memory_space<vmem_shared>>
    tpu.wait_indirect_dma semaphore(%arg10 : memref<!tpu.dma_semaphore, #tpu.memory_space<semaphore_mem>>) src(%arg8 : memref<1000x16xf32, #tpu.memory_space<vmem>>) dst(%dma_wait3A_128 : memref<10000x16xf32, #tpu.memory_space<vmem_shared>>)
    %dma_wait3A_129 = arith.constant 8 : i32
    %dma_wait3A_130 = arith.constant 0 : i32
    %dma_wait3A_131 = tpu.memref_slice %arg7[%dma_wait3A_129, %dma_wait3A_130] : memref<10x1000xi32, #tpu.memory_space<vmem>> -> memref<1x1000xi32, #tpu.memory_space<vmem>>
    %dma_wait3A_132 = tpu.memref_squeeze %dma_wait3A_131 : memref<1x1000xi32, #tpu.memory_space<vmem>> -> memref<1000xi32, #tpu.memory_space<vmem>>
    %dma_wait3A_133 = arith.constant 0 : i32
    %dma_wait3A_134 = arith.constant 0 : i32
    %dma_wait3A_135 = tpu.memref_slice %arg9[%dma_wait3A_133, %dma_wait3A_134] : memref<10000x16xf32, #tpu.memory_space<vmem_shared>> -> memref<10000x16xf32, #tpu.memory_space<vmem_shared>>
    tpu.wait_indirect_dma semaphore(%arg10 : memref<!tpu.dma_semaphore, #tpu.memory_space<semaphore_mem>>) src(%arg8 : memref<1000x16xf32, #tpu.memory_space<vmem>>) dst(%dma_wait3A_135 : memref<10000x16xf32, #tpu.memory_space<vmem_shared>>)
    %dma_wait3A_136 = arith.constant 9 : i32
    %dma_wait3A_137 = arith.constant 0 : i32
    %dma_wait3A_138 = tpu.memref_slice %arg7[%dma_wait3A_136, %dma_wait3A_137] : memref<10x1000xi32, #tpu.memory_space<vmem>> -> memref<1x1000xi32, #tpu.memory_space<vmem>>
    %dma_wait3A_139 = tpu.memref_squeeze %dma_wait3A_138 : memref<1x1000xi32, #tpu.memory_space<vmem>> -> memref<1000xi32, #tpu.memory_space<vmem>>
    %dma_wait3A_140 = arith.constant 0 : i32
    %dma_wait3A_141 = arith.constant 0 : i32
    %dma_wait3A_142 = tpu.memref_slice %arg9[%dma_wait3A_140, %dma_wait3A_141] : memref<10000x16xf32, #tpu.memory_space<vmem_shared>> -> memref<10000x16xf32, #tpu.memory_space<vmem_shared>>
    tpu.wait_indirect_dma semaphore(%arg10 : memref<!tpu.dma_semaphore, #tpu.memory_space<semaphore_mem>>) src(%arg8 : memref<1000x16xf32, #tpu.memory_space<vmem>>) dst(%dma_wait3A_142 : memref<10000x16xf32, #tpu.memory_space<vmem_shared>>)
    %barrier3A_143 = arith.constant 0 : index
    tpu.barrier barrier_id(%barrier3A_143)
    %eq3A = arith.constant 15 : i32
    %eq3A_144 = arith.cmpi eq, %arg1, %eq3A : i32
    %convert_element_type3A = arith.extui %eq3A_144 : i1 to i32
    %cond3A = arith.constant 0 : i32
    %cond3A_145 = arith.cmpi ne, %convert_element_type3A, %cond3A : i32
    scf.if %cond3A_145 {
      %eq3A_150 = arith.constant 0 : i32
      %eq3A_151 = arith.cmpi eq, %arg0, %eq3A_150 : i32
      %convert_element_type3A_152 = arith.extui %eq3A_151 : i1 to i32
      %cond3A_153 = arith.constant 0 : i32
      %cond3A_154 = arith.cmpi ne, %convert_element_type3A_152, %cond3A_153 : i32
      scf.if %cond3A_154 {
        "tpu.region"() ({
          %run_scoped3A_160 = tpu.sem_alloc : memref<!tpu.dma_semaphore, #tpu.memory_space<semaphore_mem>>
          %dma_start3A_161 = arith.constant 9360 : i32
          %dma_start3A_162 = arith.constant 0 : i32
          %dma_start3A_163 = tpu.memref_slice %arg5[%dma_start3A_161, %dma_start3A_162] : memref<10000x16xf32, #tpu.memory_space<hbm>> -> memref<640x16xf32, #tpu.memory_space<hbm>>
          %dma_start3A_164 = arith.constant 9360 : i32
          %dma_start3A_165 = arith.constant 0 : i32
          %dma_start3A_166 = tpu.memref_slice %arg9[%dma_start3A_164, %dma_start3A_165] : memref<10000x16xf32, #tpu.memory_space<vmem_shared>> -> memref<640x16xf32, #tpu.memory_space<vmem_shared>>
          tpu.enqueue_dma source(%dma_start3A_166 : memref<640x16xf32, #tpu.memory_space<vmem_shared>>) target(%dma_start3A_163 : memref<640x16xf32, #tpu.memory_space<hbm>>) target_semaphore(%run_scoped3A_160 : memref<!tpu.dma_semaphore, #tpu.memory_space<semaphore_mem>>)
          %dma_wait3A_167 = arith.constant 9360 : i32
          %dma_wait3A_168 = arith.constant 0 : i32
          %dma_wait3A_169 = tpu.memref_slice %arg5[%dma_wait3A_167, %dma_wait3A_168] : memref<10000x16xf32, #tpu.memory_space<hbm>> -> memref<640x16xf32, #tpu.memory_space<hbm>>
          %dma_wait3A_170 = arith.constant 9360 : i32
          %dma_wait3A_171 = arith.constant 0 : i32
          %dma_wait3A_172 = tpu.memref_slice %arg9[%dma_wait3A_170, %dma_wait3A_171] : memref<10000x16xf32, #tpu.memory_space<vmem_shared>> -> memref<640x16xf32, #tpu.memory_space<vmem_shared>>
          tpu.wait_dma2 semaphore(%run_scoped3A_160 : memref<!tpu.dma_semaphore, #tpu.memory_space<semaphore_mem>>) src(%dma_wait3A_172 : memref<640x16xf32, #tpu.memory_space<vmem_shared>>) dst(%dma_wait3A_169 : memref<640x16xf32, #tpu.memory_space<hbm>>)
          tpu.yield
        }) : () -> ()
      } else {
      }
      %eq3A_155 = arith.constant 1 : i32
      %eq3A_156 = arith.cmpi eq, %arg0, %eq3A_155 : i32
      %convert_element_type3A_157 = arith.extui %eq3A_156 : i1 to i32
      %cond3A_158 = arith.constant 0 : i32
      %cond3A_159 = arith.cmpi ne, %convert_element_type3A_157, %cond3A_158 : i32
      scf.if %cond3A_159 {
        "tpu.region"() ({
          %run_scoped3A_160 = tpu.sem_alloc : memref<!tpu.dma_semaphore, #tpu.memory_space<semaphore_mem>>
          %dma_start3A_161 = arith.constant 9360 : i32
          %dma_start3A_162 = arith.constant 0 : i32
          %dma_start3A_163 = tpu.memref_slice %arg6[%dma_start3A_161, %dma_start3A_162] : memref<10000x16xf32, #tpu.memory_space<hbm>> -> memref<640x16xf32, #tpu.memory_space<hbm>>
          %dma_start3A_164 = arith.constant 9360 : i32
          %dma_start3A_165 = arith.constant 0 : i32
          %dma_start3A_166 = tpu.memref_slice %arg9[%dma_start3A_164, %dma_start3A_165] : memref<10000x16xf32, #tpu.memory_space<vmem_shared>> -> memref<640x16xf32, #tpu.memory_space<vmem_shared>>
          tpu.enqueue_dma source(%dma_start3A_166 : memref<640x16xf32, #tpu.memory_space<vmem_shared>>) target(%dma_start3A_163 : memref<640x16xf32, #tpu.memory_space<hbm>>) target_semaphore(%run_scoped3A_160 : memref<!tpu.dma_semaphore, #tpu.memory_space<semaphore_mem>>)
          %dma_wait3A_167 = arith.constant 9360 : i32
          %dma_wait3A_168 = arith.constant 0 : i32
          %dma_wait3A_169 = tpu.memref_slice %arg6[%dma_wait3A_167, %dma_wait3A_168] : memref<10000x16xf32, #tpu.memory_space<hbm>> -> memref<640x16xf32, #tpu.memory_space<hbm>>
          %dma_wait3A_170 = arith.constant 9360 : i32
          %dma_wait3A_171 = arith.constant 0 : i32
          %dma_wait3A_172 = tpu.memref_slice %arg9[%dma_wait3A_170, %dma_wait3A_171] : memref<10000x16xf32, #tpu.memory_space<vmem_shared>> -> memref<640x16xf32, #tpu.memory_space<vmem_shared>>
          tpu.wait_dma2 semaphore(%run_scoped3A_160 : memref<!tpu.dma_semaphore, #tpu.memory_space<semaphore_mem>>) src(%dma_wait3A_172 : memref<640x16xf32, #tpu.memory_space<vmem_shared>>) dst(%dma_wait3A_169 : memref<640x16xf32, #tpu.memory_space<hbm>>)
          tpu.yield
        }) : () -> ()
      } else {
      }
    } else {
    }
    %lt3A = arith.constant 15 : i32
    %lt3A_146 = arith.cmpi slt, %arg1, %lt3A : i32
    %convert_element_type3A_147 = arith.extui %lt3A_146 : i1 to i32
    %cond3A_148 = arith.constant 0 : i32
    %cond3A_149 = arith.cmpi ne, %convert_element_type3A_147, %cond3A_148 : i32
    scf.if %cond3A_149 {
      %mul3A_150 = arith.constant 624 : i32
      %mul3A_151 = arith.muli %mul3A_150, %arg1 : i32
      %eq3A_152 = arith.constant 0 : i32
      %eq3A_153 = arith.cmpi eq, %arg0, %eq3A_152 : i32
      %convert_element_type3A_154 = arith.extui %eq3A_153 : i1 to i32
      %cond3A_155 = arith.constant 0 : i32
      %cond3A_156 = arith.cmpi ne, %convert_element_type3A_154, %cond3A_155 : i32
      scf.if %cond3A_156 {
        "tpu.region"() ({
          %run_scoped3A_162 = tpu.sem_alloc : memref<!tpu.dma_semaphore, #tpu.memory_space<semaphore_mem>>
          %dma_start3A_163 = arith.constant 0 : i32
          %dma_start3A_164 = tpu.memref_slice %arg5[%mul3A_151, %dma_start3A_163] : memref<10000x16xf32, #tpu.memory_space<hbm>> -> memref<624x16xf32, #tpu.memory_space<hbm>>
          %dma_start3A_165 = arith.constant 0 : i32
          %dma_start3A_166 = tpu.memref_slice %arg9[%mul3A_151, %dma_start3A_165] : memref<10000x16xf32, #tpu.memory_space<vmem_shared>> -> memref<624x16xf32, #tpu.memory_space<vmem_shared>>
          tpu.enqueue_dma source(%dma_start3A_166 : memref<624x16xf32, #tpu.memory_space<vmem_shared>>) target(%dma_start3A_164 : memref<624x16xf32, #tpu.memory_space<hbm>>) target_semaphore(%run_scoped3A_162 : memref<!tpu.dma_semaphore, #tpu.memory_space<semaphore_mem>>)
          %dma_wait3A_167 = arith.constant 0 : i32
          %dma_wait3A_168 = tpu.memref_slice %arg5[%mul3A_151, %dma_wait3A_167] : memref<10000x16xf32, #tpu.memory_space<hbm>> -> memref<624x16xf32, #tpu.memory_space<hbm>>
          %dma_wait3A_169 = arith.constant 0 : i32
          %dma_wait3A_170 = tpu.memref_slice %arg9[%mul3A_151, %dma_wait3A_169] : memref<10000x16xf32, #tpu.memory_space<vmem_shared>> -> memref<624x16xf32, #tpu.memory_space<vmem_shared>>
          tpu.wait_dma2 semaphore(%run_scoped3A_162 : memref<!tpu.dma_semaphore, #tpu.memory_space<semaphore_mem>>) src(%dma_wait3A_170 : memref<624x16xf32, #tpu.memory_space<vmem_shared>>) dst(%dma_wait3A_168 : memref<624x16xf32, #tpu.memory_space<hbm>>)
          tpu.yield
        }) : () -> ()
      } else {
      }
      %eq3A_157 = arith.constant 1 : i32
      %eq3A_158 = arith.cmpi eq, %arg0, %eq3A_157 : i32
      %convert_element_type3A_159 = arith.extui %eq3A_158 : i1 to i32
      %cond3A_160 = arith.constant 0 : i32
      %cond3A_161 = arith.cmpi ne, %convert_element_type3A_159, %cond3A_160 : i32
      scf.if %cond3A_161 {
        "tpu.region"() ({
          %run_scoped3A_162 = tpu.sem_alloc : memref<!tpu.dma_semaphore, #tpu.memory_space<semaphore_mem>>
          %dma_start3A_163 = arith.constant 0 : i32
          %dma_start3A_164 = tpu.memref_slice %arg6[%mul3A_151, %dma_start3A_163] : memref<10000x16xf32, #tpu.memory_space<hbm>> -> memref<624x16xf32, #tpu.memory_space<hbm>>
          %dma_start3A_165 = arith.constant 0 : i32
          %dma_start3A_166 = tpu.memref_slice %arg9[%mul3A_151, %dma_start3A_165] : memref<10000x16xf32, #tpu.memory_space<vmem_shared>> -> memref<624x16xf32, #tpu.memory_space<vmem_shared>>
          tpu.enqueue_dma source(%dma_start3A_166 : memref<624x16xf32, #tpu.memory_space<vmem_shared>>) target(%dma_start3A_164 : memref<624x16xf32, #tpu.memory_space<hbm>>) target_semaphore(%run_scoped3A_162 : memref<!tpu.dma_semaphore, #tpu.memory_space<semaphore_mem>>)
          %dma_wait3A_167 = arith.constant 0 : i32
          %dma_wait3A_168 = tpu.memref_slice %arg6[%mul3A_151, %dma_wait3A_167] : memref<10000x16xf32, #tpu.memory_space<hbm>> -> memref<624x16xf32, #tpu.memory_space<hbm>>
          %dma_wait3A_169 = arith.constant 0 : i32
          %dma_wait3A_170 = tpu.memref_slice %arg9[%mul3A_151, %dma_wait3A_169] : memref<10000x16xf32, #tpu.memory_space<vmem_shared>> -> memref<624x16xf32, #tpu.memory_space<vmem_shared>>
          tpu.wait_dma2 semaphore(%run_scoped3A_162 : memref<!tpu.dma_semaphore, #tpu.memory_space<semaphore_mem>>) src(%dma_wait3A_170 : memref<624x16xf32, #tpu.memory_space<vmem_shared>>) dst(%dma_wait3A_168 : memref<624x16xf32, #tpu.memory_space<hbm>>)
          tpu.yield
        }) : () -> ()
      } else {
      }
    } else {
    }
    return
  }
}

#map = affine_map<(d0, d1) -> (0, 0)>
#map1 = affine_map<(d0, d1) -> (0, 0, 0, 0)>
module attributes {stable_mosaic.version = 14 : i64} {
  func.func @_sc_conv(%arg0: i32, %arg1: i32, %arg2: memref<10000x16xf32, #tpu.memory_space<hbm>>, %arg3: memref<2x32x10x1000xi32, #tpu.memory_space<hbm>>, %arg4: memref<10000x16xf32, #tpu.memory_space<hbm>>, %arg5: memref<10000x16xf32, #tpu.memory_space<hbm>>, %arg6: memref<10000x16xf32, #tpu.memory_space<hbm>>, %arg7: memref<10x1000xi32, #tpu.memory_space<vmem>>, %arg8: memref<10x1000xi32, #tpu.memory_space<vmem>>, %arg9: memref<1000x16xf32, #tpu.memory_space<vmem>>, %arg10: memref<1000x16xf32, #tpu.memory_space<vmem>>, %arg11: memref<1000x16xf32, #tpu.memory_space<vmem>>, %arg12: memref<1000x16xf32, #tpu.memory_space<vmem>>, %arg13: memref<10000x16xf32, #tpu.memory_space<vmem_shared>>, %arg14: memref<10000x16xf32, #tpu.memory_space<vmem_shared>>, %arg15: memref<!tpu.dma_semaphore, #tpu.memory_space<semaphore_mem>>, %arg16: memref<!tpu.dma_semaphore, #tpu.memory_space<semaphore_mem>>, %arg17: memref<!tpu.dma_semaphore, #tpu.memory_space<semaphore_mem>>, %arg18: memref<!tpu.dma_semaphore, #tpu.memory_space<semaphore_mem>>, %arg19: memref<!tpu.dma_semaphore, #tpu.memory_space<semaphore_mem>>, %arg20: memref<!tpu.dma_semaphore, #tpu.memory_space<semaphore_mem>>, %arg21: memref<!tpu.dma_semaphore, #tpu.memory_space<semaphore_mem>>, %arg22: memref<!tpu.dma_semaphore, #tpu.memory_space<semaphore_mem>>) attributes {dimension_semantics = [#tpu.dimension_semantics<core_parallel>, #tpu.dimension_semantics<subcore_parallel>], iteration_bounds = array<i64: 2, 16>, scalar_prefetch = 0 : i64, scratch_operands = 16 : i64, tpu.core_type = #tpu.core_type<sc_vector_subcore>, window_params = [{transform_indices = #map}, {transform_indices = #map1}, {transform_indices = #map}, {transform_indices = #map}, {transform_indices = #map}]} {
    %mul3A = arith.constant 2 : i32
    %mul3A_0 = arith.muli %arg1, %mul3A : i32
    %add3A = arith.addi %mul3A_0, %arg0 : i32
    %eq3A = arith.constant 0 : i32
    %eq3A_1 = arith.cmpi eq, %arg0, %eq3A : i32
    %convert_element_type3A = arith.extui %eq3A_1 : i1 to i32
    %cond3A = arith.constant 0 : i32
    %cond3A_2 = arith.cmpi ne, %convert_element_type3A, %cond3A : i32
    scf.if %cond3A_2 {
      %mul3A_301 = arith.constant 625 : i32
      %mul3A_302 = arith.muli %arg1, %mul3A_301 : i32
      %mul3A_303 = arith.constant 625 : i32
      %mul3A_304 = arith.muli %arg1, %mul3A_303 : i32
      "tpu.region"() ({
        %run_scoped3A_305 = tpu.sem_alloc : memref<!tpu.dma_semaphore, #tpu.memory_space<semaphore_mem>>
        %dma_start3A_306 = arith.constant 0 : i32
        %dma_start3A_307 = tpu.memref_slice %arg13[%mul3A_304, %dma_start3A_306] : memref<10000x16xf32, #tpu.memory_space<vmem_shared>> -> memref<625x16xf32, #tpu.memory_space<vmem_shared>>
        %dma_start3A_308 = arith.constant 0 : i32
        %dma_start3A_309 = tpu.memref_slice %arg2[%mul3A_302, %dma_start3A_308] : memref<10000x16xf32, #tpu.memory_space<hbm>> -> memref<625x16xf32, #tpu.memory_space<hbm>>
        tpu.enqueue_dma source(%dma_start3A_309 : memref<625x16xf32, #tpu.memory_space<hbm>>) target(%dma_start3A_307 : memref<625x16xf32, #tpu.memory_space<vmem_shared>>) target_semaphore(%run_scoped3A_305 : memref<!tpu.dma_semaphore, #tpu.memory_space<semaphore_mem>>)
        %dma_wait3A_310 = arith.constant 0 : i32
        %dma_wait3A_311 = tpu.memref_slice %arg13[%mul3A_304, %dma_wait3A_310] : memref<10000x16xf32, #tpu.memory_space<vmem_shared>> -> memref<625x16xf32, #tpu.memory_space<vmem_shared>>
        %dma_wait3A_312 = arith.constant 0 : i32
        %dma_wait3A_313 = tpu.memref_slice %arg2[%mul3A_302, %dma_wait3A_312] : memref<10000x16xf32, #tpu.memory_space<hbm>> -> memref<625x16xf32, #tpu.memory_space<hbm>>
        tpu.wait_dma2 semaphore(%run_scoped3A_305 : memref<!tpu.dma_semaphore, #tpu.memory_space<semaphore_mem>>) src(%dma_wait3A_313 : memref<625x16xf32, #tpu.memory_space<hbm>>) dst(%dma_wait3A_311 : memref<625x16xf32, #tpu.memory_space<vmem_shared>>)
        tpu.yield
      }) : () -> ()
    } else {
    }
    %eq3A_3 = arith.constant 1 : i32
    %eq3A_4 = arith.cmpi eq, %arg0, %eq3A_3 : i32
    %convert_element_type3A_5 = arith.extui %eq3A_4 : i1 to i32
    %cond3A_6 = arith.constant 0 : i32
    %cond3A_7 = arith.cmpi ne, %convert_element_type3A_5, %cond3A_6 : i32
    scf.if %cond3A_7 {
      %mul3A_301 = arith.constant 625 : i32
      %mul3A_302 = arith.muli %arg1, %mul3A_301 : i32
      %mul3A_303 = arith.constant 625 : i32
      %mul3A_304 = arith.muli %arg1, %mul3A_303 : i32
      "tpu.region"() ({
        %run_scoped3A_305 = tpu.sem_alloc : memref<!tpu.dma_semaphore, #tpu.memory_space<semaphore_mem>>
        %dma_start3A_306 = arith.constant 0 : i32
        %dma_start3A_307 = tpu.memref_slice %arg13[%mul3A_304, %dma_start3A_306] : memref<10000x16xf32, #tpu.memory_space<vmem_shared>> -> memref<625x16xf32, #tpu.memory_space<vmem_shared>>
        %dma_start3A_308 = arith.constant 0 : i32
        %dma_start3A_309 = tpu.memref_slice %arg4[%mul3A_302, %dma_start3A_308] : memref<10000x16xf32, #tpu.memory_space<hbm>> -> memref<625x16xf32, #tpu.memory_space<hbm>>
        tpu.enqueue_dma source(%dma_start3A_309 : memref<625x16xf32, #tpu.memory_space<hbm>>) target(%dma_start3A_307 : memref<625x16xf32, #tpu.memory_space<vmem_shared>>) target_semaphore(%run_scoped3A_305 : memref<!tpu.dma_semaphore, #tpu.memory_space<semaphore_mem>>)
        %dma_wait3A_310 = arith.constant 0 : i32
        %dma_wait3A_311 = tpu.memref_slice %arg13[%mul3A_304, %dma_wait3A_310] : memref<10000x16xf32, #tpu.memory_space<vmem_shared>> -> memref<625x16xf32, #tpu.memory_space<vmem_shared>>
        %dma_wait3A_312 = arith.constant 0 : i32
        %dma_wait3A_313 = tpu.memref_slice %arg4[%mul3A_302, %dma_wait3A_312] : memref<10000x16xf32, #tpu.memory_space<hbm>> -> memref<625x16xf32, #tpu.memory_space<hbm>>
        tpu.wait_dma2 semaphore(%run_scoped3A_305 : memref<!tpu.dma_semaphore, #tpu.memory_space<semaphore_mem>>) src(%dma_wait3A_313 : memref<625x16xf32, #tpu.memory_space<hbm>>) dst(%dma_wait3A_311 : memref<625x16xf32, #tpu.memory_space<vmem_shared>>)
        tpu.yield
      }) : () -> ()
    } else {
    }
    %mul3A_8 = arith.constant 625 : i32
    %mul3A_9 = arith.muli %arg1, %mul3A_8 : i32
    %mul3A_10 = arith.constant 625 : i32
    %mul3A_11 = arith.muli %arg1, %mul3A_10 : i32
    "tpu.region"() ({
      %run_scoped3A_301 = tpu.sem_alloc : memref<!tpu.dma_semaphore, #tpu.memory_space<semaphore_mem>>
      %dma_start3A_302 = arith.constant 0 : i32
      %dma_start3A_303 = tpu.memref_slice %arg14[%mul3A_11, %dma_start3A_302] : memref<10000x16xf32, #tpu.memory_space<vmem_shared>> -> memref<625x16xf32, #tpu.memory_space<vmem_shared>>
      %dma_start3A_304 = arith.constant 0 : i32
      %dma_start3A_305 = tpu.memref_slice %arg2[%mul3A_9, %dma_start3A_304] : memref<10000x16xf32, #tpu.memory_space<hbm>> -> memref<625x16xf32, #tpu.memory_space<hbm>>
      tpu.enqueue_dma source(%dma_start3A_305 : memref<625x16xf32, #tpu.memory_space<hbm>>) target(%dma_start3A_303 : memref<625x16xf32, #tpu.memory_space<vmem_shared>>) target_semaphore(%run_scoped3A_301 : memref<!tpu.dma_semaphore, #tpu.memory_space<semaphore_mem>>)
      %dma_wait3A_306 = arith.constant 0 : i32
      %dma_wait3A_307 = tpu.memref_slice %arg14[%mul3A_11, %dma_wait3A_306] : memref<10000x16xf32, #tpu.memory_space<vmem_shared>> -> memref<625x16xf32, #tpu.memory_space<vmem_shared>>
      %dma_wait3A_308 = arith.constant 0 : i32
      %dma_wait3A_309 = tpu.memref_slice %arg2[%mul3A_9, %dma_wait3A_308] : memref<10000x16xf32, #tpu.memory_space<hbm>> -> memref<625x16xf32, #tpu.memory_space<hbm>>
      tpu.wait_dma2 semaphore(%run_scoped3A_301 : memref<!tpu.dma_semaphore, #tpu.memory_space<semaphore_mem>>) src(%dma_wait3A_309 : memref<625x16xf32, #tpu.memory_space<hbm>>) dst(%dma_wait3A_307 : memref<625x16xf32, #tpu.memory_space<vmem_shared>>)
      tpu.yield
    }) : () -> ()
    %run_scoped3A = arith.constant 0 : i32
    "tpu.region"() ({
      %run_scoped3A_301 = tpu.sem_alloc : memref<!tpu.dma_semaphore, #tpu.memory_space<semaphore_mem>>
      %dma_start3A_302 = arith.constant 0 : i32
      %dma_start3A_303 = arith.constant 0 : i32
      %dma_start3A_304 = tpu.memref_slice %arg3[%run_scoped3A, %add3A, %dma_start3A_302, %dma_start3A_303] : memref<2x32x10x1000xi32, #tpu.memory_space<hbm>> -> memref<1x1x10x1000xi32, #tpu.memory_space<hbm>>
      %dma_start3A_305 = tpu.memref_squeeze %dma_start3A_304 : memref<1x1x10x1000xi32, #tpu.memory_space<hbm>> -> memref<10x1000xi32, #tpu.memory_space<hbm>>
      %dma_start3A_306 = arith.constant 0 : i32
      %dma_start3A_307 = arith.constant 0 : i32
      %dma_start3A_308 = tpu.memref_slice %arg3[%run_scoped3A, %add3A, %dma_start3A_306, %dma_start3A_307] : memref<2x32x10x1000xi32, #tpu.memory_space<hbm>> -> memref<1x1x10x1000xi32, #tpu.memory_space<hbm>>
      %dma_start3A_309 = tpu.memref_squeeze %dma_start3A_308 : memref<1x1x10x1000xi32, #tpu.memory_space<hbm>> -> memref<10x1000xi32, #tpu.memory_space<hbm>>
      tpu.enqueue_dma source(%dma_start3A_309 : memref<10x1000xi32, #tpu.memory_space<hbm>>) target(%arg7 : memref<10x1000xi32, #tpu.memory_space<vmem>>) target_semaphore(%run_scoped3A_301 : memref<!tpu.dma_semaphore, #tpu.memory_space<semaphore_mem>>)
      %dma_wait3A_310 = arith.constant 0 : i32
      %dma_wait3A_311 = arith.constant 0 : i32
      %dma_wait3A_312 = tpu.memref_slice %arg3[%run_scoped3A, %add3A, %dma_wait3A_310, %dma_wait3A_311] : memref<2x32x10x1000xi32, #tpu.memory_space<hbm>> -> memref<1x1x10x1000xi32, #tpu.memory_space<hbm>>
      %dma_wait3A_313 = tpu.memref_squeeze %dma_wait3A_312 : memref<1x1x10x1000xi32, #tpu.memory_space<hbm>> -> memref<10x1000xi32, #tpu.memory_space<hbm>>
      %dma_wait3A_314 = arith.constant 0 : i32
      %dma_wait3A_315 = arith.constant 0 : i32
      %dma_wait3A_316 = tpu.memref_slice %arg3[%run_scoped3A, %add3A, %dma_wait3A_314, %dma_wait3A_315] : memref<2x32x10x1000xi32, #tpu.memory_space<hbm>> -> memref<1x1x10x1000xi32, #tpu.memory_space<hbm>>
      %dma_wait3A_317 = tpu.memref_squeeze %dma_wait3A_316 : memref<1x1x10x1000xi32, #tpu.memory_space<hbm>> -> memref<10x1000xi32, #tpu.memory_space<hbm>>
      tpu.wait_dma2 semaphore(%run_scoped3A_301 : memref<!tpu.dma_semaphore, #tpu.memory_space<semaphore_mem>>) src(%dma_wait3A_317 : memref<10x1000xi32, #tpu.memory_space<hbm>>) dst(%arg7 : memref<10x1000xi32, #tpu.memory_space<vmem>>)
      tpu.yield
    }) : () -> ()
    %run_scoped3A_12 = arith.constant 1 : i32
    "tpu.region"() ({
      %run_scoped3A_301 = tpu.sem_alloc : memref<!tpu.dma_semaphore, #tpu.memory_space<semaphore_mem>>
      %dma_start3A_302 = arith.constant 0 : i32
      %dma_start3A_303 = arith.constant 0 : i32
      %dma_start3A_304 = tpu.memref_slice %arg3[%run_scoped3A_12, %add3A, %dma_start3A_302, %dma_start3A_303] : memref<2x32x10x1000xi32, #tpu.memory_space<hbm>> -> memref<1x1x10x1000xi32, #tpu.memory_space<hbm>>
      %dma_start3A_305 = tpu.memref_squeeze %dma_start3A_304 : memref<1x1x10x1000xi32, #tpu.memory_space<hbm>> -> memref<10x1000xi32, #tpu.memory_space<hbm>>
      %dma_start3A_306 = arith.constant 0 : i32
      %dma_start3A_307 = arith.constant 0 : i32
      %dma_start3A_308 = tpu.memref_slice %arg3[%run_scoped3A_12, %add3A, %dma_start3A_306, %dma_start3A_307] : memref<2x32x10x1000xi32, #tpu.memory_space<hbm>> -> memref<1x1x10x1000xi32, #tpu.memory_space<hbm>>
      %dma_start3A_309 = tpu.memref_squeeze %dma_start3A_308 : memref<1x1x10x1000xi32, #tpu.memory_space<hbm>> -> memref<10x1000xi32, #tpu.memory_space<hbm>>
      tpu.enqueue_dma source(%dma_start3A_309 : memref<10x1000xi32, #tpu.memory_space<hbm>>) target(%arg8 : memref<10x1000xi32, #tpu.memory_space<vmem>>) target_semaphore(%run_scoped3A_301 : memref<!tpu.dma_semaphore, #tpu.memory_space<semaphore_mem>>)
      %dma_wait3A_310 = arith.constant 0 : i32
      %dma_wait3A_311 = arith.constant 0 : i32
      %dma_wait3A_312 = tpu.memref_slice %arg3[%run_scoped3A_12, %add3A, %dma_wait3A_310, %dma_wait3A_311] : memref<2x32x10x1000xi32, #tpu.memory_space<hbm>> -> memref<1x1x10x1000xi32, #tpu.memory_space<hbm>>
      %dma_wait3A_313 = tpu.memref_squeeze %dma_wait3A_312 : memref<1x1x10x1000xi32, #tpu.memory_space<hbm>> -> memref<10x1000xi32, #tpu.memory_space<hbm>>
      %dma_wait3A_314 = arith.constant 0 : i32
      %dma_wait3A_315 = arith.constant 0 : i32
      %dma_wait3A_316 = tpu.memref_slice %arg3[%run_scoped3A_12, %add3A, %dma_wait3A_314, %dma_wait3A_315] : memref<2x32x10x1000xi32, #tpu.memory_space<hbm>> -> memref<1x1x10x1000xi32, #tpu.memory_space<hbm>>
      %dma_wait3A_317 = tpu.memref_squeeze %dma_wait3A_316 : memref<1x1x10x1000xi32, #tpu.memory_space<hbm>> -> memref<10x1000xi32, #tpu.memory_space<hbm>>
      tpu.wait_dma2 semaphore(%run_scoped3A_301 : memref<!tpu.dma_semaphore, #tpu.memory_space<semaphore_mem>>) src(%dma_wait3A_317 : memref<10x1000xi32, #tpu.memory_space<hbm>>) dst(%arg8 : memref<10x1000xi32, #tpu.memory_space<vmem>>)
      tpu.yield
    }) : () -> ()
    %barrier3A = arith.constant 0 : index
    tpu.barrier barrier_id(%barrier3A)
    %dma_start3A = arith.constant 0 : i32
    %dma_start3A_13 = arith.constant 0 : i32
    %dma_start3A_14 = tpu.memref_slice %arg7[%dma_start3A, %dma_start3A_13] : memref<10x1000xi32, #tpu.memory_space<vmem>> -> memref<1x1000xi32, #tpu.memory_space<vmem>>
    %dma_start3A_15 = tpu.memref_squeeze %dma_start3A_14 : memref<1x1000xi32, #tpu.memory_space<vmem>> -> memref<1000xi32, #tpu.memory_space<vmem>>
    %dma_start3A_16 = arith.constant 0 : i32
    %dma_start3A_17 = arith.constant 0 : i32
    %dma_start3A_18 = tpu.memref_slice %arg14[%dma_start3A_16, %dma_start3A_17] : memref<10000x16xf32, #tpu.memory_space<vmem_shared>> -> memref<10000x16xf32, #tpu.memory_space<vmem_shared>>
    tpu.enqueue_indirect_dma source(%dma_start3A_18 : memref<10000x16xf32, #tpu.memory_space<vmem_shared>>) target(%arg9 : memref<1000x16xf32, #tpu.memory_space<vmem>>) offsets(%dma_start3A_15 : memref<1000xi32, #tpu.memory_space<vmem>>) semaphore(%arg15 : memref<!tpu.dma_semaphore, #tpu.memory_space<semaphore_mem>>)
    %dma_start3A_19 = arith.constant 1 : i32
    %dma_start3A_20 = arith.constant 0 : i32
    %dma_start3A_21 = tpu.memref_slice %arg7[%dma_start3A_19, %dma_start3A_20] : memref<10x1000xi32, #tpu.memory_space<vmem>> -> memref<1x1000xi32, #tpu.memory_space<vmem>>
    %dma_start3A_22 = tpu.memref_squeeze %dma_start3A_21 : memref<1x1000xi32, #tpu.memory_space<vmem>> -> memref<1000xi32, #tpu.memory_space<vmem>>
    %dma_start3A_23 = arith.constant 0 : i32
    %dma_start3A_24 = arith.constant 0 : i32
    %dma_start3A_25 = tpu.memref_slice %arg14[%dma_start3A_23, %dma_start3A_24] : memref<10000x16xf32, #tpu.memory_space<vmem_shared>> -> memref<10000x16xf32, #tpu.memory_space<vmem_shared>>
    tpu.enqueue_indirect_dma source(%dma_start3A_25 : memref<10000x16xf32, #tpu.memory_space<vmem_shared>>) target(%arg10 : memref<1000x16xf32, #tpu.memory_space<vmem>>) offsets(%dma_start3A_22 : memref<1000xi32, #tpu.memory_space<vmem>>) semaphore(%arg16 : memref<!tpu.dma_semaphore, #tpu.memory_space<semaphore_mem>>)
    %dma_start3A_26 = arith.constant 2 : i32
    %dma_start3A_27 = arith.constant 0 : i32
    %dma_start3A_28 = tpu.memref_slice %arg7[%dma_start3A_26, %dma_start3A_27] : memref<10x1000xi32, #tpu.memory_space<vmem>> -> memref<1x1000xi32, #tpu.memory_space<vmem>>
    %dma_start3A_29 = tpu.memref_squeeze %dma_start3A_28 : memref<1x1000xi32, #tpu.memory_space<vmem>> -> memref<1000xi32, #tpu.memory_space<vmem>>
    %dma_start3A_30 = arith.constant 0 : i32
    %dma_start3A_31 = arith.constant 0 : i32
    %dma_start3A_32 = tpu.memref_slice %arg14[%dma_start3A_30, %dma_start3A_31] : memref<10000x16xf32, #tpu.memory_space<vmem_shared>> -> memref<10000x16xf32, #tpu.memory_space<vmem_shared>>
    tpu.enqueue_indirect_dma source(%dma_start3A_32 : memref<10000x16xf32, #tpu.memory_space<vmem_shared>>) target(%arg11 : memref<1000x16xf32, #tpu.memory_space<vmem>>) offsets(%dma_start3A_29 : memref<1000xi32, #tpu.memory_space<vmem>>) semaphore(%arg17 : memref<!tpu.dma_semaphore, #tpu.memory_space<semaphore_mem>>)
    %dma_start3A_33 = arith.constant 3 : i32
    %dma_start3A_34 = arith.constant 0 : i32
    %dma_start3A_35 = tpu.memref_slice %arg7[%dma_start3A_33, %dma_start3A_34] : memref<10x1000xi32, #tpu.memory_space<vmem>> -> memref<1x1000xi32, #tpu.memory_space<vmem>>
    %dma_start3A_36 = tpu.memref_squeeze %dma_start3A_35 : memref<1x1000xi32, #tpu.memory_space<vmem>> -> memref<1000xi32, #tpu.memory_space<vmem>>
    %dma_start3A_37 = arith.constant 0 : i32
    %dma_start3A_38 = arith.constant 0 : i32
    %dma_start3A_39 = tpu.memref_slice %arg14[%dma_start3A_37, %dma_start3A_38] : memref<10000x16xf32, #tpu.memory_space<vmem_shared>> -> memref<10000x16xf32, #tpu.memory_space<vmem_shared>>
    tpu.enqueue_indirect_dma source(%dma_start3A_39 : memref<10000x16xf32, #tpu.memory_space<vmem_shared>>) target(%arg12 : memref<1000x16xf32, #tpu.memory_space<vmem>>) offsets(%dma_start3A_36 : memref<1000xi32, #tpu.memory_space<vmem>>) semaphore(%arg18 : memref<!tpu.dma_semaphore, #tpu.memory_space<semaphore_mem>>)
    %dma_wait3A = arith.constant 0 : i32
    %dma_wait3A_40 = arith.constant 0 : i32
    %dma_wait3A_41 = tpu.memref_slice %arg7[%dma_wait3A, %dma_wait3A_40] : memref<10x1000xi32, #tpu.memory_space<vmem>> -> memref<1x1000xi32, #tpu.memory_space<vmem>>
    %dma_wait3A_42 = tpu.memref_squeeze %dma_wait3A_41 : memref<1x1000xi32, #tpu.memory_space<vmem>> -> memref<1000xi32, #tpu.memory_space<vmem>>
    %dma_wait3A_43 = arith.constant 0 : i32
    %dma_wait3A_44 = arith.constant 0 : i32
    %dma_wait3A_45 = tpu.memref_slice %arg14[%dma_wait3A_43, %dma_wait3A_44] : memref<10000x16xf32, #tpu.memory_space<vmem_shared>> -> memref<10000x16xf32, #tpu.memory_space<vmem_shared>>
    tpu.wait_indirect_dma semaphore(%arg15 : memref<!tpu.dma_semaphore, #tpu.memory_space<semaphore_mem>>) src(%dma_wait3A_45 : memref<10000x16xf32, #tpu.memory_space<vmem_shared>>) dst(%arg9 : memref<1000x16xf32, #tpu.memory_space<vmem>>)
    %dma_start3A_46 = arith.constant 0 : i32
    %dma_start3A_47 = arith.constant 0 : i32
    %dma_start3A_48 = tpu.memref_slice %arg8[%dma_start3A_46, %dma_start3A_47] : memref<10x1000xi32, #tpu.memory_space<vmem>> -> memref<1x1000xi32, #tpu.memory_space<vmem>>
    %dma_start3A_49 = tpu.memref_squeeze %dma_start3A_48 : memref<1x1000xi32, #tpu.memory_space<vmem>> -> memref<1000xi32, #tpu.memory_space<vmem>>
    %dma_start3A_50 = arith.constant 0 : i32
    %dma_start3A_51 = arith.constant 0 : i32
    %dma_start3A_52 = tpu.memref_slice %arg13[%dma_start3A_50, %dma_start3A_51] : memref<10000x16xf32, #tpu.memory_space<vmem_shared>> -> memref<10000x16xf32, #tpu.memory_space<vmem_shared>>
    tpu.enqueue_indirect_dma source(%arg9 : memref<1000x16xf32, #tpu.memory_space<vmem>>) target(%dma_start3A_52 : memref<10000x16xf32, #tpu.memory_space<vmem_shared>>) offsets(%dma_start3A_49 : memref<1000xi32, #tpu.memory_space<vmem>>) semaphore(%arg19 : memref<!tpu.dma_semaphore, #tpu.memory_space<semaphore_mem>>) {add = true}
    %dma_wait3A_53 = arith.constant 0 : i32
    %dma_wait3A_54 = arith.constant 0 : i32
    %dma_wait3A_55 = tpu.memref_slice %arg8[%dma_wait3A_53, %dma_wait3A_54] : memref<10x1000xi32, #tpu.memory_space<vmem>> -> memref<1x1000xi32, #tpu.memory_space<vmem>>
    %dma_wait3A_56 = tpu.memref_squeeze %dma_wait3A_55 : memref<1x1000xi32, #tpu.memory_space<vmem>> -> memref<1000xi32, #tpu.memory_space<vmem>>
    %dma_wait3A_57 = arith.constant 0 : i32
    %dma_wait3A_58 = arith.constant 0 : i32
    %dma_wait3A_59 = tpu.memref_slice %arg13[%dma_wait3A_57, %dma_wait3A_58] : memref<10000x16xf32, #tpu.memory_space<vmem_shared>> -> memref<10000x16xf32, #tpu.memory_space<vmem_shared>>
    tpu.wait_indirect_dma semaphore(%arg19 : memref<!tpu.dma_semaphore, #tpu.memory_space<semaphore_mem>>) src(%arg9 : memref<1000x16xf32, #tpu.memory_space<vmem>>) dst(%dma_wait3A_59 : memref<10000x16xf32, #tpu.memory_space<vmem_shared>>)
    %dma_start3A_60 = arith.constant 4 : i32
    %dma_start3A_61 = arith.constant 0 : i32
    %dma_start3A_62 = tpu.memref_slice %arg7[%dma_start3A_60, %dma_start3A_61] : memref<10x1000xi32, #tpu.memory_space<vmem>> -> memref<1x1000xi32, #tpu.memory_space<vmem>>
    %dma_start3A_63 = tpu.memref_squeeze %dma_start3A_62 : memref<1x1000xi32, #tpu.memory_space<vmem>> -> memref<1000xi32, #tpu.memory_space<vmem>>
    %dma_start3A_64 = arith.constant 0 : i32
    %dma_start3A_65 = arith.constant 0 : i32
    %dma_start3A_66 = tpu.memref_slice %arg14[%dma_start3A_64, %dma_start3A_65] : memref<10000x16xf32, #tpu.memory_space<vmem_shared>> -> memref<10000x16xf32, #tpu.memory_space<vmem_shared>>
    tpu.enqueue_indirect_dma source(%dma_start3A_66 : memref<10000x16xf32, #tpu.memory_space<vmem_shared>>) target(%arg9 : memref<1000x16xf32, #tpu.memory_space<vmem>>) offsets(%dma_start3A_63 : memref<1000xi32, #tpu.memory_space<vmem>>) semaphore(%arg15 : memref<!tpu.dma_semaphore, #tpu.memory_space<semaphore_mem>>)
    %dma_wait3A_67 = arith.constant 1 : i32
    %dma_wait3A_68 = arith.constant 0 : i32
    %dma_wait3A_69 = tpu.memref_slice %arg7[%dma_wait3A_67, %dma_wait3A_68] : memref<10x1000xi32, #tpu.memory_space<vmem>> -> memref<1x1000xi32, #tpu.memory_space<vmem>>
    %dma_wait3A_70 = tpu.memref_squeeze %dma_wait3A_69 : memref<1x1000xi32, #tpu.memory_space<vmem>> -> memref<1000xi32, #tpu.memory_space<vmem>>
    %dma_wait3A_71 = arith.constant 0 : i32
    %dma_wait3A_72 = arith.constant 0 : i32
    %dma_wait3A_73 = tpu.memref_slice %arg14[%dma_wait3A_71, %dma_wait3A_72] : memref<10000x16xf32, #tpu.memory_space<vmem_shared>> -> memref<10000x16xf32, #tpu.memory_space<vmem_shared>>
    tpu.wait_indirect_dma semaphore(%arg16 : memref<!tpu.dma_semaphore, #tpu.memory_space<semaphore_mem>>) src(%dma_wait3A_73 : memref<10000x16xf32, #tpu.memory_space<vmem_shared>>) dst(%arg10 : memref<1000x16xf32, #tpu.memory_space<vmem>>)
    %dma_start3A_74 = arith.constant 1 : i32
    %dma_start3A_75 = arith.constant 0 : i32
    %dma_start3A_76 = tpu.memref_slice %arg8[%dma_start3A_74, %dma_start3A_75] : memref<10x1000xi32, #tpu.memory_space<vmem>> -> memref<1x1000xi32, #tpu.memory_space<vmem>>
    %dma_start3A_77 = tpu.memref_squeeze %dma_start3A_76 : memref<1x1000xi32, #tpu.memory_space<vmem>> -> memref<1000xi32, #tpu.memory_space<vmem>>
    %dma_start3A_78 = arith.constant 0 : i32
    %dma_start3A_79 = arith.constant 0 : i32
    %dma_start3A_80 = tpu.memref_slice %arg13[%dma_start3A_78, %dma_start3A_79] : memref<10000x16xf32, #tpu.memory_space<vmem_shared>> -> memref<10000x16xf32, #tpu.memory_space<vmem_shared>>
    tpu.enqueue_indirect_dma source(%arg10 : memref<1000x16xf32, #tpu.memory_space<vmem>>) target(%dma_start3A_80 : memref<10000x16xf32, #tpu.memory_space<vmem_shared>>) offsets(%dma_start3A_77 : memref<1000xi32, #tpu.memory_space<vmem>>) semaphore(%arg20 : memref<!tpu.dma_semaphore, #tpu.memory_space<semaphore_mem>>) {add = true}
    %dma_wait3A_81 = arith.constant 1 : i32
    %dma_wait3A_82 = arith.constant 0 : i32
    %dma_wait3A_83 = tpu.memref_slice %arg8[%dma_wait3A_81, %dma_wait3A_82] : memref<10x1000xi32, #tpu.memory_space<vmem>> -> memref<1x1000xi32, #tpu.memory_space<vmem>>
    %dma_wait3A_84 = tpu.memref_squeeze %dma_wait3A_83 : memref<1x1000xi32, #tpu.memory_space<vmem>> -> memref<1000xi32, #tpu.memory_space<vmem>>
    %dma_wait3A_85 = arith.constant 0 : i32
    %dma_wait3A_86 = arith.constant 0 : i32
    %dma_wait3A_87 = tpu.memref_slice %arg13[%dma_wait3A_85, %dma_wait3A_86] : memref<10000x16xf32, #tpu.memory_space<vmem_shared>> -> memref<10000x16xf32, #tpu.memory_space<vmem_shared>>
    tpu.wait_indirect_dma semaphore(%arg20 : memref<!tpu.dma_semaphore, #tpu.memory_space<semaphore_mem>>) src(%arg10 : memref<1000x16xf32, #tpu.memory_space<vmem>>) dst(%dma_wait3A_87 : memref<10000x16xf32, #tpu.memory_space<vmem_shared>>)
    %dma_start3A_88 = arith.constant 5 : i32
    %dma_start3A_89 = arith.constant 0 : i32
    %dma_start3A_90 = tpu.memref_slice %arg7[%dma_start3A_88, %dma_start3A_89] : memref<10x1000xi32, #tpu.memory_space<vmem>> -> memref<1x1000xi32, #tpu.memory_space<vmem>>
    %dma_start3A_91 = tpu.memref_squeeze %dma_start3A_90 : memref<1x1000xi32, #tpu.memory_space<vmem>> -> memref<1000xi32, #tpu.memory_space<vmem>>
    %dma_start3A_92 = arith.constant 0 : i32
    %dma_start3A_93 = arith.constant 0 : i32
    %dma_start3A_94 = tpu.memref_slice %arg14[%dma_start3A_92, %dma_start3A_93] : memref<10000x16xf32, #tpu.memory_space<vmem_shared>> -> memref<10000x16xf32, #tpu.memory_space<vmem_shared>>
    tpu.enqueue_indirect_dma source(%dma_start3A_94 : memref<10000x16xf32, #tpu.memory_space<vmem_shared>>) target(%arg10 : memref<1000x16xf32, #tpu.memory_space<vmem>>) offsets(%dma_start3A_91 : memref<1000xi32, #tpu.memory_space<vmem>>) semaphore(%arg16 : memref<!tpu.dma_semaphore, #tpu.memory_space<semaphore_mem>>)
    %dma_wait3A_95 = arith.constant 2 : i32
    %dma_wait3A_96 = arith.constant 0 : i32
    %dma_wait3A_97 = tpu.memref_slice %arg7[%dma_wait3A_95, %dma_wait3A_96] : memref<10x1000xi32, #tpu.memory_space<vmem>> -> memref<1x1000xi32, #tpu.memory_space<vmem>>
    %dma_wait3A_98 = tpu.memref_squeeze %dma_wait3A_97 : memref<1x1000xi32, #tpu.memory_space<vmem>> -> memref<1000xi32, #tpu.memory_space<vmem>>
    %dma_wait3A_99 = arith.constant 0 : i32
    %dma_wait3A_100 = arith.constant 0 : i32
    %dma_wait3A_101 = tpu.memref_slice %arg14[%dma_wait3A_99, %dma_wait3A_100] : memref<10000x16xf32, #tpu.memory_space<vmem_shared>> -> memref<10000x16xf32, #tpu.memory_space<vmem_shared>>
    tpu.wait_indirect_dma semaphore(%arg17 : memref<!tpu.dma_semaphore, #tpu.memory_space<semaphore_mem>>) src(%dma_wait3A_101 : memref<10000x16xf32, #tpu.memory_space<vmem_shared>>) dst(%arg11 : memref<1000x16xf32, #tpu.memory_space<vmem>>)
    %dma_start3A_102 = arith.constant 2 : i32
    %dma_start3A_103 = arith.constant 0 : i32
    %dma_start3A_104 = tpu.memref_slice %arg8[%dma_start3A_102, %dma_start3A_103] : memref<10x1000xi32, #tpu.memory_space<vmem>> -> memref<1x1000xi32, #tpu.memory_space<vmem>>
    %dma_start3A_105 = tpu.memref_squeeze %dma_start3A_104 : memref<1x1000xi32, #tpu.memory_space<vmem>> -> memref<1000xi32, #tpu.memory_space<vmem>>
    %dma_start3A_106 = arith.constant 0 : i32
    %dma_start3A_107 = arith.constant 0 : i32
    %dma_start3A_108 = tpu.memref_slice %arg13[%dma_start3A_106, %dma_start3A_107] : memref<10000x16xf32, #tpu.memory_space<vmem_shared>> -> memref<10000x16xf32, #tpu.memory_space<vmem_shared>>
    tpu.enqueue_indirect_dma source(%arg11 : memref<1000x16xf32, #tpu.memory_space<vmem>>) target(%dma_start3A_108 : memref<10000x16xf32, #tpu.memory_space<vmem_shared>>) offsets(%dma_start3A_105 : memref<1000xi32, #tpu.memory_space<vmem>>) semaphore(%arg21 : memref<!tpu.dma_semaphore, #tpu.memory_space<semaphore_mem>>) {add = true}
    %dma_wait3A_109 = arith.constant 2 : i32
    %dma_wait3A_110 = arith.constant 0 : i32
    %dma_wait3A_111 = tpu.memref_slice %arg8[%dma_wait3A_109, %dma_wait3A_110] : memref<10x1000xi32, #tpu.memory_space<vmem>> -> memref<1x1000xi32, #tpu.memory_space<vmem>>
    %dma_wait3A_112 = tpu.memref_squeeze %dma_wait3A_111 : memref<1x1000xi32, #tpu.memory_space<vmem>> -> memref<1000xi32, #tpu.memory_space<vmem>>
    %dma_wait3A_113 = arith.constant 0 : i32
    %dma_wait3A_114 = arith.constant 0 : i32
    %dma_wait3A_115 = tpu.memref_slice %arg13[%dma_wait3A_113, %dma_wait3A_114] : memref<10000x16xf32, #tpu.memory_space<vmem_shared>> -> memref<10000x16xf32, #tpu.memory_space<vmem_shared>>
    tpu.wait_indirect_dma semaphore(%arg21 : memref<!tpu.dma_semaphore, #tpu.memory_space<semaphore_mem>>) src(%arg11 : memref<1000x16xf32, #tpu.memory_space<vmem>>) dst(%dma_wait3A_115 : memref<10000x16xf32, #tpu.memory_space<vmem_shared>>)
    %dma_start3A_116 = arith.constant 6 : i32
    %dma_start3A_117 = arith.constant 0 : i32
    %dma_start3A_118 = tpu.memref_slice %arg7[%dma_start3A_116, %dma_start3A_117] : memref<10x1000xi32, #tpu.memory_space<vmem>> -> memref<1x1000xi32, #tpu.memory_space<vmem>>
    %dma_start3A_119 = tpu.memref_squeeze %dma_start3A_118 : memref<1x1000xi32, #tpu.memory_space<vmem>> -> memref<1000xi32, #tpu.memory_space<vmem>>
    %dma_start3A_120 = arith.constant 0 : i32
    %dma_start3A_121 = arith.constant 0 : i32
    %dma_start3A_122 = tpu.memref_slice %arg14[%dma_start3A_120, %dma_start3A_121] : memref<10000x16xf32, #tpu.memory_space<vmem_shared>> -> memref<10000x16xf32, #tpu.memory_space<vmem_shared>>
    tpu.enqueue_indirect_dma source(%dma_start3A_122 : memref<10000x16xf32, #tpu.memory_space<vmem_shared>>) target(%arg11 : memref<1000x16xf32, #tpu.memory_space<vmem>>) offsets(%dma_start3A_119 : memref<1000xi32, #tpu.memory_space<vmem>>) semaphore(%arg17 : memref<!tpu.dma_semaphore, #tpu.memory_space<semaphore_mem>>)
    %dma_wait3A_123 = arith.constant 3 : i32
    %dma_wait3A_124 = arith.constant 0 : i32
    %dma_wait3A_125 = tpu.memref_slice %arg7[%dma_wait3A_123, %dma_wait3A_124] : memref<10x1000xi32, #tpu.memory_space<vmem>> -> memref<1x1000xi32, #tpu.memory_space<vmem>>
    %dma_wait3A_126 = tpu.memref_squeeze %dma_wait3A_125 : memref<1x1000xi32, #tpu.memory_space<vmem>> -> memref<1000xi32, #tpu.memory_space<vmem>>
    %dma_wait3A_127 = arith.constant 0 : i32
    %dma_wait3A_128 = arith.constant 0 : i32
    %dma_wait3A_129 = tpu.memref_slice %arg14[%dma_wait3A_127, %dma_wait3A_128] : memref<10000x16xf32, #tpu.memory_space<vmem_shared>> -> memref<10000x16xf32, #tpu.memory_space<vmem_shared>>
    tpu.wait_indirect_dma semaphore(%arg18 : memref<!tpu.dma_semaphore, #tpu.memory_space<semaphore_mem>>) src(%dma_wait3A_129 : memref<10000x16xf32, #tpu.memory_space<vmem_shared>>) dst(%arg12 : memref<1000x16xf32, #tpu.memory_space<vmem>>)
    %dma_start3A_130 = arith.constant 3 : i32
    %dma_start3A_131 = arith.constant 0 : i32
    %dma_start3A_132 = tpu.memref_slice %arg8[%dma_start3A_130, %dma_start3A_131] : memref<10x1000xi32, #tpu.memory_space<vmem>> -> memref<1x1000xi32, #tpu.memory_space<vmem>>
    %dma_start3A_133 = tpu.memref_squeeze %dma_start3A_132 : memref<1x1000xi32, #tpu.memory_space<vmem>> -> memref<1000xi32, #tpu.memory_space<vmem>>
    %dma_start3A_134 = arith.constant 0 : i32
    %dma_start3A_135 = arith.constant 0 : i32
    %dma_start3A_136 = tpu.memref_slice %arg13[%dma_start3A_134, %dma_start3A_135] : memref<10000x16xf32, #tpu.memory_space<vmem_shared>> -> memref<10000x16xf32, #tpu.memory_space<vmem_shared>>
    tpu.enqueue_indirect_dma source(%arg12 : memref<1000x16xf32, #tpu.memory_space<vmem>>) target(%dma_start3A_136 : memref<10000x16xf32, #tpu.memory_space<vmem_shared>>) offsets(%dma_start3A_133 : memref<1000xi32, #tpu.memory_space<vmem>>) semaphore(%arg22 : memref<!tpu.dma_semaphore, #tpu.memory_space<semaphore_mem>>) {add = true}
    %dma_wait3A_137 = arith.constant 3 : i32
    %dma_wait3A_138 = arith.constant 0 : i32
    %dma_wait3A_139 = tpu.memref_slice %arg8[%dma_wait3A_137, %dma_wait3A_138] : memref<10x1000xi32, #tpu.memory_space<vmem>> -> memref<1x1000xi32, #tpu.memory_space<vmem>>
    %dma_wait3A_140 = tpu.memref_squeeze %dma_wait3A_139 : memref<1x1000xi32, #tpu.memory_space<vmem>> -> memref<1000xi32, #tpu.memory_space<vmem>>
    %dma_wait3A_141 = arith.constant 0 : i32
    %dma_wait3A_142 = arith.constant 0 : i32
    %dma_wait3A_143 = tpu.memref_slice %arg13[%dma_wait3A_141, %dma_wait3A_142] : memref<10000x16xf32, #tpu.memory_space<vmem_shared>> -> memref<10000x16xf32, #tpu.memory_space<vmem_shared>>
    tpu.wait_indirect_dma semaphore(%arg22 : memref<!tpu.dma_semaphore, #tpu.memory_space<semaphore_mem>>) src(%arg12 : memref<1000x16xf32, #tpu.memory_space<vmem>>) dst(%dma_wait3A_143 : memref<10000x16xf32, #tpu.memory_space<vmem_shared>>)
    %dma_start3A_144 = arith.constant 7 : i32
    %dma_start3A_145 = arith.constant 0 : i32
    %dma_start3A_146 = tpu.memref_slice %arg7[%dma_start3A_144, %dma_start3A_145] : memref<10x1000xi32, #tpu.memory_space<vmem>> -> memref<1x1000xi32, #tpu.memory_space<vmem>>
    %dma_start3A_147 = tpu.memref_squeeze %dma_start3A_146 : memref<1x1000xi32, #tpu.memory_space<vmem>> -> memref<1000xi32, #tpu.memory_space<vmem>>
    %dma_start3A_148 = arith.constant 0 : i32
    %dma_start3A_149 = arith.constant 0 : i32
    %dma_start3A_150 = tpu.memref_slice %arg14[%dma_start3A_148, %dma_start3A_149] : memref<10000x16xf32, #tpu.memory_space<vmem_shared>> -> memref<10000x16xf32, #tpu.memory_space<vmem_shared>>
    tpu.enqueue_indirect_dma source(%dma_start3A_150 : memref<10000x16xf32, #tpu.memory_space<vmem_shared>>) target(%arg12 : memref<1000x16xf32, #tpu.memory_space<vmem>>) offsets(%dma_start3A_147 : memref<1000xi32, #tpu.memory_space<vmem>>) semaphore(%arg18 : memref<!tpu.dma_semaphore, #tpu.memory_space<semaphore_mem>>)
    %dma_wait3A_151 = arith.constant 4 : i32
    %dma_wait3A_152 = arith.constant 0 : i32
    %dma_wait3A_153 = tpu.memref_slice %arg7[%dma_wait3A_151, %dma_wait3A_152] : memref<10x1000xi32, #tpu.memory_space<vmem>> -> memref<1x1000xi32, #tpu.memory_space<vmem>>
    %dma_wait3A_154 = tpu.memref_squeeze %dma_wait3A_153 : memref<1x1000xi32, #tpu.memory_space<vmem>> -> memref<1000xi32, #tpu.memory_space<vmem>>
    %dma_wait3A_155 = arith.constant 0 : i32
    %dma_wait3A_156 = arith.constant 0 : i32
    %dma_wait3A_157 = tpu.memref_slice %arg14[%dma_wait3A_155, %dma_wait3A_156] : memref<10000x16xf32, #tpu.memory_space<vmem_shared>> -> memref<10000x16xf32, #tpu.memory_space<vmem_shared>>
    tpu.wait_indirect_dma semaphore(%arg15 : memref<!tpu.dma_semaphore, #tpu.memory_space<semaphore_mem>>) src(%dma_wait3A_157 : memref<10000x16xf32, #tpu.memory_space<vmem_shared>>) dst(%arg9 : memref<1000x16xf32, #tpu.memory_space<vmem>>)
    %dma_start3A_158 = arith.constant 4 : i32
    %dma_start3A_159 = arith.constant 0 : i32
    %dma_start3A_160 = tpu.memref_slice %arg8[%dma_start3A_158, %dma_start3A_159] : memref<10x1000xi32, #tpu.memory_space<vmem>> -> memref<1x1000xi32, #tpu.memory_space<vmem>>
    %dma_start3A_161 = tpu.memref_squeeze %dma_start3A_160 : memref<1x1000xi32, #tpu.memory_space<vmem>> -> memref<1000xi32, #tpu.memory_space<vmem>>
    %dma_start3A_162 = arith.constant 0 : i32
    %dma_start3A_163 = arith.constant 0 : i32
    %dma_start3A_164 = tpu.memref_slice %arg13[%dma_start3A_162, %dma_start3A_163] : memref<10000x16xf32, #tpu.memory_space<vmem_shared>> -> memref<10000x16xf32, #tpu.memory_space<vmem_shared>>
    tpu.enqueue_indirect_dma source(%arg9 : memref<1000x16xf32, #tpu.memory_space<vmem>>) target(%dma_start3A_164 : memref<10000x16xf32, #tpu.memory_space<vmem_shared>>) offsets(%dma_start3A_161 : memref<1000xi32, #tpu.memory_space<vmem>>) semaphore(%arg19 : memref<!tpu.dma_semaphore, #tpu.memory_space<semaphore_mem>>) {add = true}
    %dma_wait3A_165 = arith.constant 4 : i32
    %dma_wait3A_166 = arith.constant 0 : i32
    %dma_wait3A_167 = tpu.memref_slice %arg8[%dma_wait3A_165, %dma_wait3A_166] : memref<10x1000xi32, #tpu.memory_space<vmem>> -> memref<1x1000xi32, #tpu.memory_space<vmem>>
    %dma_wait3A_168 = tpu.memref_squeeze %dma_wait3A_167 : memref<1x1000xi32, #tpu.memory_space<vmem>> -> memref<1000xi32, #tpu.memory_space<vmem>>
    %dma_wait3A_169 = arith.constant 0 : i32
    %dma_wait3A_170 = arith.constant 0 : i32
    %dma_wait3A_171 = tpu.memref_slice %arg13[%dma_wait3A_169, %dma_wait3A_170] : memref<10000x16xf32, #tpu.memory_space<vmem_shared>> -> memref<10000x16xf32, #tpu.memory_space<vmem_shared>>
    tpu.wait_indirect_dma semaphore(%arg19 : memref<!tpu.dma_semaphore, #tpu.memory_space<semaphore_mem>>) src(%arg9 : memref<1000x16xf32, #tpu.memory_space<vmem>>) dst(%dma_wait3A_171 : memref<10000x16xf32, #tpu.memory_space<vmem_shared>>)
    %dma_start3A_172 = arith.constant 8 : i32
    %dma_start3A_173 = arith.constant 0 : i32
    %dma_start3A_174 = tpu.memref_slice %arg7[%dma_start3A_172, %dma_start3A_173] : memref<10x1000xi32, #tpu.memory_space<vmem>> -> memref<1x1000xi32, #tpu.memory_space<vmem>>
    %dma_start3A_175 = tpu.memref_squeeze %dma_start3A_174 : memref<1x1000xi32, #tpu.memory_space<vmem>> -> memref<1000xi32, #tpu.memory_space<vmem>>
    %dma_start3A_176 = arith.constant 0 : i32
    %dma_start3A_177 = arith.constant 0 : i32
    %dma_start3A_178 = tpu.memref_slice %arg14[%dma_start3A_176, %dma_start3A_177] : memref<10000x16xf32, #tpu.memory_space<vmem_shared>> -> memref<10000x16xf32, #tpu.memory_space<vmem_shared>>
    tpu.enqueue_indirect_dma source(%dma_start3A_178 : memref<10000x16xf32, #tpu.memory_space<vmem_shared>>) target(%arg9 : memref<1000x16xf32, #tpu.memory_space<vmem>>) offsets(%dma_start3A_175 : memref<1000xi32, #tpu.memory_space<vmem>>) semaphore(%arg15 : memref<!tpu.dma_semaphore, #tpu.memory_space<semaphore_mem>>)
    %dma_wait3A_179 = arith.constant 5 : i32
    %dma_wait3A_180 = arith.constant 0 : i32
    %dma_wait3A_181 = tpu.memref_slice %arg7[%dma_wait3A_179, %dma_wait3A_180] : memref<10x1000xi32, #tpu.memory_space<vmem>> -> memref<1x1000xi32, #tpu.memory_space<vmem>>
    %dma_wait3A_182 = tpu.memref_squeeze %dma_wait3A_181 : memref<1x1000xi32, #tpu.memory_space<vmem>> -> memref<1000xi32, #tpu.memory_space<vmem>>
    %dma_wait3A_183 = arith.constant 0 : i32
    %dma_wait3A_184 = arith.constant 0 : i32
    %dma_wait3A_185 = tpu.memref_slice %arg14[%dma_wait3A_183, %dma_wait3A_184] : memref<10000x16xf32, #tpu.memory_space<vmem_shared>> -> memref<10000x16xf32, #tpu.memory_space<vmem_shared>>
    tpu.wait_indirect_dma semaphore(%arg16 : memref<!tpu.dma_semaphore, #tpu.memory_space<semaphore_mem>>) src(%dma_wait3A_185 : memref<10000x16xf32, #tpu.memory_space<vmem_shared>>) dst(%arg10 : memref<1000x16xf32, #tpu.memory_space<vmem>>)
    %dma_start3A_186 = arith.constant 5 : i32
    %dma_start3A_187 = arith.constant 0 : i32
    %dma_start3A_188 = tpu.memref_slice %arg8[%dma_start3A_186, %dma_start3A_187] : memref<10x1000xi32, #tpu.memory_space<vmem>> -> memref<1x1000xi32, #tpu.memory_space<vmem>>
    %dma_start3A_189 = tpu.memref_squeeze %dma_start3A_188 : memref<1x1000xi32, #tpu.memory_space<vmem>> -> memref<1000xi32, #tpu.memory_space<vmem>>
    %dma_start3A_190 = arith.constant 0 : i32
    %dma_start3A_191 = arith.constant 0 : i32
    %dma_start3A_192 = tpu.memref_slice %arg13[%dma_start3A_190, %dma_start3A_191] : memref<10000x16xf32, #tpu.memory_space<vmem_shared>> -> memref<10000x16xf32, #tpu.memory_space<vmem_shared>>
    tpu.enqueue_indirect_dma source(%arg10 : memref<1000x16xf32, #tpu.memory_space<vmem>>) target(%dma_start3A_192 : memref<10000x16xf32, #tpu.memory_space<vmem_shared>>) offsets(%dma_start3A_189 : memref<1000xi32, #tpu.memory_space<vmem>>) semaphore(%arg20 : memref<!tpu.dma_semaphore, #tpu.memory_space<semaphore_mem>>) {add = true}
    %dma_wait3A_193 = arith.constant 5 : i32
    %dma_wait3A_194 = arith.constant 0 : i32
    %dma_wait3A_195 = tpu.memref_slice %arg8[%dma_wait3A_193, %dma_wait3A_194] : memref<10x1000xi32, #tpu.memory_space<vmem>> -> memref<1x1000xi32, #tpu.memory_space<vmem>>
    %dma_wait3A_196 = tpu.memref_squeeze %dma_wait3A_195 : memref<1x1000xi32, #tpu.memory_space<vmem>> -> memref<1000xi32, #tpu.memory_space<vmem>>
    %dma_wait3A_197 = arith.constant 0 : i32
    %dma_wait3A_198 = arith.constant 0 : i32
    %dma_wait3A_199 = tpu.memref_slice %arg13[%dma_wait3A_197, %dma_wait3A_198] : memref<10000x16xf32, #tpu.memory_space<vmem_shared>> -> memref<10000x16xf32, #tpu.memory_space<vmem_shared>>
    tpu.wait_indirect_dma semaphore(%arg20 : memref<!tpu.dma_semaphore, #tpu.memory_space<semaphore_mem>>) src(%arg10 : memref<1000x16xf32, #tpu.memory_space<vmem>>) dst(%dma_wait3A_199 : memref<10000x16xf32, #tpu.memory_space<vmem_shared>>)
    %dma_start3A_200 = arith.constant 9 : i32
    %dma_start3A_201 = arith.constant 0 : i32
    %dma_start3A_202 = tpu.memref_slice %arg7[%dma_start3A_200, %dma_start3A_201] : memref<10x1000xi32, #tpu.memory_space<vmem>> -> memref<1x1000xi32, #tpu.memory_space<vmem>>
    %dma_start3A_203 = tpu.memref_squeeze %dma_start3A_202 : memref<1x1000xi32, #tpu.memory_space<vmem>> -> memref<1000xi32, #tpu.memory_space<vmem>>
    %dma_start3A_204 = arith.constant 0 : i32
    %dma_start3A_205 = arith.constant 0 : i32
    %dma_start3A_206 = tpu.memref_slice %arg14[%dma_start3A_204, %dma_start3A_205] : memref<10000x16xf32, #tpu.memory_space<vmem_shared>> -> memref<10000x16xf32, #tpu.memory_space<vmem_shared>>
    tpu.enqueue_indirect_dma source(%dma_start3A_206 : memref<10000x16xf32, #tpu.memory_space<vmem_shared>>) target(%arg10 : memref<1000x16xf32, #tpu.memory_space<vmem>>) offsets(%dma_start3A_203 : memref<1000xi32, #tpu.memory_space<vmem>>) semaphore(%arg16 : memref<!tpu.dma_semaphore, #tpu.memory_space<semaphore_mem>>)
    %dma_wait3A_207 = arith.constant 6 : i32
    %dma_wait3A_208 = arith.constant 0 : i32
    %dma_wait3A_209 = tpu.memref_slice %arg7[%dma_wait3A_207, %dma_wait3A_208] : memref<10x1000xi32, #tpu.memory_space<vmem>> -> memref<1x1000xi32, #tpu.memory_space<vmem>>
    %dma_wait3A_210 = tpu.memref_squeeze %dma_wait3A_209 : memref<1x1000xi32, #tpu.memory_space<vmem>> -> memref<1000xi32, #tpu.memory_space<vmem>>
    %dma_wait3A_211 = arith.constant 0 : i32
    %dma_wait3A_212 = arith.constant 0 : i32
    %dma_wait3A_213 = tpu.memref_slice %arg14[%dma_wait3A_211, %dma_wait3A_212] : memref<10000x16xf32, #tpu.memory_space<vmem_shared>> -> memref<10000x16xf32, #tpu.memory_space<vmem_shared>>
    tpu.wait_indirect_dma semaphore(%arg17 : memref<!tpu.dma_semaphore, #tpu.memory_space<semaphore_mem>>) src(%dma_wait3A_213 : memref<10000x16xf32, #tpu.memory_space<vmem_shared>>) dst(%arg11 : memref<1000x16xf32, #tpu.memory_space<vmem>>)
    %dma_start3A_214 = arith.constant 6 : i32
    %dma_start3A_215 = arith.constant 0 : i32
    %dma_start3A_216 = tpu.memref_slice %arg8[%dma_start3A_214, %dma_start3A_215] : memref<10x1000xi32, #tpu.memory_space<vmem>> -> memref<1x1000xi32, #tpu.memory_space<vmem>>
    %dma_start3A_217 = tpu.memref_squeeze %dma_start3A_216 : memref<1x1000xi32, #tpu.memory_space<vmem>> -> memref<1000xi32, #tpu.memory_space<vmem>>
    %dma_start3A_218 = arith.constant 0 : i32
    %dma_start3A_219 = arith.constant 0 : i32
    %dma_start3A_220 = tpu.memref_slice %arg13[%dma_start3A_218, %dma_start3A_219] : memref<10000x16xf32, #tpu.memory_space<vmem_shared>> -> memref<10000x16xf32, #tpu.memory_space<vmem_shared>>
    tpu.enqueue_indirect_dma source(%arg11 : memref<1000x16xf32, #tpu.memory_space<vmem>>) target(%dma_start3A_220 : memref<10000x16xf32, #tpu.memory_space<vmem_shared>>) offsets(%dma_start3A_217 : memref<1000xi32, #tpu.memory_space<vmem>>) semaphore(%arg21 : memref<!tpu.dma_semaphore, #tpu.memory_space<semaphore_mem>>) {add = true}
    %dma_wait3A_221 = arith.constant 7 : i32
    %dma_wait3A_222 = arith.constant 0 : i32
    %dma_wait3A_223 = tpu.memref_slice %arg7[%dma_wait3A_221, %dma_wait3A_222] : memref<10x1000xi32, #tpu.memory_space<vmem>> -> memref<1x1000xi32, #tpu.memory_space<vmem>>
    %dma_wait3A_224 = tpu.memref_squeeze %dma_wait3A_223 : memref<1x1000xi32, #tpu.memory_space<vmem>> -> memref<1000xi32, #tpu.memory_space<vmem>>
    %dma_wait3A_225 = arith.constant 0 : i32
    %dma_wait3A_226 = arith.constant 0 : i32
    %dma_wait3A_227 = tpu.memref_slice %arg14[%dma_wait3A_225, %dma_wait3A_226] : memref<10000x16xf32, #tpu.memory_space<vmem_shared>> -> memref<10000x16xf32, #tpu.memory_space<vmem_shared>>
    tpu.wait_indirect_dma semaphore(%arg18 : memref<!tpu.dma_semaphore, #tpu.memory_space<semaphore_mem>>) src(%dma_wait3A_227 : memref<10000x16xf32, #tpu.memory_space<vmem_shared>>) dst(%arg12 : memref<1000x16xf32, #tpu.memory_space<vmem>>)
    %dma_start3A_228 = arith.constant 7 : i32
    %dma_start3A_229 = arith.constant 0 : i32
    %dma_start3A_230 = tpu.memref_slice %arg8[%dma_start3A_228, %dma_start3A_229] : memref<10x1000xi32, #tpu.memory_space<vmem>> -> memref<1x1000xi32, #tpu.memory_space<vmem>>
    %dma_start3A_231 = tpu.memref_squeeze %dma_start3A_230 : memref<1x1000xi32, #tpu.memory_space<vmem>> -> memref<1000xi32, #tpu.memory_space<vmem>>
    %dma_start3A_232 = arith.constant 0 : i32
    %dma_start3A_233 = arith.constant 0 : i32
    %dma_start3A_234 = tpu.memref_slice %arg13[%dma_start3A_232, %dma_start3A_233] : memref<10000x16xf32, #tpu.memory_space<vmem_shared>> -> memref<10000x16xf32, #tpu.memory_space<vmem_shared>>
    tpu.enqueue_indirect_dma source(%arg12 : memref<1000x16xf32, #tpu.memory_space<vmem>>) target(%dma_start3A_234 : memref<10000x16xf32, #tpu.memory_space<vmem_shared>>) offsets(%dma_start3A_231 : memref<1000xi32, #tpu.memory_space<vmem>>) semaphore(%arg22 : memref<!tpu.dma_semaphore, #tpu.memory_space<semaphore_mem>>) {add = true}
    %dma_wait3A_235 = arith.constant 8 : i32
    %dma_wait3A_236 = arith.constant 0 : i32
    %dma_wait3A_237 = tpu.memref_slice %arg7[%dma_wait3A_235, %dma_wait3A_236] : memref<10x1000xi32, #tpu.memory_space<vmem>> -> memref<1x1000xi32, #tpu.memory_space<vmem>>
    %dma_wait3A_238 = tpu.memref_squeeze %dma_wait3A_237 : memref<1x1000xi32, #tpu.memory_space<vmem>> -> memref<1000xi32, #tpu.memory_space<vmem>>
    %dma_wait3A_239 = arith.constant 0 : i32
    %dma_wait3A_240 = arith.constant 0 : i32
    %dma_wait3A_241 = tpu.memref_slice %arg14[%dma_wait3A_239, %dma_wait3A_240] : memref<10000x16xf32, #tpu.memory_space<vmem_shared>> -> memref<10000x16xf32, #tpu.memory_space<vmem_shared>>
    tpu.wait_indirect_dma semaphore(%arg15 : memref<!tpu.dma_semaphore, #tpu.memory_space<semaphore_mem>>) src(%dma_wait3A_241 : memref<10000x16xf32, #tpu.memory_space<vmem_shared>>) dst(%arg9 : memref<1000x16xf32, #tpu.memory_space<vmem>>)
    %dma_start3A_242 = arith.constant 8 : i32
    %dma_start3A_243 = arith.constant 0 : i32
    %dma_start3A_244 = tpu.memref_slice %arg8[%dma_start3A_242, %dma_start3A_243] : memref<10x1000xi32, #tpu.memory_space<vmem>> -> memref<1x1000xi32, #tpu.memory_space<vmem>>
    %dma_start3A_245 = tpu.memref_squeeze %dma_start3A_244 : memref<1x1000xi32, #tpu.memory_space<vmem>> -> memref<1000xi32, #tpu.memory_space<vmem>>
    %dma_start3A_246 = arith.constant 0 : i32
    %dma_start3A_247 = arith.constant 0 : i32
    %dma_start3A_248 = tpu.memref_slice %arg13[%dma_start3A_246, %dma_start3A_247] : memref<10000x16xf32, #tpu.memory_space<vmem_shared>> -> memref<10000x16xf32, #tpu.memory_space<vmem_shared>>
    tpu.enqueue_indirect_dma source(%arg9 : memref<1000x16xf32, #tpu.memory_space<vmem>>) target(%dma_start3A_248 : memref<10000x16xf32, #tpu.memory_space<vmem_shared>>) offsets(%dma_start3A_245 : memref<1000xi32, #tpu.memory_space<vmem>>) semaphore(%arg19 : memref<!tpu.dma_semaphore, #tpu.memory_space<semaphore_mem>>) {add = true}
    %dma_wait3A_249 = arith.constant 9 : i32
    %dma_wait3A_250 = arith.constant 0 : i32
    %dma_wait3A_251 = tpu.memref_slice %arg7[%dma_wait3A_249, %dma_wait3A_250] : memref<10x1000xi32, #tpu.memory_space<vmem>> -> memref<1x1000xi32, #tpu.memory_space<vmem>>
    %dma_wait3A_252 = tpu.memref_squeeze %dma_wait3A_251 : memref<1x1000xi32, #tpu.memory_space<vmem>> -> memref<1000xi32, #tpu.memory_space<vmem>>
    %dma_wait3A_253 = arith.constant 0 : i32
    %dma_wait3A_254 = arith.constant 0 : i32
    %dma_wait3A_255 = tpu.memref_slice %arg14[%dma_wait3A_253, %dma_wait3A_254] : memref<10000x16xf32, #tpu.memory_space<vmem_shared>> -> memref<10000x16xf32, #tpu.memory_space<vmem_shared>>
    tpu.wait_indirect_dma semaphore(%arg16 : memref<!tpu.dma_semaphore, #tpu.memory_space<semaphore_mem>>) src(%dma_wait3A_255 : memref<10000x16xf32, #tpu.memory_space<vmem_shared>>) dst(%arg10 : memref<1000x16xf32, #tpu.memory_space<vmem>>)
    %dma_start3A_256 = arith.constant 9 : i32
    %dma_start3A_257 = arith.constant 0 : i32
    %dma_start3A_258 = tpu.memref_slice %arg8[%dma_start3A_256, %dma_start3A_257] : memref<10x1000xi32, #tpu.memory_space<vmem>> -> memref<1x1000xi32, #tpu.memory_space<vmem>>
    %dma_start3A_259 = tpu.memref_squeeze %dma_start3A_258 : memref<1x1000xi32, #tpu.memory_space<vmem>> -> memref<1000xi32, #tpu.memory_space<vmem>>
    %dma_start3A_260 = arith.constant 0 : i32
    %dma_start3A_261 = arith.constant 0 : i32
    %dma_start3A_262 = tpu.memref_slice %arg13[%dma_start3A_260, %dma_start3A_261] : memref<10000x16xf32, #tpu.memory_space<vmem_shared>> -> memref<10000x16xf32, #tpu.memory_space<vmem_shared>>
    tpu.enqueue_indirect_dma source(%arg10 : memref<1000x16xf32, #tpu.memory_space<vmem>>) target(%dma_start3A_262 : memref<10000x16xf32, #tpu.memory_space<vmem_shared>>) offsets(%dma_start3A_259 : memref<1000xi32, #tpu.memory_space<vmem>>) semaphore(%arg20 : memref<!tpu.dma_semaphore, #tpu.memory_space<semaphore_mem>>) {add = true}
    %dma_wait3A_263 = arith.constant 6 : i32
    %dma_wait3A_264 = arith.constant 0 : i32
    %dma_wait3A_265 = tpu.memref_slice %arg8[%dma_wait3A_263, %dma_wait3A_264] : memref<10x1000xi32, #tpu.memory_space<vmem>> -> memref<1x1000xi32, #tpu.memory_space<vmem>>
    %dma_wait3A_266 = tpu.memref_squeeze %dma_wait3A_265 : memref<1x1000xi32, #tpu.memory_space<vmem>> -> memref<1000xi32, #tpu.memory_space<vmem>>
    %dma_wait3A_267 = arith.constant 0 : i32
    %dma_wait3A_268 = arith.constant 0 : i32
    %dma_wait3A_269 = tpu.memref_slice %arg13[%dma_wait3A_267, %dma_wait3A_268] : memref<10000x16xf32, #tpu.memory_space<vmem_shared>> -> memref<10000x16xf32, #tpu.memory_space<vmem_shared>>
    tpu.wait_indirect_dma semaphore(%arg21 : memref<!tpu.dma_semaphore, #tpu.memory_space<semaphore_mem>>) src(%arg11 : memref<1000x16xf32, #tpu.memory_space<vmem>>) dst(%dma_wait3A_269 : memref<10000x16xf32, #tpu.memory_space<vmem_shared>>)
    %dma_wait3A_270 = arith.constant 7 : i32
    %dma_wait3A_271 = arith.constant 0 : i32
    %dma_wait3A_272 = tpu.memref_slice %arg8[%dma_wait3A_270, %dma_wait3A_271] : memref<10x1000xi32, #tpu.memory_space<vmem>> -> memref<1x1000xi32, #tpu.memory_space<vmem>>
    %dma_wait3A_273 = tpu.memref_squeeze %dma_wait3A_272 : memref<1x1000xi32, #tpu.memory_space<vmem>> -> memref<1000xi32, #tpu.memory_space<vmem>>
    %dma_wait3A_274 = arith.constant 0 : i32
    %dma_wait3A_275 = arith.constant 0 : i32
    %dma_wait3A_276 = tpu.memref_slice %arg13[%dma_wait3A_274, %dma_wait3A_275] : memref<10000x16xf32, #tpu.memory_space<vmem_shared>> -> memref<10000x16xf32, #tpu.memory_space<vmem_shared>>
    tpu.wait_indirect_dma semaphore(%arg22 : memref<!tpu.dma_semaphore, #tpu.memory_space<semaphore_mem>>) src(%arg12 : memref<1000x16xf32, #tpu.memory_space<vmem>>) dst(%dma_wait3A_276 : memref<10000x16xf32, #tpu.memory_space<vmem_shared>>)
    %dma_wait3A_277 = arith.constant 8 : i32
    %dma_wait3A_278 = arith.constant 0 : i32
    %dma_wait3A_279 = tpu.memref_slice %arg8[%dma_wait3A_277, %dma_wait3A_278] : memref<10x1000xi32, #tpu.memory_space<vmem>> -> memref<1x1000xi32, #tpu.memory_space<vmem>>
    %dma_wait3A_280 = tpu.memref_squeeze %dma_wait3A_279 : memref<1x1000xi32, #tpu.memory_space<vmem>> -> memref<1000xi32, #tpu.memory_space<vmem>>
    %dma_wait3A_281 = arith.constant 0 : i32
    %dma_wait3A_282 = arith.constant 0 : i32
    %dma_wait3A_283 = tpu.memref_slice %arg13[%dma_wait3A_281, %dma_wait3A_282] : memref<10000x16xf32, #tpu.memory_space<vmem_shared>> -> memref<10000x16xf32, #tpu.memory_space<vmem_shared>>
    tpu.wait_indirect_dma semaphore(%arg19 : memref<!tpu.dma_semaphore, #tpu.memory_space<semaphore_mem>>) src(%arg9 : memref<1000x16xf32, #tpu.memory_space<vmem>>) dst(%dma_wait3A_283 : memref<10000x16xf32, #tpu.memory_space<vmem_shared>>)
    %dma_wait3A_284 = arith.constant 9 : i32
    %dma_wait3A_285 = arith.constant 0 : i32
    %dma_wait3A_286 = tpu.memref_slice %arg8[%dma_wait3A_284, %dma_wait3A_285] : memref<10x1000xi32, #tpu.memory_space<vmem>> -> memref<1x1000xi32, #tpu.memory_space<vmem>>
    %dma_wait3A_287 = tpu.memref_squeeze %dma_wait3A_286 : memref<1x1000xi32, #tpu.memory_space<vmem>> -> memref<1000xi32, #tpu.memory_space<vmem>>
    %dma_wait3A_288 = arith.constant 0 : i32
    %dma_wait3A_289 = arith.constant 0 : i32
    %dma_wait3A_290 = tpu.memref_slice %arg13[%dma_wait3A_288, %dma_wait3A_289] : memref<10000x16xf32, #tpu.memory_space<vmem_shared>> -> memref<10000x16xf32, #tpu.memory_space<vmem_shared>>
    tpu.wait_indirect_dma semaphore(%arg20 : memref<!tpu.dma_semaphore, #tpu.memory_space<semaphore_mem>>) src(%arg10 : memref<1000x16xf32, #tpu.memory_space<vmem>>) dst(%dma_wait3A_290 : memref<10000x16xf32, #tpu.memory_space<vmem_shared>>)
    %barrier3A_291 = arith.constant 0 : index
    tpu.barrier barrier_id(%barrier3A_291)
    %eq3A_292 = arith.constant 15 : i32
    %eq3A_293 = arith.cmpi eq, %arg1, %eq3A_292 : i32
    %convert_element_type3A_294 = arith.extui %eq3A_293 : i1 to i32
    %cond3A_295 = arith.constant 0 : i32
    %cond3A_296 = arith.cmpi ne, %convert_element_type3A_294, %cond3A_295 : i32
    scf.if %cond3A_296 {
      %eq3A_301 = arith.constant 0 : i32
      %eq3A_302 = arith.cmpi eq, %arg0, %eq3A_301 : i32
      %convert_element_type3A_303 = arith.extui %eq3A_302 : i1 to i32
      %cond3A_304 = arith.constant 0 : i32
      %cond3A_305 = arith.cmpi ne, %convert_element_type3A_303, %cond3A_304 : i32
      scf.if %cond3A_305 {
        "tpu.region"() ({
          %run_scoped3A_311 = tpu.sem_alloc : memref<!tpu.dma_semaphore, #tpu.memory_space<semaphore_mem>>
          %dma_start3A_312 = arith.constant 9360 : i32
          %dma_start3A_313 = arith.constant 0 : i32
          %dma_start3A_314 = tpu.memref_slice %arg5[%dma_start3A_312, %dma_start3A_313] : memref<10000x16xf32, #tpu.memory_space<hbm>> -> memref<640x16xf32, #tpu.memory_space<hbm>>
          %dma_start3A_315 = arith.constant 9360 : i32
          %dma_start3A_316 = arith.constant 0 : i32
          %dma_start3A_317 = tpu.memref_slice %arg13[%dma_start3A_315, %dma_start3A_316] : memref<10000x16xf32, #tpu.memory_space<vmem_shared>> -> memref<640x16xf32, #tpu.memory_space<vmem_shared>>
          tpu.enqueue_dma source(%dma_start3A_317 : memref<640x16xf32, #tpu.memory_space<vmem_shared>>) target(%dma_start3A_314 : memref<640x16xf32, #tpu.memory_space<hbm>>) target_semaphore(%run_scoped3A_311 : memref<!tpu.dma_semaphore, #tpu.memory_space<semaphore_mem>>)
          %dma_wait3A_318 = arith.constant 9360 : i32
          %dma_wait3A_319 = arith.constant 0 : i32
          %dma_wait3A_320 = tpu.memref_slice %arg5[%dma_wait3A_318, %dma_wait3A_319] : memref<10000x16xf32, #tpu.memory_space<hbm>> -> memref<640x16xf32, #tpu.memory_space<hbm>>
          %dma_wait3A_321 = arith.constant 9360 : i32
          %dma_wait3A_322 = arith.constant 0 : i32
          %dma_wait3A_323 = tpu.memref_slice %arg13[%dma_wait3A_321, %dma_wait3A_322] : memref<10000x16xf32, #tpu.memory_space<vmem_shared>> -> memref<640x16xf32, #tpu.memory_space<vmem_shared>>
          tpu.wait_dma2 semaphore(%run_scoped3A_311 : memref<!tpu.dma_semaphore, #tpu.memory_space<semaphore_mem>>) src(%dma_wait3A_323 : memref<640x16xf32, #tpu.memory_space<vmem_shared>>) dst(%dma_wait3A_320 : memref<640x16xf32, #tpu.memory_space<hbm>>)
          tpu.yield
        }) : () -> ()
      } else {
      }
      %eq3A_306 = arith.constant 1 : i32
      %eq3A_307 = arith.cmpi eq, %arg0, %eq3A_306 : i32
      %convert_element_type3A_308 = arith.extui %eq3A_307 : i1 to i32
      %cond3A_309 = arith.constant 0 : i32
      %cond3A_310 = arith.cmpi ne, %convert_element_type3A_308, %cond3A_309 : i32
      scf.if %cond3A_310 {
        "tpu.region"() ({
          %run_scoped3A_311 = tpu.sem_alloc : memref<!tpu.dma_semaphore, #tpu.memory_space<semaphore_mem>>
          %dma_start3A_312 = arith.constant 9360 : i32
          %dma_start3A_313 = arith.constant 0 : i32
          %dma_start3A_314 = tpu.memref_slice %arg6[%dma_start3A_312, %dma_start3A_313] : memref<10000x16xf32, #tpu.memory_space<hbm>> -> memref<640x16xf32, #tpu.memory_space<hbm>>
          %dma_start3A_315 = arith.constant 9360 : i32
          %dma_start3A_316 = arith.constant 0 : i32
          %dma_start3A_317 = tpu.memref_slice %arg13[%dma_start3A_315, %dma_start3A_316] : memref<10000x16xf32, #tpu.memory_space<vmem_shared>> -> memref<640x16xf32, #tpu.memory_space<vmem_shared>>
          tpu.enqueue_dma source(%dma_start3A_317 : memref<640x16xf32, #tpu.memory_space<vmem_shared>>) target(%dma_start3A_314 : memref<640x16xf32, #tpu.memory_space<hbm>>) target_semaphore(%run_scoped3A_311 : memref<!tpu.dma_semaphore, #tpu.memory_space<semaphore_mem>>)
          %dma_wait3A_318 = arith.constant 9360 : i32
          %dma_wait3A_319 = arith.constant 0 : i32
          %dma_wait3A_320 = tpu.memref_slice %arg6[%dma_wait3A_318, %dma_wait3A_319] : memref<10000x16xf32, #tpu.memory_space<hbm>> -> memref<640x16xf32, #tpu.memory_space<hbm>>
          %dma_wait3A_321 = arith.constant 9360 : i32
          %dma_wait3A_322 = arith.constant 0 : i32
          %dma_wait3A_323 = tpu.memref_slice %arg13[%dma_wait3A_321, %dma_wait3A_322] : memref<10000x16xf32, #tpu.memory_space<vmem_shared>> -> memref<640x16xf32, #tpu.memory_space<vmem_shared>>
          tpu.wait_dma2 semaphore(%run_scoped3A_311 : memref<!tpu.dma_semaphore, #tpu.memory_space<semaphore_mem>>) src(%dma_wait3A_323 : memref<640x16xf32, #tpu.memory_space<vmem_shared>>) dst(%dma_wait3A_320 : memref<640x16xf32, #tpu.memory_space<hbm>>)
          tpu.yield
        }) : () -> ()
      } else {
      }
    } else {
    }
    %lt3A = arith.constant 15 : i32
    %lt3A_297 = arith.cmpi slt, %arg1, %lt3A : i32
    %convert_element_type3A_298 = arith.extui %lt3A_297 : i1 to i32
    %cond3A_299 = arith.constant 0 : i32
    %cond3A_300 = arith.cmpi ne, %convert_element_type3A_298, %cond3A_299 : i32
    scf.if %cond3A_300 {
      %mul3A_301 = arith.constant 624 : i32
      %mul3A_302 = arith.muli %mul3A_301, %arg1 : i32
      %eq3A_303 = arith.constant 0 : i32
      %eq3A_304 = arith.cmpi eq, %arg0, %eq3A_303 : i32
      %convert_element_type3A_305 = arith.extui %eq3A_304 : i1 to i32
      %cond3A_306 = arith.constant 0 : i32
      %cond3A_307 = arith.cmpi ne, %convert_element_type3A_305, %cond3A_306 : i32
      scf.if %cond3A_307 {
        "tpu.region"() ({
          %run_scoped3A_313 = tpu.sem_alloc : memref<!tpu.dma_semaphore, #tpu.memory_space<semaphore_mem>>
          %dma_start3A_314 = arith.constant 0 : i32
          %dma_start3A_315 = tpu.memref_slice %arg5[%mul3A_302, %dma_start3A_314] : memref<10000x16xf32, #tpu.memory_space<hbm>> -> memref<624x16xf32, #tpu.memory_space<hbm>>
          %dma_start3A_316 = arith.constant 0 : i32
          %dma_start3A_317 = tpu.memref_slice %arg13[%mul3A_302, %dma_start3A_316] : memref<10000x16xf32, #tpu.memory_space<vmem_shared>> -> memref<624x16xf32, #tpu.memory_space<vmem_shared>>
          tpu.enqueue_dma source(%dma_start3A_317 : memref<624x16xf32, #tpu.memory_space<vmem_shared>>) target(%dma_start3A_315 : memref<624x16xf32, #tpu.memory_space<hbm>>) target_semaphore(%run_scoped3A_313 : memref<!tpu.dma_semaphore, #tpu.memory_space<semaphore_mem>>)
          %dma_wait3A_318 = arith.constant 0 : i32
          %dma_wait3A_319 = tpu.memref_slice %arg5[%mul3A_302, %dma_wait3A_318] : memref<10000x16xf32, #tpu.memory_space<hbm>> -> memref<624x16xf32, #tpu.memory_space<hbm>>
          %dma_wait3A_320 = arith.constant 0 : i32
          %dma_wait3A_321 = tpu.memref_slice %arg13[%mul3A_302, %dma_wait3A_320] : memref<10000x16xf32, #tpu.memory_space<vmem_shared>> -> memref<624x16xf32, #tpu.memory_space<vmem_shared>>
          tpu.wait_dma2 semaphore(%run_scoped3A_313 : memref<!tpu.dma_semaphore, #tpu.memory_space<semaphore_mem>>) src(%dma_wait3A_321 : memref<624x16xf32, #tpu.memory_space<vmem_shared>>) dst(%dma_wait3A_319 : memref<624x16xf32, #tpu.memory_space<hbm>>)
          tpu.yield
        }) : () -> ()
      } else {
      }
      %eq3A_308 = arith.constant 1 : i32
      %eq3A_309 = arith.cmpi eq, %arg0, %eq3A_308 : i32
      %convert_element_type3A_310 = arith.extui %eq3A_309 : i1 to i32
      %cond3A_311 = arith.constant 0 : i32
      %cond3A_312 = arith.cmpi ne, %convert_element_type3A_310, %cond3A_311 : i32
      scf.if %cond3A_312 {
        "tpu.region"() ({
          %run_scoped3A_313 = tpu.sem_alloc : memref<!tpu.dma_semaphore, #tpu.memory_space<semaphore_mem>>
          %dma_start3A_314 = arith.constant 0 : i32
          %dma_start3A_315 = tpu.memref_slice %arg6[%mul3A_302, %dma_start3A_314] : memref<10000x16xf32, #tpu.memory_space<hbm>> -> memref<624x16xf32, #tpu.memory_space<hbm>>
          %dma_start3A_316 = arith.constant 0 : i32
          %dma_start3A_317 = tpu.memref_slice %arg13[%mul3A_302, %dma_start3A_316] : memref<10000x16xf32, #tpu.memory_space<vmem_shared>> -> memref<624x16xf32, #tpu.memory_space<vmem_shared>>
          tpu.enqueue_dma source(%dma_start3A_317 : memref<624x16xf32, #tpu.memory_space<vmem_shared>>) target(%dma_start3A_315 : memref<624x16xf32, #tpu.memory_space<hbm>>) target_semaphore(%run_scoped3A_313 : memref<!tpu.dma_semaphore, #tpu.memory_space<semaphore_mem>>)
          %dma_wait3A_318 = arith.constant 0 : i32
          %dma_wait3A_319 = tpu.memref_slice %arg6[%mul3A_302, %dma_wait3A_318] : memref<10000x16xf32, #tpu.memory_space<hbm>> -> memref<624x16xf32, #tpu.memory_space<hbm>>
          %dma_wait3A_320 = arith.constant 0 : i32
          %dma_wait3A_321 = tpu.memref_slice %arg13[%mul3A_302, %dma_wait3A_320] : memref<10000x16xf32, #tpu.memory_space<vmem_shared>> -> memref<624x16xf32, #tpu.memory_space<vmem_shared>>
          tpu.wait_dma2 semaphore(%run_scoped3A_313 : memref<!tpu.dma_semaphore, #tpu.memory_space<semaphore_mem>>) src(%dma_wait3A_321 : memref<624x16xf32, #tpu.memory_space<vmem_shared>>) dst(%dma_wait3A_319 : memref<624x16xf32, #tpu.memory_space<hbm>>)
          tpu.yield
        }) : () -> ()
      } else {
      }
    } else {
    }
    return
  }
}

module attributes {stable_mosaic.version = 14 : i64} {
  func.func @_tc_a0_body(%arg0: i32, %arg1: memref<2000x128xf32, #tpu.memory_space<vmem>>, %arg2: memref<128x16xf32, #tpu.memory_space<vmem>>, %arg3: memref<2000x16xf32, #tpu.memory_space<vmem>>) attributes {dimension_semantics = [#tpu.dimension_semantics<arbitrary>], iteration_bounds = array<i64: 5>, scalar_prefetch = 0 : i64, scratch_operands = 0 : i64, tpu.core_type = #tpu.core_type<tc>, window_params = [{transform_indices = @transform_0, window_bounds = array<i64: 2000, 128>}, {pipeline_mode = #tpu.pipeline_mode<synchronous>, transform_indices = @transform_1, window_bounds = array<i64: 128, 16>}, {transform_indices = @transform_2, window_bounds = array<i64: 2000, 16>}]} {
    %get3A = arith.constant 0 : index
    %get3A_0 = arith.constant 0 : index
    %get3A_1 = vector.load %arg1[%get3A, %get3A_0] : memref<2000x128xf32, #tpu.memory_space<vmem>>, vector<2000x128xf32>
    %get3A_2 = arith.constant 0 : index
    %get3A_3 = arith.constant 0 : index
    %get3A_4 = vector.load %arg2[%get3A_2, %get3A_3] : memref<128x16xf32, #tpu.memory_space<vmem>>, vector<128x16xf32>
    %dot_general3A = arith.constant dense<0.000000e+00> : vector<2000x16xf32>
    %dot_general3A_5 = tpu.matmul %get3A_1, %get3A_4, %dot_general3A {dimension_numbers = #tpu.dot_dimension_numbers<[1], [0], [0], [1], [0, 0, 1, 1], [], []>, transpose_lhs_hint = false} : vector<2000x128xf32>, vector<128x16xf32>, vector<2000x16xf32> -> vector<2000x16xf32>
    %swap3A = arith.constant 0 : index
    %swap3A_6 = arith.constant 0 : index
    %swap3A_7 = vector.load %arg3[%swap3A, %swap3A_6] : memref<2000x16xf32, #tpu.memory_space<vmem>>, vector<2000x16xf32>
    tpu.vector_store %arg3[%swap3A, %swap3A_6], %dot_general3A_5 {strides = array<i32>} : memref<2000x16xf32, #tpu.memory_space<vmem>>, vector<2000x16xf32>,
    return
  }
  func.func @transform_0(%arg0: i32) -> (i32, i32) {
    %c0_i32 = arith.constant 0 : i32
    %c0_i32_0 = arith.constant 0 : i32
    return %arg0, %c0_i32 : i32, i32
  }
  func.func @transform_1(%arg0: i32) -> (i32, i32) {
    %c0_i32 = arith.constant 0 : i32
    %c0_i32_0 = arith.constant 0 : i32
    %c0_i32_1 = arith.constant 0 : i32
    return %c0_i32, %c0_i32_0 : i32, i32
  }
  func.func @transform_2(%arg0: i32) -> (i32, i32) {
    %c0_i32 = arith.constant 0 : i32
    %c0_i32_0 = arith.constant 0 : i32
    return %arg0, %c0_i32 : i32, i32
  }
}

module attributes {stable_mosaic.version = 14 : i64} {
  func.func @_tc_a1_body(%arg0: i32, %arg1: memref<2000x16xf32, #tpu.memory_space<vmem>>, %arg2: memref<2000x16xf32, #tpu.memory_space<vmem>>, %arg3: memref<2000x16xf32, #tpu.memory_space<vmem>>, %arg4: memref<2000x16xf32, #tpu.memory_space<vmem>>) attributes {dimension_semantics = [#tpu.dimension_semantics<arbitrary>], iteration_bounds = array<i64: 5>, scalar_prefetch = 0 : i64, scratch_operands = 0 : i64, tpu.core_type = #tpu.core_type<tc>, window_params = [{transform_indices = @transform_0, window_bounds = array<i64: 2000, 16>}, {transform_indices = @transform_1, window_bounds = array<i64: 2000, 16>}, {transform_indices = @transform_2, window_bounds = array<i64: 2000, 16>}, {transform_indices = @transform_3, window_bounds = array<i64: 2000, 16>}]} {
    %get3A = arith.constant 0 : index
    %get3A_0 = arith.constant 0 : index
    %get3A_1 = vector.load %arg2[%get3A, %get3A_0] : memref<2000x16xf32, #tpu.memory_space<vmem>>, vector<2000x16xf32>
    %get3A_2 = arith.constant 0 : index
    %get3A_3 = arith.constant 0 : index
    %get3A_4 = vector.load %arg3[%get3A_2, %get3A_3] : memref<2000x16xf32, #tpu.memory_space<vmem>>, vector<2000x16xf32>
    %add3A = arith.addf %get3A_1, %get3A_4 : vector<2000x16xf32>
    %add3A_5 = arith.constant 1.000000e+00 : f32
    %add3A_6 = vector.broadcast %add3A_5 : f32 to vector<2000x16xf32>
    %add3A_7 = arith.addf %add3A, %add3A_6 : vector<2000x16xf32>
    %rsqrt3A = math.rsqrt %add3A_7 : vector<2000x16xf32>
    %get3A_8 = arith.constant 0 : index
    %get3A_9 = arith.constant 0 : index
    %get3A_10 = vector.load %arg1[%get3A_8, %get3A_9] : memref<2000x16xf32, #tpu.memory_space<vmem>>, vector<2000x16xf32>
    %mul3A = arith.mulf %get3A_10, %rsqrt3A : vector<2000x16xf32>
    %swap3A = arith.constant 0 : index
    %swap3A_11 = arith.constant 0 : index
    %swap3A_12 = vector.load %arg4[%swap3A, %swap3A_11] : memref<2000x16xf32, #tpu.memory_space<vmem>>, vector<2000x16xf32>
    tpu.vector_store %arg4[%swap3A, %swap3A_11], %mul3A {strides = array<i32>} : memref<2000x16xf32, #tpu.memory_space<vmem>>, vector<2000x16xf32>,
    return
  }
  func.func @transform_0(%arg0: i32) -> (i32, i32) {
    %c0_i32 = arith.constant 0 : i32
    %c0_i32_0 = arith.constant 0 : i32
    return %arg0, %c0_i32 : i32, i32
  }
  func.func @transform_1(%arg0: i32) -> (i32, i32) {
    %c0_i32 = arith.constant 0 : i32
    %c0_i32_0 = arith.constant 0 : i32
    return %arg0, %c0_i32 : i32, i32
  }
  func.func @transform_2(%arg0: i32) -> (i32, i32) {
    %c0_i32 = arith.constant 0 : i32
    %c0_i32_0 = arith.constant 0 : i32
    return %arg0, %c0_i32 : i32, i32
  }
  func.func @transform_3(%arg0: i32) -> (i32, i32) {
    %c0_i32 = arith.constant 0 : i32
    %c0_i32_0 = arith.constant 0 : i32
    return %arg0, %c0_i32 : i32, i32
  }
}

module attributes {stable_mosaic.version = 14 : i64} {
  func.func @_tc_b_body(%arg0: i32, %arg1: memref<2000x16xf32, #tpu.memory_space<vmem>>, %arg2: memref<2000x16xf32, #tpu.memory_space<vmem>>, %arg3: memref<2000x16xf32, #tpu.memory_space<vmem>>, %arg4: memref<2000x16xf32, #tpu.memory_space<vmem>>, %arg5: memref<1x16xf32, #tpu.memory_space<vmem>>, %arg6: memref<16x16xf32, #tpu.memory_space<vmem>>, %arg7: memref<2000x16xf32, #tpu.memory_space<vmem>>) attributes {dimension_semantics = [#tpu.dimension_semantics<arbitrary>], iteration_bounds = array<i64: 5>, scalar_prefetch = 0 : i64, scratch_operands = 0 : i64, tpu.core_type = #tpu.core_type<tc>, window_params = [{transform_indices = @transform_0, window_bounds = array<i64: 2000, 16>}, {transform_indices = @transform_1, window_bounds = array<i64: 2000, 16>}, {transform_indices = @transform_2, window_bounds = array<i64: 2000, 16>}, {transform_indices = @transform_3, window_bounds = array<i64: 2000, 16>}, {pipeline_mode = #tpu.pipeline_mode<synchronous>, transform_indices = @transform_4, window_bounds = array<i64: 1, 16>}, {pipeline_mode = #tpu.pipeline_mode<synchronous>, transform_indices = @transform_5, window_bounds = array<i64: 16, 16>}, {transform_indices = @transform_6, window_bounds = array<i64: 2000, 16>}]} {
    %get3A = arith.constant 0 : index
    %get3A_0 = arith.constant 0 : index
    %get3A_1 = vector.load %arg3[%get3A, %get3A_0] : memref<2000x16xf32, #tpu.memory_space<vmem>>, vector<2000x16xf32>
    %get3A_2 = arith.constant 0 : index
    %get3A_3 = arith.constant 0 : index
    %get3A_4 = vector.load %arg4[%get3A_2, %get3A_3] : memref<2000x16xf32, #tpu.memory_space<vmem>>, vector<2000x16xf32>
    %add3A = arith.addf %get3A_1, %get3A_4 : vector<2000x16xf32>
    %add3A_5 = arith.constant 1.000000e+00 : f32
    %add3A_6 = vector.broadcast %add3A_5 : f32 to vector<2000x16xf32>
    %add3A_7 = arith.addf %add3A, %add3A_6 : vector<2000x16xf32>
    %rsqrt3A = math.rsqrt %add3A_7 : vector<2000x16xf32>
    %get3A_8 = arith.constant 0 : index
    %get3A_9 = arith.constant 0 : index
    %get3A_10 = vector.load %arg1[%get3A_8, %get3A_9] : memref<2000x16xf32, #tpu.memory_space<vmem>>, vector<2000x16xf32>
    %get3A_11 = arith.constant 0 : index
    %get3A_12 = arith.constant 0 : index
    %get3A_13 = vector.load %arg2[%get3A_11, %get3A_12] : memref<2000x16xf32, #tpu.memory_space<vmem>>, vector<2000x16xf32>
    %add3A_14 = arith.addf %get3A_10, %get3A_13 : vector<2000x16xf32>
    %mul3A = arith.mulf %rsqrt3A, %add3A_14 : vector<2000x16xf32>
    %get3A_15 = arith.constant 0 : index
    %get3A_16 = arith.constant 0 : index
    %get3A_17 = vector.load %arg5[%get3A_15, %get3A_16] : memref<1x16xf32, #tpu.memory_space<vmem>>, vector<1x16xf32>
    %add3A_18 = vector.broadcast %get3A_17 : vector<1x16xf32> to vector<2000x16xf32>
    %add3A_19 = arith.addf %mul3A, %add3A_18 : vector<2000x16xf32>
    %max3A = arith.constant 0.000000e+00 : f32
    %max3A_20 = vector.broadcast %max3A : f32 to vector<2000x16xf32>
    %max3A_21 = arith.maximumf %add3A_19, %max3A_20 : vector<2000x16xf32>
    %get3A_22 = arith.constant 0 : index
    %get3A_23 = arith.constant 0 : index
    %get3A_24 = vector.load %arg6[%get3A_22, %get3A_23] : memref<16x16xf32, #tpu.memory_space<vmem>>, vector<16x16xf32>
    %dot_general3A = arith.constant dense<0.000000e+00> : vector<2000x16xf32>
    %dot_general3A_25 = tpu.matmul %max3A_21, %get3A_24, %dot_general3A {dimension_numbers = #tpu.dot_dimension_numbers<[1], [0], [0], [1], [0, 0, 1, 1], [], []>, transpose_lhs_hint = false} : vector<2000x16xf32>, vector<16x16xf32>, vector<2000x16xf32> -> vector<2000x16xf32>
    %mul3A_26 = arith.mulf %dot_general3A_25, %rsqrt3A : vector<2000x16xf32>
    %swap3A = arith.constant 0 : index
    %swap3A_27 = arith.constant 0 : index
    %swap3A_28 = vector.load %arg7[%swap3A, %swap3A_27] : memref<2000x16xf32, #tpu.memory_space<vmem>>, vector<2000x16xf32>
    tpu.vector_store %arg7[%swap3A, %swap3A_27], %mul3A_26 {strides = array<i32>} : memref<2000x16xf32, #tpu.memory_space<vmem>>, vector<2000x16xf32>,
    return
  }
  func.func @transform_0(%arg0: i32) -> (i32, i32) {
    %c0_i32 = arith.constant 0 : i32
    %c0_i32_0 = arith.constant 0 : i32
    return %arg0, %c0_i32 : i32, i32
  }
  func.func @transform_1(%arg0: i32) -> (i32, i32) {
    %c0_i32 = arith.constant 0 : i32
    %c0_i32_0 = arith.constant 0 : i32
    return %arg0, %c0_i32 : i32, i32
  }
  func.func @transform_2(%arg0: i32) -> (i32, i32) {
    %c0_i32 = arith.constant 0 : i32
    %c0_i32_0 = arith.constant 0 : i32
    return %arg0, %c0_i32 : i32, i32
  }
  func.func @transform_3(%arg0: i32) -> (i32, i32) {
    %c0_i32 = arith.constant 0 : i32
    %c0_i32_0 = arith.constant 0 : i32
    return %arg0, %c0_i32 : i32, i32
  }
  func.func @transform_4(%arg0: i32) -> (i32, i32) {
    %c0_i32 = arith.constant 0 : i32
    %c0_i32_0 = arith.constant 0 : i32
    %c0_i32_1 = arith.constant 0 : i32
    return %c0_i32, %c0_i32_0 : i32, i32
  }
  func.func @transform_5(%arg0: i32) -> (i32, i32) {
    %c0_i32 = arith.constant 0 : i32
    %c0_i32_0 = arith.constant 0 : i32
    %c0_i32_1 = arith.constant 0 : i32
    return %c0_i32, %c0_i32_0 : i32, i32
  }
  func.func @transform_6(%arg0: i32) -> (i32, i32) {
    %c0_i32 = arith.constant 0 : i32
    %c0_i32_0 = arith.constant 0 : i32
    return %arg0, %c0_i32 : i32, i32
  }
}

module attributes {stable_mosaic.version = 14 : i64} {
  func.func @_tc_head_body(%arg0: i32, %arg1: memref<160000xf32, #tpu.memory_space<vmem>>, %arg2: memref<160000xf32, #tpu.memory_space<vmem>>, %arg3: memref<160000xf32, #tpu.memory_space<vmem>>, %arg4: memref<160000xf32, #tpu.memory_space<vmem>>, %arg5: memref<160000xf32, #tpu.memory_space<vmem>>, %arg6: memref<32x16000xf32, #tpu.memory_space<vmem>>, %arg7: memref<16x16000xf32, #tpu.memory_space<vmem>>, %arg8: memref<10000x32xf32, #tpu.memory_space<vmem>>, %arg9: memref<1x32xf32, #tpu.memory_space<vmem>>, %arg10: memref<1x10000xf32, #tpu.memory_space<vmem>>, %arg11: memref<1x16xf32, #tpu.memory_space<vmem>>, %arg12: memref<1x16xf32, #tpu.memory_space<vmem>>, %arg13: memref<1x10000xf32, #tpu.memory_space<vmem>>, %arg14: memref<1x1xf32, #tpu.memory_space<vmem>>, %arg15: memref<1x32xf32, #tpu.memory_space<vmem>>, %arg16: memref<1x16xf32, #tpu.memory_space<vmem>>) attributes {dimension_semantics = [#tpu.dimension_semantics<arbitrary>], iteration_bounds = array<i64: 10>, scalar_prefetch = 0 : i64, scratch_operands = 2 : i64, tpu.core_type = #tpu.core_type<tc>, window_params = [{pipeline_mode = #tpu.pipeline_mode<synchronous>, transform_indices = @transform_0, window_bounds = array<i64: 160000>}, {pipeline_mode = #tpu.pipeline_mode<synchronous>, transform_indices = @transform_1, window_bounds = array<i64: 160000>}, {pipeline_mode = #tpu.pipeline_mode<synchronous>, transform_indices = @transform_2, window_bounds = array<i64: 160000>}, {pipeline_mode = #tpu.pipeline_mode<synchronous>, transform_indices = @transform_3, window_bounds = array<i64: 160000>}, {pipeline_mode = #tpu.pipeline_mode<synchronous>, transform_indices = @transform_4, window_bounds = array<i64: 160000>}, {transform_indices = @transform_5, window_bounds = array<i64: 32, 16000>}, {transform_indices = @transform_6, window_bounds = array<i64: 16, 16000>}, {pipeline_mode = #tpu.pipeline_mode<synchronous>, transform_indices = @transform_7, window_bounds = array<i64: 10000, 32>}, {pipeline_mode = #tpu.pipeline_mode<synchronous>, transform_indices = @transform_8, window_bounds = array<i64: 1, 32>}, {pipeline_mode = #tpu.pipeline_mode<synchronous>, transform_indices = @transform_9, window_bounds = array<i64: 1, 10000>}, {pipeline_mode = #tpu.pipeline_mode<synchronous>, transform_indices = @transform_10, window_bounds = array<i64: 1, 16>}, {pipeline_mode = #tpu.pipeline_mode<synchronous>, transform_indices = @transform_11, window_bounds = array<i64: 1, 16>}, {pipeline_mode = #tpu.pipeline_mode<synchronous>, transform_indices = @transform_12, window_bounds = array<i64: 1, 10000>}, {pipeline_mode = #tpu.pipeline_mode<synchronous>, transform_indices = @transform_13, window_bounds = array<i64: 1, 1>}]} {
    %eq3A = arith.constant 0 : i32
    %eq3A_0 = arith.cmpi eq, %arg0, %eq3A : i32
    %convert_element_type3A = arith.extui %eq3A_0 : i1 to i32
    %cond3A = arith.constant 0 : i32
    %cond3A_1 = arith.cmpi ne, %convert_element_type3A, %cond3A : i32
    scf.if %cond3A_1 {
      %broadcast_in_dim3A = arith.constant 0.000000e+00 : f32
      %broadcast_in_dim3A_47 = vector.broadcast %broadcast_in_dim3A : f32 to vector<1x32xf32>
      %swap3A_48 = arith.constant 0 : index
      %swap3A_49 = arith.constant 0 : index
      %swap3A_50 = vector.load %arg15[%swap3A_48, %swap3A_49] : memref<1x32xf32, #tpu.memory_space<vmem>>, vector<1x32xf32>
      tpu.vector_store %arg15[%swap3A_48, %swap3A_49], %broadcast_in_dim3A_47 {strides = array<i32>} : memref<1x32xf32, #tpu.memory_space<vmem>>, vector<1x32xf32>,
      %broadcast_in_dim3A_51 = arith.constant 0.000000e+00 : f32
      %broadcast_in_dim3A_52 = vector.broadcast %broadcast_in_dim3A_51 : f32 to vector<1x16xf32>
      %swap3A_53 = arith.constant 0 : index
      %swap3A_54 = arith.constant 0 : index
      %swap3A_55 = vector.load %arg16[%swap3A_53, %swap3A_54] : memref<1x16xf32, #tpu.memory_space<vmem>>, vector<1x16xf32>
      tpu.vector_store %arg16[%swap3A_53, %swap3A_54], %broadcast_in_dim3A_52 {strides = array<i32>} : memref<1x16xf32, #tpu.memory_space<vmem>>, vector<1x16xf32>,
    } else {
    }
    %mul3A = arith.constant 16000 : i32
    %mul3A_2 = arith.muli %arg0, %mul3A : i32
    %get3A = arith.index_cast %mul3A_2 : i32 to index
    %get3A_3 = vector.load %arg3[%get3A] : memref<160000xf32, #tpu.memory_space<vmem>>, vector<16000xf32>
    %get3A_4 = arith.index_cast %mul3A_2 : i32 to index
    %get3A_5 = vector.load %arg4[%get3A_4] : memref<160000xf32, #tpu.memory_space<vmem>>, vector<16000xf32>
    %add3A = arith.addf %get3A_3, %get3A_5 : vector<16000xf32>
    %add3A_6 = arith.constant 1.000000e+00 : f32
    %add3A_7 = vector.broadcast %add3A_6 : f32 to vector<16000xf32>
    %add3A_8 = arith.addf %add3A, %add3A_7 : vector<16000xf32>
    %rsqrt3A = math.rsqrt %add3A_8 : vector<16000xf32>
    %get3A_9 = arith.index_cast %mul3A_2 : i32 to index
    %get3A_10 = vector.load %arg1[%get3A_9] : memref<160000xf32, #tpu.memory_space<vmem>>, vector<16000xf32>
    %get3A_11 = arith.index_cast %mul3A_2 : i32 to index
    %get3A_12 = vector.load %arg2[%get3A_11] : memref<160000xf32, #tpu.memory_space<vmem>>, vector<16000xf32>
    %add3A_13 = arith.addf %get3A_10, %get3A_12 : vector<16000xf32>
    %mul3A_14 = arith.mulf %rsqrt3A, %add3A_13 : vector<16000xf32>
    %get3A_15 = arith.index_cast %mul3A_2 : i32 to index
    %get3A_16 = vector.load %arg5[%get3A_15] : memref<160000xf32, #tpu.memory_space<vmem>>, vector<16000xf32>
    %add3A_17 = arith.addf %mul3A_14, %get3A_16 : vector<16000xf32>
    %max3A = arith.constant 0.000000e+00 : f32
    %max3A_18 = vector.broadcast %max3A : f32 to vector<16000xf32>
    %max3A_19 = arith.maximumf %add3A_17, %max3A_18 : vector<16000xf32>
    %reshape3A = vector.shape_cast %max3A_19 : vector<16000xf32> to vector<1x16000xf32>
    %get3A_20 = arith.constant 0 : index
    %get3A_21 = arith.constant 0 : index
    %get3A_22 = vector.load %arg15[%get3A_20, %get3A_21] : memref<1x32xf32, #tpu.memory_space<vmem>>, vector<1x32xf32>
    %get3A_23 = arith.constant 0 : index
    %get3A_24 = arith.constant 0 : index
    %get3A_25 = vector.load %arg6[%get3A_23, %get3A_24] : memref<32x16000xf32, #tpu.memory_space<vmem>>, vector<32x16000xf32>
    %dot_general3A = arith.constant dense<0.000000e+00> : vector<1x32xf32>
    %dot_general3A_26 = tpu.matmul %reshape3A, %get3A_25, %dot_general3A {dimension_numbers = #tpu.dot_dimension_numbers<[1], [1], [0], [0], [0, 0, 1, 0], [], []>, transpose_lhs_hint = false} : vector<1x16000xf32>, vector<32x16000xf32>, vector<1x32xf32> -> vector<1x32xf32>
    %add3A_27 = arith.addf %get3A_22, %dot_general3A_26 : vector<1x32xf32>
    %swap3A = arith.constant 0 : index
    %swap3A_28 = arith.constant 0 : index
    %swap3A_29 = vector.load %arg15[%swap3A, %swap3A_28] : memref<1x32xf32, #tpu.memory_space<vmem>>, vector<1x32xf32>
    tpu.vector_store %arg15[%swap3A, %swap3A_28], %add3A_27 {strides = array<i32>} : memref<1x32xf32, #tpu.memory_space<vmem>>, vector<1x32xf32>,
    %get3A_30 = arith.constant 0 : index
    %get3A_31 = arith.constant 0 : index
    %get3A_32 = vector.load %arg16[%get3A_30, %get3A_31] : memref<1x16xf32, #tpu.memory_space<vmem>>, vector<1x16xf32>
    %get3A_33 = arith.constant 0 : index
    %get3A_34 = arith.constant 0 : index
    %get3A_35 = vector.load %arg7[%get3A_33, %get3A_34] : memref<16x16000xf32, #tpu.memory_space<vmem>>, vector<16x16000xf32>
    %dot_general3A_36 = arith.constant dense<0.000000e+00> : vector<1x16xf32>
    %dot_general3A_37 = tpu.matmul %reshape3A, %get3A_35, %dot_general3A_36 {dimension_numbers = #tpu.dot_dimension_numbers<[1], [1], [0], [0], [0, 0, 1, 0], [], []>, transpose_lhs_hint = false} : vector<1x16000xf32>, vector<16x16000xf32>, vector<1x16xf32> -> vector<1x16xf32>
    %add3A_38 = arith.addf %get3A_32, %dot_general3A_37 : vector<1x16xf32>
    %swap3A_39 = arith.constant 0 : index
    %swap3A_40 = arith.constant 0 : index
    %swap3A_41 = vector.load %arg16[%swap3A_39, %swap3A_40] : memref<1x16xf32, #tpu.memory_space<vmem>>, vector<1x16xf32>
    tpu.vector_store %arg16[%swap3A_39, %swap3A_40], %add3A_38 {strides = array<i32>} : memref<1x16xf32, #tpu.memory_space<vmem>>, vector<1x16xf32>,
    %eq3A_42 = arith.constant 9 : i32
    %eq3A_43 = arith.cmpi eq, %arg0, %eq3A_42 : i32
    %convert_element_type3A_44 = arith.extui %eq3A_43 : i1 to i32
    %cond3A_45 = arith.constant 0 : i32
    %cond3A_46 = arith.cmpi ne, %convert_element_type3A_44, %cond3A_45 : i32
    scf.if %cond3A_46 {
      %get3A_47 = arith.constant 0 : index
      %get3A_48 = arith.constant 0 : index
      %get3A_49 = vector.load %arg15[%get3A_47, %get3A_48] : memref<1x32xf32, #tpu.memory_space<vmem>>, vector<1x32xf32>
      %get3A_50 = arith.constant 0 : index
      %get3A_51 = arith.constant 0 : index
      %get3A_52 = vector.load %arg9[%get3A_50, %get3A_51] : memref<1x32xf32, #tpu.memory_space<vmem>>, vector<1x32xf32>
      %add3A_53 = arith.addf %get3A_49, %get3A_52 : vector<1x32xf32>
      %max3A_54 = arith.constant 0.000000e+00 : f32
      %max3A_55 = vector.broadcast %max3A_54 : f32 to vector<1x32xf32>
      %max3A_56 = arith.maximumf %add3A_53, %max3A_55 : vector<1x32xf32>
      %get3A_57 = arith.constant 0 : index
      %get3A_58 = arith.constant 0 : index
      %get3A_59 = vector.load %arg8[%get3A_57, %get3A_58] : memref<10000x32xf32, #tpu.memory_space<vmem>>, vector<10000x32xf32>
      %dot_general3A_60 = arith.constant dense<0.000000e+00> : vector<1x10000xf32>
      %dot_general3A_61 = tpu.matmul %max3A_56, %get3A_59, %dot_general3A_60 {dimension_numbers = #tpu.dot_dimension_numbers<[1], [1], [0], [0], [0, 0, 1, 0], [], []>, transpose_lhs_hint = false} : vector<1x32xf32>, vector<10000x32xf32>, vector<1x10000xf32> -> vector<1x10000xf32>
      %get3A_62 = arith.constant 0 : index
      %get3A_63 = arith.constant 0 : index
      %get3A_64 = vector.load %arg10[%get3A_62, %get3A_63] : memref<1x10000xf32, #tpu.memory_space<vmem>>, vector<1x10000xf32>
      %add3A_65 = arith.addf %dot_general3A_61, %get3A_64 : vector<1x10000xf32>
      %swap3A_66 = arith.constant 0 : index
      %swap3A_67 = arith.constant 0 : index
      %swap3A_68 = vector.load %arg13[%swap3A_66, %swap3A_67] : memref<1x10000xf32, #tpu.memory_space<vmem>>, vector<1x10000xf32>
      tpu.vector_store %arg13[%swap3A_66, %swap3A_67], %add3A_65 {strides = array<i32>} : memref<1x10000xf32, #tpu.memory_space<vmem>>, vector<1x10000xf32>,
      %get3A_69 = arith.constant 0 : index
      %get3A_70 = arith.constant 0 : index
      %get3A_71 = vector.load %arg16[%get3A_69, %get3A_70] : memref<1x16xf32, #tpu.memory_space<vmem>>, vector<1x16xf32>
      %get3A_72 = arith.constant 0 : index
      %get3A_73 = arith.constant 0 : index
      %get3A_74 = vector.load %arg12[%get3A_72, %get3A_73] : memref<1x16xf32, #tpu.memory_space<vmem>>, vector<1x16xf32>
      %add3A_75 = arith.addf %get3A_71, %get3A_74 : vector<1x16xf32>
      %max3A_76 = arith.constant 0.000000e+00 : f32
      %max3A_77 = vector.broadcast %max3A_76 : f32 to vector<1x16xf32>
      %max3A_78 = arith.maximumf %add3A_75, %max3A_77 : vector<1x16xf32>
      %get3A_79 = arith.constant 0 : index
      %get3A_80 = arith.constant 0 : index
      %get3A_81 = vector.load %arg11[%get3A_79, %get3A_80] : memref<1x16xf32, #tpu.memory_space<vmem>>, vector<1x16xf32>
      %mul3A_82 = arith.mulf %max3A_78, %get3A_81 : vector<1x16xf32>
      %reduce_sum3A = arith.constant dense<0.000000e+00> : vector<1xf32>
      %reduce_sum3A_83 = vector.multi_reduction <add>, %mul3A_82, %reduce_sum3A [1] : vector<1x16xf32> to vector<1xf32>
      %broadcast_in_dim3A = vector.shape_cast %reduce_sum3A_83 : vector<1xf32> to vector<1x1xf32>
      %swap3A_84 = arith.constant 0 : index
      %swap3A_85 = arith.constant 0 : index
      %swap3A_86 = vector.load %arg14[%swap3A_84, %swap3A_85] : memref<1x1xf32, #tpu.memory_space<vmem>>, vector<1x1xf32>
      tpu.vector_store %arg14[%swap3A_84, %swap3A_85], %broadcast_in_dim3A {strides = array<i32>} : memref<1x1xf32, #tpu.memory_space<vmem>>, vector<1x1xf32>,
    } else {
    }
    return
  }
  func.func @transform_0(%arg0: i32) -> i32 {
    %c0_i32 = arith.constant 0 : i32
    %c0_i32_0 = arith.constant 0 : i32
    return %c0_i32 : i32
  }
  func.func @transform_1(%arg0: i32) -> i32 {
    %c0_i32 = arith.constant 0 : i32
    %c0_i32_0 = arith.constant 0 : i32
    return %c0_i32 : i32
  }
  func.func @transform_2(%arg0: i32) -> i32 {
    %c0_i32 = arith.constant 0 : i32
    %c0_i32_0 = arith.constant 0 : i32
    return %c0_i32 : i32
  }
  func.func @transform_3(%arg0: i32) -> i32 {
    %c0_i32 = arith.constant 0 : i32
    %c0_i32_0 = arith.constant 0 : i32
    return %c0_i32 : i32
  }
  func.func @transform_4(%arg0: i32) -> i32 {
    %c0_i32 = arith.constant 0 : i32
    %c0_i32_0 = arith.constant 0 : i32
    return %c0_i32 : i32
  }
  func.func @transform_5(%arg0: i32) -> (i32, i32) {
    %c0_i32 = arith.constant 0 : i32
    %c0_i32_0 = arith.constant 0 : i32
    return %c0_i32, %arg0 : i32, i32
  }
  func.func @transform_6(%arg0: i32) -> (i32, i32) {
    %c0_i32 = arith.constant 0 : i32
    %c0_i32_0 = arith.constant 0 : i32
    return %c0_i32, %arg0 : i32, i32
  }
  func.func @transform_7(%arg0: i32) -> (i32, i32) {
    %c0_i32 = arith.constant 0 : i32
    %c0_i32_0 = arith.constant 0 : i32
    %c0_i32_1 = arith.constant 0 : i32
    return %c0_i32, %c0_i32_0 : i32, i32
  }
  func.func @transform_8(%arg0: i32) -> (i32, i32) {
    %c0_i32 = arith.constant 0 : i32
    %c0_i32_0 = arith.constant 0 : i32
    %c0_i32_1 = arith.constant 0 : i32
    return %c0_i32, %c0_i32_0 : i32, i32
  }
  func.func @transform_9(%arg0: i32) -> (i32, i32) {
    %c0_i32 = arith.constant 0 : i32
    %c0_i32_0 = arith.constant 0 : i32
    %c0_i32_1 = arith.constant 0 : i32
    return %c0_i32, %c0_i32_0 : i32, i32
  }
  func.func @transform_10(%arg0: i32) -> (i32, i32) {
    %c0_i32 = arith.constant 0 : i32
    %c0_i32_0 = arith.constant 0 : i32
    %c0_i32_1 = arith.constant 0 : i32
    return %c0_i32, %c0_i32_0 : i32, i32
  }
  func.func @transform_11(%arg0: i32) -> (i32, i32) {
    %c0_i32 = arith.constant 0 : i32
    %c0_i32_0 = arith.constant 0 : i32
    %c0_i32_1 = arith.constant 0 : i32
    return %c0_i32, %c0_i32_0 : i32, i32
  }
  func.func @transform_12(%arg0: i32) -> (i32, i32) {
    %c0_i32 = arith.constant 0 : i32
    %c0_i32_0 = arith.constant 0 : i32
    %c0_i32_1 = arith.constant 0 : i32
    return %c0_i32, %c0_i32_0 : i32, i32
  }
  func.func @transform_13(%arg0: i32) -> (i32, i32) {
    %c0_i32 = arith.constant 0 : i32
    %c0_i32_0 = arith.constant 0 : i32
    %c0_i32_1 = arith.constant 0 : i32
    return %c0_i32, %c0_i32_0 : i32, i32
  }
}

</mosaic_0001>

<sc_bundles>
// kernel: kernel.12.cloned.1.call-start
scs
__scs_entry_jumppad:
0x0: {  	(pc) =	sbr.rel $0x88, $3  }
0x1: {  	(tag) =	ssettag $0x0;
	lr =	simm.s32 $0x1  }
0x2: {  	[smem:$0x3F93] =	sst lr;
	_ =	strace $0xD0000000  }
0x3: {  	_ = 	snop  }
0x4: {  	_ = 	snop  }
0x5: {  	_ = 	snop  }
0x6: {  	_ = 	snop  }
0x7: {  	_ = 	snop  }
__scs_overlays_trampoline_lowered:
0x8: {  	[smem:$0x3FA2] =	sst s0  }
0x9: {  	[smem:$0x3FA3] =	sst s1  }
0xa: {  	[smem:$0x3FA4] =	sst s2  }
0xb: {  	[smem:$0x3FA5] =	sst s3  }
0xc: {  	[smem:$0x3FA6] =	sst s4  }
0xd: {  	[smem:$0x3FA7] =	sst s5  }
0xe: {  	[smem:$0x3FA8] =	sst s6  }
0xf: {  	[smem:$0x3FA9] =	sst s7  }
0x10: {  	[smem:$0x3FAA] =	sst s8  }
0x11: {  	[smem:$0x3FAB] =	sst s9;
	s0 =	simm.s32 @!p0 $0x0  }
0x12: {  	s1 =	sld [smem:$0x3F91];
	s0 =	simm.s32 @p0 $0x1  }
0x13: {  	[smem:$0x3FAC] =	sst s0;
	s0 =	simm.s32 @!p1 $0x0  }
0x14: {  	s2 =	sld [smem:$0x3F90];
	s0 =	simm.s32 @p1 $0x1  }
0x15: {  	[smem:$0x3FAD] =	sst s0;
	s0 =	simm.s32 @!p2 $0x0  }
0x16: {  	s3 =	sld [smem:$0x3FDB];
	s0 =	simm.s32 @p2 $0x1  }
0x17: {  	s4 =	simm.s32 $0x1BF5;
	[smem:$0x3FAF] =	sst s0  }
0x18: {  	s0 =	sld [smem:$0x3F92];
	_ =	swait.ge [sflag:s4], $0x0  }
0x19: {  	s7 =	sld [smem:$0x3F93]  }
0x1a: {  	s8 =	sadd.s32 $0xFFFFE003, lr  }
0x1b: {  	s9 =	sadd.s32 $0xFFFFFEF7, lr;
	s5 =	simm.s32 $0xFFFFFFFF;
	p2 =	slt.u32 s8, $0xFFFFF086  }
0x1c: {  	p1 =	slt.u32 s9, $0xF7A;
	s5 =	simm.s32 @!p2 $0x0  }
0x1d: {  	s5 =	simm.s32 @p1 $0x1;
	p0 =	seq.s32 s7, s2  }
0x1e: {  	s7 =	smul.u32 @!p0 $0xF7A, s2;
	p2 =	seq.s32 @!p0 s5, $0x0  }
0x1f: {  	s9 =	smul.u32 $0xF7A, s1;
	s8 =	simm.s32 @!p0 $0x1BF5;
	p2 =	por !p2, p0  }
0x20: {  	[sflag:s8] =	ssyncset.s32 @!p0 $0xFFFFF086;
	s6 =	sadd.s32 @!p0 s3, s7;
	s7 =	simm.s32 @!p0 $0x108  }
0x21: {  	s3 =	sadd.s32 s3, s9;
	s6 =	sadd.s32 @!p0 $0x88, s6;
	s7 =	simm.s32 @p2 $0x1082  }
0x22: {  	[simem:s7], [sflag:s8] =	dma.local @!p0 [hbm:s6], $0xF7A  }
0x23: {  	s9 =	sor.u32 $0xD0000000, s2;
	s6 =	simm.s32 $0x108;
	_ =	swait.ge @!p0 [sflag:s8], $0x0  }
0x24: {  	s3 =	sadd.s32 $0x88, s3;
	s6 =	simm.s32 @!p1 $0x1082;
	[sflag:s4] =	ssyncset.s32 $0xFFFFF086  }
0x25: {  	[simem:s6], [sflag:s4] =	dma.local [hbm:s3], $0xF7A  }
0x26: {  	[smem:$0x3F93] =	sst s1;
	(tag) =	ssettag s2;
	_ =	strace s9  }
0x27: {  	s1 =	sld [smem:$0x3FA3]  }
0x28: {  	s2 =	sld [smem:$0x3FA4]  }
0x29: {  	s4 =	sld [smem:$0x3FA6]  }
0x2a: {  	p0 =	seq.s32 s5, $0x0;
	s5 =	sld [smem:$0x3FA7]  }
0x2b: {  	s6 =	sld [smem:$0x3FA8]  }
0x2c: {  	s7 =	sld [smem:$0x3FA9]  }
0x2d: {  	s3 =	simm.s32 $0x108;
	s8 =	sld [smem:$0x3FAA]  }
0x2e: {  	s3 =	simm.s32 @!p0 $0x1082;
	s9 =	sld [smem:$0x3FAB]  }
0x2f: {  	lr =	sadd.s32 s0, s3;
	s0 =	sld [smem:$0x3FA2]  }
0x30: {  	s3 =	sld [smem:$0x3FA5]  }
0x31: {  	[smem:$0x3FAE] =	sst s10  }
0x32: {  	s10 =	sld [smem:$0x3FAC];
	_ =	sdelay $0x3  }
0x33: {  	p0 =	seq.s32 s10, $0x1;
	s10 =	sld [smem:$0x3FAE];
	_ =	sdelay $0x3  }
0x34: {  	[smem:$0x3FAE] =	sst s10  }
0x35: {  	s10 =	sld [smem:$0x3FAD];
	_ =	sdelay $0x3  }
0x36: {  	p1 =	seq.s32 s10, $0x1;
	s10 =	sld [smem:$0x3FAE];
	_ =	sdelay $0x3  }
0x37: {  	[smem:$0x3FAE] =	sst s10  }
0x38: {  	s10 =	sld [smem:$0x3FAF]  }
0x39: {  	_ = 	snop;
	(pc) =	sbr.ind lr, $3  }
0x3a: {  	_ = 	snop  }
0x3b: {  	_ = 	snop  }
0x3c: {  	p2 =	seq.s32 s10, $0x1;
	s10 =	sld [smem:$0x3FAE]  }
0x3d: {  	_ =	shalt  }
0x3e: {  	_ =	shalt  }
0x3f: {  	_ =	shalt  }
0x40: {  	_ =	shalt  }
0x41: {  	_ =	shalt  }
0x42: {  	_ =	shalt  }
0x43: {  	_ =	shalt  }
0x44: {  	_ =	shalt  }
0x45: {  	_ =	shalt  }
0x46: {  	_ =	shalt  }
0x47: {  	_ =	shalt  }
0x48: {  	_ =	shalt  }
0x49: {  	_ =	shalt  }
0x4a: {  	_ =	shalt  }
0x4b: {  	_ =	shalt  }
0x4c: {  	_ =	shalt  }
0x4d: {  	_ =	shalt  }
0x4e: {  	_ =	shalt  }
0x4f: {  	_ =	shalt  }
0x50: {  	_ =	shalt  }
0x51: {  	_ =	shalt  }
0x52: {  	_ =	shalt  }
0x53: {  	_ =	shalt  }
0x54: {  	_ =	shalt  }
0x55: {  	_ =	shalt  }
0x56: {  	_ =	shalt  }
0x57: {  	_ =	shalt  }
0x58: {  	_ =	shalt  }
0x59: {  	_ =	shalt  }
0x5a: {  	_ =	shalt  }
0x5b: {  	_ =	shalt  }
0x5c: {  	_ =	shalt  }
0x5d: {  	_ =	shalt  }
0x5e: {  	_ =	shalt  }
0x5f: {  	_ =	shalt  }
0x60: {  	_ =	shalt  }
0x61: {  	_ =	shalt  }
0x62: {  	_ =	shalt  }
0x63: {  	_ =	shalt  }
0x64: {  	_ =	shalt  }
0x65: {  	_ =	shalt  }
0x66: {  	_ =	shalt  }
0x67: {  	_ =	shalt  }
0x68: {  	_ =	shalt  }
0x69: {  	_ =	shalt  }
0x6a: {  	_ =	shalt  }
0x6b: {  	_ =	shalt  }
0x6c: {  	_ =	shalt  }
0x6d: {  	_ =	shalt  }
0x6e: {  	_ =	shalt  }
0x6f: {  	_ =	shalt  }
0x70: {  	_ =	shalt  }
0x71: {  	_ =	shalt  }
0x72: {  	_ =	shalt  }
0x73: {  	_ =	shalt  }
0x74: {  	_ =	shalt  }
0x75: {  	_ =	shalt  }
0x76: {  	_ =	shalt  }
0x77: {  	_ =	shalt  }
0x78: {  	_ =	shalt  }
0x79: {  	_ =	shalt  }
0x7a: {  	_ =	shalt  }
0x7b: {  	_ =	shalt  }
0x7c: {  	_ =	shalt  }
0x7d: {  	_ =	shalt  }
0x7e: {  	_ =	shalt  }
0x7f: {  	_ =	shalt  }
0x80: {  	_ =	shalt  }
0x81: {  	_ =	shalt  }
0x82: {  	_ =	shalt  }
0x83: {  	_ =	shalt  }
0x84: {  	_ =	shalt  }
0x85: {  	_ =	shalt  }
0x86: {  	_ =	shalt  }
0x87: {  	_ =	shalt  }
.Lfunc_end0:
.L_simem_size_0:
called_computation.1_lowered:
.L_overlay_start_0:
0x88: {  	s2 =	sld [smem:$0x3FD9]  }
0x89: {  	s3 =	sld [smem:$0x3FFE];
	_ =	sdelay $0x1  }
0x8a: {  	s1 =	srdreg.scid  }
0x8b: {  	s0 =	sand.u32 $0x1, s1  }
0x8c: {  	s16 =	sshll.u32 s0, $0xA;
	s2 =	sadd.s32 s3, s2  }
0x8d: {  	s2 =	sadd.s32 s2, s16  }
0x8e: {  	[smem:$0x3FBA] =	sst s2  }
0x8f: {  	_ = 	snop  }
0x90: {  	(tm) =	ssettm $0x1  }
0x91: {  	s17 =	sld [smem:$0x3FFB];
	_ =	sdelay $0x3  }
0x92: {  	_ =	strace s17  }
0x93: {  	s2 =	sld [smem:$0x3FFC];
	_ =	sdelay $0x3  }
0x94: {  	_ =	strace s2  }
0x95: {  	s2 =	sld [smem:$0x3FFD];
	_ =	sdelay $0x3  }
0x96: {  	_ =	strace s2  }
0x97: {  	_ =	strace $0x8FFFFFFF  }
0x98: {  	s18 =	sld [smem:$0x3FDB];
	_ =	sdelay $0x1  }
0x99: {  	s19 =	simm.s32 $_scs_section_size  }
0x9a: {  	s4 =	simm.s32 $_size__tile_overlayer_lowered;
	s5 =	simm.s32 $_tile_overlayer_lowered  }
0x9b: {  	s22 =	simm.s32 $0x1BFF;
	s21 =	sshll.u32 s5, $0x1;
	s2 =	sadd.s32 s19, s18  }
0x9c: {  	s6 =	simm.s32 $0x0;
	s20 =	sshll.u32 s4, $0x1;
	s4 =	sadd.s32 s21, s2  }
0x9d: {  	[timem:s6], [sflag:s22] =	dma.local [hbm:s4], s20  }
0x9e: {  	_ =	swait.ge [sflag:s22], s20  }
0x9f: {  	s3 =	ssub.s32 $0x0, s20;
	[sflag:s22] =	ssyncset.done $0x0  }
0xa0: {  	[sflag:s22] =	ssyncadd.s32 s3;
	_ =	sdelay $0x1  }
0xa1: {  	s23 =	simm.s32 $0x1B8B  }
0xa2: {  	_ =	swait.ge [sflag:s23], $0x1  }
0xa3: {  	[sflag:s23] =	ssyncset.done $0x0  }
0xa4: {  	s25 =	simm.s32 $0x1B8E;
	s24 =	sld [smem:$0x3FFE];
	[sflag:s23] =	ssyncadd.s32 $0xFFFFFFFF  }
0xa5: {  	s26 =	simm.s32 $execute0_lowered;
	[smem:$0x3FD2] =	sst s25  }
0xa6: {  	s4 =	sshll.u32 s26, $0x1;
	_ =	strace $0x80000049;
	[dreg:$0x1] =	wrdreg $0xFFFFFFFF  }
0xa7: {  	s28 =	simm.s32 $_size_execute0_lowered;
	s2 =	sadd.s32 s2, s4;
	[dreg:$0x0] =	wrdreg $0x0  }
0xa8: {  	s4 =	sshll.u32 s28, $0x1;
	[dreg:$0x2] =	wrdreg s2  }
0xa9: {  	[dreg:$0x3] =	wrdreg s4  }
0xaa: {  	[dreg:$0x4] =	wrdreg $0xC0  }
0xab: {  	_ =	task [dreg:s6], $0x5FFFF  }
0xac: {  	[dreg:$0x1] =	wrdreg $0xFFFFFFFF  }
0xad: {  	[dreg:$0x0] =	wrdreg $0x60  }
0xae: {  	[dreg:$0x2] =	wrdreg s24  }
0xaf: {  	[dreg:$0x3] =	wrdreg $0x148200  }
0xb0: {  	[dreg:$0x4] =	wrdreg $0x16F300  }
0xb1: {  	[dreg:$0x5] =	wrdreg $0x9  }
0xb2: {  	_ =	task.clear_ibuf [dreg:s6], $0x6FFFF;
	_ =	strace $0x90000049  }
0xb3: {  	s29 =	simm.s32 $0x9;
	_ =	strace $0x8000004B  }
0xb4: {  	_ =	swait.ge [sflag:s29], $0x1  }
0xb5: {  	[sflag:s29] =	ssyncadd.s32 $0xFFFFFFFF  }
0xb6: {  	_ =	strace $0x9000004B  }
0xb7: {  	_ =	sfence  }
0xb8: {  	s30 =	sld [smem:$0x0];
	_ =	sdelay $0x2  }
0xb9: {  	s31 =	sshll.u32 s1, $0xD;
	s1 =	sshrl.u32 s1, $0x2  }
0xba: {  	s3 =	sand.u32 $0x4000, s31;
	s1 =	sadd.s32 s1, s30  }
0xbb: {  	s0 =	sor.u32 s3, s0;
	s1 =	sshll.u32 s1, $0x11  }
0xbc: {  	s0 =	sor.u32 s1, s0  }
0xbd: {  	s0 =	sadd.s32 $0x8F2B, s0  }
0xbe: {  	[sflag:s0] =	ssyncadd.remote.s32 $0x1  }
0xbf: {  	_ =	sfence.sel $0xFFFF  }
0xc0: {  	[dreg:$0x0] =	wrdreg $0xFFFFFFFF;
	(pc) =	sbr.abs _section_cstart, $3  }
0xc1: {  	[dreg:$0x1] =	wrdreg $0xFFFFFFFF  }
0xc2: {  	_ =	task.clear_ibuf [dreg:s6], $0x2FFFF;
	_ =	strace $0x9FFFFFFF  }
0xc3: {  	(tm) =	ssettm $0x7FFFFFFF  }
tec
execute0_lowered:
.L_overlay_start_1:
0x0: {  	(tag) =	ssettag $0x1  }
0x1: {  	s1 =	rddreg [dreg:$0x0]  }
0x2: {  	s2 =	rddreg [dreg:$0x1]  }
0x3: {  	s26 =	stileid.u32;
	s4 =	rddreg [dreg:$0x2]  }
0x4: {  	s3 =	srdreg.scid;
	s28 =	rddreg [dreg:$0x3]  }
0x5: {  	s18 =	simm.s32 $0x0;
	s16 =	simm.s32 $0x7D0;
	s17 =	simm.s32 $0xBB8  }
0x6: {  	s25 =	simm.s32 $0x9;
	s19 =	simm.s32 $0xFA0;
	s24 =	simm.s32 $0x2710  }
0x7: {  	s20 =	simm.s32 $0x2AF8;
	s21 =	simm.s32 $0x1388;
	[smem:$0x7FF] =	sst s18  }
0x8: {  	s10 =	sand.u32 $0x1, s3;
	_ =	strace $0x8000004A;
	[dreg:$0xd] =	wrdreg s16  }
0x9: {  	s30 =	sshll.u32 s26, $0x1;
	s5 =	smul.u32 $0x2710, s26;
	[dreg:$0xe] =	wrdreg s17  }
0xa: {  	s7 =	smul.u32 $0x2700, s26;
	s22 =	sadd.s32 $0x24900, s2;
	[dreg:$0xf] =	wrdreg s19  }
0xb: {  	s15 =	sshll.u32 s26, $0x6;
	s3 =	sor.u32 s10, s30;
	[dreg:$0x10] =	wrdreg s20  }
0xc: {  	s9 =	ssub.s32 $0x2, s10;
	p0 =	seq.s32 s10, $0x0;
	[dreg:$0x11] =	wrdreg s21  }
0xd: {  	s30 =	simm.s32 $0x2EE0;
	s16 =	simm.s32 $0x1F40;
	s17 =	simm.s32 $0x2328  }
0xe: {  	s20 =	simm.s32 $0x3;
	s19 =	simm.s32 $0x4268;
	s21 =	simm.s32 $0x4  }
0xf: {  	s3 =	smul.u32 $0x2710, s3;
	s6 =	sshrl.u32 s5, $0x3;
	s8 =	sshrl.u32 s7, $0x3  }
0x10: {  	s11 =	sshrl.u32 s9, $0x1;
	s12 =	sadd.s32 s5, s2;
	[dreg:$0x12] =	wrdreg s30  }
0x11: {  	s5 =	sadd.s32 s5, s4;
	s14 =	sadd.s32 s7, s2;
	[dreg:$0x17] =	wrdreg s16  }
0x12: {  	s7 =	simm.s32 $0x4E20;
	s16 =	simm.s32 $0x3A98;
	[dreg:$0x19] =	wrdreg s17  }
0x13: {  	s17 =	simm.s32 $0x3E80;
	[dreg:$0x1b] =	wrdreg s19;
	s30 =	simm.s32 $0x4650  }
0x14: {  	s6 =	sadd.s32 s6, s1;
	s8 =	sadd.s32 s8, s1;
	[dreg:$0x18] =	wrdreg s16  }
0x15: {  	s9 =	ssub.s32 s9, s11;
	s13 =	sshrl.u32 s12, $0x3;
	[dreg:$0x1a] =	wrdreg s17  }
0x16: {  	s5 =	sshrl.u32 s5, $0x3;
	s12 =	simm.s32 $0x109A0;
	[dreg:$0x1c] =	wrdreg s30  }
0x17: {  	s16 =	simm.s32 $0x7;
	s3 =	sshrl.u32 s3, $0x3;
	[dreg:$0xb] =	wrdreg s13  }
0x18: {  	s11 =	sadd.s32 $0x18600, s6;
	s0 =	sadd.s32 $0x4F000, s8;
	[dreg:$0xc] =	wrdreg s5  }
0x19: {  	s23 =	sadd.s32 $0x1D600, s6;
	s6 =	sadd.s32 $0x54000, s8;
	[dreg:$0x6] =	wrdreg s0  }
0x1a: {  	s8 =	sadd.s32 $0x53920, s1;
	s5 =	simm.s32 $0x3E8;
	[dreg:$0x7] =	wrdreg s6  }
0x1b: {  	s13 =	simm.s32 $0x36B0;
	s3 =	sadd.s32 s3, s1;
	[dreg:$0x8] =	wrdreg s8  }
0x1c: {  	s1 =	sadd.s32 $0x58920, s1;
	s11 =	smov.u32 @p0 s23;
	p0 =	sne.s32 s26, $0xF  }
0x1d: {  	s6 =	simm.s32 $0x8CA0;
	s0 =	simm.s32 $0x32C8;
	[dreg:$0x16] =	wrdreg s13  }
0x1e: {  	s8 =	simm.s32 $0x5;
	s13 =	simm.s32 $0x2;
	[dreg:$0x9] =	wrdreg s1  }
0x1f: {  	s31 =	sadd.s32 $0x4C00, s3;
	s3 =	sadd.s32 $0xE840, s3;
	[dreg:$0xa] =	wrdreg s11  }
0x20: {  	s1 =	smax.u32 s9, $0x1;
	[dreg:$0x14] =	wrdreg s0;
	s9 =	simm.s32 $0x1B58  }
0x21: {  	s11 =	simm.s32 $0x1;
	p1 =	sne.s32 @p0 s10, $0x0;
	[dreg:$0x4] =	wrdreg s31  }
0x22: {  	p4 =	sne.s32 @!p0 s10, $0x0;
	[dreg:$0x5] =	wrdreg s3;
	s3 =	sor.u32 $0x1C09, s15  }
0x23: {  	s31 =	simm.s32 $0x1770;
	s15 =	simm.s32 $0xCB20;
	s29 =	sadd.s32 $0xFFFFFFFF, s1  }
0x24: {  	[dreg:$0x15] =	wrdreg s9;
	s9 =	simm.s32 $0x6;
	p5 =	sne.s32 s29, $0x0  }
.Ltmp0:
0x25: {  	p3 =	por !p1, !p0;
	p2 =	por p1, !p0;
	(pc) =	sbr.rel @!p5 .LBB2_1-.Ltmp0, $4  }
0x26: {  	p1 =	por !p4, p0;
	p0 =	por p4, p0;
	s1 =	rddreg [dreg:$0xa]  }
0x27: {  	p4 =	por $0x0, $0x0;
	[dreg:$0x13] =	wrdreg s31;
	s31 =	simm.s32 $0x4A38  }
0x28: {  	s19 =	sshrl.u32 @!p3 s14, $0x3;
	s17 =	sshrl.u32 @!p2 s14, $0x3;
	s14 =	sshrl.u32 @!p1 s22, $0x3  }
0x29: {  	s10 =	sshrl.u32 @!p0 s22, $0x3;
	s22 =	simm.s32 $0x8;
	[dreg:$0x1d] =	wrdreg s31  }
0x2a: {  	s26 =	rddreg [dreg:$0xb]  }
0x2b: {  	[spmem:s26], [sflag:s3] =	dma.local [hbm:s1], $0x4E2  }
0x2c: {  	_ =	swait.ge [sflag:s25], $0x4E2  }
0x2d: {  	[sflag:s25] =	ssyncset.done $0x0  }
0x2e: {  	s0 =	rddreg [dreg:$0xc];
	[sflag:s25] =	ssyncadd.s32 $0xFFFFFB1E  }
0x2f: {  	[spmem:s0], [sflag:s3] =	dma.local [hbm:s23], $0x4E2  }
0x30: {  	_ =	swait.ge [sflag:s25], $0x4E2  }
0x31: {  	[sflag:s25] =	ssyncset.done $0x0  }
0x32: {  	s26 =	rddreg [dreg:$0x4];
	[sflag:s25] =	ssyncadd.s32 $0xFFFFFB1E  }
0x33: {  	[tilespmem:s18], [sflag:$0x9] =	stream.linear.gather [hbm4b:s26+s18], $0x2710, $0x38;
	[tilespmem:$0x19640] =	vst v63  }
0x34: {  	_ =	swait.ge [sflag:s25], $0x2710  }
0x35: {  	[sflag:s25] =	ssyncset.done $0x0  }
0x36: {  	s0 =	rddreg [dreg:$0x5];
	[sflag:s25] =	ssyncadd.s32 $0xFFFFD8F0  }
0x37: {  	[tilespmem:s24], [sflag:$0x9] =	stream.linear.gather [hbm4b:s0+s18], $0x2710, $0x38;
	[tilespmem:$0x19640] =	vst v63  }
0x38: {  	_ =	swait.ge [sflag:s25], $0x2710  }
0x39: {  	[sflag:s25] =	ssyncset.done $0x0  }
0x3a: {  	[sflag:s25] =	ssyncadd.s32 $0xFFFFD8F0  }
0x3b: {  	[bflag:$0x0] =	sbarrier.arrive $0xFFFF  }
0x3c: {  	[tilespmem:s7], [sflag:$0x1] =	stream.indirect.gather [spmem:s4], $0x10, s18, s5, $0xb8;
	[tilespmem:$0x19640] =	vst v63  }
0x3d: {  	_ = 	snop  }
0x3e: {  	[tilespmem:s6], [sflag:$0x2] =	stream.indirect.gather [spmem:s4], $0x10, s5, s5, $0xb8;
	[tilespmem:$0x19640] =	vst v63  }
0x3f: {  	s26 =	rddreg [dreg:$0xd]  }
0x40: {  	[tilespmem:s15], [sflag:$0x3] =	stream.indirect.gather [spmem:s4], $0x10, s26, s5, $0xb8;
	[tilespmem:$0x19640] =	vst v63  }
0x41: {  	s0 =	rddreg [dreg:$0xe]  }
0x42: {  	[tilespmem:s12], [sflag:$0x4] =	stream.indirect.gather [spmem:s4], $0x10, s0, s5, $0xb8;
	[tilespmem:$0x19640] =	vst v63  }
0x43: {  	_ =	swait.ge [sflag:s11], $0x3E80  }
0x44: {  	[sflag:s11] =	ssyncset.done $0x0  }
0x45: {  	[sflag:s11] =	ssyncadd.s32 $0xFFFFC180  }
0x46: {  	[spmem:s2] =	stream.indirect.scatter.add.f32 [tilespmem:s7], [sflag:$0x5], $0x10, s24, s5, $0xb8;
	[tilespmem:$0x19640] =	vst v63  }
0x47: {  	_ =	swait.ge [sflag:s8], $0x3E80  }
0x48: {  	[sflag:s8] =	ssyncset.done $0x0  }
0x49: {  	s26 =	rddreg [dreg:$0xf];
	[sflag:s8] =	ssyncadd.s32 $0xFFFFC180  }
0x4a: {  	[tilespmem:s7], [sflag:$0x1] =	stream.indirect.gather [spmem:s4], $0x10, s26, s5, $0xb8;
	[tilespmem:$0x19640] =	vst v63  }
0x4b: {  	_ =	swait.ge [sflag:s13], $0x3E80  }
0x4c: {  	[sflag:s13] =	ssyncset.done $0x0  }
0x4d: {  	s0 =	rddreg [dreg:$0x10];
	[sflag:s13] =	ssyncadd.s32 $0xFFFFC180  }
0x4e: {  	[spmem:s2] =	stream.indirect.scatter.add.f32 [tilespmem:s6], [sflag:$0x6], $0x10, s0, s5, $0xb8;
	[tilespmem:$0x19640] =	vst v63  }
0x4f: {  	_ =	swait.ge [sflag:s9], $0x3E80  }
0x50: {  	[sflag:s9] =	ssyncset.done $0x0  }
0x51: {  	s26 =	rddreg [dreg:$0x11];
	[sflag:s9] =	ssyncadd.s32 $0xFFFFC180  }
0x52: {  	[tilespmem:s6], [sflag:$0x2] =	stream.indirect.gather [spmem:s4], $0x10, s26, s5, $0xb8;
	[tilespmem:$0x19640] =	vst v63  }
0x53: {  	_ =	swait.ge [sflag:s20], $0x3E80  }
0x54: {  	[sflag:s20] =	ssyncset.done $0x0  }
0x55: {  	s0 =	rddreg [dreg:$0x12];
	[sflag:s20] =	ssyncadd.s32 $0xFFFFC180  }
0x56: {  	[spmem:s2] =	stream.indirect.scatter.add.f32 [tilespmem:s15], [sflag:$0x7], $0x10, s0, s5, $0xb8;
	[tilespmem:$0x19640] =	vst v63  }
0x57: {  	_ =	swait.ge [sflag:s16], $0x3E80  }
0x58: {  	[sflag:s16] =	ssyncset.done $0x0  }
0x59: {  	s26 =	rddreg [dreg:$0x13];
	[sflag:s16] =	ssyncadd.s32 $0xFFFFC180  }
0x5a: {  	[tilespmem:s15], [sflag:$0x3] =	stream.indirect.gather [spmem:s4], $0x10, s26, s5, $0xb8;
	[tilespmem:$0x19640] =	vst v63  }
0x5b: {  	_ =	swait.ge [sflag:s21], $0x3E80  }
0x5c: {  	[sflag:s21] =	ssyncset.done $0x0  }
0x5d: {  	s0 =	rddreg [dreg:$0x14];
	[sflag:s21] =	ssyncadd.s32 $0xFFFFC180  }
0x5e: {  	[spmem:s2] =	stream.indirect.scatter.add.f32 [tilespmem:s12], [sflag:$0x8], $0x10, s0, s5, $0xb8;
	[tilespmem:$0x19640] =	vst v63  }
0x5f: {  	_ =	swait.ge [sflag:s22], $0x3E80  }
0x60: {  	[sflag:s22] =	ssyncset.done $0x0  }
0x61: {  	s26 =	rddreg [dreg:$0x15];
	[sflag:s22] =	ssyncadd.s32 $0xFFFFC180  }
0x62: {  	[tilespmem:s12], [sflag:$0x4] =	stream.indirect.gather [spmem:s4], $0x10, s26, s5, $0xb8;
	[tilespmem:$0x19640] =	vst v63  }
0x63: {  	_ =	swait.ge [sflag:s11], $0x3E80  }
0x64: {  	[sflag:s11] =	ssyncset.done $0x0  }
0x65: {  	s0 =	rddreg [dreg:$0x16];
	[sflag:s11] =	ssyncadd.s32 $0xFFFFC180  }
0x66: {  	[spmem:s2] =	stream.indirect.scatter.add.f32 [tilespmem:s7], [sflag:$0x5], $0x10, s0, s5, $0xb8;
	[tilespmem:$0x19640] =	vst v63  }
0x67: {  	_ =	swait.ge [sflag:s8], $0x3E80  }
0x68: {  	[sflag:s8] =	ssyncset.done $0x0  }
0x69: {  	s26 =	rddreg [dreg:$0x17];
	[sflag:s8] =	ssyncadd.s32 $0xFFFFC180  }
0x6a: {  	[tilespmem:s7], [sflag:$0x1] =	stream.indirect.gather [spmem:s4], $0x10, s26, s5, $0xb8;
	[tilespmem:$0x19640] =	vst v63  }
0x6b: {  	_ =	swait.ge [sflag:s13], $0x3E80  }
0x6c: {  	[sflag:s13] =	ssyncset.done $0x0  }
0x6d: {  	s0 =	rddreg [dreg:$0x18];
	[sflag:s13] =	ssyncadd.s32 $0xFFFFC180  }
0x6e: {  	[spmem:s2] =	stream.indirect.scatter.add.f32 [tilespmem:s6], [sflag:$0x6], $0x10, s0, s5, $0xb8;
	[tilespmem:$0x19640] =	vst v63  }
0x6f: {  	_ =	swait.ge [sflag:s9], $0x3E80  }
0x70: {  	[sflag:s9] =	ssyncset.done $0x0  }
0x71: {  	s26 =	rddreg [dreg:$0x19];
	[sflag:s9] =	ssyncadd.s32 $0xFFFFC180  }
0x72: {  	[tilespmem:s6], [sflag:$0x2] =	stream.indirect.gather [spmem:s4], $0x10, s26, s5, $0xb8;
	[tilespmem:$0x19640] =	vst v63  }
0x73: {  	_ =	swait.ge [sflag:s20], $0x3E80  }
0x74: {  	[sflag:s20] =	ssyncset.done $0x0  }
0x75: {  	s0 =	rddreg [dreg:$0x1a];
	[sflag:s20] =	ssyncadd.s32 $0xFFFFC180  }
0x76: {  	[spmem:s2] =	stream.indirect.scatter.add.f32 [tilespmem:s15], [sflag:$0x7], $0x10, s0, s5, $0xb8;
	[tilespmem:$0x19640] =	vst v63  }
0x77: {  	_ =	swait.ge [sflag:s21], $0x3E80  }
0x78: {  	[sflag:s21] =	ssyncset.done $0x0  }
0x79: {  	s26 =	rddreg [dreg:$0x1b];
	[sflag:s21] =	ssyncadd.s32 $0xFFFFC180  }
0x7a: {  	[spmem:s2] =	stream.indirect.scatter.add.f32 [tilespmem:s12], [sflag:$0x8], $0x10, s26, s5, $0xb8;
	[tilespmem:$0x19640] =	vst v63  }
0x7b: {  	_ =	swait.ge [sflag:s11], $0x3E80  }
0x7c: {  	[sflag:s11] =	ssyncset.done $0x0  }
0x7d: {  	s0 =	rddreg [dreg:$0x1c];
	[sflag:s11] =	ssyncadd.s32 $0xFFFFC180  }
0x7e: {  	[spmem:s2] =	stream.indirect.scatter.add.f32 [tilespmem:s7], [sflag:$0x5], $0x10, s0, s5, $0xb8;
	[tilespmem:$0x19640] =	vst v63  }
0x7f: {  	_ =	swait.ge [sflag:s13], $0x3E80  }
0x80: {  	[sflag:s13] =	ssyncset.done $0x0  }
0x81: {  	s26 =	rddreg [dreg:$0x1d];
	[sflag:s13] =	ssyncadd.s32 $0xFFFFC180  }
0x82: {  	[spmem:s2] =	stream.indirect.scatter.add.f32 [tilespmem:s6], [sflag:$0x6], $0x10, s26, s5, $0xb8;
	[tilespmem:$0x19640] =	vst v63  }
0x83: {  	_ =	swait.ge [sflag:s16], $0x3E80  }
0x84: {  	[sflag:s16] =	ssyncset.done $0x0  }
0x85: {  	[sflag:s16] =	ssyncadd.s32 $0xFFFFC180  }
0x86: {  	_ =	swait.ge [sflag:s22], $0x3E80  }
0x87: {  	[sflag:s22] =	ssyncset.done $0x0  }
0x88: {  	[sflag:s22] =	ssyncadd.s32 $0xFFFFC180  }
0x89: {  	_ =	swait.ge [sflag:s8], $0x3E80  }
0x8a: {  	[sflag:s8] =	ssyncset.done $0x0  }
0x8b: {  	[sflag:s8] =	ssyncadd.s32 $0xFFFFC180  }
0x8c: {  	_ =	swait.ge [sflag:s9], $0x3E80  }
0x8d: {  	[sflag:s9] =	ssyncset.done $0x0  }
0x8e: {  	[sflag:s9] =	ssyncadd.s32 $0xFFFFC180  }
0x8f: {  	[bflag:$0x0] =	sbarrier.arrive $0xFFFF  }
0x90: {  	s26 =	simm.s32 @!p3 $0x9;
	s1 =	rddreg [dreg:$0x6]  }
0x91: {  	[hbm:s1], [sflag:s3] =	dma.local @!p3 [spmem:s19], $0x4E0  }
0x92: {  	_ =	swait.ge @!p3 [sflag:s26], $0x4E0  }
0x93: {  	[sflag:s26] =	ssyncset.done @!p3 $0x0  }
0x94: {  	s28 =	simm.s32 @!p2 $0x9;
	s1 =	rddreg [dreg:$0x7];
	[sflag:s26] =	ssyncadd.s32 @!p3 $0xFFFFFB20  }
0x95: {  	[hbm:s1], [sflag:s3] =	dma.local @!p2 [spmem:s17], $0x4E0  }
0x96: {  	_ =	swait.ge @!p2 [sflag:s28], $0x4E0  }
0x97: {  	s30 =	simm.s32 @!p1 $0x9;
	[sflag:s28] =	ssyncset.done @!p2 $0x0  }
0x98: {  	s31 =	sadd.s32 $0xFFFFFFFF, s29;
	s1 =	rddreg [dreg:$0x8];
	[sflag:s28] =	ssyncadd.s32 @!p2 $0xFFFFFB20  }
0x99: {  	[hbm:s1], [sflag:s3] =	dma.local @!p1 [spmem:s14], $0x500  }
0x9a: {  	p5 =	sne.s32 s31, $0x0;
	_ =	swait.ge @!p1 [sflag:s30], $0x500  }
.Ltmp1:
0x9b: {  	[sflag:s30] =	ssyncset.done @!p1 $0x0;
	(pc) =	sbr.rel @!p5 .LBB2_3-.Ltmp1, $4  }
0x9c: {  	s29 =	simm.s32 @!p0 $0x9;
	s1 =	rddreg [dreg:$0x9];
	[sflag:s30] =	ssyncadd.s32 @!p1 $0xFFFFFB00  }
0x9d: {  	[hbm:s1], [sflag:s3] =	dma.local @!p0 [spmem:s10], $0x500  }
0x9e: {  	_ =	swait.ge @!p0 [sflag:s29], $0x500  }
0x9f: {  	p4 =	por $0x1, $0x1;
	s1 =	rddreg [dreg:$0xa];
	[sflag:s29] =	ssyncset.done @!p0 $0x0  }
.LBB2_4:
0xa0: {  	s0 =	rddreg [dreg:$0xb];
	[sflag:s29] =	ssyncadd.s32 @!p0 $0xFFFFFB00  }
0xa1: {  	[spmem:s0], [sflag:s3] =	dma.local [hbm:s1], $0x4E2  }
0xa2: {  	_ =	swait.ge [sflag:s25], $0x4E2  }
0xa3: {  	[sflag:s25] =	ssyncset.done $0x0  }
0xa4: {  	s1 =	rddreg [dreg:$0xc];
	[sflag:s25] =	ssyncadd.s32 $0xFFFFFB1E  }
0xa5: {  	[spmem:s1], [sflag:s3] =	dma.local [hbm:s23], $0x4E2  }
0xa6: {  	_ =	swait.ge [sflag:s25], $0x4E2  }
0xa7: {  	[sflag:s25] =	ssyncset.done $0x0  }
0xa8: {  	s1 =	rddreg [dreg:$0x4];
	[sflag:s25] =	ssyncadd.s32 $0xFFFFFB1E  }
0xa9: {  	[tilespmem:s18], [sflag:$0x9] =	stream.linear.gather [hbm4b:s1+s18], $0x2710, $0x38;
	[tilespmem:$0x19640] =	vst v63  }
0xaa: {  	_ =	swait.ge [sflag:s25], $0x2710  }
0xab: {  	[sflag:s25] =	ssyncset.done $0x0  }
0xac: {  	s1 =	rddreg [dreg:$0x5];
	[sflag:s25] =	ssyncadd.s32 $0xFFFFD8F0  }
0xad: {  	[tilespmem:s24], [sflag:$0x9] =	stream.linear.gather [hbm4b:s1+s18], $0x2710, $0x38;
	[tilespmem:$0x19640] =	vst v63  }
0xae: {  	_ =	swait.ge [sflag:s25], $0x2710  }
0xaf: {  	[sflag:s25] =	ssyncset.done $0x0  }
0xb0: {  	[sflag:s25] =	ssyncadd.s32 $0xFFFFD8F0  }
0xb1: {  	[bflag:$0x0] =	sbarrier.arrive $0xFFFF  }
0xb2: {  	[tilespmem:s7], [sflag:$0x1] =	stream.indirect.gather [spmem:s4], $0x10, s18, s5, $0xb8;
	[tilespmem:$0x19640] =	vst v63  }
0xb3: {  	_ = 	snop  }
0xb4: {  	[tilespmem:s6], [sflag:$0x2] =	stream.indirect.gather [spmem:s4], $0x10, s5, s5, $0xb8;
	[tilespmem:$0x19640] =	vst v63  }
0xb5: {  	s0 =	rddreg [dreg:$0xd]  }
0xb6: {  	[tilespmem:s15], [sflag:$0x3] =	stream.indirect.gather [spmem:s4], $0x10, s0, s5, $0xb8;
	[tilespmem:$0x19640] =	vst v63  }
0xb7: {  	s1 =	rddreg [dreg:$0xe]  }
0xb8: {  	[tilespmem:s12], [sflag:$0x4] =	stream.indirect.gather [spmem:s4], $0x10, s1, s5, $0xb8;
	[tilespmem:$0x19640] =	vst v63  }
0xb9: {  	_ =	swait.ge [sflag:s11], $0x3E80  }
0xba: {  	[sflag:s11] =	ssyncset.done $0x0  }
0xbb: {  	[sflag:s11] =	ssyncadd.s32 $0xFFFFC180  }
0xbc: {  	[spmem:s2] =	stream.indirect.scatter.add.f32 [tilespmem:s7], [sflag:$0x5], $0x10, s24, s5, $0xb8;
	[tilespmem:$0x19640] =	vst v63  }
0xbd: {  	_ =	swait.ge [sflag:s8], $0x3E80  }
0xbe: {  	[sflag:s8] =	ssyncset.done $0x0  }
0xbf: {  	s1 =	rddreg [dreg:$0xf];
	[sflag:s8] =	ssyncadd.s32 $0xFFFFC180  }
0xc0: {  	[tilespmem:s7], [sflag:$0x1] =	stream.indirect.gather [spmem:s4], $0x10, s1, s5, $0xb8;
	[tilespmem:$0x19640] =	vst v63  }
0xc1: {  	_ =	swait.ge [sflag:s13], $0x3E80  }
0xc2: {  	[sflag:s13] =	ssyncset.done $0x0  }
0xc3: {  	s1 =	rddreg [dreg:$0x10];
	[sflag:s13] =	ssyncadd.s32 $0xFFFFC180  }
0xc4: {  	[spmem:s2] =	stream.indirect.scatter.add.f32 [tilespmem:s6], [sflag:$0x6], $0x10, s1, s5, $0xb8;
	[tilespmem:$0x19640] =	vst v63  }
0xc5: {  	_ =	swait.ge [sflag:s9], $0x3E80  }
0xc6: {  	[sflag:s9] =	ssyncset.done $0x0  }
0xc7: {  	s1 =	rddreg [dreg:$0x11];
	[sflag:s9] =	ssyncadd.s32 $0xFFFFC180  }
0xc8: {  	[tilespmem:s6], [sflag:$0x2] =	stream.indirect.gather [spmem:s4], $0x10, s1, s5, $0xb8;
	[tilespmem:$0x19640] =	vst v63  }
0xc9: {  	_ =	swait.ge [sflag:s20], $0x3E80  }
0xca: {  	[sflag:s20] =	ssyncset.done $0x0  }
0xcb: {  	s1 =	rddreg [dreg:$0x12];
	[sflag:s20] =	ssyncadd.s32 $0xFFFFC180  }
0xcc: {  	[spmem:s2] =	stream.indirect.scatter.add.f32 [tilespmem:s15], [sflag:$0x7], $0x10, s1, s5, $0xb8;
	[tilespmem:$0x19640] =	vst v63  }
0xcd: {  	_ =	swait.ge [sflag:s16], $0x3E80  }
0xce: {  	[sflag:s16] =	ssyncset.done $0x0  }
0xcf: {  	s1 =	rddreg [dreg:$0x13];
	[sflag:s16] =	ssyncadd.s32 $0xFFFFC180  }
0xd0: {  	[tilespmem:s15], [sflag:$0x3] =	stream.indirect.gather [spmem:s4], $0x10, s1, s5, $0xb8;
	[tilespmem:$0x19640] =	vst v63  }
0xd1: {  	_ =	swait.ge [sflag:s21], $0x3E80  }
0xd2: {  	[sflag:s21] =	ssyncset.done $0x0  }
0xd3: {  	s1 =	rddreg [dreg:$0x14];
	[sflag:s21] =	ssyncadd.s32 $0xFFFFC180  }
0xd4: {  	[spmem:s2] =	stream.indirect.scatter.add.f32 [tilespmem:s12], [sflag:$0x8], $0x10, s1, s5, $0xb8;
	[tilespmem:$0x19640] =	vst v63  }
0xd5: {  	_ =	swait.ge [sflag:s22], $0x3E80  }
0xd6: {  	[sflag:s22] =	ssyncset.done $0x0  }
0xd7: {  	s1 =	rddreg [dreg:$0x15];
	[sflag:s22] =	ssyncadd.s32 $0xFFFFC180  }
0xd8: {  	[tilespmem:s12], [sflag:$0x4] =	stream.indirect.gather [spmem:s4], $0x10, s1, s5, $0xb8;
	[tilespmem:$0x19640] =	vst v63  }
0xd9: {  	_ =	swait.ge [sflag:s11], $0x3E80  }
0xda: {  	[sflag:s11] =	ssyncset.done $0x0  }
0xdb: {  	s1 =	rddreg [dreg:$0x16];
	[sflag:s11] =	ssyncadd.s32 $0xFFFFC180  }
0xdc: {  	[spmem:s2] =	stream.indirect.scatter.add.f32 [tilespmem:s7], [sflag:$0x5], $0x10, s1, s5, $0xb8;
	[tilespmem:$0x19640] =	vst v63  }
0xdd: {  	_ =	swait.ge [sflag:s8], $0x3E80  }
0xde: {  	[sflag:s8] =	ssyncset.done $0x0  }
0xdf: {  	s1 =	rddreg [dreg:$0x17];
	[sflag:s8] =	ssyncadd.s32 $0xFFFFC180  }
0xe0: {  	[tilespmem:s7], [sflag:$0x1] =	stream.indirect.gather [spmem:s4], $0x10, s1, s5, $0xb8;
	[tilespmem:$0x19640] =	vst v63  }
0xe1: {  	_ =	swait.ge [sflag:s13], $0x3E80  }
0xe2: {  	[sflag:s13] =	ssyncset.done $0x0  }
0xe3: {  	s1 =	rddreg [dreg:$0x18];
	[sflag:s13] =	ssyncadd.s32 $0xFFFFC180  }
0xe4: {  	[spmem:s2] =	stream.indirect.scatter.add.f32 [tilespmem:s6], [sflag:$0x6], $0x10, s1, s5, $0xb8;
	[tilespmem:$0x19640] =	vst v63  }
0xe5: {  	_ =	swait.ge [sflag:s9], $0x3E80  }
0xe6: {  	[sflag:s9] =	ssyncset.done $0x0  }
0xe7: {  	s1 =	rddreg [dreg:$0x19];
	[sflag:s9] =	ssyncadd.s32 $0xFFFFC180  }
0xe8: {  	[tilespmem:s6], [sflag:$0x2] =	stream.indirect.gather [spmem:s4], $0x10, s1, s5, $0xb8;
	[tilespmem:$0x19640] =	vst v63  }
0xe9: {  	_ =	swait.ge [sflag:s20], $0x3E80  }
0xea: {  	[sflag:s20] =	ssyncset.done $0x0  }
0xeb: {  	s1 =	rddreg [dreg:$0x1a];
	[sflag:s20] =	ssyncadd.s32 $0xFFFFC180  }
0xec: {  	[spmem:s2] =	stream.indirect.scatter.add.f32 [tilespmem:s15], [sflag:$0x7], $0x10, s1, s5, $0xb8;
	[tilespmem:$0x19640] =	vst v63  }
0xed: {  	_ =	swait.ge [sflag:s21], $0x3E80  }
0xee: {  	[sflag:s21] =	ssyncset.done $0x0  }
0xef: {  	s1 =	rddreg [dreg:$0x1b];
	[sflag:s21] =	ssyncadd.s32 $0xFFFFC180  }
0xf0: {  	[spmem:s2] =	stream.indirect.scatter.add.f32 [tilespmem:s12], [sflag:$0x8], $0x10, s1, s5, $0xb8;
	[tilespmem:$0x19640] =	vst v63  }
0xf1: {  	_ =	swait.ge [sflag:s11], $0x3E80  }
0xf2: {  	[sflag:s11] =	ssyncset.done $0x0  }
0xf3: {  	s1 =	rddreg [dreg:$0x1c];
	[sflag:s11] =	ssyncadd.s32 $0xFFFFC180  }
0xf4: {  	[spmem:s2] =	stream.indirect.scatter.add.f32 [tilespmem:s7], [sflag:$0x5], $0x10, s1, s5, $0xb8;
	[tilespmem:$0x19640] =	vst v63  }
0xf5: {  	_ =	swait.ge [sflag:s13], $0x3E80  }
0xf6: {  	[sflag:s13] =	ssyncset.done $0x0  }
0xf7: {  	s1 =	rddreg [dreg:$0x1d];
	[sflag:s13] =	ssyncadd.s32 $0xFFFFC180  }
0xf8: {  	[spmem:s2] =	stream.indirect.scatter.add.f32 [tilespmem:s6], [sflag:$0x6], $0x10, s1, s5, $0xb8;
	[tilespmem:$0x19640] =	vst v63  }
0xf9: {  	_ =	swait.ge [sflag:s16], $0x3E80  }
0xfa: {  	[sflag:s16] =	ssyncset.done $0x0  }
0xfb: {  	[sflag:s16] =	ssyncadd.s32 $0xFFFFC180  }
0xfc: {  	_ =	swait.ge [sflag:s22], $0x3E80  }
0xfd: {  	[sflag:s22] =	ssyncset.done $0x0  }
0xfe: {  	[sflag:s22] =	ssyncadd.s32 $0xFFFFC180  }
0xff: {  	_ =	swait.ge [sflag:s8], $0x3E80  }
0x100: {  	[sflag:s8] =	ssyncset.done $0x0  }
0x101: {  	[sflag:s8] =	ssyncadd.s32 $0xFFFFC180  }
0x102: {  	_ =	swait.ge [sflag:s9], $0x3E80  }
0x103: {  	[sflag:s9] =	ssyncset.done $0x0  }
0x104: {  	[sflag:s9] =	ssyncadd.s32 $0xFFFFC180  }
0x105: {  	[bflag:$0x0] =	sbarrier.arrive $0xFFFF  }
0x106: {  	s0 =	rddreg [dreg:$0x6]  }
0x107: {  	[hbm:s0], [sflag:s3] =	dma.local @!p3 [spmem:s19], $0x4E0  }
0x108: {  	_ =	swait.ge @!p3 [sflag:s26], $0x4E0  }
0x109: {  	[sflag:s26] =	ssyncset.done @!p3 $0x0  }
0x10a: {  	s0 =	rddreg [dreg:$0x7];
	[sflag:s26] =	ssyncadd.s32 @!p3 $0xFFFFFB20  }
0x10b: {  	[hbm:s0], [sflag:s3] =	dma.local @!p2 [spmem:s17], $0x4E0  }
0x10c: {  	_ =	swait.ge @!p2 [sflag:s28], $0x4E0  }
0x10d: {  	[sflag:s28] =	ssyncset.done @!p2 $0x0  }
0x10e: {  	s31 =	sadd.s32 $0xFFFFFFFF, s31;
	s0 =	rddreg [dreg:$0x8];
	[sflag:s28] =	ssyncadd.s32 @!p2 $0xFFFFFB20  }
0x10f: {  	[hbm:s0], [sflag:s3] =	dma.local @!p1 [spmem:s14], $0x500  }
0x110: {  	p5 =	sne.s32 s31, $0x0;
	_ =	swait.ge @!p1 [sflag:s30], $0x500  }
.Ltmp2:
0x111: {  	[sflag:s30] =	ssyncset.done @!p1 $0x0;
	(pc) =	sbr.rel @p5 .LBB2_4-.Ltmp2, $4  }
0x112: {  	s0 =	rddreg [dreg:$0x9];
	[sflag:s30] =	ssyncadd.s32 @!p1 $0xFFFFFB00  }
0x113: {  	[hbm:s0], [sflag:s3] =	dma.local @!p0 [spmem:s10], $0x500  }
0x114: {  	_ =	swait.ge @!p0 [sflag:s29], $0x500  }
0x115: {  	s1 =	rddreg [dreg:$0xa];
	[sflag:s29] =	ssyncset.done @!p0 $0x0  }
0x116: {  	s26 =	stileid.u32;
	s28 =	rddreg [dreg:$0x3]  }
.LBB2_6:
0x117: {  	p4 =	por p0, !p4  }
0x118: {  	s0 =	rddreg [dreg:$0xb];
	[sflag:s29] =	ssyncadd.s32 @!p4 $0xFFFFFB00  }
0x119: {  	[spmem:s0], [sflag:s3] =	dma.local [hbm:s1], $0x4E2  }
0x11a: {  	_ =	swait.ge [sflag:s25], $0x4E2  }
0x11b: {  	[sflag:s25] =	ssyncset.done $0x0  }
0x11c: {  	s1 =	rddreg [dreg:$0xc];
	[sflag:s25] =	ssyncadd.s32 $0xFFFFFB1E  }
0x11d: {  	[spmem:s1], [sflag:s3] =	dma.local [hbm:s23], $0x4E2  }
0x11e: {  	_ =	swait.ge [sflag:s25], $0x4E2  }
0x11f: {  	[sflag:s25] =	ssyncset.done $0x0  }
0x120: {  	s23 =	rddreg [dreg:$0x4];
	[sflag:s25] =	ssyncadd.s32 $0xFFFFFB1E  }
0x121: {  	[tilespmem:s18], [sflag:$0x9] =	stream.linear.gather [hbm4b:s23+s18], $0x2710, $0x38;
	[tilespmem:$0x19640] =	vst v63  }
0x122: {  	_ =	swait.ge [sflag:s25], $0x2710  }
0x123: {  	[sflag:s25] =	ssyncset.done $0x0  }
0x124: {  	s29 =	rddreg [dreg:$0x5];
	[sflag:s25] =	ssyncadd.s32 $0xFFFFD8F0  }
0x125: {  	[tilespmem:s24], [sflag:$0x9] =	stream.linear.gather [hbm4b:s29+s18], $0x2710, $0x38;
	[tilespmem:$0x19640] =	vst v63  }
0x126: {  	_ =	swait.ge [sflag:s25], $0x2710  }
0x127: {  	[sflag:s25] =	ssyncset.done $0x0  }
0x128: {  	[sflag:s25] =	ssyncadd.s32 $0xFFFFD8F0  }
0x129: {  	[bflag:$0x0] =	sbarrier.arrive $0xFFFF  }
0x12a: {  	[tilespmem:s7], [sflag:$0x1] =	stream.indirect.gather [spmem:s4], $0x10, s18, s5, $0xb8;
	[tilespmem:$0x19640] =	vst v63  }
0x12b: {  	_ = 	snop  }
0x12c: {  	[tilespmem:s6], [sflag:$0x2] =	stream.indirect.gather [spmem:s4], $0x10, s5, s5, $0xb8;
	[tilespmem:$0x19640] =	vst v63  }
0x12d: {  	s30 =	rddreg [dreg:$0xd]  }
0x12e: {  	[tilespmem:s15], [sflag:$0x3] =	stream.indirect.gather [spmem:s4], $0x10, s30, s5, $0xb8;
	[tilespmem:$0x19640] =	vst v63  }
0x12f: {  	s31 =	rddreg [dreg:$0xe]  }
0x130: {  	[tilespmem:s12], [sflag:$0x4] =	stream.indirect.gather [spmem:s4], $0x10, s31, s5, $0xb8;
	[tilespmem:$0x19640] =	vst v63  }
0x131: {  	_ =	swait.ge [sflag:s11], $0x3E80  }
0x132: {  	[sflag:s11] =	ssyncset.done $0x0  }
0x133: {  	[sflag:s11] =	ssyncadd.s32 $0xFFFFC180  }
0x134: {  	[spmem:s2] =	stream.indirect.scatter.add.f32 [tilespmem:s7], [sflag:$0x5], $0x10, s24, s5, $0xb8;
	[tilespmem:$0x19640] =	vst v63  }
0x135: {  	_ =	swait.ge [sflag:s8], $0x3E80  }
0x136: {  	[sflag:s8] =	ssyncset.done $0x0  }
0x137: {  	s18 =	rddreg [dreg:$0xf];
	[sflag:s8] =	ssyncadd.s32 $0xFFFFC180  }
0x138: {  	[tilespmem:s7], [sflag:$0x1] =	stream.indirect.gather [spmem:s4], $0x10, s18, s5, $0xb8;
	[tilespmem:$0x19640] =	vst v63  }
0x139: {  	_ =	swait.ge [sflag:s13], $0x3E80  }
0x13a: {  	[sflag:s13] =	ssyncset.done $0x0  }
0x13b: {  	s23 =	rddreg [dreg:$0x10];
	[sflag:s13] =	ssyncadd.s32 $0xFFFFC180  }
0x13c: {  	[spmem:s2] =	stream.indirect.scatter.add.f32 [tilespmem:s6], [sflag:$0x6], $0x10, s23, s5, $0xb8;
	[tilespmem:$0x19640] =	vst v63  }
0x13d: {  	_ =	swait.ge [sflag:s9], $0x3E80  }
0x13e: {  	[sflag:s9] =	ssyncset.done $0x0  }
0x13f: {  	s24 =	rddreg [dreg:$0x11];
	[sflag:s9] =	ssyncadd.s32 $0xFFFFC180  }
0x140: {  	[tilespmem:s6], [sflag:$0x2] =	stream.indirect.gather [spmem:s4], $0x10, s24, s5, $0xb8;
	[tilespmem:$0x19640] =	vst v63  }
0x141: {  	_ =	swait.ge [sflag:s20], $0x3E80  }
0x142: {  	[sflag:s20] =	ssyncset.done $0x0  }
0x143: {  	s25 =	rddreg [dreg:$0x12];
	[sflag:s20] =	ssyncadd.s32 $0xFFFFC180  }
0x144: {  	[spmem:s2] =	stream.indirect.scatter.add.f32 [tilespmem:s15], [sflag:$0x7], $0x10, s25, s5, $0xb8;
	[tilespmem:$0x19640] =	vst v63  }
0x145: {  	_ =	swait.ge [sflag:s16], $0x3E80  }
0x146: {  	[sflag:s16] =	ssyncset.done $0x0  }
0x147: {  	s29 =	rddreg [dreg:$0x13];
	[sflag:s16] =	ssyncadd.s32 $0xFFFFC180  }
0x148: {  	[tilespmem:s15], [sflag:$0x3] =	stream.indirect.gather [spmem:s4], $0x10, s29, s5, $0xb8;
	[tilespmem:$0x19640] =	vst v63  }
0x149: {  	_ =	swait.ge [sflag:s21], $0x3E80  }
0x14a: {  	[sflag:s21] =	ssyncset.done $0x0  }
0x14b: {  	s30 =	rddreg [dreg:$0x14];
	[sflag:s21] =	ssyncadd.s32 $0xFFFFC180  }
0x14c: {  	[spmem:s2] =	stream.indirect.scatter.add.f32 [tilespmem:s12], [sflag:$0x8], $0x10, s30, s5, $0xb8;
	[tilespmem:$0x19640] =	vst v63  }
0x14d: {  	_ =	swait.ge [sflag:s22], $0x3E80  }
0x14e: {  	[sflag:s22] =	ssyncset.done $0x0  }
0x14f: {  	s31 =	rddreg [dreg:$0x15];
	[sflag:s22] =	ssyncadd.s32 $0xFFFFC180  }
0x150: {  	[tilespmem:s12], [sflag:$0x4] =	stream.indirect.gather [spmem:s4], $0x10, s31, s5, $0xb8;
	[tilespmem:$0x19640] =	vst v63  }
0x151: {  	_ =	swait.ge [sflag:s11], $0x3E80  }
0x152: {  	[sflag:s11] =	ssyncset.done $0x0  }
0x153: {  	s1 =	rddreg [dreg:$0x16];
	[sflag:s11] =	ssyncadd.s32 $0xFFFFC180  }
0x154: {  	[spmem:s2] =	stream.indirect.scatter.add.f32 [tilespmem:s7], [sflag:$0x5], $0x10, s1, s5, $0xb8;
	[tilespmem:$0x19640] =	vst v63  }
0x155: {  	_ =	swait.ge [sflag:s8], $0x3E80  }
0x156: {  	[sflag:s8] =	ssyncset.done $0x0  }
0x157: {  	s18 =	rddreg [dreg:$0x17];
	[sflag:s8] =	ssyncadd.s32 $0xFFFFC180  }
0x158: {  	[tilespmem:s7], [sflag:$0x1] =	stream.indirect.gather [spmem:s4], $0x10, s18, s5, $0xb8;
	[tilespmem:$0x19640] =	vst v63  }
0x159: {  	_ =	swait.ge [sflag:s13], $0x3E80  }
0x15a: {  	[sflag:s13] =	ssyncset.done $0x0  }
0x15b: {  	s23 =	rddreg [dreg:$0x18];
	[sflag:s13] =	ssyncadd.s32 $0xFFFFC180  }
0x15c: {  	[spmem:s2] =	stream.indirect.scatter.add.f32 [tilespmem:s6], [sflag:$0x6], $0x10, s23, s5, $0xb8;
	[tilespmem:$0x19640] =	vst v63  }
0x15d: {  	_ =	swait.ge [sflag:s9], $0x3E80  }
0x15e: {  	[sflag:s9] =	ssyncset.done $0x0  }
0x15f: {  	s24 =	rddreg [dreg:$0x19];
	[sflag:s9] =	ssyncadd.s32 $0xFFFFC180  }
0x160: {  	[tilespmem:s6], [sflag:$0x2] =	stream.indirect.gather [spmem:s4], $0x10, s24, s5, $0xb8;
	[tilespmem:$0x19640] =	vst v63  }
0x161: {  	_ =	swait.ge [sflag:s20], $0x3E80  }
0x162: {  	[sflag:s20] =	ssyncset.done $0x0  }
0x163: {  	s25 =	rddreg [dreg:$0x1a];
	[sflag:s20] =	ssyncadd.s32 $0xFFFFC180  }
0x164: {  	[spmem:s2] =	stream.indirect.scatter.add.f32 [tilespmem:s15], [sflag:$0x7], $0x10, s25, s5, $0xb8;
	[tilespmem:$0x19640] =	vst v63  }
0x165: {  	_ =	swait.ge [sflag:s21], $0x3E80  }
0x166: {  	[sflag:s21] =	ssyncset.done $0x0  }
0x167: {  	s29 =	rddreg [dreg:$0x1b];
	[sflag:s21] =	ssyncadd.s32 $0xFFFFC180  }
0x168: {  	[spmem:s2] =	stream.indirect.scatter.add.f32 [tilespmem:s12], [sflag:$0x8], $0x10, s29, s5, $0xb8;
	[tilespmem:$0x19640] =	vst v63  }
0x169: {  	_ =	swait.ge [sflag:s11], $0x3E80  }
0x16a: {  	[sflag:s11] =	ssyncset.done $0x0  }
0x16b: {  	s30 =	rddreg [dreg:$0x1c];
	[sflag:s11] =	ssyncadd.s32 $0xFFFFC180  }
0x16c: {  	[spmem:s2] =	stream.indirect.scatter.add.f32 [tilespmem:s7], [sflag:$0x5], $0x10, s30, s5, $0xb8;
	[tilespmem:$0x19640] =	vst v63  }
0x16d: {  	_ =	swait.ge [sflag:s13], $0x3E80  }
0x16e: {  	[sflag:s13] =	ssyncset.done $0x0  }
0x16f: {  	s31 =	rddreg [dreg:$0x1d];
	[sflag:s13] =	ssyncadd.s32 $0xFFFFC180  }
0x170: {  	[spmem:s2] =	stream.indirect.scatter.add.f32 [tilespmem:s6], [sflag:$0x6], $0x10, s31, s5, $0xb8;
	[tilespmem:$0x19640] =	vst v63  }
0x171: {  	_ =	swait.ge [sflag:s16], $0x3E80  }
0x172: {  	[sflag:s16] =	ssyncset.done $0x0  }
0x173: {  	[sflag:s16] =	ssyncadd.s32 $0xFFFFC180  }
0x174: {  	_ =	swait.ge [sflag:s22], $0x3E80  }
0x175: {  	[sflag:s22] =	ssyncset.done $0x0  }
0x176: {  	[sflag:s22] =	ssyncadd.s32 $0xFFFFC180  }
0x177: {  	_ =	swait.ge [sflag:s8], $0x3E80  }
0x178: {  	[sflag:s8] =	ssyncset.done $0x0  }
0x179: {  	[sflag:s8] =	ssyncadd.s32 $0xFFFFC180  }
0x17a: {  	_ =	swait.ge [sflag:s9], $0x3E80  }
0x17b: {  	[sflag:s9] =	ssyncset.done $0x0  }
0x17c: {  	[sflag:s9] =	ssyncadd.s32 $0xFFFFC180  }
0x17d: {  	[bflag:$0x0] =	sbarrier.arrive $0xFFFF  }
0x17e: {  	s0 =	rddreg [dreg:$0x6]  }
0x17f: {  	[hbm:s0], [sflag:s3] =	dma.local @!p3 [spmem:s19], $0x4E0  }
0x180: {  	s0 =	simm.s32 @!p3 $0x9  }
0x181: {  	_ =	swait.ge @!p3 [sflag:s0], $0x4E0  }
0x182: {  	[sflag:s0] =	ssyncset.done @!p3 $0x0  }
0x183: {  	s1 =	rddreg [dreg:$0x7];
	[sflag:s0] =	ssyncadd.s32 @!p3 $0xFFFFFB20;
	s0 =	simm.s32 @!p2 $0x9  }
0x184: {  	[hbm:s1], [sflag:s3] =	dma.local @!p2 [spmem:s17], $0x4E0  }
0x185: {  	_ =	swait.ge @!p2 [sflag:s0], $0x4E0  }
0x186: {  	[sflag:s0] =	ssyncset.done @!p2 $0x0  }
0x187: {  	s1 =	rddreg [dreg:$0x8];
	[sflag:s0] =	ssyncadd.s32 @!p2 $0xFFFFFB20;
	s0 =	simm.s32 @!p1 $0x9  }
0x188: {  	[hbm:s1], [sflag:s3] =	dma.local @!p1 [spmem:s14], $0x500  }
0x189: {  	_ =	swait.ge @!p1 [sflag:s0], $0x500  }
0x18a: {  	[sflag:s0] =	ssyncset.done @!p1 $0x0  }
0x18b: {  	s1 =	rddreg [dreg:$0x9];
	[sflag:s0] =	ssyncadd.s32 @!p1 $0xFFFFFB00;
	s0 =	simm.s32 @!p0 $0x9  }
0x18c: {  	[hbm:s1], [sflag:s3] =	dma.local @!p0 [spmem:s10], $0x500  }
0x18d: {  	_ =	swait.ge @!p0 [sflag:s0], $0x500  }
0x18e: {  	[sflag:s0] =	ssyncset.done @!p0 $0x0  }
0x18f: {  	[sflag:s0] =	ssyncadd.s32 @!p0 $0xFFFFFB00  }
0x190: {  	_ =	sfence.sel $0x180000  }
0x191: {  	[bflag:$0x0] =	sbarrier.arrive $0xFFFF  }
0x192: {  	p0 =	sne.s32 s26, $0x0;
	_ =	strace $0x9000004A  }
0x193: {  	s0 =	sadd.s32 @!p0 $0x100000, s28;
	[bflag:$0x2] =	sbarrier.arrive $0xFFFF  }
0x194: {  	[sflag:s0] =	ssyncadd.tile.s32 @!p0 $0x1;
	_ =	shalt  }
.LBB2_1:
.Ltmp3:
0x195: {  	(pc) =	sbr.rel .LBB2_6-.Ltmp3, $2  }
0x196: {  	_ =	sdelay $0x2  }
0x197: {  	_ = 	snop  }
.LBB2_3:
.Ltmp4:
0x198: {  	(pc) =	sbr.rel .LBB2_6-.Ltmp4, $2  }
0x199: {  	_ =	sdelay $0x2  }
0x19a: {  	s26 =	stileid.u32;
	s28 =	rddreg [dreg:$0x3]  }
.Lfunc_end2:
_tile_overlayer_lowered:
.L_overlay_start_2:
0x19b: {  	(tag) =	ssettag $0x2  }
0x19c: {  	s0 =	rddreg [dreg:$0x0];
	s2 =	stileid.u32  }
0x19d: {  	s1 =	rddreg [dreg:$0x1];
	p0 =	sne.s32 s2, $0x0  }
0x19e: {  	s3 =	rddreg [dreg:$0x2];
	[bflag:$0x3] =	sbarrier.arrive $0xFFFF;
	s2 =	simm.s32 @!p0 $0x1C09  }
0x19f: {  	[timem:s3], [sflag:s2] =	dma.local @!p0 [hbm:s0], s1  }
0x1a0: {  	s0 =	simm.s32 @!p0 $0x9  }
0x1a1: {  	_ =	swait.ge @!p0 [sflag:s0], s1  }
0x1a2: {  	s1 =	ssub.s32 @!p0 $0x0, s1;
	[sflag:s0] =	ssyncset.done @!p0 $0x0  }
0x1a3: {  	[sflag:s0] =	ssyncadd.s32 @!p0 s1  }
0x1a4: {  	[bflag:$0x3] =	sbarrier.arrive $0xFFFF  }
0x1a5: {  	_ =	shalt  }

// kernel: kernel.15.cloned.1.call-start
scs
__scs_entry_jumppad:
0x0: {  	(pc) =	sbr.rel $0x88, $3  }
0x1: {  	(tag) =	ssettag $0x0;
	lr =	simm.s32 $0x1  }
0x2: {  	[smem:$0x3F93] =	sst lr;
	_ =	strace $0xD0000000  }
0x3: {  	_ = 	snop  }
0x4: {  	_ = 	snop  }
0x5: {  	_ = 	snop  }
0x6: {  	_ = 	snop  }
0x7: {  	_ = 	snop  }
__scs_overlays_trampoline_lowered:
0x8: {  	[smem:$0x3FA2] =	sst s0  }
0x9: {  	[smem:$0x3FA3] =	sst s1  }
0xa: {  	[smem:$0x3FA4] =	sst s2  }
0xb: {  	[smem:$0x3FA5] =	sst s3  }
0xc: {  	[smem:$0x3FA6] =	sst s4  }
0xd: {  	[smem:$0x3FA7] =	sst s5  }
0xe: {  	[smem:$0x3FA8] =	sst s6  }
0xf: {  	[smem:$0x3FA9] =	sst s7  }
0x10: {  	[smem:$0x3FAA] =	sst s8  }
0x11: {  	[smem:$0x3FAB] =	sst s9;
	s0 =	simm.s32 @!p0 $0x0  }
0x12: {  	s1 =	sld [smem:$0x3F91];
	s0 =	simm.s32 @p0 $0x1  }
0x13: {  	[smem:$0x3FAC] =	sst s0;
	s0 =	simm.s32 @!p1 $0x0  }
0x14: {  	s2 =	sld [smem:$0x3F90];
	s0 =	simm.s32 @p1 $0x1  }
0x15: {  	[smem:$0x3FAD] =	sst s0;
	s0 =	simm.s32 @!p2 $0x0  }
0x16: {  	s3 =	sld [smem:$0x3FDB];
	s0 =	simm.s32 @p2 $0x1  }
0x17: {  	s4 =	simm.s32 $0x1BF5;
	[smem:$0x3FAF] =	sst s0  }
0x18: {  	s0 =	sld [smem:$0x3F92];
	_ =	swait.ge [sflag:s4], $0x0  }
0x19: {  	s7 =	sld [smem:$0x3F93]  }
0x1a: {  	s8 =	sadd.s32 $0xFFFFE003, lr  }
0x1b: {  	s9 =	sadd.s32 $0xFFFFFEF7, lr;
	s5 =	simm.s32 $0xFFFFFFFF;
	p2 =	slt.u32 s8, $0xFFFFF086  }
0x1c: {  	p1 =	slt.u32 s9, $0xF7A;
	s5 =	simm.s32 @!p2 $0x0  }
0x1d: {  	s5 =	simm.s32 @p1 $0x1;
	p0 =	seq.s32 s7, s2  }
0x1e: {  	s7 =	smul.u32 @!p0 $0xF7A, s2;
	p2 =	seq.s32 @!p0 s5, $0x0  }
0x1f: {  	s9 =	smul.u32 $0xF7A, s1;
	s8 =	simm.s32 @!p0 $0x1BF5;
	p2 =	por !p2, p0  }
0x20: {  	[sflag:s8] =	ssyncset.s32 @!p0 $0xFFFFF086;
	s6 =	sadd.s32 @!p0 s3, s7;
	s7 =	simm.s32 @!p0 $0x108  }
0x21: {  	s3 =	sadd.s32 s3, s9;
	s6 =	sadd.s32 @!p0 $0x88, s6;
	s7 =	simm.s32 @p2 $0x1082  }
0x22: {  	[simem:s7], [sflag:s8] =	dma.local @!p0 [hbm:s6], $0xF7A  }
0x23: {  	s9 =	sor.u32 $0xD0000000, s2;
	s6 =	simm.s32 $0x108;
	_ =	swait.ge @!p0 [sflag:s8], $0x0  }
0x24: {  	s3 =	sadd.s32 $0x88, s3;
	s6 =	simm.s32 @!p1 $0x1082;
	[sflag:s4] =	ssyncset.s32 $0xFFFFF086  }
0x25: {  	[simem:s6], [sflag:s4] =	dma.local [hbm:s3], $0xF7A  }
0x26: {  	[smem:$0x3F93] =	sst s1;
	(tag) =	ssettag s2;
	_ =	strace s9  }
0x27: {  	s1 =	sld [smem:$0x3FA3]  }
0x28: {  	s2 =	sld [smem:$0x3FA4]  }
0x29: {  	s4 =	sld [smem:$0x3FA6]  }
0x2a: {  	p0 =	seq.s32 s5, $0x0;
	s5 =	sld [smem:$0x3FA7]  }
0x2b: {  	s6 =	sld [smem:$0x3FA8]  }
0x2c: {  	s7 =	sld [smem:$0x3FA9]  }
0x2d: {  	s3 =	simm.s32 $0x108;
	s8 =	sld [smem:$0x3FAA]  }
0x2e: {  	s3 =	simm.s32 @!p0 $0x1082;
	s9 =	sld [smem:$0x3FAB]  }
0x2f: {  	lr =	sadd.s32 s0, s3;
	s0 =	sld [smem:$0x3FA2]  }
0x30: {  	s3 =	sld [smem:$0x3FA5]  }
0x31: {  	[smem:$0x3FAE] =	sst s10  }
0x32: {  	s10 =	sld [smem:$0x3FAC];
	_ =	sdelay $0x3  }
0x33: {  	p0 =	seq.s32 s10, $0x1;
	s10 =	sld [smem:$0x3FAE];
	_ =	sdelay $0x3  }
0x34: {  	[smem:$0x3FAE] =	sst s10  }
0x35: {  	s10 =	sld [smem:$0x3FAD];
	_ =	sdelay $0x3  }
0x36: {  	p1 =	seq.s32 s10, $0x1;
	s10 =	sld [smem:$0x3FAE];
	_ =	sdelay $0x3  }
0x37: {  	[smem:$0x3FAE] =	sst s10  }
0x38: {  	s10 =	sld [smem:$0x3FAF]  }
0x39: {  	_ = 	snop;
	(pc) =	sbr.ind lr, $3  }
0x3a: {  	_ = 	snop  }
0x3b: {  	_ = 	snop  }
0x3c: {  	p2 =	seq.s32 s10, $0x1;
	s10 =	sld [smem:$0x3FAE]  }
0x3d: {  	_ =	shalt  }
0x3e: {  	_ =	shalt  }
0x3f: {  	_ =	shalt  }
0x40: {  	_ =	shalt  }
0x41: {  	_ =	shalt  }
0x42: {  	_ =	shalt  }
0x43: {  	_ =	shalt  }
0x44: {  	_ =	shalt  }
0x45: {  	_ =	shalt  }
0x46: {  	_ =	shalt  }
0x47: {  	_ =	shalt  }
0x48: {  	_ =	shalt  }
0x49: {  	_ =	shalt  }
0x4a: {  	_ =	shalt  }
0x4b: {  	_ =	shalt  }
0x4c: {  	_ =	shalt  }
0x4d: {  	_ =	shalt  }
0x4e: {  	_ =	shalt  }
0x4f: {  	_ =	shalt  }
0x50: {  	_ =	shalt  }
0x51: {  	_ =	shalt  }
0x52: {  	_ =	shalt  }
0x53: {  	_ =	shalt  }
0x54: {  	_ =	shalt  }
0x55: {  	_ =	shalt  }
0x56: {  	_ =	shalt  }
0x57: {  	_ =	shalt  }
0x58: {  	_ =	shalt  }
0x59: {  	_ =	shalt  }
0x5a: {  	_ =	shalt  }
0x5b: {  	_ =	shalt  }
0x5c: {  	_ =	shalt  }
0x5d: {  	_ =	shalt  }
0x5e: {  	_ =	shalt  }
0x5f: {  	_ =	shalt  }
0x60: {  	_ =	shalt  }
0x61: {  	_ =	shalt  }
0x62: {  	_ =	shalt  }
0x63: {  	_ =	shalt  }
0x64: {  	_ =	shalt  }
0x65: {  	_ =	shalt  }
0x66: {  	_ =	shalt  }
0x67: {  	_ =	shalt  }
0x68: {  	_ =	shalt  }
0x69: {  	_ =	shalt  }
0x6a: {  	_ =	shalt  }
0x6b: {  	_ =	shalt  }
0x6c: {  	_ =	shalt  }
0x6d: {  	_ =	shalt  }
0x6e: {  	_ =	shalt  }
0x6f: {  	_ =	shalt  }
0x70: {  	_ =	shalt  }
0x71: {  	_ =	shalt  }
0x72: {  	_ =	shalt  }
0x73: {  	_ =	shalt  }
0x74: {  	_ =	shalt  }
0x75: {  	_ =	shalt  }
0x76: {  	_ =	shalt  }
0x77: {  	_ =	shalt  }
0x78: {  	_ =	shalt  }
0x79: {  	_ =	shalt  }
0x7a: {  	_ =	shalt  }
0x7b: {  	_ =	shalt  }
0x7c: {  	_ =	shalt  }
0x7d: {  	_ =	shalt  }
0x7e: {  	_ =	shalt  }
0x7f: {  	_ =	shalt  }
0x80: {  	_ =	shalt  }
0x81: {  	_ =	shalt  }
0x82: {  	_ =	shalt  }
0x83: {  	_ =	shalt  }
0x84: {  	_ =	shalt  }
0x85: {  	_ =	shalt  }
0x86: {  	_ =	shalt  }
0x87: {  	_ =	shalt  }
.Lfunc_end0:
.L_simem_size_0:
called_computation.2_lowered:
.L_overlay_start_0:
0x88: {  	s2 =	sld [smem:$0x3FD9]  }
0x89: {  	s3 =	sld [smem:$0x3FFE];
	_ =	sdelay $0x1  }
0x8a: {  	s1 =	srdreg.scid  }
0x8b: {  	s0 =	sand.u32 $0x1, s1  }
0x8c: {  	s16 =	sshll.u32 s0, $0xA;
	s2 =	sadd.s32 s3, s2  }
0x8d: {  	s2 =	sadd.s32 s2, s16  }
0x8e: {  	[smem:$0x3FBA] =	sst s2  }
0x8f: {  	_ = 	snop  }
0x90: {  	(tm) =	ssettm $0x1  }
0x91: {  	s17 =	sld [smem:$0x3FFB];
	_ =	sdelay $0x3  }
0x92: {  	_ =	strace s17  }
0x93: {  	s2 =	sld [smem:$0x3FFC];
	_ =	sdelay $0x3  }
0x94: {  	_ =	strace s2  }
0x95: {  	s2 =	sld [smem:$0x3FFD];
	_ =	sdelay $0x3  }
0x96: {  	_ =	strace s2  }
0x97: {  	_ =	strace $0x8FFFFFFF  }
0x98: {  	s18 =	sld [smem:$0x3FDB];
	_ =	sdelay $0x1  }
0x99: {  	s19 =	simm.s32 $_scs_section_size  }
0x9a: {  	s4 =	simm.s32 $_size__tile_overlayer_lowered;
	s5 =	simm.s32 $_tile_overlayer_lowered  }
0x9b: {  	s22 =	simm.s32 $0x1BFF;
	s21 =	sshll.u32 s5, $0x1;
	s2 =	sadd.s32 s19, s18  }
0x9c: {  	s6 =	simm.s32 $0x0;
	s20 =	sshll.u32 s4, $0x1;
	s4 =	sadd.s32 s21, s2  }
0x9d: {  	[timem:s6], [sflag:s22] =	dma.local [hbm:s4], s20  }
0x9e: {  	_ =	swait.ge [sflag:s22], s20  }
0x9f: {  	s3 =	ssub.s32 $0x0, s20;
	[sflag:s22] =	ssyncset.done $0x0  }
0xa0: {  	[sflag:s22] =	ssyncadd.s32 s3;
	_ =	sdelay $0x1  }
0xa1: {  	s23 =	simm.s32 $0x1B8B  }
0xa2: {  	_ =	swait.ge [sflag:s23], $0x1  }
0xa3: {  	[sflag:s23] =	ssyncset.done $0x0  }
0xa4: {  	s25 =	simm.s32 $0x1B8E;
	s24 =	sld [smem:$0x3FFE];
	[sflag:s23] =	ssyncadd.s32 $0xFFFFFFFF  }
0xa5: {  	s26 =	simm.s32 $execute0_lowered;
	[smem:$0x3FD2] =	sst s25  }
0xa6: {  	s4 =	sshll.u32 s26, $0x1;
	_ =	strace $0x8000004C;
	[dreg:$0x1] =	wrdreg $0xFFFFFFFF  }
0xa7: {  	s28 =	simm.s32 $_size_execute0_lowered;
	s2 =	sadd.s32 s2, s4;
	[dreg:$0x0] =	wrdreg $0x0  }
0xa8: {  	s4 =	sshll.u32 s28, $0x1;
	[dreg:$0x2] =	wrdreg s2  }
0xa9: {  	[dreg:$0x3] =	wrdreg s4  }
0xaa: {  	[dreg:$0x4] =	wrdreg $0xC0  }
0xab: {  	_ =	task [dreg:s6], $0x5FFFF  }
0xac: {  	[dreg:$0x1] =	wrdreg $0xFFFFFFFF  }
0xad: {  	[dreg:$0x0] =	wrdreg $0x60  }
0xae: {  	[dreg:$0x2] =	wrdreg s24  }
0xaf: {  	[dreg:$0x3] =	wrdreg $0x148200  }
0xb0: {  	[dreg:$0x4] =	wrdreg $0x16F300  }
0xb1: {  	[dreg:$0x5] =	wrdreg $0x9  }
0xb2: {  	_ =	task.clear_ibuf [dreg:s6], $0x6FFFF;
	_ =	strace $0x9000004C  }
0xb3: {  	s29 =	simm.s32 $0x9;
	_ =	strace $0x8000004E  }
0xb4: {  	_ =	swait.ge [sflag:s29], $0x1  }
0xb5: {  	[sflag:s29] =	ssyncadd.s32 $0xFFFFFFFF  }
0xb6: {  	_ =	strace $0x9000004E  }
0xb7: {  	_ =	sfence  }
0xb8: {  	s30 =	sld [smem:$0x0];
	_ =	sdelay $0x2  }
0xb9: {  	s31 =	sshll.u32 s1, $0xD;
	s1 =	sshrl.u32 s1, $0x2  }
0xba: {  	s3 =	sand.u32 $0x4000, s31;
	s1 =	sadd.s32 s1, s30  }
0xbb: {  	s0 =	sor.u32 s3, s0;
	s1 =	sshll.u32 s1, $0x11  }
0xbc: {  	s0 =	sor.u32 s1, s0  }
0xbd: {  	s0 =	sadd.s32 $0x8F2B, s0  }
0xbe: {  	[sflag:s0] =	ssyncadd.remote.s32 $0x1  }
0xbf: {  	_ =	sfence.sel $0xFFFF  }
0xc0: {  	[dreg:$0x0] =	wrdreg $0xFFFFFFFF;
	(pc) =	sbr.abs _section_cstart, $3  }
0xc1: {  	[dreg:$0x1] =	wrdreg $0xFFFFFFFF  }
0xc2: {  	_ =	task.clear_ibuf [dreg:s6], $0x2FFFF;
	_ =	strace $0x9FFFFFFF  }
0xc3: {  	(tm) =	ssettm $0x7FFFFFFF  }
tec
execute0_lowered:
.L_overlay_start_1:
0x0: {  	(tag) =	ssettag $0x1  }
0x1: {  	s1 =	rddreg [dreg:$0x0]  }
0x2: {  	s2 =	rddreg [dreg:$0x1]  }
0x3: {  	s26 =	stileid.u32;
	s4 =	rddreg [dreg:$0x2]  }
0x4: {  	s3 =	srdreg.scid;
	s28 =	rddreg [dreg:$0x3]  }
0x5: {  	s18 =	simm.s32 $0x0;
	s16 =	simm.s32 $0x7D0;
	s17 =	simm.s32 $0xBB8  }
0x6: {  	s25 =	simm.s32 $0x9;
	s19 =	simm.s32 $0xFA0;
	s24 =	simm.s32 $0x2710  }
0x7: {  	s20 =	simm.s32 $0x2AF8;
	s21 =	simm.s32 $0x1388;
	[smem:$0x7FF] =	sst s18  }
0x8: {  	s10 =	sand.u32 $0x1, s3;
	_ =	strace $0x8000004D;
	[dreg:$0xd] =	wrdreg s16  }
0x9: {  	s30 =	sshll.u32 s26, $0x1;
	s5 =	smul.u32 $0x2710, s26;
	[dreg:$0xe] =	wrdreg s17  }
0xa: {  	s7 =	smul.u32 $0x2700, s26;
	s22 =	sadd.s32 $0x24900, s2;
	[dreg:$0xf] =	wrdreg s19  }
0xb: {  	s15 =	sshll.u32 s26, $0x6;
	s3 =	sor.u32 s10, s30;
	[dreg:$0x10] =	wrdreg s20  }
0xc: {  	s9 =	ssub.s32 $0x2, s10;
	p0 =	seq.s32 s10, $0x0;
	[dreg:$0x11] =	wrdreg s21  }
0xd: {  	s30 =	simm.s32 $0x2EE0;
	s16 =	simm.s32 $0x1F40;
	s17 =	simm.s32 $0x2328  }
0xe: {  	s20 =	simm.s32 $0x3;
	s19 =	simm.s32 $0x4268;
	s21 =	simm.s32 $0x4  }
0xf: {  	s3 =	smul.u32 $0x2710, s3;
	s6 =	sshrl.u32 s5, $0x3;
	s8 =	sshrl.u32 s7, $0x3  }
0x10: {  	s11 =	sshrl.u32 s9, $0x1;
	s12 =	sadd.s32 s5, s2;
	[dreg:$0x12] =	wrdreg s30  }
0x11: {  	s5 =	sadd.s32 s5, s4;
	s14 =	sadd.s32 s7, s2;
	[dreg:$0x17] =	wrdreg s16  }
0x12: {  	s7 =	simm.s32 $0x4E20;
	s16 =	simm.s32 $0x3A98;
	[dreg:$0x19] =	wrdreg s17  }
0x13: {  	s17 =	simm.s32 $0x3E80;
	[dreg:$0x1b] =	wrdreg s19;
	s30 =	simm.s32 $0x4650  }
0x14: {  	s6 =	sadd.s32 s6, s1;
	s8 =	sadd.s32 s8, s1;
	[dreg:$0x18] =	wrdreg s16  }
0x15: {  	s9 =	ssub.s32 s9, s11;
	s13 =	sshrl.u32 s12, $0x3;
	[dreg:$0x1a] =	wrdreg s17  }
0x16: {  	s5 =	sshrl.u32 s5, $0x3;
	s12 =	simm.s32 $0x109A0;
	[dreg:$0x1c] =	wrdreg s30  }
0x17: {  	s16 =	simm.s32 $0x7;
	s3 =	sshrl.u32 s3, $0x3;
	[dreg:$0xb] =	wrdreg s13  }
0x18: {  	s11 =	sadd.s32 $0x18600, s6;
	s0 =	sadd.s32 $0x2CE00, s8;
	[dreg:$0xc] =	wrdreg s5  }
0x19: {  	s23 =	sadd.s32 $0x1D600, s6;
	s6 =	sadd.s32 $0x27E00, s8;
	[dreg:$0x6] =	wrdreg s0  }
0x1a: {  	s8 =	sadd.s32 $0x31720, s1;
	s5 =	simm.s32 $0x3E8;
	[dreg:$0x7] =	wrdreg s6  }
0x1b: {  	s13 =	simm.s32 $0x36B0;
	s3 =	sadd.s32 s3, s1;
	[dreg:$0x8] =	wrdreg s8  }
0x1c: {  	s1 =	sadd.s32 $0x2C720, s1;
	s11 =	smov.u32 @p0 s23;
	p0 =	sne.s32 s26, $0xF  }
0x1d: {  	s6 =	simm.s32 $0x8CA0;
	s0 =	simm.s32 $0x32C8;
	[dreg:$0x16] =	wrdreg s13  }
0x1e: {  	s8 =	simm.s32 $0x5;
	s13 =	simm.s32 $0x2;
	[dreg:$0x9] =	wrdreg s1  }
0x1f: {  	s31 =	sadd.s32 $0x4C00, s3;
	s3 =	sadd.s32 $0xE840, s3;
	[dreg:$0xa] =	wrdreg s11  }
0x20: {  	s1 =	smax.u32 s9, $0x1;
	[dreg:$0x14] =	wrdreg s0;
	s9 =	simm.s32 $0x1B58  }
0x21: {  	s11 =	simm.s32 $0x1;
	p1 =	sne.s32 @p0 s10, $0x0;
	[dreg:$0x4] =	wrdreg s31  }
0x22: {  	p4 =	sne.s32 @!p0 s10, $0x0;
	[dreg:$0x5] =	wrdreg s3;
	s3 =	sor.u32 $0x1C09, s15  }
0x23: {  	s31 =	simm.s32 $0x1770;
	s15 =	simm.s32 $0xCB20;
	s29 =	sadd.s32 $0xFFFFFFFF, s1  }
0x24: {  	[dreg:$0x15] =	wrdreg s9;
	s9 =	simm.s32 $0x6;
	p5 =	sne.s32 s29, $0x0  }
.Ltmp0:
0x25: {  	p3 =	por !p1, !p0;
	p2 =	por p1, !p0;
	(pc) =	sbr.rel @!p5 .LBB2_1-.Ltmp0, $4  }
0x26: {  	p1 =	por !p4, p0;
	p0 =	por p4, p0;
	s1 =	rddreg [dreg:$0xa]  }
0x27: {  	p4 =	por $0x0, $0x0;
	[dreg:$0x13] =	wrdreg s31;
	s31 =	simm.s32 $0x4A38  }
0x28: {  	s19 =	sshrl.u32 @!p3 s14, $0x3;
	s17 =	sshrl.u32 @!p2 s14, $0x3;
	s14 =	sshrl.u32 @!p1 s22, $0x3  }
0x29: {  	s10 =	sshrl.u32 @!p0 s22, $0x3;
	s22 =	simm.s32 $0x8;
	[dreg:$0x1d] =	wrdreg s31  }
0x2a: {  	s26 =	rddreg [dreg:$0xb]  }
0x2b: {  	[spmem:s26], [sflag:s3] =	dma.local [hbm:s1], $0x4E2  }
0x2c: {  	_ =	swait.ge [sflag:s25], $0x4E2  }
0x2d: {  	[sflag:s25] =	ssyncset.done $0x0  }
0x2e: {  	s0 =	rddreg [dreg:$0xc];
	[sflag:s25] =	ssyncadd.s32 $0xFFFFFB1E  }
0x2f: {  	[spmem:s0], [sflag:s3] =	dma.local [hbm:s23], $0x4E2  }
0x30: {  	_ =	swait.ge [sflag:s25], $0x4E2  }
0x31: {  	[sflag:s25] =	ssyncset.done $0x0  }
0x32: {  	s26 =	rddreg [dreg:$0x4];
	[sflag:s25] =	ssyncadd.s32 $0xFFFFFB1E  }
0x33: {  	[tilespmem:s18], [sflag:$0x9] =	stream.linear.gather [hbm4b:s26+s18], $0x2710, $0x38;
	[tilespmem:$0x19640] =	vst v63  }
0x34: {  	_ =	swait.ge [sflag:s25], $0x2710  }
0x35: {  	[sflag:s25] =	ssyncset.done $0x0  }
0x36: {  	s0 =	rddreg [dreg:$0x5];
	[sflag:s25] =	ssyncadd.s32 $0xFFFFD8F0  }
0x37: {  	[tilespmem:s24], [sflag:$0x9] =	stream.linear.gather [hbm4b:s0+s18], $0x2710, $0x38;
	[tilespmem:$0x19640] =	vst v63  }
0x38: {  	_ =	swait.ge [sflag:s25], $0x2710  }
0x39: {  	[sflag:s25] =	ssyncset.done $0x0  }
0x3a: {  	[sflag:s25] =	ssyncadd.s32 $0xFFFFD8F0  }
0x3b: {  	[bflag:$0x0] =	sbarrier.arrive $0xFFFF  }
0x3c: {  	[tilespmem:s7], [sflag:$0x1] =	stream.indirect.gather [spmem:s4], $0x10, s18, s5, $0xb8;
	[tilespmem:$0x19640] =	vst v63  }
0x3d: {  	_ = 	snop  }
0x3e: {  	[tilespmem:s6], [sflag:$0x2] =	stream.indirect.gather [spmem:s4], $0x10, s5, s5, $0xb8;
	[tilespmem:$0x19640] =	vst v63  }
0x3f: {  	s26 =	rddreg [dreg:$0xd]  }
0x40: {  	[tilespmem:s15], [sflag:$0x3] =	stream.indirect.gather [spmem:s4], $0x10, s26, s5, $0xb8;
	[tilespmem:$0x19640] =	vst v63  }
0x41: {  	s0 =	rddreg [dreg:$0xe]  }
0x42: {  	[tilespmem:s12], [sflag:$0x4] =	stream.indirect.gather [spmem:s4], $0x10, s0, s5, $0xb8;
	[tilespmem:$0x19640] =	vst v63  }
0x43: {  	_ =	swait.ge [sflag:s11], $0x3E80  }
0x44: {  	[sflag:s11] =	ssyncset.done $0x0  }
0x45: {  	[sflag:s11] =	ssyncadd.s32 $0xFFFFC180  }
0x46: {  	[spmem:s2] =	stream.indirect.scatter.add.f32 [tilespmem:s7], [sflag:$0x5], $0x10, s24, s5, $0xb8;
	[tilespmem:$0x19640] =	vst v63  }
0x47: {  	_ =	swait.ge [sflag:s8], $0x3E80  }
0x48: {  	[sflag:s8] =	ssyncset.done $0x0  }
0x49: {  	s26 =	rddreg [dreg:$0xf];
	[sflag:s8] =	ssyncadd.s32 $0xFFFFC180  }
0x4a: {  	[tilespmem:s7], [sflag:$0x1] =	stream.indirect.gather [spmem:s4], $0x10, s26, s5, $0xb8;
	[tilespmem:$0x19640] =	vst v63  }
0x4b: {  	_ =	swait.ge [sflag:s13], $0x3E80  }
0x4c: {  	[sflag:s13] =	ssyncset.done $0x0  }
0x4d: {  	s0 =	rddreg [dreg:$0x10];
	[sflag:s13] =	ssyncadd.s32 $0xFFFFC180  }
0x4e: {  	[spmem:s2] =	stream.indirect.scatter.add.f32 [tilespmem:s6], [sflag:$0x6], $0x10, s0, s5, $0xb8;
	[tilespmem:$0x19640] =	vst v63  }
0x4f: {  	_ =	swait.ge [sflag:s9], $0x3E80  }
0x50: {  	[sflag:s9] =	ssyncset.done $0x0  }
0x51: {  	s26 =	rddreg [dreg:$0x11];
	[sflag:s9] =	ssyncadd.s32 $0xFFFFC180  }
0x52: {  	[tilespmem:s6], [sflag:$0x2] =	stream.indirect.gather [spmem:s4], $0x10, s26, s5, $0xb8;
	[tilespmem:$0x19640] =	vst v63  }
0x53: {  	_ =	swait.ge [sflag:s20], $0x3E80  }
0x54: {  	[sflag:s20] =	ssyncset.done $0x0  }
0x55: {  	s0 =	rddreg [dreg:$0x12];
	[sflag:s20] =	ssyncadd.s32 $0xFFFFC180  }
0x56: {  	[spmem:s2] =	stream.indirect.scatter.add.f32 [tilespmem:s15], [sflag:$0x7], $0x10, s0, s5, $0xb8;
	[tilespmem:$0x19640] =	vst v63  }
0x57: {  	_ =	swait.ge [sflag:s16], $0x3E80  }
0x58: {  	[sflag:s16] =	ssyncset.done $0x0  }
0x59: {  	s26 =	rddreg [dreg:$0x13];
	[sflag:s16] =	ssyncadd.s32 $0xFFFFC180  }
0x5a: {  	[tilespmem:s15], [sflag:$0x3] =	stream.indirect.gather [spmem:s4], $0x10, s26, s5, $0xb8;
	[tilespmem:$0x19640] =	vst v63  }
0x5b: {  	_ =	swait.ge [sflag:s21], $0x3E80  }
0x5c: {  	[sflag:s21] =	ssyncset.done $0x0  }
0x5d: {  	s0 =	rddreg [dreg:$0x14];
	[sflag:s21] =	ssyncadd.s32 $0xFFFFC180  }
0x5e: {  	[spmem:s2] =	stream.indirect.scatter.add.f32 [tilespmem:s12], [sflag:$0x8], $0x10, s0, s5, $0xb8;
	[tilespmem:$0x19640] =	vst v63  }
0x5f: {  	_ =	swait.ge [sflag:s22], $0x3E80  }
0x60: {  	[sflag:s22] =	ssyncset.done $0x0  }
0x61: {  	s26 =	rddreg [dreg:$0x15];
	[sflag:s22] =	ssyncadd.s32 $0xFFFFC180  }
0x62: {  	[tilespmem:s12], [sflag:$0x4] =	stream.indirect.gather [spmem:s4], $0x10, s26, s5, $0xb8;
	[tilespmem:$0x19640] =	vst v63  }
0x63: {  	_ =	swait.ge [sflag:s11], $0x3E80  }
0x64: {  	[sflag:s11] =	ssyncset.done $0x0  }
0x65: {  	s0 =	rddreg [dreg:$0x16];
	[sflag:s11] =	ssyncadd.s32 $0xFFFFC180  }
0x66: {  	[spmem:s2] =	stream.indirect.scatter.add.f32 [tilespmem:s7], [sflag:$0x5], $0x10, s0, s5, $0xb8;
	[tilespmem:$0x19640] =	vst v63  }
0x67: {  	_ =	swait.ge [sflag:s8], $0x3E80  }
0x68: {  	[sflag:s8] =	ssyncset.done $0x0  }
0x69: {  	s26 =	rddreg [dreg:$0x17];
	[sflag:s8] =	ssyncadd.s32 $0xFFFFC180  }
0x6a: {  	[tilespmem:s7], [sflag:$0x1] =	stream.indirect.gather [spmem:s4], $0x10, s26, s5, $0xb8;
	[tilespmem:$0x19640] =	vst v63  }
0x6b: {  	_ =	swait.ge [sflag:s13], $0x3E80  }
0x6c: {  	[sflag:s13] =	ssyncset.done $0x0  }
0x6d: {  	s0 =	rddreg [dreg:$0x18];
	[sflag:s13] =	ssyncadd.s32 $0xFFFFC180  }
0x6e: {  	[spmem:s2] =	stream.indirect.scatter.add.f32 [tilespmem:s6], [sflag:$0x6], $0x10, s0, s5, $0xb8;
	[tilespmem:$0x19640] =	vst v63  }
0x6f: {  	_ =	swait.ge [sflag:s9], $0x3E80  }
0x70: {  	[sflag:s9] =	ssyncset.done $0x0  }
0x71: {  	s26 =	rddreg [dreg:$0x19];
	[sflag:s9] =	ssyncadd.s32 $0xFFFFC180  }
0x72: {  	[tilespmem:s6], [sflag:$0x2] =	stream.indirect.gather [spmem:s4], $0x10, s26, s5, $0xb8;
	[tilespmem:$0x19640] =	vst v63  }
0x73: {  	_ =	swait.ge [sflag:s20], $0x3E80  }
0x74: {  	[sflag:s20] =	ssyncset.done $0x0  }
0x75: {  	s0 =	rddreg [dreg:$0x1a];
	[sflag:s20] =	ssyncadd.s32 $0xFFFFC180  }
0x76: {  	[spmem:s2] =	stream.indirect.scatter.add.f32 [tilespmem:s15], [sflag:$0x7], $0x10, s0, s5, $0xb8;
	[tilespmem:$0x19640] =	vst v63  }
0x77: {  	_ =	swait.ge [sflag:s21], $0x3E80  }
0x78: {  	[sflag:s21] =	ssyncset.done $0x0  }
0x79: {  	s26 =	rddreg [dreg:$0x1b];
	[sflag:s21] =	ssyncadd.s32 $0xFFFFC180  }
0x7a: {  	[spmem:s2] =	stream.indirect.scatter.add.f32 [tilespmem:s12], [sflag:$0x8], $0x10, s26, s5, $0xb8;
	[tilespmem:$0x19640] =	vst v63  }
0x7b: {  	_ =	swait.ge [sflag:s11], $0x3E80  }
0x7c: {  	[sflag:s11] =	ssyncset.done $0x0  }
0x7d: {  	s0 =	rddreg [dreg:$0x1c];
	[sflag:s11] =	ssyncadd.s32 $0xFFFFC180  }
0x7e: {  	[spmem:s2] =	stream.indirect.scatter.add.f32 [tilespmem:s7], [sflag:$0x5], $0x10, s0, s5, $0xb8;
	[tilespmem:$0x19640] =	vst v63  }
0x7f: {  	_ =	swait.ge [sflag:s13], $0x3E80  }
0x80: {  	[sflag:s13] =	ssyncset.done $0x0  }
0x81: {  	s26 =	rddreg [dreg:$0x1d];
	[sflag:s13] =	ssyncadd.s32 $0xFFFFC180  }
0x82: {  	[spmem:s2] =	stream.indirect.scatter.add.f32 [tilespmem:s6], [sflag:$0x6], $0x10, s26, s5, $0xb8;
	[tilespmem:$0x19640] =	vst v63  }
0x83: {  	_ =	swait.ge [sflag:s16], $0x3E80  }
0x84: {  	[sflag:s16] =	ssyncset.done $0x0  }
0x85: {  	[sflag:s16] =	ssyncadd.s32 $0xFFFFC180  }
0x86: {  	_ =	swait.ge [sflag:s22], $0x3E80  }
0x87: {  	[sflag:s22] =	ssyncset.done $0x0  }
0x88: {  	[sflag:s22] =	ssyncadd.s32 $0xFFFFC180  }
0x89: {  	_ =	swait.ge [sflag:s8], $0x3E80  }
0x8a: {  	[sflag:s8] =	ssyncset.done $0x0  }
0x8b: {  	[sflag:s8] =	ssyncadd.s32 $0xFFFFC180  }
0x8c: {  	_ =	swait.ge [sflag:s9], $0x3E80  }
0x8d: {  	[sflag:s9] =	ssyncset.done $0x0  }
0x8e: {  	[sflag:s9] =	ssyncadd.s32 $0xFFFFC180  }
0x8f: {  	[bflag:$0x0] =	sbarrier.arrive $0xFFFF  }
0x90: {  	s26 =	simm.s32 @!p3 $0x9;
	s1 =	rddreg [dreg:$0x6]  }
0x91: {  	[hbm:s1], [sflag:s3] =	dma.local @!p3 [spmem:s19], $0x4E0  }
0x92: {  	_ =	swait.ge @!p3 [sflag:s26], $0x4E0  }
0x93: {  	[sflag:s26] =	ssyncset.done @!p3 $0x0  }
0x94: {  	s28 =	simm.s32 @!p2 $0x9;
	s1 =	rddreg [dreg:$0x7];
	[sflag:s26] =	ssyncadd.s32 @!p3 $0xFFFFFB20  }
0x95: {  	[hbm:s1], [sflag:s3] =	dma.local @!p2 [spmem:s17], $0x4E0  }
0x96: {  	_ =	swait.ge @!p2 [sflag:s28], $0x4E0  }
0x97: {  	s30 =	simm.s32 @!p1 $0x9;
	[sflag:s28] =	ssyncset.done @!p2 $0x0  }
0x98: {  	s31 =	sadd.s32 $0xFFFFFFFF, s29;
	s1 =	rddreg [dreg:$0x8];
	[sflag:s28] =	ssyncadd.s32 @!p2 $0xFFFFFB20  }
0x99: {  	[hbm:s1], [sflag:s3] =	dma.local @!p1 [spmem:s14], $0x500  }
0x9a: {  	p5 =	sne.s32 s31, $0x0;
	_ =	swait.ge @!p1 [sflag:s30], $0x500  }
.Ltmp1:
0x9b: {  	[sflag:s30] =	ssyncset.done @!p1 $0x0;
	(pc) =	sbr.rel @!p5 .LBB2_3-.Ltmp1, $4  }
0x9c: {  	s29 =	simm.s32 @!p0 $0x9;
	s1 =	rddreg [dreg:$0x9];
	[sflag:s30] =	ssyncadd.s32 @!p1 $0xFFFFFB00  }
0x9d: {  	[hbm:s1], [sflag:s3] =	dma.local @!p0 [spmem:s10], $0x500  }
0x9e: {  	_ =	swait.ge @!p0 [sflag:s29], $0x500  }
0x9f: {  	p4 =	por $0x1, $0x1;
	s1 =	rddreg [dreg:$0xa];
	[sflag:s29] =	ssyncset.done @!p0 $0x0  }
.LBB2_4:
0xa0: {  	s0 =	rddreg [dreg:$0xb];
	[sflag:s29] =	ssyncadd.s32 @!p0 $0xFFFFFB00  }
0xa1: {  	[spmem:s0], [sflag:s3] =	dma.local [hbm:s1], $0x4E2  }
0xa2: {  	_ =	swait.ge [sflag:s25], $0x4E2  }
0xa3: {  	[sflag:s25] =	ssyncset.done $0x0  }
0xa4: {  	s1 =	rddreg [dreg:$0xc];
	[sflag:s25] =	ssyncadd.s32 $0xFFFFFB1E  }
0xa5: {  	[spmem:s1], [sflag:s3] =	dma.local [hbm:s23], $0x4E2  }
0xa6: {  	_ =	swait.ge [sflag:s25], $0x4E2  }
0xa7: {  	[sflag:s25] =	ssyncset.done $0x0  }
0xa8: {  	s1 =	rddreg [dreg:$0x4];
	[sflag:s25] =	ssyncadd.s32 $0xFFFFFB1E  }
0xa9: {  	[tilespmem:s18], [sflag:$0x9] =	stream.linear.gather [hbm4b:s1+s18], $0x2710, $0x38;
	[tilespmem:$0x19640] =	vst v63  }
0xaa: {  	_ =	swait.ge [sflag:s25], $0x2710  }
0xab: {  	[sflag:s25] =	ssyncset.done $0x0  }
0xac: {  	s1 =	rddreg [dreg:$0x5];
	[sflag:s25] =	ssyncadd.s32 $0xFFFFD8F0  }
0xad: {  	[tilespmem:s24], [sflag:$0x9] =	stream.linear.gather [hbm4b:s1+s18], $0x2710, $0x38;
	[tilespmem:$0x19640] =	vst v63  }
0xae: {  	_ =	swait.ge [sflag:s25], $0x2710  }
0xaf: {  	[sflag:s25] =	ssyncset.done $0x0  }
0xb0: {  	[sflag:s25] =	ssyncadd.s32 $0xFFFFD8F0  }
0xb1: {  	[bflag:$0x0] =	sbarrier.arrive $0xFFFF  }
0xb2: {  	[tilespmem:s7], [sflag:$0x1] =	stream.indirect.gather [spmem:s4], $0x10, s18, s5, $0xb8;
	[tilespmem:$0x19640] =	vst v63  }
0xb3: {  	_ = 	snop  }
0xb4: {  	[tilespmem:s6], [sflag:$0x2] =	stream.indirect.gather [spmem:s4], $0x10, s5, s5, $0xb8;
	[tilespmem:$0x19640] =	vst v63  }
0xb5: {  	s0 =	rddreg [dreg:$0xd]  }
0xb6: {  	[tilespmem:s15], [sflag:$0x3] =	stream.indirect.gather [spmem:s4], $0x10, s0, s5, $0xb8;
	[tilespmem:$0x19640] =	vst v63  }
0xb7: {  	s1 =	rddreg [dreg:$0xe]  }
0xb8: {  	[tilespmem:s12], [sflag:$0x4] =	stream.indirect.gather [spmem:s4], $0x10, s1, s5, $0xb8;
	[tilespmem:$0x19640] =	vst v63  }
0xb9: {  	_ =	swait.ge [sflag:s11], $0x3E80  }
0xba: {  	[sflag:s11] =	ssyncset.done $0x0  }
0xbb: {  	[sflag:s11] =	ssyncadd.s32 $0xFFFFC180  }
0xbc: {  	[spmem:s2] =	stream.indirect.scatter.add.f32 [tilespmem:s7], [sflag:$0x5], $0x10, s24, s5, $0xb8;
	[tilespmem:$0x19640] =	vst v63  }
0xbd: {  	_ =	swait.ge [sflag:s8], $0x3E80  }
0xbe: {  	[sflag:s8] =	ssyncset.done $0x0  }
0xbf: {  	s1 =	rddreg [dreg:$0xf];
	[sflag:s8] =	ssyncadd.s32 $0xFFFFC180  }
0xc0: {  	[tilespmem:s7], [sflag:$0x1] =	stream.indirect.gather [spmem:s4], $0x10, s1, s5, $0xb8;
	[tilespmem:$0x19640] =	vst v63  }
0xc1: {  	_ =	swait.ge [sflag:s13], $0x3E80  }
0xc2: {  	[sflag:s13] =	ssyncset.done $0x0  }
0xc3: {  	s1 =	rddreg [dreg:$0x10];
	[sflag:s13] =	ssyncadd.s32 $0xFFFFC180  }
0xc4: {  	[spmem:s2] =	stream.indirect.scatter.add.f32 [tilespmem:s6], [sflag:$0x6], $0x10, s1, s5, $0xb8;
	[tilespmem:$0x19640] =	vst v63  }
0xc5: {  	_ =	swait.ge [sflag:s9], $0x3E80  }
0xc6: {  	[sflag:s9] =	ssyncset.done $0x0  }
0xc7: {  	s1 =	rddreg [dreg:$0x11];
	[sflag:s9] =	ssyncadd.s32 $0xFFFFC180  }
0xc8: {  	[tilespmem:s6], [sflag:$0x2] =	stream.indirect.gather [spmem:s4], $0x10, s1, s5, $0xb8;
	[tilespmem:$0x19640] =	vst v63  }
0xc9: {  	_ =	swait.ge [sflag:s20], $0x3E80  }
0xca: {  	[sflag:s20] =	ssyncset.done $0x0  }
0xcb: {  	s1 =	rddreg [dreg:$0x12];
	[sflag:s20] =	ssyncadd.s32 $0xFFFFC180  }
0xcc: {  	[spmem:s2] =	stream.indirect.scatter.add.f32 [tilespmem:s15], [sflag:$0x7], $0x10, s1, s5, $0xb8;
	[tilespmem:$0x19640] =	vst v63  }
0xcd: {  	_ =	swait.ge [sflag:s16], $0x3E80  }
0xce: {  	[sflag:s16] =	ssyncset.done $0x0  }
0xcf: {  	s1 =	rddreg [dreg:$0x13];
	[sflag:s16] =	ssyncadd.s32 $0xFFFFC180  }
0xd0: {  	[tilespmem:s15], [sflag:$0x3] =	stream.indirect.gather [spmem:s4], $0x10, s1, s5, $0xb8;
	[tilespmem:$0x19640] =	vst v63  }
0xd1: {  	_ =	swait.ge [sflag:s21], $0x3E80  }
0xd2: {  	[sflag:s21] =	ssyncset.done $0x0  }
0xd3: {  	s1 =	rddreg [dreg:$0x14];
	[sflag:s21] =	ssyncadd.s32 $0xFFFFC180  }
0xd4: {  	[spmem:s2] =	stream.indirect.scatter.add.f32 [tilespmem:s12], [sflag:$0x8], $0x10, s1, s5, $0xb8;
	[tilespmem:$0x19640] =	vst v63  }
0xd5: {  	_ =	swait.ge [sflag:s22], $0x3E80  }
0xd6: {  	[sflag:s22] =	ssyncset.done $0x0  }
0xd7: {  	s1 =	rddreg [dreg:$0x15];
	[sflag:s22] =	ssyncadd.s32 $0xFFFFC180  }
0xd8: {  	[tilespmem:s12], [sflag:$0x4] =	stream.indirect.gather [spmem:s4], $0x10, s1, s5, $0xb8;
	[tilespmem:$0x19640] =	vst v63  }
0xd9: {  	_ =	swait.ge [sflag:s11], $0x3E80  }
0xda: {  	[sflag:s11] =	ssyncset.done $0x0  }
0xdb: {  	s1 =	rddreg [dreg:$0x16];
	[sflag:s11] =	ssyncadd.s32 $0xFFFFC180  }
0xdc: {  	[spmem:s2] =	stream.indirect.scatter.add.f32 [tilespmem:s7], [sflag:$0x5], $0x10, s1, s5, $0xb8;
	[tilespmem:$0x19640] =	vst v63  }
0xdd: {  	_ =	swait.ge [sflag:s8], $0x3E80  }
0xde: {  	[sflag:s8] =	ssyncset.done $0x0  }
0xdf: {  	s1 =	rddreg [dreg:$0x17];
	[sflag:s8] =	ssyncadd.s32 $0xFFFFC180  }
0xe0: {  	[tilespmem:s7], [sflag:$0x1] =	stream.indirect.gather [spmem:s4], $0x10, s1, s5, $0xb8;
	[tilespmem:$0x19640] =	vst v63  }
0xe1: {  	_ =	swait.ge [sflag:s13], $0x3E80  }
0xe2: {  	[sflag:s13] =	ssyncset.done $0x0  }
0xe3: {  	s1 =	rddreg [dreg:$0x18];
	[sflag:s13] =	ssyncadd.s32 $0xFFFFC180  }
0xe4: {  	[spmem:s2] =	stream.indirect.scatter.add.f32 [tilespmem:s6], [sflag:$0x6], $0x10, s1, s5, $0xb8;
	[tilespmem:$0x19640] =	vst v63  }
0xe5: {  	_ =	swait.ge [sflag:s9], $0x3E80  }
0xe6: {  	[sflag:s9] =	ssyncset.done $0x0  }
0xe7: {  	s1 =	rddreg [dreg:$0x19];
	[sflag:s9] =	ssyncadd.s32 $0xFFFFC180  }
0xe8: {  	[tilespmem:s6], [sflag:$0x2] =	stream.indirect.gather [spmem:s4], $0x10, s1, s5, $0xb8;
	[tilespmem:$0x19640] =	vst v63  }
0xe9: {  	_ =	swait.ge [sflag:s20], $0x3E80  }
0xea: {  	[sflag:s20] =	ssyncset.done $0x0  }
0xeb: {  	s1 =	rddreg [dreg:$0x1a];
	[sflag:s20] =	ssyncadd.s32 $0xFFFFC180  }
0xec: {  	[spmem:s2] =	stream.indirect.scatter.add.f32 [tilespmem:s15], [sflag:$0x7], $0x10, s1, s5, $0xb8;
	[tilespmem:$0x19640] =	vst v63  }
0xed: {  	_ =	swait.ge [sflag:s21], $0x3E80  }
0xee: {  	[sflag:s21] =	ssyncset.done $0x0  }
0xef: {  	s1 =	rddreg [dreg:$0x1b];
	[sflag:s21] =	ssyncadd.s32 $0xFFFFC180  }
0xf0: {  	[spmem:s2] =	stream.indirect.scatter.add.f32 [tilespmem:s12], [sflag:$0x8], $0x10, s1, s5, $0xb8;
	[tilespmem:$0x19640] =	vst v63  }
0xf1: {  	_ =	swait.ge [sflag:s11], $0x3E80  }
0xf2: {  	[sflag:s11] =	ssyncset.done $0x0  }
0xf3: {  	s1 =	rddreg [dreg:$0x1c];
	[sflag:s11] =	ssyncadd.s32 $0xFFFFC180  }
0xf4: {  	[spmem:s2] =	stream.indirect.scatter.add.f32 [tilespmem:s7], [sflag:$0x5], $0x10, s1, s5, $0xb8;
	[tilespmem:$0x19640] =	vst v63  }
0xf5: {  	_ =	swait.ge [sflag:s13], $0x3E80  }
0xf6: {  	[sflag:s13] =	ssyncset.done $0x0  }
0xf7: {  	s1 =	rddreg [dreg:$0x1d];
	[sflag:s13] =	ssyncadd.s32 $0xFFFFC180  }
0xf8: {  	[spmem:s2] =	stream.indirect.scatter.add.f32 [tilespmem:s6], [sflag:$0x6], $0x10, s1, s5, $0xb8;
	[tilespmem:$0x19640] =	vst v63  }
0xf9: {  	_ =	swait.ge [sflag:s16], $0x3E80  }
0xfa: {  	[sflag:s16] =	ssyncset.done $0x0  }
0xfb: {  	[sflag:s16] =	ssyncadd.s32 $0xFFFFC180  }
0xfc: {  	_ =	swait.ge [sflag:s22], $0x3E80  }
0xfd: {  	[sflag:s22] =	ssyncset.done $0x0  }
0xfe: {  	[sflag:s22] =	ssyncadd.s32 $0xFFFFC180  }
0xff: {  	_ =	swait.ge [sflag:s8], $0x3E80  }
0x100: {  	[sflag:s8] =	ssyncset.done $0x0  }
0x101: {  	[sflag:s8] =	ssyncadd.s32 $0xFFFFC180  }
0x102: {  	_ =	swait.ge [sflag:s9], $0x3E80  }
0x103: {  	[sflag:s9] =	ssyncset.done $0x0  }
0x104: {  	[sflag:s9] =	ssyncadd.s32 $0xFFFFC180  }
0x105: {  	[bflag:$0x0] =	sbarrier.arrive $0xFFFF  }
0x106: {  	s0 =	rddreg [dreg:$0x6]  }
0x107: {  	[hbm:s0], [sflag:s3] =	dma.local @!p3 [spmem:s19], $0x4E0  }
0x108: {  	_ =	swait.ge @!p3 [sflag:s26], $0x4E0  }
0x109: {  	[sflag:s26] =	ssyncset.done @!p3 $0x0  }
0x10a: {  	s0 =	rddreg [dreg:$0x7];
	[sflag:s26] =	ssyncadd.s32 @!p3 $0xFFFFFB20  }
0x10b: {  	[hbm:s0], [sflag:s3] =	dma.local @!p2 [spmem:s17], $0x4E0  }
0x10c: {  	_ =	swait.ge @!p2 [sflag:s28], $0x4E0  }
0x10d: {  	[sflag:s28] =	ssyncset.done @!p2 $0x0  }
0x10e: {  	s31 =	sadd.s32 $0xFFFFFFFF, s31;
	s0 =	rddreg [dreg:$0x8];
	[sflag:s28] =	ssyncadd.s32 @!p2 $0xFFFFFB20  }
0x10f: {  	[hbm:s0], [sflag:s3] =	dma.local @!p1 [spmem:s14], $0x500  }
0x110: {  	p5 =	sne.s32 s31, $0x0;
	_ =	swait.ge @!p1 [sflag:s30], $0x500  }
.Ltmp2:
0x111: {  	[sflag:s30] =	ssyncset.done @!p1 $0x0;
	(pc) =	sbr.rel @p5 .LBB2_4-.Ltmp2, $4  }
0x112: {  	s0 =	rddreg [dreg:$0x9];
	[sflag:s30] =	ssyncadd.s32 @!p1 $0xFFFFFB00  }
0x113: {  	[hbm:s0], [sflag:s3] =	dma.local @!p0 [spmem:s10], $0x500  }
0x114: {  	_ =	swait.ge @!p0 [sflag:s29], $0x500  }
0x115: {  	s1 =	rddreg [dreg:$0xa];
	[sflag:s29] =	ssyncset.done @!p0 $0x0  }
0x116: {  	s26 =	stileid.u32;
	s28 =	rddreg [dreg:$0x3]  }
.LBB2_6:
0x117: {  	p4 =	por p0, !p4  }
0x118: {  	s0 =	rddreg [dreg:$0xb];
	[sflag:s29] =	ssyncadd.s32 @!p4 $0xFFFFFB00  }
0x119: {  	[spmem:s0], [sflag:s3] =	dma.local [hbm:s1], $0x4E2  }
0x11a: {  	_ =	swait.ge [sflag:s25], $0x4E2  }
0x11b: {  	[sflag:s25] =	ssyncset.done $0x0  }
0x11c: {  	s1 =	rddreg [dreg:$0xc];
	[sflag:s25] =	ssyncadd.s32 $0xFFFFFB1E  }
0x11d: {  	[spmem:s1], [sflag:s3] =	dma.local [hbm:s23], $0x4E2  }
0x11e: {  	_ =	swait.ge [sflag:s25], $0x4E2  }
0x11f: {  	[sflag:s25] =	ssyncset.done $0x0  }
0x120: {  	s23 =	rddreg [dreg:$0x4];
	[sflag:s25] =	ssyncadd.s32 $0xFFFFFB1E  }
0x121: {  	[tilespmem:s18], [sflag:$0x9] =	stream.linear.gather [hbm4b:s23+s18], $0x2710, $0x38;
	[tilespmem:$0x19640] =	vst v63  }
0x122: {  	_ =	swait.ge [sflag:s25], $0x2710  }
0x123: {  	[sflag:s25] =	ssyncset.done $0x0  }
0x124: {  	s29 =	rddreg [dreg:$0x5];
	[sflag:s25] =	ssyncadd.s32 $0xFFFFD8F0  }
0x125: {  	[tilespmem:s24], [sflag:$0x9] =	stream.linear.gather [hbm4b:s29+s18], $0x2710, $0x38;
	[tilespmem:$0x19640] =	vst v63  }
0x126: {  	_ =	swait.ge [sflag:s25], $0x2710  }
0x127: {  	[sflag:s25] =	ssyncset.done $0x0  }
0x128: {  	[sflag:s25] =	ssyncadd.s32 $0xFFFFD8F0  }
0x129: {  	[bflag:$0x0] =	sbarrier.arrive $0xFFFF  }
0x12a: {  	[tilespmem:s7], [sflag:$0x1] =	stream.indirect.gather [spmem:s4], $0x10, s18, s5, $0xb8;
	[tilespmem:$0x19640] =	vst v63  }
0x12b: {  	_ = 	snop  }
0x12c: {  	[tilespmem:s6], [sflag:$0x2] =	stream.indirect.gather [spmem:s4], $0x10, s5, s5, $0xb8;
	[tilespmem:$0x19640] =	vst v63  }
0x12d: {  	s30 =	rddreg [dreg:$0xd]  }
0x12e: {  	[tilespmem:s15], [sflag:$0x3] =	stream.indirect.gather [spmem:s4], $0x10, s30, s5, $0xb8;
	[tilespmem:$0x19640] =	vst v63  }
0x12f: {  	s31 =	rddreg [dreg:$0xe]  }
0x130: {  	[tilespmem:s12], [sflag:$0x4] =	stream.indirect.gather [spmem:s4], $0x10, s31, s5, $0xb8;
	[tilespmem:$0x19640] =	vst v63  }
0x131: {  	_ =	swait.ge [sflag:s11], $0x3E80  }
0x132: {  	[sflag:s11] =	ssyncset.done $0x0  }
0x133: {  	[sflag:s11] =	ssyncadd.s32 $0xFFFFC180  }
0x134: {  	[spmem:s2] =	stream.indirect.scatter.add.f32 [tilespmem:s7], [sflag:$0x5], $0x10, s24, s5, $0xb8;
	[tilespmem:$0x19640] =	vst v63  }
0x135: {  	_ =	swait.ge [sflag:s8], $0x3E80  }
0x136: {  	[sflag:s8] =	ssyncset.done $0x0  }
0x137: {  	s18 =	rddreg [dreg:$0xf];
	[sflag:s8] =	ssyncadd.s32 $0xFFFFC180  }
0x138: {  	[tilespmem:s7], [sflag:$0x1] =	stream.indirect.gather [spmem:s4], $0x10, s18, s5, $0xb8;
	[tilespmem:$0x19640] =	vst v63  }
0x139: {  	_ =	swait.ge [sflag:s13], $0x3E80  }
0x13a: {  	[sflag:s13] =	ssyncset.done $0x0  }
0x13b: {  	s23 =	rddreg [dreg:$0x10];
	[sflag:s13] =	ssyncadd.s32 $0xFFFFC180  }
0x13c: {  	[spmem:s2] =	stream.indirect.scatter.add.f32 [tilespmem:s6], [sflag:$0x6], $0x10, s23, s5, $0xb8;
	[tilespmem:$0x19640] =	vst v63  }
0x13d: {  	_ =	swait.ge [sflag:s9], $0x3E80  }
0x13e: {  	[sflag:s9] =	ssyncset.done $0x0  }
0x13f: {  	s24 =	rddreg [dreg:$0x11];
	[sflag:s9] =	ssyncadd.s32 $0xFFFFC180  }
0x140: {  	[tilespmem:s6], [sflag:$0x2] =	stream.indirect.gather [spmem:s4], $0x10, s24, s5, $0xb8;
	[tilespmem:$0x19640] =	vst v63  }
0x141: {  	_ =	swait.ge [sflag:s20], $0x3E80  }
0x142: {  	[sflag:s20] =	ssyncset.done $0x0  }
0x143: {  	s25 =	rddreg [dreg:$0x12];
	[sflag:s20] =	ssyncadd.s32 $0xFFFFC180  }
0x144: {  	[spmem:s2] =	stream.indirect.scatter.add.f32 [tilespmem:s15], [sflag:$0x7], $0x10, s25, s5, $0xb8;
	[tilespmem:$0x19640] =	vst v63  }
0x145: {  	_ =	swait.ge [sflag:s16], $0x3E80  }
0x146: {  	[sflag:s16] =	ssyncset.done $0x0  }
0x147: {  	s29 =	rddreg [dreg:$0x13];
	[sflag:s16] =	ssyncadd.s32 $0xFFFFC180  }
0x148: {  	[tilespmem:s15], [sflag:$0x3] =	stream.indirect.gather [spmem:s4], $0x10, s29, s5, $0xb8;
	[tilespmem:$0x19640] =	vst v63  }
0x149: {  	_ =	swait.ge [sflag:s21], $0x3E80  }
0x14a: {  	[sflag:s21] =	ssyncset.done $0x0  }
0x14b: {  	s30 =	rddreg [dreg:$0x14];
	[sflag:s21] =	ssyncadd.s32 $0xFFFFC180  }
0x14c: {  	[spmem:s2] =	stream.indirect.scatter.add.f32 [tilespmem:s12], [sflag:$0x8], $0x10, s30, s5, $0xb8;
	[tilespmem:$0x19640] =	vst v63  }
0x14d: {  	_ =	swait.ge [sflag:s22], $0x3E80  }
0x14e: {  	[sflag:s22] =	ssyncset.done $0x0  }
0x14f: {  	s31 =	rddreg [dreg:$0x15];
	[sflag:s22] =	ssyncadd.s32 $0xFFFFC180  }
0x150: {  	[tilespmem:s12], [sflag:$0x4] =	stream.indirect.gather [spmem:s4], $0x10, s31, s5, $0xb8;
	[tilespmem:$0x19640] =	vst v63  }
0x151: {  	_ =	swait.ge [sflag:s11], $0x3E80  }
0x152: {  	[sflag:s11] =	ssyncset.done $0x0  }
0x153: {  	s1 =	rddreg [dreg:$0x16];
	[sflag:s11] =	ssyncadd.s32 $0xFFFFC180  }
0x154: {  	[spmem:s2] =	stream.indirect.scatter.add.f32 [tilespmem:s7], [sflag:$0x5], $0x10, s1, s5, $0xb8;
	[tilespmem:$0x19640] =	vst v63  }
0x155: {  	_ =	swait.ge [sflag:s8], $0x3E80  }
0x156: {  	[sflag:s8] =	ssyncset.done $0x0  }
0x157: {  	s18 =	rddreg [dreg:$0x17];
	[sflag:s8] =	ssyncadd.s32 $0xFFFFC180  }
0x158: {  	[tilespmem:s7], [sflag:$0x1] =	stream.indirect.gather [spmem:s4], $0x10, s18, s5, $0xb8;
	[tilespmem:$0x19640] =	vst v63  }
0x159: {  	_ =	swait.ge [sflag:s13], $0x3E80  }
0x15a: {  	[sflag:s13] =	ssyncset.done $0x0  }
0x15b: {  	s23 =	rddreg [dreg:$0x18];
	[sflag:s13] =	ssyncadd.s32 $0xFFFFC180  }
0x15c: {  	[spmem:s2] =	stream.indirect.scatter.add.f32 [tilespmem:s6], [sflag:$0x6], $0x10, s23, s5, $0xb8;
	[tilespmem:$0x19640] =	vst v63  }
0x15d: {  	_ =	swait.ge [sflag:s9], $0x3E80  }
0x15e: {  	[sflag:s9] =	ssyncset.done $0x0  }
0x15f: {  	s24 =	rddreg [dreg:$0x19];
	[sflag:s9] =	ssyncadd.s32 $0xFFFFC180  }
0x160: {  	[tilespmem:s6], [sflag:$0x2] =	stream.indirect.gather [spmem:s4], $0x10, s24, s5, $0xb8;
	[tilespmem:$0x19640] =	vst v63  }
0x161: {  	_ =	swait.ge [sflag:s20], $0x3E80  }
0x162: {  	[sflag:s20] =	ssyncset.done $0x0  }
0x163: {  	s25 =	rddreg [dreg:$0x1a];
	[sflag:s20] =	ssyncadd.s32 $0xFFFFC180  }
0x164: {  	[spmem:s2] =	stream.indirect.scatter.add.f32 [tilespmem:s15], [sflag:$0x7], $0x10, s25, s5, $0xb8;
	[tilespmem:$0x19640] =	vst v63  }
0x165: {  	_ =	swait.ge [sflag:s21], $0x3E80  }
0x166: {  	[sflag:s21] =	ssyncset.done $0x0  }
0x167: {  	s29 =	rddreg [dreg:$0x1b];
	[sflag:s21] =	ssyncadd.s32 $0xFFFFC180  }
0x168: {  	[spmem:s2] =	stream.indirect.scatter.add.f32 [tilespmem:s12], [sflag:$0x8], $0x10, s29, s5, $0xb8;
	[tilespmem:$0x19640] =	vst v63  }
0x169: {  	_ =	swait.ge [sflag:s11], $0x3E80  }
0x16a: {  	[sflag:s11] =	ssyncset.done $0x0  }
0x16b: {  	s30 =	rddreg [dreg:$0x1c];
	[sflag:s11] =	ssyncadd.s32 $0xFFFFC180  }
0x16c: {  	[spmem:s2] =	stream.indirect.scatter.add.f32 [tilespmem:s7], [sflag:$0x5], $0x10, s30, s5, $0xb8;
	[tilespmem:$0x19640] =	vst v63  }
0x16d: {  	_ =	swait.ge [sflag:s13], $0x3E80  }
0x16e: {  	[sflag:s13] =	ssyncset.done $0x0  }
0x16f: {  	s31 =	rddreg [dreg:$0x1d];
	[sflag:s13] =	ssyncadd.s32 $0xFFFFC180  }
0x170: {  	[spmem:s2] =	stream.indirect.scatter.add.f32 [tilespmem:s6], [sflag:$0x6], $0x10, s31, s5, $0xb8;
	[tilespmem:$0x19640] =	vst v63  }
0x171: {  	_ =	swait.ge [sflag:s16], $0x3E80  }
0x172: {  	[sflag:s16] =	ssyncset.done $0x0  }
0x173: {  	[sflag:s16] =	ssyncadd.s32 $0xFFFFC180  }
0x174: {  	_ =	swait.ge [sflag:s22], $0x3E80  }
0x175: {  	[sflag:s22] =	ssyncset.done $0x0  }
0x176: {  	[sflag:s22] =	ssyncadd.s32 $0xFFFFC180  }
0x177: {  	_ =	swait.ge [sflag:s8], $0x3E80  }
0x178: {  	[sflag:s8] =	ssyncset.done $0x0  }
0x179: {  	[sflag:s8] =	ssyncadd.s32 $0xFFFFC180  }
0x17a: {  	_ =	swait.ge [sflag:s9], $0x3E80  }
0x17b: {  	[sflag:s9] =	ssyncset.done $0x0  }
0x17c: {  	[sflag:s9] =	ssyncadd.s32 $0xFFFFC180  }
0x17d: {  	[bflag:$0x0] =	sbarrier.arrive $0xFFFF  }
0x17e: {  	s0 =	rddreg [dreg:$0x6]  }
0x17f: {  	[hbm:s0], [sflag:s3] =	dma.local @!p3 [spmem:s19], $0x4E0  }
0x180: {  	s0 =	simm.s32 @!p3 $0x9  }
0x181: {  	_ =	swait.ge @!p3 [sflag:s0], $0x4E0  }
0x182: {  	[sflag:s0] =	ssyncset.done @!p3 $0x0  }
0x183: {  	s1 =	rddreg [dreg:$0x7];
	[sflag:s0] =	ssyncadd.s32 @!p3 $0xFFFFFB20;
	s0 =	simm.s32 @!p2 $0x9  }
0x184: {  	[hbm:s1], [sflag:s3] =	dma.local @!p2 [spmem:s17], $0x4E0  }
0x185: {  	_ =	swait.ge @!p2 [sflag:s0], $0x4E0  }
0x186: {  	[sflag:s0] =	ssyncset.done @!p2 $0x0  }
0x187: {  	s1 =	rddreg [dreg:$0x8];
	[sflag:s0] =	ssyncadd.s32 @!p2 $0xFFFFFB20;
	s0 =	simm.s32 @!p1 $0x9  }
0x188: {  	[hbm:s1], [sflag:s3] =	dma.local @!p1 [spmem:s14], $0x500  }
0x189: {  	_ =	swait.ge @!p1 [sflag:s0], $0x500  }
0x18a: {  	[sflag:s0] =	ssyncset.done @!p1 $0x0  }
0x18b: {  	s1 =	rddreg [dreg:$0x9];
	[sflag:s0] =	ssyncadd.s32 @!p1 $0xFFFFFB00;
	s0 =	simm.s32 @!p0 $0x9  }
0x18c: {  	[hbm:s1], [sflag:s3] =	dma.local @!p0 [spmem:s10], $0x500  }
0x18d: {  	_ =	swait.ge @!p0 [sflag:s0], $0x500  }
0x18e: {  	[sflag:s0] =	ssyncset.done @!p0 $0x0  }
0x18f: {  	[sflag:s0] =	ssyncadd.s32 @!p0 $0xFFFFFB00  }
0x190: {  	_ =	sfence.sel $0x180000  }
0x191: {  	[bflag:$0x0] =	sbarrier.arrive $0xFFFF  }
0x192: {  	p0 =	sne.s32 s26, $0x0;
	_ =	strace $0x9000004D  }
0x193: {  	s0 =	sadd.s32 @!p0 $0x100000, s28;
	[bflag:$0x2] =	sbarrier.arrive $0xFFFF  }
0x194: {  	[sflag:s0] =	ssyncadd.tile.s32 @!p0 $0x1;
	_ =	shalt  }
.LBB2_1:
.Ltmp3:
0x195: {  	(pc) =	sbr.rel .LBB2_6-.Ltmp3, $2  }
0x196: {  	_ =	sdelay $0x2  }
0x197: {  	_ = 	snop  }
.LBB2_3:
.Ltmp4:
0x198: {  	(pc) =	sbr.rel .LBB2_6-.Ltmp4, $2  }
0x199: {  	_ =	sdelay $0x2  }
0x19a: {  	s26 =	stileid.u32;
	s28 =	rddreg [dreg:$0x3]  }
.Lfunc_end2:
_tile_overlayer_lowered:
.L_overlay_start_2:
0x19b: {  	(tag) =	ssettag $0x2  }
0x19c: {  	s0 =	rddreg [dreg:$0x0];
	s2 =	stileid.u32  }
0x19d: {  	s1 =	rddreg [dreg:$0x1];
	p0 =	sne.s32 s2, $0x0  }
0x19e: {  	s3 =	rddreg [dreg:$0x2];
	[bflag:$0x3] =	sbarrier.arrive $0xFFFF;
	s2 =	simm.s32 @!p0 $0x1C09  }
0x19f: {  	[timem:s3], [sflag:s2] =	dma.local @!p0 [hbm:s0], s1  }
0x1a0: {  	s0 =	simm.s32 @!p0 $0x9  }
0x1a1: {  	_ =	swait.ge @!p0 [sflag:s0], s1  }
0x1a2: {  	s1 =	ssub.s32 @!p0 $0x0, s1;
	[sflag:s0] =	ssyncset.done @!p0 $0x0  }
0x1a3: {  	[sflag:s0] =	ssyncadd.s32 @!p0 s1  }
0x1a4: {  	[bflag:$0x3] =	sbarrier.arrive $0xFFFF  }
0x1a5: {  	_ =	shalt  }

// kernel: kernel.9.cloned.1.call-start
scs
__scs_entry_jumppad:
0x0: {  	(pc) =	sbr.rel $0x88, $3  }
0x1: {  	(tag) =	ssettag $0x0;
	lr =	simm.s32 $0x1  }
0x2: {  	[smem:$0x3F93] =	sst lr;
	_ =	strace $0xD0000000  }
0x3: {  	_ = 	snop  }
0x4: {  	_ = 	snop  }
0x5: {  	_ = 	snop  }
0x6: {  	_ = 	snop  }
0x7: {  	_ = 	snop  }
__scs_overlays_trampoline_lowered:
0x8: {  	[smem:$0x3FA2] =	sst s0  }
0x9: {  	[smem:$0x3FA3] =	sst s1  }
0xa: {  	[smem:$0x3FA4] =	sst s2  }
0xb: {  	[smem:$0x3FA5] =	sst s3  }
0xc: {  	[smem:$0x3FA6] =	sst s4  }
0xd: {  	[smem:$0x3FA7] =	sst s5  }
0xe: {  	[smem:$0x3FA8] =	sst s6  }
0xf: {  	[smem:$0x3FA9] =	sst s7  }
0x10: {  	[smem:$0x3FAA] =	sst s8  }
0x11: {  	[smem:$0x3FAB] =	sst s9;
	s0 =	simm.s32 @!p0 $0x0  }
0x12: {  	s1 =	sld [smem:$0x3F91];
	s0 =	simm.s32 @p0 $0x1  }
0x13: {  	[smem:$0x3FAC] =	sst s0;
	s0 =	simm.s32 @!p1 $0x0  }
0x14: {  	s2 =	sld [smem:$0x3F90];
	s0 =	simm.s32 @p1 $0x1  }
0x15: {  	[smem:$0x3FAD] =	sst s0;
	s0 =	simm.s32 @!p2 $0x0  }
0x16: {  	s3 =	sld [smem:$0x3FDB];
	s0 =	simm.s32 @p2 $0x1  }
0x17: {  	s4 =	simm.s32 $0x1BF5;
	[smem:$0x3FAF] =	sst s0  }
0x18: {  	s0 =	sld [smem:$0x3F92];
	_ =	swait.ge [sflag:s4], $0x0  }
0x19: {  	s7 =	sld [smem:$0x3F93]  }
0x1a: {  	s8 =	sadd.s32 $0xFFFFE003, lr  }
0x1b: {  	s9 =	sadd.s32 $0xFFFFFEF7, lr;
	s5 =	simm.s32 $0xFFFFFFFF;
	p2 =	slt.u32 s8, $0xFFFFF086  }
0x1c: {  	p1 =	slt.u32 s9, $0xF7A;
	s5 =	simm.s32 @!p2 $0x0  }
0x1d: {  	s5 =	simm.s32 @p1 $0x1;
	p0 =	seq.s32 s7, s2  }
0x1e: {  	s7 =	smul.u32 @!p0 $0xF7A, s2;
	p2 =	seq.s32 @!p0 s5, $0x0  }
0x1f: {  	s9 =	smul.u32 $0xF7A, s1;
	s8 =	simm.s32 @!p0 $0x1BF5;
	p2 =	por !p2, p0  }
0x20: {  	[sflag:s8] =	ssyncset.s32 @!p0 $0xFFFFF086;
	s6 =	sadd.s32 @!p0 s3, s7;
	s7 =	simm.s32 @!p0 $0x108  }
0x21: {  	s3 =	sadd.s32 s3, s9;
	s6 =	sadd.s32 @!p0 $0x88, s6;
	s7 =	simm.s32 @p2 $0x1082  }
0x22: {  	[simem:s7], [sflag:s8] =	dma.local @!p0 [hbm:s6], $0xF7A  }
0x23: {  	s9 =	sor.u32 $0xD0000000, s2;
	s6 =	simm.s32 $0x108;
	_ =	swait.ge @!p0 [sflag:s8], $0x0  }
0x24: {  	s3 =	sadd.s32 $0x88, s3;
	s6 =	simm.s32 @!p1 $0x1082;
	[sflag:s4] =	ssyncset.s32 $0xFFFFF086  }
0x25: {  	[simem:s6], [sflag:s4] =	dma.local [hbm:s3], $0xF7A  }
0x26: {  	[smem:$0x3F93] =	sst s1;
	(tag) =	ssettag s2;
	_ =	strace s9  }
0x27: {  	s1 =	sld [smem:$0x3FA3]  }
0x28: {  	s2 =	sld [smem:$0x3FA4]  }
0x29: {  	s4 =	sld [smem:$0x3FA6]  }
0x2a: {  	p0 =	seq.s32 s5, $0x0;
	s5 =	sld [smem:$0x3FA7]  }
0x2b: {  	s6 =	sld [smem:$0x3FA8]  }
0x2c: {  	s7 =	sld [smem:$0x3FA9]  }
0x2d: {  	s3 =	simm.s32 $0x108;
	s8 =	sld [smem:$0x3FAA]  }
0x2e: {  	s3 =	simm.s32 @!p0 $0x1082;
	s9 =	sld [smem:$0x3FAB]  }
0x2f: {  	lr =	sadd.s32 s0, s3;
	s0 =	sld [smem:$0x3FA2]  }
0x30: {  	s3 =	sld [smem:$0x3FA5]  }
0x31: {  	[smem:$0x3FAE] =	sst s10  }
0x32: {  	s10 =	sld [smem:$0x3FAC];
	_ =	sdelay $0x3  }
0x33: {  	p0 =	seq.s32 s10, $0x1;
	s10 =	sld [smem:$0x3FAE];
	_ =	sdelay $0x3  }
0x34: {  	[smem:$0x3FAE] =	sst s10  }
0x35: {  	s10 =	sld [smem:$0x3FAD];
	_ =	sdelay $0x3  }
0x36: {  	p1 =	seq.s32 s10, $0x1;
	s10 =	sld [smem:$0x3FAE];
	_ =	sdelay $0x3  }
0x37: {  	[smem:$0x3FAE] =	sst s10  }
0x38: {  	s10 =	sld [smem:$0x3FAF]  }
0x39: {  	_ = 	snop;
	(pc) =	sbr.ind lr, $3  }
0x3a: {  	_ = 	snop  }
0x3b: {  	_ = 	snop  }
0x3c: {  	p2 =	seq.s32 s10, $0x1;
	s10 =	sld [smem:$0x3FAE]  }
0x3d: {  	_ =	shalt  }
0x3e: {  	_ =	shalt  }
0x3f: {  	_ =	shalt  }
0x40: {  	_ =	shalt  }
0x41: {  	_ =	shalt  }
0x42: {  	_ =	shalt  }
0x43: {  	_ =	shalt  }
0x44: {  	_ =	shalt  }
0x45: {  	_ =	shalt  }
0x46: {  	_ =	shalt  }
0x47: {  	_ =	shalt  }
0x48: {  	_ =	shalt  }
0x49: {  	_ =	shalt  }
0x4a: {  	_ =	shalt  }
0x4b: {  	_ =	shalt  }
0x4c: {  	_ =	shalt  }
0x4d: {  	_ =	shalt  }
0x4e: {  	_ =	shalt  }
0x4f: {  	_ =	shalt  }
0x50: {  	_ =	shalt  }
0x51: {  	_ =	shalt  }
0x52: {  	_ =	shalt  }
0x53: {  	_ =	shalt  }
0x54: {  	_ =	shalt  }
0x55: {  	_ =	shalt  }
0x56: {  	_ =	shalt  }
0x57: {  	_ =	shalt  }
0x58: {  	_ =	shalt  }
0x59: {  	_ =	shalt  }
0x5a: {  	_ =	shalt  }
0x5b: {  	_ =	shalt  }
0x5c: {  	_ =	shalt  }
0x5d: {  	_ =	shalt  }
0x5e: {  	_ =	shalt  }
0x5f: {  	_ =	shalt  }
0x60: {  	_ =	shalt  }
0x61: {  	_ =	shalt  }
0x62: {  	_ =	shalt  }
0x63: {  	_ =	shalt  }
0x64: {  	_ =	shalt  }
0x65: {  	_ =	shalt  }
0x66: {  	_ =	shalt  }
0x67: {  	_ =	shalt  }
0x68: {  	_ =	shalt  }
0x69: {  	_ =	shalt  }
0x6a: {  	_ =	shalt  }
0x6b: {  	_ =	shalt  }
0x6c: {  	_ =	shalt  }
0x6d: {  	_ =	shalt  }
0x6e: {  	_ =	shalt  }
0x6f: {  	_ =	shalt  }
0x70: {  	_ =	shalt  }
0x71: {  	_ =	shalt  }
0x72: {  	_ =	shalt  }
0x73: {  	_ =	shalt  }
0x74: {  	_ =	shalt  }
0x75: {  	_ =	shalt  }
0x76: {  	_ =	shalt  }
0x77: {  	_ =	shalt  }
0x78: {  	_ =	shalt  }
0x79: {  	_ =	shalt  }
0x7a: {  	_ =	shalt  }
0x7b: {  	_ =	shalt  }
0x7c: {  	_ =	shalt  }
0x7d: {  	_ =	shalt  }
0x7e: {  	_ =	shalt  }
0x7f: {  	_ =	shalt  }
0x80: {  	_ =	shalt  }
0x81: {  	_ =	shalt  }
0x82: {  	_ =	shalt  }
0x83: {  	_ =	shalt  }
0x84: {  	_ =	shalt  }
0x85: {  	_ =	shalt  }
0x86: {  	_ =	shalt  }
0x87: {  	_ =	shalt  }
.Lfunc_end0:
.L_simem_size_0:
called_computation_lowered:
.L_overlay_start_0:
0x88: {  	s2 =	sld [smem:$0x3FD9]  }
0x89: {  	s3 =	sld [smem:$0x3FFE];
	_ =	sdelay $0x1  }
0x8a: {  	s1 =	srdreg.scid  }
0x8b: {  	s0 =	sand.u32 $0x1, s1  }
0x8c: {  	s16 =	sshll.u32 s0, $0xA;
	s2 =	sadd.s32 s3, s2  }
0x8d: {  	s2 =	sadd.s32 s2, s16  }
0x8e: {  	[smem:$0x3FBA] =	sst s2  }
0x8f: {  	_ = 	snop  }
0x90: {  	(tm) =	ssettm $0x1  }
0x91: {  	s17 =	sld [smem:$0x3FFB];
	_ =	sdelay $0x3  }
0x92: {  	_ =	strace s17  }
0x93: {  	s2 =	sld [smem:$0x3FFC];
	_ =	sdelay $0x3  }
0x94: {  	_ =	strace s2  }
0x95: {  	s2 =	sld [smem:$0x3FFD];
	_ =	sdelay $0x3  }
0x96: {  	_ =	strace s2  }
0x97: {  	_ =	strace $0x8FFFFFFF  }
0x98: {  	s18 =	sld [smem:$0x3FDB];
	_ =	sdelay $0x1  }
0x99: {  	s19 =	simm.s32 $_scs_section_size  }
0x9a: {  	s4 =	simm.s32 $_size__tile_overlayer_lowered;
	s5 =	simm.s32 $_tile_overlayer_lowered  }
0x9b: {  	s22 =	simm.s32 $0x1BFF;
	s21 =	sshll.u32 s5, $0x1;
	s2 =	sadd.s32 s19, s18  }
0x9c: {  	s6 =	simm.s32 $0x0;
	s20 =	sshll.u32 s4, $0x1;
	s4 =	sadd.s32 s21, s2  }
0x9d: {  	[timem:s6], [sflag:s22] =	dma.local [hbm:s4], s20  }
0x9e: {  	_ =	swait.ge [sflag:s22], s20  }
0x9f: {  	s3 =	ssub.s32 $0x0, s20;
	[sflag:s22] =	ssyncset.done $0x0  }
0xa0: {  	[sflag:s22] =	ssyncadd.s32 s3;
	_ =	sdelay $0x1  }
0xa1: {  	s23 =	simm.s32 $0x1B8B  }
0xa2: {  	_ =	swait.ge [sflag:s23], $0x1  }
0xa3: {  	[sflag:s23] =	ssyncset.done $0x0  }
0xa4: {  	s25 =	simm.s32 $0x1B8E;
	s24 =	sld [smem:$0x3FFE];
	[sflag:s23] =	ssyncadd.s32 $0xFFFFFFFF  }
0xa5: {  	s26 =	simm.s32 $execute0_lowered;
	[smem:$0x3FD2] =	sst s25  }
0xa6: {  	s4 =	sshll.u32 s26, $0x1;
	_ =	strace $0x80000046;
	[dreg:$0x1] =	wrdreg $0xFFFFFFFF  }
0xa7: {  	s28 =	simm.s32 $_size_execute0_lowered;
	s2 =	sadd.s32 s2, s4;
	[dreg:$0x0] =	wrdreg $0x0  }
0xa8: {  	s4 =	sshll.u32 s28, $0x1;
	[dreg:$0x2] =	wrdreg s2  }
0xa9: {  	[dreg:$0x3] =	wrdreg s4  }
0xaa: {  	[dreg:$0x4] =	wrdreg $0xC0  }
0xab: {  	_ =	task [dreg:s6], $0x5FFFF  }
0xac: {  	[dreg:$0x1] =	wrdreg $0xFFFFFFFF  }
0xad: {  	[dreg:$0x0] =	wrdreg $0x60  }
0xae: {  	[dreg:$0x2] =	wrdreg s24  }
0xaf: {  	[dreg:$0x3] =	wrdreg $0x65900  }
0xb0: {  	[dreg:$0x4] =	wrdreg $0x9  }
0xb1: {  	_ =	task.clear_ibuf [dreg:s6], $0x5FFFF;
	_ =	strace $0x90000046  }
0xb2: {  	s29 =	simm.s32 $0x9;
	_ =	strace $0x80000048  }
0xb3: {  	_ =	swait.ge [sflag:s29], $0x1  }
0xb4: {  	[sflag:s29] =	ssyncadd.s32 $0xFFFFFFFF  }
0xb5: {  	_ =	strace $0x90000048  }
0xb6: {  	_ =	sfence  }
0xb7: {  	s30 =	sld [smem:$0x0];
	_ =	sdelay $0x2  }
0xb8: {  	s31 =	sshll.u32 s1, $0xD;
	s1 =	sshrl.u32 s1, $0x2  }
0xb9: {  	s3 =	sand.u32 $0x4000, s31;
	s1 =	sadd.s32 s1, s30  }
0xba: {  	s0 =	sor.u32 s3, s0;
	s1 =	sshll.u32 s1, $0x11  }
0xbb: {  	s0 =	sor.u32 s1, s0  }
0xbc: {  	s0 =	sadd.s32 $0x8F2B, s0  }
0xbd: {  	[sflag:s0] =	ssyncadd.remote.s32 $0x1  }
0xbe: {  	_ =	sfence.sel $0xFFFF  }
0xbf: {  	[dreg:$0x0] =	wrdreg $0xFFFFFFFF;
	(pc) =	sbr.abs _section_cstart, $3  }
0xc0: {  	[dreg:$0x1] =	wrdreg $0xFFFFFFFF  }
0xc1: {  	_ =	task.clear_ibuf [dreg:s6], $0x2FFFF;
	_ =	strace $0x9FFFFFFF  }
0xc2: {  	(tm) =	ssettm $0x7FFFFFFF  }
0xc3: {  	_ =	shalt  }
tec
execute0_lowered:
.L_overlay_start_1:
0x0: {  	(tag) =	ssettag $0x1  }
0x1: {  	s0 =	rddreg [dreg:$0x0]  }
0x2: {  	s6 =	rddreg [dreg:$0x1]  }
0x3: {  	s28 =	rddreg [dreg:$0x2];
	s8 =	simm.s32 $0x0  }
0x4: {  	s1 =	stileid.u32;
	s3 =	srdreg.scid;
	s14 =	simm.s32 $0x2710  }
0x5: {  	s15 =	simm.s32 $0x3E8;
	s16 =	simm.s32 $0x7D0;
	s17 =	simm.s32 $0xBB8  }
0x6: {  	s18 =	simm.s32 $0xFA0;
	s19 =	simm.s32 $0x1388;
	s20 =	simm.s32 $0x1770  }
0x7: {  	s21 =	simm.s32 $0x1B58;
	[smem:$0x7FF] =	sst s8;
	s2 =	sadd.s32 $0x1D600, s0  }
0x8: {  	s4 =	smul.u32 $0x2710, s1;
	s3 =	sand.u32 $0x1, s3;
	s5 =	sshll.u32 s1, $0x1  }
0x9: {  	s7 =	smul.u32 $0x2700, s1;
	s26 =	sshll.u32 s1, $0x6;
	p4 =	sne.s32 s1, $0xF  }
0xa: {  	_ =	strace $0x80000047;
	[dreg:$0x3] =	wrdreg s2;
	s22 =	sor.u32 s3, s5  }
0xb: {  	s9 =	ssub.s32 $0x2, s3;
	p0 =	seq.s32 s3, $0x1;
	s3 =	sadd.s32 $0x22720, s0  }
0xc: {  	s23 =	sshrl.u32 s4, $0x3;
	s2 =	smul.u32 $0x2710, s22;
	s10 =	sshrl.u32 s7, $0x3  }
0xd: {  	s11 =	sshrl.u32 s9, $0x1;
	s24 =	sadd.s32 s4, s6;
	s13 =	sadd.s32 s7, s6  }
0xe: {  	s22 =	simm.s32 $0x1F40;
	p3 =	por !p0, !p4;
	p2 =	por p0, !p4  }
0xf: {  	p1 =	por !p0, p4;
	p0 =	por p0, p4;
	p4 =	por $0x0, $0x0  }
0x10: {  	s5 =	sadd.s32 s23, s0;
	s10 =	sadd.s32 s10, s0;
	s9 =	ssub.s32 s9, s11  }
0x11: {  	s23 =	simm.s32 $0x2328;
	s12 =	sshrl.u32 @!p3 s13, $0x3;
	s31 =	smax.u32 s9, $0x1  }
0x12: {  	s11 =	sshrl.u32 @!p2 s13, $0x3;
	s13 =	simm.s32 $0x1;
	s29 =	sadd.s32 $0xFFFFFFFF, s31  }
0x13: {  	s2 =	sshrl.u32 s2, $0x3;
	s25 =	sadd.s32 $0x18600, s5;
	p5 =	sne.s32 s29, $0x0  }
.Ltmp0:
0x14: {  	s4 =	sadd.s32 $0x1DE00, s10;
	s7 =	sadd.s32 $0x22E00, s10;
	(pc) =	sbr.rel @!p5 .LBB2_1-.Ltmp0, $4  }
0x15: {  	s5 =	sadd.s32 $0x27720, s0;
	s2 =	sadd.s32 s0, s2;
	[dreg:$0x4] =	wrdreg s25  }
0x16: {  	s25 =	sshrl.u32 s24, $0x3;
	s24 =	simm.s32 $0x2;
	s30 =	sadd.s32 $0xE840, s2  }
0x17: {  	s2 =	sor.u32 $0x1C02, s26;
	s26 =	sadd.s32 $0x24900, s6;
	s0 =	rddreg [dreg:$0x4]  }
0x18: {  	[dreg:$0x5] =	wrdreg s30;
	s10 =	sshrl.u32 @!p1 s26, $0x3;
	s9 =	sshrl.u32 @!p0 s26, $0x3  }
0x19: {  	[spmem:s25], [sflag:s2] =	dma.local [hbm:s0], $0x4E2  }
0x1a: {  	_ =	swait.ge [sflag:s24], $0x4E2  }
0x1b: {  	[sflag:s24] =	ssyncset.done $0x0  }
0x1c: {  	s26 =	rddreg [dreg:$0x3];
	[sflag:s24] =	ssyncadd.s32 $0xFFFFFB1E  }
0x1d: {  	[tilespmem:s14], [sflag:$0x2] =	stream.linear.gather [hbm4b:s26+s8], $0x3E80, $0x38;
	[tilespmem:$0x8CA0] =	vst v63  }
0x1e: {  	_ =	swait.ge [sflag:s24], $0x3E80  }
0x1f: {  	[sflag:s24] =	ssyncset.done $0x0  }
0x20: {  	s26 =	rddreg [dreg:$0x5];
	[sflag:s24] =	ssyncadd.s32 $0xFFFFC180  }
0x21: {  	[tilespmem:s8], [sflag:$0x2] =	stream.linear.gather [hbm4b:s26+s8], $0x2710, $0x38;
	[tilespmem:$0x8CA0] =	vst v63  }
0x22: {  	_ =	swait.ge [sflag:s24], $0x2710  }
0x23: {  	[sflag:s24] =	ssyncset.done $0x0  }
0x24: {  	[sflag:s24] =	ssyncadd.s32 $0xFFFFD8F0  }
0x25: {  	[bflag:$0x0] =	sbarrier.arrive $0xFFFF  }
0x26: {  	[spmem:s6] =	stream.indirect.scatter.add.f32 [tilespmem:s14], [sflag:$0x1], $0x10, s8, s15, $0xb8;
	[tilespmem:$0x8CA0] =	vst v63  }
0x27: {  	_ = 	snop  }
0x28: {  	[spmem:s6] =	stream.indirect.scatter.add.f32 [tilespmem:s14], [sflag:$0x1], $0x10, s15, s15, $0xb8;
	[tilespmem:$0x8CA0] =	vst v63  }
0x29: {  	_ = 	snop  }
0x2a: {  	[spmem:s6] =	stream.indirect.scatter.add.f32 [tilespmem:s14], [sflag:$0x1], $0x10, s16, s15, $0xb8;
	[tilespmem:$0x8CA0] =	vst v63  }
0x2b: {  	_ = 	snop  }
0x2c: {  	[spmem:s6] =	stream.indirect.scatter.add.f32 [tilespmem:s14], [sflag:$0x1], $0x10, s17, s15, $0xb8;
	[tilespmem:$0x8CA0] =	vst v63  }
0x2d: {  	_ = 	snop  }
0x2e: {  	[spmem:s6] =	stream.indirect.scatter.add.f32 [tilespmem:s14], [sflag:$0x1], $0x10, s18, s15, $0xb8;
	[tilespmem:$0x8CA0] =	vst v63  }
0x2f: {  	_ = 	snop  }
0x30: {  	[spmem:s6] =	stream.indirect.scatter.add.f32 [tilespmem:s14], [sflag:$0x1], $0x10, s19, s15, $0xb8;
	[tilespmem:$0x8CA0] =	vst v63  }
0x31: {  	_ = 	snop  }
0x32: {  	[spmem:s6] =	stream.indirect.scatter.add.f32 [tilespmem:s14], [sflag:$0x1], $0x10, s20, s15, $0xb8;
	[tilespmem:$0x8CA0] =	vst v63  }
0x33: {  	_ = 	snop  }
0x34: {  	[spmem:s6] =	stream.indirect.scatter.add.f32 [tilespmem:s14], [sflag:$0x1], $0x10, s21, s15, $0xb8;
	[tilespmem:$0x8CA0] =	vst v63  }
0x35: {  	_ = 	snop  }
0x36: {  	[spmem:s6] =	stream.indirect.scatter.add.f32 [tilespmem:s14], [sflag:$0x1], $0x10, s22, s15, $0xb8;
	[tilespmem:$0x8CA0] =	vst v63  }
0x37: {  	_ = 	snop  }
0x38: {  	[spmem:s6] =	stream.indirect.scatter.add.f32 [tilespmem:s14], [sflag:$0x1], $0x10, s23, s15, $0xb8;
	[tilespmem:$0x8CA0] =	vst v63  }
0x39: {  	_ =	swait.ge [sflag:s13], $0x3E80  }
0x3a: {  	[sflag:s13] =	ssyncset.done $0x0  }
0x3b: {  	[sflag:s13] =	ssyncadd.s32 $0xFFFFC180  }
0x3c: {  	_ =	swait.ge [sflag:s13], $0x3E80  }
0x3d: {  	[sflag:s13] =	ssyncset.done $0x0  }
0x3e: {  	[sflag:s13] =	ssyncadd.s32 $0xFFFFC180  }
0x3f: {  	_ =	swait.ge [sflag:s13], $0x3E80  }
0x40: {  	[sflag:s13] =	ssyncset.done $0x0  }
0x41: {  	[sflag:s13] =	ssyncadd.s32 $0xFFFFC180  }
0x42: {  	_ =	swait.ge [sflag:s13], $0x3E80  }
0x43: {  	[sflag:s13] =	ssyncset.done $0x0  }
0x44: {  	[sflag:s13] =	ssyncadd.s32 $0xFFFFC180  }
0x45: {  	_ =	swait.ge [sflag:s13], $0x3E80  }
0x46: {  	[sflag:s13] =	ssyncset.done $0x0  }
0x47: {  	[sflag:s13] =	ssyncadd.s32 $0xFFFFC180  }
0x48: {  	_ =	swait.ge [sflag:s13], $0x3E80  }
0x49: {  	[sflag:s13] =	ssyncset.done $0x0  }
0x4a: {  	[sflag:s13] =	ssyncadd.s32 $0xFFFFC180  }
0x4b: {  	_ =	swait.ge [sflag:s13], $0x3E80  }
0x4c: {  	[sflag:s13] =	ssyncset.done $0x0  }
0x4d: {  	[sflag:s13] =	ssyncadd.s32 $0xFFFFC180  }
0x4e: {  	_ =	swait.ge [sflag:s13], $0x3E80  }
0x4f: {  	[sflag:s13] =	ssyncset.done $0x0  }
0x50: {  	[sflag:s13] =	ssyncadd.s32 $0xFFFFC180  }
0x51: {  	_ =	swait.ge [sflag:s13], $0x3E80  }
0x52: {  	[sflag:s13] =	ssyncset.done $0x0  }
0x53: {  	[sflag:s13] =	ssyncadd.s32 $0xFFFFC180  }
0x54: {  	_ =	swait.ge [sflag:s13], $0x3E80  }
0x55: {  	[sflag:s13] =	ssyncset.done $0x0  }
0x56: {  	[sflag:s13] =	ssyncadd.s32 $0xFFFFC180  }
0x57: {  	s26 =	simm.s32 @!p3 $0x2;
	[bflag:$0x0] =	sbarrier.arrive $0xFFFF  }
0x58: {  	[hbm:s7], [sflag:s2] =	dma.local @!p3 [spmem:s12], $0x4E0  }
0x59: {  	_ =	swait.ge @!p3 [sflag:s26], $0x4E0  }
0x5a: {  	[sflag:s26] =	ssyncset.done @!p3 $0x0  }
0x5b: {  	s28 =	simm.s32 @!p2 $0x2;
	[sflag:s26] =	ssyncadd.s32 @!p3 $0xFFFFFB20  }
0x5c: {  	[hbm:s4], [sflag:s2] =	dma.local @!p2 [spmem:s11], $0x4E0  }
0x5d: {  	_ =	swait.ge @!p2 [sflag:s28], $0x4E0  }
0x5e: {  	[sflag:s28] =	ssyncset.done @!p2 $0x0  }
0x5f: {  	s30 =	simm.s32 @!p1 $0x2;
	s31 =	sadd.s32 $0xFFFFFFFF, s29;
	[sflag:s28] =	ssyncadd.s32 @!p2 $0xFFFFFB20  }
0x60: {  	[hbm:s5], [sflag:s2] =	dma.local @!p1 [spmem:s10], $0x500  }
0x61: {  	p5 =	sne.s32 s31, $0x0;
	_ =	swait.ge @!p1 [sflag:s30], $0x500  }
.Ltmp1:
0x62: {  	[sflag:s30] =	ssyncset.done @!p1 $0x0;
	(pc) =	sbr.rel @!p5 .LBB2_3-.Ltmp1, $4  }
0x63: {  	s29 =	simm.s32 @!p0 $0x2;
	[sflag:s30] =	ssyncadd.s32 @!p1 $0xFFFFFB00  }
0x64: {  	[hbm:s3], [sflag:s2] =	dma.local @!p0 [spmem:s9], $0x500  }
0x65: {  	_ =	swait.ge @!p0 [sflag:s29], $0x500  }
0x66: {  	p4 =	por $0x1, $0x1;
	s0 =	rddreg [dreg:$0x4];
	[sflag:s29] =	ssyncset.done @!p0 $0x0  }
.LBB2_4:
0x67: {  	[sflag:s29] =	ssyncadd.s32 @!p0 $0xFFFFFB00  }
0x68: {  	[spmem:s25], [sflag:s2] =	dma.local [hbm:s0], $0x4E2  }
0x69: {  	_ =	swait.ge [sflag:s24], $0x4E2  }
0x6a: {  	[sflag:s24] =	ssyncset.done $0x0  }
0x6b: {  	s0 =	rddreg [dreg:$0x3];
	[sflag:s24] =	ssyncadd.s32 $0xFFFFFB1E  }
0x6c: {  	[tilespmem:s14], [sflag:$0x2] =	stream.linear.gather [hbm4b:s0+s8], $0x3E80, $0x38;
	[tilespmem:$0x8CA0] =	vst v63  }
0x6d: {  	_ =	swait.ge [sflag:s24], $0x3E80  }
0x6e: {  	[sflag:s24] =	ssyncset.done $0x0  }
0x6f: {  	s0 =	rddreg [dreg:$0x5];
	[sflag:s24] =	ssyncadd.s32 $0xFFFFC180  }
0x70: {  	[tilespmem:s8], [sflag:$0x2] =	stream.linear.gather [hbm4b:s0+s8], $0x2710, $0x38;
	[tilespmem:$0x8CA0] =	vst v63  }
0x71: {  	_ =	swait.ge [sflag:s24], $0x2710  }
0x72: {  	[sflag:s24] =	ssyncset.done $0x0  }
0x73: {  	[sflag:s24] =	ssyncadd.s32 $0xFFFFD8F0  }
0x74: {  	[bflag:$0x0] =	sbarrier.arrive $0xFFFF  }
0x75: {  	[spmem:s6] =	stream.indirect.scatter.add.f32 [tilespmem:s14], [sflag:$0x1], $0x10, s8, s15, $0xb8;
	[tilespmem:$0x8CA0] =	vst v63  }
0x76: {  	_ = 	snop  }
0x77: {  	[spmem:s6] =	stream.indirect.scatter.add.f32 [tilespmem:s14], [sflag:$0x1], $0x10, s15, s15, $0xb8;
	[tilespmem:$0x8CA0] =	vst v63  }
0x78: {  	_ = 	snop  }
0x79: {  	[spmem:s6] =	stream.indirect.scatter.add.f32 [tilespmem:s14], [sflag:$0x1], $0x10, s16, s15, $0xb8;
	[tilespmem:$0x8CA0] =	vst v63  }
0x7a: {  	_ = 	snop  }
0x7b: {  	[spmem:s6] =	stream.indirect.scatter.add.f32 [tilespmem:s14], [sflag:$0x1], $0x10, s17, s15, $0xb8;
	[tilespmem:$0x8CA0] =	vst v63  }
0x7c: {  	_ = 	snop  }
0x7d: {  	[spmem:s6] =	stream.indirect.scatter.add.f32 [tilespmem:s14], [sflag:$0x1], $0x10, s18, s15, $0xb8;
	[tilespmem:$0x8CA0] =	vst v63  }
0x7e: {  	_ = 	snop  }
0x7f: {  	[spmem:s6] =	stream.indirect.scatter.add.f32 [tilespmem:s14], [sflag:$0x1], $0x10, s19, s15, $0xb8;
	[tilespmem:$0x8CA0] =	vst v63  }
0x80: {  	_ = 	snop  }
0x81: {  	[spmem:s6] =	stream.indirect.scatter.add.f32 [tilespmem:s14], [sflag:$0x1], $0x10, s20, s15, $0xb8;
	[tilespmem:$0x8CA0] =	vst v63  }
0x82: {  	_ = 	snop  }
0x83: {  	[spmem:s6] =	stream.indirect.scatter.add.f32 [tilespmem:s14], [sflag:$0x1], $0x10, s21, s15, $0xb8;
	[tilespmem:$0x8CA0] =	vst v63  }
0x84: {  	_ = 	snop  }
0x85: {  	[spmem:s6] =	stream.indirect.scatter.add.f32 [tilespmem:s14], [sflag:$0x1], $0x10, s22, s15, $0xb8;
	[tilespmem:$0x8CA0] =	vst v63  }
0x86: {  	_ = 	snop  }
0x87: {  	[spmem:s6] =	stream.indirect.scatter.add.f32 [tilespmem:s14], [sflag:$0x1], $0x10, s23, s15, $0xb8;
	[tilespmem:$0x8CA0] =	vst v63  }
0x88: {  	_ =	swait.ge [sflag:s13], $0x3E80  }
0x89: {  	[sflag:s13] =	ssyncset.done $0x0  }
0x8a: {  	[sflag:s13] =	ssyncadd.s32 $0xFFFFC180  }
0x8b: {  	_ =	swait.ge [sflag:s13], $0x3E80  }
0x8c: {  	[sflag:s13] =	ssyncset.done $0x0  }
0x8d: {  	[sflag:s13] =	ssyncadd.s32 $0xFFFFC180  }
0x8e: {  	_ =	swait.ge [sflag:s13], $0x3E80  }
0x8f: {  	[sflag:s13] =	ssyncset.done $0x0  }
0x90: {  	[sflag:s13] =	ssyncadd.s32 $0xFFFFC180  }
0x91: {  	_ =	swait.ge [sflag:s13], $0x3E80  }
0x92: {  	[sflag:s13] =	ssyncset.done $0x0  }
0x93: {  	[sflag:s13] =	ssyncadd.s32 $0xFFFFC180  }
0x94: {  	_ =	swait.ge [sflag:s13], $0x3E80  }
0x95: {  	[sflag:s13] =	ssyncset.done $0x0  }
0x96: {  	[sflag:s13] =	ssyncadd.s32 $0xFFFFC180  }
0x97: {  	_ =	swait.ge [sflag:s13], $0x3E80  }
0x98: {  	[sflag:s13] =	ssyncset.done $0x0  }
0x99: {  	[sflag:s13] =	ssyncadd.s32 $0xFFFFC180  }
0x9a: {  	_ =	swait.ge [sflag:s13], $0x3E80  }
0x9b: {  	[sflag:s13] =	ssyncset.done $0x0  }
0x9c: {  	[sflag:s13] =	ssyncadd.s32 $0xFFFFC180  }
0x9d: {  	_ =	swait.ge [sflag:s13], $0x3E80  }
0x9e: {  	[sflag:s13] =	ssyncset.done $0x0  }
0x9f: {  	[sflag:s13] =	ssyncadd.s32 $0xFFFFC180  }
0xa0: {  	_ =	swait.ge [sflag:s13], $0x3E80  }
0xa1: {  	[sflag:s13] =	ssyncset.done $0x0  }
0xa2: {  	[sflag:s13] =	ssyncadd.s32 $0xFFFFC180  }
0xa3: {  	_ =	swait.ge [sflag:s13], $0x3E80  }
0xa4: {  	[sflag:s13] =	ssyncset.done $0x0  }
0xa5: {  	[sflag:s13] =	ssyncadd.s32 $0xFFFFC180  }
0xa6: {  	[bflag:$0x0] =	sbarrier.arrive $0xFFFF  }
0xa7: {  	[hbm:s7], [sflag:s2] =	dma.local @!p3 [spmem:s12], $0x4E0  }
0xa8: {  	_ =	swait.ge @!p3 [sflag:s26], $0x4E0  }
0xa9: {  	[sflag:s26] =	ssyncset.done @!p3 $0x0  }
0xaa: {  	[sflag:s26] =	ssyncadd.s32 @!p3 $0xFFFFFB20  }
0xab: {  	[hbm:s4], [sflag:s2] =	dma.local @!p2 [spmem:s11], $0x4E0  }
0xac: {  	_ =	swait.ge @!p2 [sflag:s28], $0x4E0  }
0xad: {  	[sflag:s28] =	ssyncset.done @!p2 $0x0  }
0xae: {  	s31 =	sadd.s32 $0xFFFFFFFF, s31;
	[sflag:s28] =	ssyncadd.s32 @!p2 $0xFFFFFB20  }
0xaf: {  	[hbm:s5], [sflag:s2] =	dma.local @!p1 [spmem:s10], $0x500  }
0xb0: {  	p5 =	sne.s32 s31, $0x0;
	_ =	swait.ge @!p1 [sflag:s30], $0x500  }
.Ltmp2:
0xb1: {  	[sflag:s30] =	ssyncset.done @!p1 $0x0;
	(pc) =	sbr.rel @p5 .LBB2_4-.Ltmp2, $4  }
0xb2: {  	[sflag:s30] =	ssyncadd.s32 @!p1 $0xFFFFFB00  }
0xb3: {  	[hbm:s3], [sflag:s2] =	dma.local @!p0 [spmem:s9], $0x500  }
0xb4: {  	_ =	swait.ge @!p0 [sflag:s29], $0x500  }
0xb5: {  	s0 =	rddreg [dreg:$0x4];
	[sflag:s29] =	ssyncset.done @!p0 $0x0  }
0xb6: {  	s28 =	rddreg [dreg:$0x2]  }
.LBB2_6:
0xb7: {  	p4 =	por p0, !p4  }
0xb8: {  	[sflag:s29] =	ssyncadd.s32 @!p4 $0xFFFFFB00  }
0xb9: {  	[spmem:s25], [sflag:s2] =	dma.local [hbm:s0], $0x4E2  }
0xba: {  	_ =	swait.ge [sflag:s24], $0x4E2  }
0xbb: {  	[sflag:s24] =	ssyncset.done $0x0  }
0xbc: {  	s30 =	rddreg [dreg:$0x3];
	[sflag:s24] =	ssyncadd.s32 $0xFFFFFB1E  }
0xbd: {  	[tilespmem:s14], [sflag:$0x2] =	stream.linear.gather [hbm4b:s30+s8], $0x3E80, $0x38;
	[tilespmem:$0x8CA0] =	vst v63  }
0xbe: {  	_ =	swait.ge [sflag:s24], $0x3E80  }
0xbf: {  	[sflag:s24] =	ssyncset.done $0x0  }
0xc0: {  	s31 =	rddreg [dreg:$0x5];
	[sflag:s24] =	ssyncadd.s32 $0xFFFFC180  }
0xc1: {  	[tilespmem:s8], [sflag:$0x2] =	stream.linear.gather [hbm4b:s31+s8], $0x2710, $0x38;
	[tilespmem:$0x8CA0] =	vst v63  }
0xc2: {  	_ =	swait.ge [sflag:s24], $0x2710  }
0xc3: {  	[sflag:s24] =	ssyncset.done $0x0  }
0xc4: {  	[sflag:s24] =	ssyncadd.s32 $0xFFFFD8F0  }
0xc5: {  	[bflag:$0x0] =	sbarrier.arrive $0xFFFF  }
0xc6: {  	[spmem:s6] =	stream.indirect.scatter.add.f32 [tilespmem:s14], [sflag:$0x1], $0x10, s8, s15, $0xb8;
	[tilespmem:$0x8CA0] =	vst v63  }
0xc7: {  	_ = 	snop  }
0xc8: {  	[spmem:s6] =	stream.indirect.scatter.add.f32 [tilespmem:s14], [sflag:$0x1], $0x10, s15, s15, $0xb8;
	[tilespmem:$0x8CA0] =	vst v63  }
0xc9: {  	_ = 	snop  }
0xca: {  	[spmem:s6] =	stream.indirect.scatter.add.f32 [tilespmem:s14], [sflag:$0x1], $0x10, s16, s15, $0xb8;
	[tilespmem:$0x8CA0] =	vst v63  }
0xcb: {  	_ = 	snop  }
0xcc: {  	[spmem:s6] =	stream.indirect.scatter.add.f32 [tilespmem:s14], [sflag:$0x1], $0x10, s17, s15, $0xb8;
	[tilespmem:$0x8CA0] =	vst v63  }
0xcd: {  	_ = 	snop  }
0xce: {  	[spmem:s6] =	stream.indirect.scatter.add.f32 [tilespmem:s14], [sflag:$0x1], $0x10, s18, s15, $0xb8;
	[tilespmem:$0x8CA0] =	vst v63  }
0xcf: {  	_ = 	snop  }
0xd0: {  	[spmem:s6] =	stream.indirect.scatter.add.f32 [tilespmem:s14], [sflag:$0x1], $0x10, s19, s15, $0xb8;
	[tilespmem:$0x8CA0] =	vst v63  }
0xd1: {  	_ = 	snop  }
0xd2: {  	[spmem:s6] =	stream.indirect.scatter.add.f32 [tilespmem:s14], [sflag:$0x1], $0x10, s20, s15, $0xb8;
	[tilespmem:$0x8CA0] =	vst v63  }
0xd3: {  	_ = 	snop  }
0xd4: {  	[spmem:s6] =	stream.indirect.scatter.add.f32 [tilespmem:s14], [sflag:$0x1], $0x10, s21, s15, $0xb8;
	[tilespmem:$0x8CA0] =	vst v63  }
0xd5: {  	_ = 	snop  }
0xd6: {  	[spmem:s6] =	stream.indirect.scatter.add.f32 [tilespmem:s14], [sflag:$0x1], $0x10, s22, s15, $0xb8;
	[tilespmem:$0x8CA0] =	vst v63  }
0xd7: {  	_ = 	snop  }
0xd8: {  	[spmem:s6] =	stream.indirect.scatter.add.f32 [tilespmem:s14], [sflag:$0x1], $0x10, s23, s15, $0xb8;
	[tilespmem:$0x8CA0] =	vst v63  }
0xd9: {  	_ =	swait.ge [sflag:s13], $0x3E80  }
0xda: {  	[sflag:s13] =	ssyncset.done $0x0  }
0xdb: {  	[sflag:s13] =	ssyncadd.s32 $0xFFFFC180  }
0xdc: {  	_ =	swait.ge [sflag:s13], $0x3E80  }
0xdd: {  	[sflag:s13] =	ssyncset.done $0x0  }
0xde: {  	[sflag:s13] =	ssyncadd.s32 $0xFFFFC180  }
0xdf: {  	_ =	swait.ge [sflag:s13], $0x3E80  }
0xe0: {  	[sflag:s13] =	ssyncset.done $0x0  }
0xe1: {  	[sflag:s13] =	ssyncadd.s32 $0xFFFFC180  }
0xe2: {  	_ =	swait.ge [sflag:s13], $0x3E80  }
0xe3: {  	[sflag:s13] =	ssyncset.done $0x0  }
0xe4: {  	[sflag:s13] =	ssyncadd.s32 $0xFFFFC180  }
0xe5: {  	_ =	swait.ge [sflag:s13], $0x3E80  }
0xe6: {  	[sflag:s13] =	ssyncset.done $0x0  }
0xe7: {  	[sflag:s13] =	ssyncadd.s32 $0xFFFFC180  }
0xe8: {  	_ =	swait.ge [sflag:s13], $0x3E80  }
0xe9: {  	[sflag:s13] =	ssyncset.done $0x0  }
0xea: {  	[sflag:s13] =	ssyncadd.s32 $0xFFFFC180  }
0xeb: {  	_ =	swait.ge [sflag:s13], $0x3E80  }
0xec: {  	[sflag:s13] =	ssyncset.done $0x0  }
0xed: {  	[sflag:s13] =	ssyncadd.s32 $0xFFFFC180  }
0xee: {  	_ =	swait.ge [sflag:s13], $0x3E80  }
0xef: {  	[sflag:s13] =	ssyncset.done $0x0  }
0xf0: {  	[sflag:s13] =	ssyncadd.s32 $0xFFFFC180  }
0xf1: {  	_ =	swait.ge [sflag:s13], $0x3E80  }
0xf2: {  	[sflag:s13] =	ssyncset.done $0x0  }
0xf3: {  	[sflag:s13] =	ssyncadd.s32 $0xFFFFC180  }
0xf4: {  	_ =	swait.ge [sflag:s13], $0x3E80  }
0xf5: {  	[sflag:s13] =	ssyncset.done $0x0  }
0xf6: {  	[sflag:s13] =	ssyncadd.s32 $0xFFFFC180  }
0xf7: {  	s0 =	simm.s32 @!p3 $0x2;
	[bflag:$0x0] =	sbarrier.arrive $0xFFFF  }
0xf8: {  	[hbm:s7], [sflag:s2] =	dma.local @!p3 [spmem:s12], $0x4E0  }
0xf9: {  	_ =	swait.ge @!p3 [sflag:s0], $0x4E0  }
0xfa: {  	[sflag:s0] =	ssyncset.done @!p3 $0x0  }
0xfb: {  	[sflag:s0] =	ssyncadd.s32 @!p3 $0xFFFFFB20;
	s0 =	simm.s32 @!p2 $0x2  }
0xfc: {  	[hbm:s4], [sflag:s2] =	dma.local @!p2 [spmem:s11], $0x4E0  }
0xfd: {  	_ =	swait.ge @!p2 [sflag:s0], $0x4E0  }
0xfe: {  	[sflag:s0] =	ssyncset.done @!p2 $0x0  }
0xff: {  	[sflag:s0] =	ssyncadd.s32 @!p2 $0xFFFFFB20;
	s0 =	simm.s32 @!p1 $0x2  }
0x100: {  	[hbm:s5], [sflag:s2] =	dma.local @!p1 [spmem:s10], $0x500  }
0x101: {  	_ =	swait.ge @!p1 [sflag:s0], $0x500  }
0x102: {  	[sflag:s0] =	ssyncset.done @!p1 $0x0  }
0x103: {  	[sflag:s0] =	ssyncadd.s32 @!p1 $0xFFFFFB00;
	s0 =	simm.s32 @!p0 $0x2  }
0x104: {  	[hbm:s3], [sflag:s2] =	dma.local @!p0 [spmem:s9], $0x500  }
0x105: {  	_ =	swait.ge @!p0 [sflag:s0], $0x500  }
0x106: {  	[sflag:s0] =	ssyncset.done @!p0 $0x0  }
0x107: {  	[sflag:s0] =	ssyncadd.s32 @!p0 $0xFFFFFB00  }
0x108: {  	_ =	sfence.sel $0x180000  }
0x109: {  	[bflag:$0x0] =	sbarrier.arrive $0xFFFF  }
0x10a: {  	p0 =	sne.s32 s1, $0x0;
	_ =	strace $0x90000047  }
0x10b: {  	s0 =	sadd.s32 @!p0 $0x100000, s28;
	[bflag:$0x2] =	sbarrier.arrive $0xFFFF  }
0x10c: {  	[sflag:s0] =	ssyncadd.tile.s32 @!p0 $0x1;
	_ =	shalt  }
.LBB2_1:
.Ltmp3:
0x10d: {  	(pc) =	sbr.rel .LBB2_6-.Ltmp3, $2  }
0x10e: {  	_ =	sdelay $0x2  }
0x10f: {  	_ = 	snop  }
.LBB2_3:
.Ltmp4:
0x110: {  	(pc) =	sbr.rel .LBB2_6-.Ltmp4, $2  }
0x111: {  	_ =	sdelay $0x2  }
0x112: {  	s28 =	rddreg [dreg:$0x2]  }
.Lfunc_end2:
_tile_overlayer_lowered:
.L_overlay_start_2:
0x113: {  	(tag) =	ssettag $0x2  }
0x114: {  	s0 =	rddreg [dreg:$0x0];
	s2 =	stileid.u32  }
0x115: {  	s1 =	rddreg [dreg:$0x1];
	p0 =	sne.s32 s2, $0x0  }
0x116: {  	s3 =	rddreg [dreg:$0x2];
	[bflag:$0x3] =	sbarrier.arrive $0xFFFF;
	s2 =	simm.s32 @!p0 $0x1C02  }
0x117: {  	[timem:s3], [sflag:s2] =	dma.local @!p0 [hbm:s0], s1  }
0x118: {  	s0 =	simm.s32 @!p0 $0x2  }
0x119: {  	_ =	swait.ge @!p0 [sflag:s0], s1  }
0x11a: {  	s1 =	ssub.s32 @!p0 $0x0, s1;
	[sflag:s0] =	ssyncset.done @!p0 $0x0  }
0x11b: {  	[sflag:s0] =	ssyncadd.s32 @!p0 s1  }
0x11c: {  	[bflag:$0x3] =	sbarrier.arrive $0xFFFF  }
0x11d: {  	_ =	shalt  }

</sc_bundles>
